<compile_context>
chip_gen: v7x
topology: tpu7x:2x2x1
jax: 0.10.2.dev20260603
libtpu: 0.0.44.dev20260713+nightly
codegen_flags: <defaults>
</compile_context>

<pallas_src>
import functools

import jax
import jax.numpy as jnp
from jax import lax
from jax.experimental import pallas as pl
from jax.experimental.pallas import tpu as pltpu
from jax.experimental.pallas import tpu_sc as plsc

NC = 2
NS = 16
NW = NC * NS
L = 16

BATCH = 4096
HIST = 200
LANEW = 128
BW = HIST - LANEW
EMBED = 32
B_PER_W = BATCH // NW
DEPTH = 4
NBLK_A = LANEW // L
NBLK_B = BW // L
TAIL_B = BW - L


def _nbow_kernel(ia_hbm, ib_hbm, emb_hbm, tw_hbm, out_hbm,
                 slab_a, slab_b, w_b, rows_b, out_slab, sem_e, sem_w):
    wid = lax.axis_index("s") * NC + lax.axis_index("c")
    base = wid * B_PER_W

    pltpu.sync_copy(ia_hbm.at[pl.ds(base, B_PER_W)], slab_a)
    pltpu.sync_copy(ib_hbm.at[pl.ds(base, B_PER_W)], slab_b)

    def gathers(row, b):
        ia = slab_a.at[row, pl.ds(0, LANEW)]
        ib = slab_b.at[row, pl.ds(0, BW)]
        return [
            pltpu.make_async_copy(
                emb_hbm.at[ia], rows_b.at[b, pl.ds(0, LANEW)], sem_e.at[b]),
            pltpu.make_async_copy(
                emb_hbm.at[ib], rows_b.at[b, pl.ds(LANEW, BW)], sem_e.at[b]),
            pltpu.make_async_copy(
                tw_hbm.at[ia], w_b.at[b, pl.ds(0, LANEW)], sem_w.at[b]),
            pltpu.make_async_copy(
                tw_hbm.at[ib], w_b.at[b, pl.ds(LANEW, BW)], sem_w.at[b]),
        ]

    def issue(row, b):
        for cp in gathers(row, b):
            cp.start()

    def wait(row, b):
        for cp in gathers(row, b):
            cp.wait()

    def compute(row, b):
        blocks = [(slab_a, k * L, k * L) for k in range(NBLK_A)]
        blocks += [(slab_b, k * L, LANEW + k * L) for k in range(NBLK_B)]
        blocks += [(slab_b, TAIL_B, LANEW + TAIL_B)]
        for slab, ioff, woff in blocks:
            iv = slab[row, pl.ds(ioff, L)]
            sl = pl.ds(woff, L)
            w_b[b, sl] = jnp.where(iv != 0, w_b[b, sl], 0.0)

        def fma_block(wv, j0, jjs, a0, a1):
            for jj in jjs:
                j = j0 + jj
                ws = wv[jj]
                a0 = a0 + ws * rows_b[b, j, pl.ds(0, L)]
                a1 = a1 + ws * rows_b[b, j, pl.ds(L, L)]
            return a0, a1

        def fma_body(blk, carry):
            a0, a1 = carry
            wv = w_b[b, pl.ds(blk * L, L)]
            return fma_block(wv, blk * L, range(L), a0, a1)

        zero = jnp.zeros((L,), jnp.float32)
        a0, a1 = lax.fori_loop(0, NBLK_A + NBLK_B, fma_body, (zero, zero))
        wv = w_b[b, pl.ds(LANEW + TAIL_B, L)]
        a0, a1 = fma_block(wv, LANEW + TAIL_B, range(L // 2, L), a0, a1)
        out_slab[pl.ds(row * EMBED, L)] = a0
        out_slab[pl.ds(row * EMBED + L, L)] = a1

    for b in range(DEPTH):
        issue(b, b)

    def outer(g, _):
        for b in range(DEPTH):
            row = g * DEPTH + b
            wait(row, b)
            compute(row, b)
            nxt = row + DEPTH

            @pl.when(nxt < B_PER_W)
            def _():
                issue(nxt, b)
        return 0

    lax.fori_loop(0, B_PER_W // DEPTH, outer, 0)
    pltpu.sync_copy(out_slab, out_hbm.at[pl.ds(base * EMBED, B_PER_W * EMBED)])


@jax.jit
def kernel(idxs, embedding, token_weights):
    ia2 = lax.optimization_barrier(jnp.maximum(idxs[:, :LANEW], 0))
    ib2 = lax.optimization_barrier(jnp.maximum(jnp.concatenate(
        [idxs[:, LANEW:], jnp.zeros((BATCH, LANEW - BW), jnp.int32)],
        axis=1), 0))

    mesh = plsc.VectorSubcoreMesh(core_axis_name="c", subcore_axis_name="s")
    k = functools.partial(
        pl.kernel,
        out_type=jax.ShapeDtypeStruct((BATCH * EMBED,), jnp.float32),
        mesh=mesh,
        scratch_types=[
            pltpu.VMEM((B_PER_W, LANEW), jnp.int32),
            pltpu.VMEM((B_PER_W, LANEW), jnp.int32),
            pltpu.VMEM((DEPTH, HIST), jnp.float32),
            pltpu.VMEM((DEPTH, HIST, EMBED), jnp.float32),
            pltpu.VMEM((B_PER_W * EMBED,), jnp.float32),
            pltpu.SemaphoreType.DMA((DEPTH,)),
            pltpu.SemaphoreType.DMA((DEPTH,)),
        ],
        compiler_params=pltpu.CompilerParams(use_tc_tiling_on_sc=False),
    )(_nbow_kernel)
    return k(ia2, ib2, embedding, token_weights).reshape(BATCH, EMBED)

# --- scband reference (transcript-rebuilt; emitter-appended) ---
"""Pipeline reference for scband-nbowlayer-11424613007904 (READ-ONLY COPY).

The authoritative reference and input builder live on the scoring server;
editing this copy changes nothing except your own understanding.
"""

import jax, jax.numpy as jnp
import numpy as np

VOCAB = 1000000
EMBED_DIM = 32
BATCH = 4096
HIST = 200
PADDING_IDX = 0


def setup_inputs(seed: int = 0) -> dict:
    key = jax.random.key(seed)
    k_idx, k_emb, k_w = jax.random.split(key, 3)
    idxs = jax.random.randint(k_idx, (BATCH, HIST), 0, VOCAB, dtype=jnp.int64 if jax.config.jax_enable_x64 else jnp.int32)
    idxs = idxs.astype(jnp.int32)
    embedding = jax.random.normal(k_emb, (VOCAB, EMBED_DIM), dtype=jnp.float32)
    token_weights = jax.random.uniform(k_w, (VOCAB,), dtype=jnp.float32)
    return {"idxs": idxs, "embedding": embedding, "token_weights": token_weights}


def reference(idxs, embedding, token_weights):
    # mask = 1 * (idxs != padding_idx)
    mask = (idxs != PADDING_IDX).astype(jnp.float32)
    # embs = self.embedding(idxs) * mask.unsqueeze(-1)
    embs = jnp.take(embedding, idxs, axis=0) * mask[..., None]
    # token_weights = self.token_weights[idxs] * mask
    tw = jnp.take(token_weights, idxs, axis=0) * mask
    # torch.einsum('ijk,ij->ik', embs, token_weights)
    out = jnp.einsum('ijk,ij->ik', embs, tw)
    return out

if __name__ == "__main__":
    import jax
    _d = setup_inputs()
    print(jax.jit(kernel)(*tuple(_d.values())))

</pallas_src>

<mosaic_0001>
#map = affine_map<(d0, d1) -> (0, 0)>
#map1 = affine_map<(d0, d1) -> (0)>
module attributes {stable_mosaic.version = 14 : i64} {
  func.func @_nbow_kernel(%arg0: i32, %arg1: i32, %arg2: memref<4096x128xi32, #tpu.memory_space<hbm>>, %arg3: memref<4096x128xi32, #tpu.memory_space<hbm>>, %arg4: memref<1000000x32xf32, #tpu.memory_space<hbm>>, %arg5: memref<1000000xf32, #tpu.memory_space<hbm>>, %arg6: memref<131072xf32, #tpu.memory_space<hbm>>, %arg7: memref<128x128xi32, #tpu.memory_space<vmem>>, %arg8: memref<128x128xi32, #tpu.memory_space<vmem>>, %arg9: memref<4x200xf32, #tpu.memory_space<vmem>>, %arg10: memref<4x200x32xf32, #tpu.memory_space<vmem>>, %arg11: memref<4096xf32, #tpu.memory_space<vmem>>, %arg12: memref<4x!tpu.dma_semaphore, #tpu.memory_space<semaphore_mem>>, %arg13: memref<4x!tpu.dma_semaphore, #tpu.memory_space<semaphore_mem>>) attributes {dimension_semantics = [#tpu.dimension_semantics<core_parallel>, #tpu.dimension_semantics<subcore_parallel>], iteration_bounds = array<i64: 2, 16>, scalar_prefetch = 0 : i64, scratch_operands = 7 : i64, tpu.core_type = #tpu.core_type<sc_vector_subcore>, window_params = [{transform_indices = #map}, {transform_indices = #map}, {transform_indices = #map}, {transform_indices = #map1}, {transform_indices = #map1}]} {
    %mul3A = arith.constant 2 : i32
    %mul3A_0 = arith.muli %arg1, %mul3A : i32
    %add3A = arith.addi %mul3A_0, %arg0 : i32
    %mul3A_1 = arith.constant 128 : i32
    %mul3A_2 = arith.muli %add3A, %mul3A_1 : i32
    "tpu.region"() ({
      %run_scoped3A = tpu.sem_alloc : memref<!tpu.dma_semaphore, #tpu.memory_space<semaphore_mem>>
      %dma_start3A_234 = arith.constant 0 : i32
      %dma_start3A_235 = tpu.memref_slice %arg2[%mul3A_2, %dma_start3A_234] : memref<4096x128xi32, #tpu.memory_space<hbm>> -> memref<128x128xi32, #tpu.memory_space<hbm>>
      %dma_start3A_236 = arith.constant 0 : i32
      %dma_start3A_237 = tpu.memref_slice %arg2[%mul3A_2, %dma_start3A_236] : memref<4096x128xi32, #tpu.memory_space<hbm>> -> memref<128x128xi32, #tpu.memory_space<hbm>>
      tpu.enqueue_dma source(%dma_start3A_237 : memref<128x128xi32, #tpu.memory_space<hbm>>) target(%arg7 : memref<128x128xi32, #tpu.memory_space<vmem>>) target_semaphore(%run_scoped3A : memref<!tpu.dma_semaphore, #tpu.memory_space<semaphore_mem>>)
      %dma_wait3A = arith.constant 0 : i32
      %dma_wait3A_238 = tpu.memref_slice %arg2[%mul3A_2, %dma_wait3A] : memref<4096x128xi32, #tpu.memory_space<hbm>> -> memref<128x128xi32, #tpu.memory_space<hbm>>
      %dma_wait3A_239 = arith.constant 0 : i32
      %dma_wait3A_240 = tpu.memref_slice %arg2[%mul3A_2, %dma_wait3A_239] : memref<4096x128xi32, #tpu.memory_space<hbm>> -> memref<128x128xi32, #tpu.memory_space<hbm>>
      tpu.wait_dma2 semaphore(%run_scoped3A : memref<!tpu.dma_semaphore, #tpu.memory_space<semaphore_mem>>) src(%dma_wait3A_240 : memref<128x128xi32, #tpu.memory_space<hbm>>) dst(%arg7 : memref<128x128xi32, #tpu.memory_space<vmem>>)
      tpu.yield
    }) : () -> ()
    "tpu.region"() ({
      %run_scoped3A = tpu.sem_alloc : memref<!tpu.dma_semaphore, #tpu.memory_space<semaphore_mem>>
      %dma_start3A_234 = arith.constant 0 : i32
      %dma_start3A_235 = tpu.memref_slice %arg3[%mul3A_2, %dma_start3A_234] : memref<4096x128xi32, #tpu.memory_space<hbm>> -> memref<128x128xi32, #tpu.memory_space<hbm>>
      %dma_start3A_236 = arith.constant 0 : i32
      %dma_start3A_237 = tpu.memref_slice %arg3[%mul3A_2, %dma_start3A_236] : memref<4096x128xi32, #tpu.memory_space<hbm>> -> memref<128x128xi32, #tpu.memory_space<hbm>>
      tpu.enqueue_dma source(%dma_start3A_237 : memref<128x128xi32, #tpu.memory_space<hbm>>) target(%arg8 : memref<128x128xi32, #tpu.memory_space<vmem>>) target_semaphore(%run_scoped3A : memref<!tpu.dma_semaphore, #tpu.memory_space<semaphore_mem>>)
      %dma_wait3A = arith.constant 0 : i32
      %dma_wait3A_238 = tpu.memref_slice %arg3[%mul3A_2, %dma_wait3A] : memref<4096x128xi32, #tpu.memory_space<hbm>> -> memref<128x128xi32, #tpu.memory_space<hbm>>
      %dma_wait3A_239 = arith.constant 0 : i32
      %dma_wait3A_240 = tpu.memref_slice %arg3[%mul3A_2, %dma_wait3A_239] : memref<4096x128xi32, #tpu.memory_space<hbm>> -> memref<128x128xi32, #tpu.memory_space<hbm>>
      tpu.wait_dma2 semaphore(%run_scoped3A : memref<!tpu.dma_semaphore, #tpu.memory_space<semaphore_mem>>) src(%dma_wait3A_240 : memref<128x128xi32, #tpu.memory_space<hbm>>) dst(%arg8 : memref<128x128xi32, #tpu.memory_space<vmem>>)
      tpu.yield
    }) : () -> ()
    %dma_start3A = arith.constant 0 : i32
    %dma_start3A_3 = arith.constant 0 : i32
    %dma_start3A_4 = arith.constant 0 : i32
    %dma_start3A_5 = arith.constant 0 : i32
    %dma_start3A_6 = arith.constant 0 : i32
    %dma_start3A_7 = tpu.memref_slice %arg10[%dma_start3A_3, %dma_start3A_5, %dma_start3A_6] : memref<4x200x32xf32, #tpu.memory_space<vmem>> -> memref<1x128x32xf32, #tpu.memory_space<vmem>>
    %dma_start3A_8 = tpu.memref_squeeze %dma_start3A_7 : memref<1x128x32xf32, #tpu.memory_space<vmem>> -> memref<128x32xf32, #tpu.memory_space<vmem>>
    %dma_start3A_9 = arith.constant 0 : i32
    %dma_start3A_10 = tpu.memref_slice %arg7[%dma_start3A, %dma_start3A_9] : memref<128x128xi32, #tpu.memory_space<vmem>> -> memref<1x128xi32, #tpu.memory_space<vmem>>
    %dma_start3A_11 = tpu.memref_squeeze %dma_start3A_10 : memref<1x128xi32, #tpu.memory_space<vmem>> -> memref<128xi32, #tpu.memory_space<vmem>>
    %dma_start3A_12 = arith.constant 0 : i32
    %dma_start3A_13 = arith.constant 0 : i32
    %dma_start3A_14 = tpu.memref_slice %arg4[%dma_start3A_12, %dma_start3A_13] : memref<1000000x32xf32, #tpu.memory_space<hbm>> -> memref<1000000x32xf32, #tpu.memory_space<hbm>>
    %dma_start3A_15 = tpu.memref_slice %arg12[%dma_start3A_4] : memref<4x!tpu.dma_semaphore, #tpu.memory_space<semaphore_mem>> -> memref<1x!tpu.dma_semaphore, #tpu.memory_space<semaphore_mem>>
    %dma_start3A_16 = tpu.memref_squeeze %dma_start3A_15 : memref<1x!tpu.dma_semaphore, #tpu.memory_space<semaphore_mem>> -> memref<!tpu.dma_semaphore, #tpu.memory_space<semaphore_mem>>
    tpu.enqueue_indirect_dma source(%dma_start3A_14 : memref<1000000x32xf32, #tpu.memory_space<hbm>>) target(%dma_start3A_8 : memref<128x32xf32, #tpu.memory_space<vmem>>) offsets(%dma_start3A_11 : memref<128xi32, #tpu.memory_space<vmem>>) semaphore(%dma_start3A_16 : memref<!tpu.dma_semaphore, #tpu.memory_space<semaphore_mem>>)
    %dma_start3A_17 = arith.constant 0 : i32
    %dma_start3A_18 = arith.constant 0 : i32
    %dma_start3A_19 = arith.constant 0 : i32
    %dma_start3A_20 = arith.constant 128 : i32
    %dma_start3A_21 = arith.constant 0 : i32
    %dma_start3A_22 = tpu.memref_slice %arg10[%dma_start3A_18, %dma_start3A_20, %dma_start3A_21] : memref<4x200x32xf32, #tpu.memory_space<vmem>> -> memref<1x72x32xf32, #tpu.memory_space<vmem>>
    %dma_start3A_23 = tpu.memref_squeeze %dma_start3A_22 : memref<1x72x32xf32, #tpu.memory_space<vmem>> -> memref<72x32xf32, #tpu.memory_space<vmem>>
    %dma_start3A_24 = arith.constant 0 : i32
    %dma_start3A_25 = tpu.memref_slice %arg8[%dma_start3A_17, %dma_start3A_24] : memref<128x128xi32, #tpu.memory_space<vmem>> -> memref<1x72xi32, #tpu.memory_space<vmem>>
    %dma_start3A_26 = tpu.memref_squeeze %dma_start3A_25 : memref<1x72xi32, #tpu.memory_space<vmem>> -> memref<72xi32, #tpu.memory_space<vmem>>
    %dma_start3A_27 = arith.constant 0 : i32
    %dma_start3A_28 = arith.constant 0 : i32
    %dma_start3A_29 = tpu.memref_slice %arg4[%dma_start3A_27, %dma_start3A_28] : memref<1000000x32xf32, #tpu.memory_space<hbm>> -> memref<1000000x32xf32, #tpu.memory_space<hbm>>
    %dma_start3A_30 = tpu.memref_slice %arg12[%dma_start3A_19] : memref<4x!tpu.dma_semaphore, #tpu.memory_space<semaphore_mem>> -> memref<1x!tpu.dma_semaphore, #tpu.memory_space<semaphore_mem>>
    %dma_start3A_31 = tpu.memref_squeeze %dma_start3A_30 : memref<1x!tpu.dma_semaphore, #tpu.memory_space<semaphore_mem>> -> memref<!tpu.dma_semaphore, #tpu.memory_space<semaphore_mem>>
    tpu.enqueue_indirect_dma source(%dma_start3A_29 : memref<1000000x32xf32, #tpu.memory_space<hbm>>) target(%dma_start3A_23 : memref<72x32xf32, #tpu.memory_space<vmem>>) offsets(%dma_start3A_26 : memref<72xi32, #tpu.memory_space<vmem>>) semaphore(%dma_start3A_31 : memref<!tpu.dma_semaphore, #tpu.memory_space<semaphore_mem>>)
    %dma_start3A_32 = arith.constant 0 : i32
    %dma_start3A_33 = arith.constant 0 : i32
    %dma_start3A_34 = arith.constant 0 : i32
    %dma_start3A_35 = arith.constant 0 : i32
    %dma_start3A_36 = tpu.memref_slice %arg9[%dma_start3A_33, %dma_start3A_35] : memref<4x200xf32, #tpu.memory_space<vmem>> -> memref<1x128xf32, #tpu.memory_space<vmem>>
    %dma_start3A_37 = tpu.memref_squeeze %dma_start3A_36 : memref<1x128xf32, #tpu.memory_space<vmem>> -> memref<128xf32, #tpu.memory_space<vmem>>
    %dma_start3A_38 = arith.constant 0 : i32
    %dma_start3A_39 = tpu.memref_slice %arg7[%dma_start3A_32, %dma_start3A_38] : memref<128x128xi32, #tpu.memory_space<vmem>> -> memref<1x128xi32, #tpu.memory_space<vmem>>
    %dma_start3A_40 = tpu.memref_squeeze %dma_start3A_39 : memref<1x128xi32, #tpu.memory_space<vmem>> -> memref<128xi32, #tpu.memory_space<vmem>>
    %dma_start3A_41 = arith.constant 0 : i32
    %dma_start3A_42 = tpu.memref_slice %arg5[%dma_start3A_41] : memref<1000000xf32, #tpu.memory_space<hbm>> -> memref<1000000xf32, #tpu.memory_space<hbm>>
    %dma_start3A_43 = tpu.memref_slice %arg13[%dma_start3A_34] : memref<4x!tpu.dma_semaphore, #tpu.memory_space<semaphore_mem>> -> memref<1x!tpu.dma_semaphore, #tpu.memory_space<semaphore_mem>>
    %dma_start3A_44 = tpu.memref_squeeze %dma_start3A_43 : memref<1x!tpu.dma_semaphore, #tpu.memory_space<semaphore_mem>> -> memref<!tpu.dma_semaphore, #tpu.memory_space<semaphore_mem>>
    tpu.enqueue_indirect_dma source(%dma_start3A_42 : memref<1000000xf32, #tpu.memory_space<hbm>>) target(%dma_start3A_37 : memref<128xf32, #tpu.memory_space<vmem>>) offsets(%dma_start3A_40 : memref<128xi32, #tpu.memory_space<vmem>>) semaphore(%dma_start3A_44 : memref<!tpu.dma_semaphore, #tpu.memory_space<semaphore_mem>>)
    %dma_start3A_45 = arith.constant 0 : i32
    %dma_start3A_46 = arith.constant 0 : i32
    %dma_start3A_47 = arith.constant 0 : i32
    %dma_start3A_48 = arith.constant 128 : i32
    %dma_start3A_49 = tpu.memref_slice %arg9[%dma_start3A_46, %dma_start3A_48] : memref<4x200xf32, #tpu.memory_space<vmem>> -> memref<1x72xf32, #tpu.memory_space<vmem>>
    %dma_start3A_50 = tpu.memref_squeeze %dma_start3A_49 : memref<1x72xf32, #tpu.memory_space<vmem>> -> memref<72xf32, #tpu.memory_space<vmem>>
    %dma_start3A_51 = arith.constant 0 : i32
    %dma_start3A_52 = tpu.memref_slice %arg8[%dma_start3A_45, %dma_start3A_51] : memref<128x128xi32, #tpu.memory_space<vmem>> -> memref<1x72xi32, #tpu.memory_space<vmem>>
    %dma_start3A_53 = tpu.memref_squeeze %dma_start3A_52 : memref<1x72xi32, #tpu.memory_space<vmem>> -> memref<72xi32, #tpu.memory_space<vmem>>
    %dma_start3A_54 = arith.constant 0 : i32
    %dma_start3A_55 = tpu.memref_slice %arg5[%dma_start3A_54] : memref<1000000xf32, #tpu.memory_space<hbm>> -> memref<1000000xf32, #tpu.memory_space<hbm>>
    %dma_start3A_56 = tpu.memref_slice %arg13[%dma_start3A_47] : memref<4x!tpu.dma_semaphore, #tpu.memory_space<semaphore_mem>> -> memref<1x!tpu.dma_semaphore, #tpu.memory_space<semaphore_mem>>
    %dma_start3A_57 = tpu.memref_squeeze %dma_start3A_56 : memref<1x!tpu.dma_semaphore, #tpu.memory_space<semaphore_mem>> -> memref<!tpu.dma_semaphore, #tpu.memory_space<semaphore_mem>>
    tpu.enqueue_indirect_dma source(%dma_start3A_55 : memref<1000000xf32, #tpu.memory_space<hbm>>) target(%dma_start3A_50 : memref<72xf32, #tpu.memory_space<vmem>>) offsets(%dma_start3A_53 : memref<72xi32, #tpu.memory_space<vmem>>) semaphore(%dma_start3A_57 : memref<!tpu.dma_semaphore, #tpu.memory_space<semaphore_mem>>)
    %dma_start3A_58 = arith.constant 1 : i32
    %dma_start3A_59 = arith.constant 1 : i32
    %dma_start3A_60 = arith.constant 1 : i32
    %dma_start3A_61 = arith.constant 0 : i32
    %dma_start3A_62 = arith.constant 0 : i32
    %dma_start3A_63 = tpu.memref_slice %arg10[%dma_start3A_59, %dma_start3A_61, %dma_start3A_62] : memref<4x200x32xf32, #tpu.memory_space<vmem>> -> memref<1x128x32xf32, #tpu.memory_space<vmem>>
    %dma_start3A_64 = tpu.memref_squeeze %dma_start3A_63 : memref<1x128x32xf32, #tpu.memory_space<vmem>> -> memref<128x32xf32, #tpu.memory_space<vmem>>
    %dma_start3A_65 = arith.constant 0 : i32
    %dma_start3A_66 = tpu.memref_slice %arg7[%dma_start3A_58, %dma_start3A_65] : memref<128x128xi32, #tpu.memory_space<vmem>> -> memref<1x128xi32, #tpu.memory_space<vmem>>
    %dma_start3A_67 = tpu.memref_squeeze %dma_start3A_66 : memref<1x128xi32, #tpu.memory_space<vmem>> -> memref<128xi32, #tpu.memory_space<vmem>>
    %dma_start3A_68 = arith.constant 0 : i32
    %dma_start3A_69 = arith.constant 0 : i32
    %dma_start3A_70 = tpu.memref_slice %arg4[%dma_start3A_68, %dma_start3A_69] : memref<1000000x32xf32, #tpu.memory_space<hbm>> -> memref<1000000x32xf32, #tpu.memory_space<hbm>>
    %dma_start3A_71 = tpu.memref_slice %arg12[%dma_start3A_60] : memref<4x!tpu.dma_semaphore, #tpu.memory_space<semaphore_mem>> -> memref<1x!tpu.dma_semaphore, #tpu.memory_space<semaphore_mem>>
    %dma_start3A_72 = tpu.memref_squeeze %dma_start3A_71 : memref<1x!tpu.dma_semaphore, #tpu.memory_space<semaphore_mem>> -> memref<!tpu.dma_semaphore, #tpu.memory_space<semaphore_mem>>
    tpu.enqueue_indirect_dma source(%dma_start3A_70 : memref<1000000x32xf32, #tpu.memory_space<hbm>>) target(%dma_start3A_64 : memref<128x32xf32, #tpu.memory_space<vmem>>) offsets(%dma_start3A_67 : memref<128xi32, #tpu.memory_space<vmem>>) semaphore(%dma_start3A_72 : memref<!tpu.dma_semaphore, #tpu.memory_space<semaphore_mem>>)
    %dma_start3A_73 = arith.constant 1 : i32
    %dma_start3A_74 = arith.constant 1 : i32
    %dma_start3A_75 = arith.constant 1 : i32
    %dma_start3A_76 = arith.constant 128 : i32
    %dma_start3A_77 = arith.constant 0 : i32
    %dma_start3A_78 = tpu.memref_slice %arg10[%dma_start3A_74, %dma_start3A_76, %dma_start3A_77] : memref<4x200x32xf32, #tpu.memory_space<vmem>> -> memref<1x72x32xf32, #tpu.memory_space<vmem>>
    %dma_start3A_79 = tpu.memref_squeeze %dma_start3A_78 : memref<1x72x32xf32, #tpu.memory_space<vmem>> -> memref<72x32xf32, #tpu.memory_space<vmem>>
    %dma_start3A_80 = arith.constant 0 : i32
    %dma_start3A_81 = tpu.memref_slice %arg8[%dma_start3A_73, %dma_start3A_80] : memref<128x128xi32, #tpu.memory_space<vmem>> -> memref<1x72xi32, #tpu.memory_space<vmem>>
    %dma_start3A_82 = tpu.memref_squeeze %dma_start3A_81 : memref<1x72xi32, #tpu.memory_space<vmem>> -> memref<72xi32, #tpu.memory_space<vmem>>
    %dma_start3A_83 = arith.constant 0 : i32
    %dma_start3A_84 = arith.constant 0 : i32
    %dma_start3A_85 = tpu.memref_slice %arg4[%dma_start3A_83, %dma_start3A_84] : memref<1000000x32xf32, #tpu.memory_space<hbm>> -> memref<1000000x32xf32, #tpu.memory_space<hbm>>
    %dma_start3A_86 = tpu.memref_slice %arg12[%dma_start3A_75] : memref<4x!tpu.dma_semaphore, #tpu.memory_space<semaphore_mem>> -> memref<1x!tpu.dma_semaphore, #tpu.memory_space<semaphore_mem>>
    %dma_start3A_87 = tpu.memref_squeeze %dma_start3A_86 : memref<1x!tpu.dma_semaphore, #tpu.memory_space<semaphore_mem>> -> memref<!tpu.dma_semaphore, #tpu.memory_space<semaphore_mem>>
    tpu.enqueue_indirect_dma source(%dma_start3A_85 : memref<1000000x32xf32, #tpu.memory_space<hbm>>) target(%dma_start3A_79 : memref<72x32xf32, #tpu.memory_space<vmem>>) offsets(%dma_start3A_82 : memref<72xi32, #tpu.memory_space<vmem>>) semaphore(%dma_start3A_87 : memref<!tpu.dma_semaphore, #tpu.memory_space<semaphore_mem>>)
    %dma_start3A_88 = arith.constant 1 : i32
    %dma_start3A_89 = arith.constant 1 : i32
    %dma_start3A_90 = arith.constant 1 : i32
    %dma_start3A_91 = arith.constant 0 : i32
    %dma_start3A_92 = tpu.memref_slice %arg9[%dma_start3A_89, %dma_start3A_91] : memref<4x200xf32, #tpu.memory_space<vmem>> -> memref<1x128xf32, #tpu.memory_space<vmem>>
    %dma_start3A_93 = tpu.memref_squeeze %dma_start3A_92 : memref<1x128xf32, #tpu.memory_space<vmem>> -> memref<128xf32, #tpu.memory_space<vmem>>
    %dma_start3A_94 = arith.constant 0 : i32
    %dma_start3A_95 = tpu.memref_slice %arg7[%dma_start3A_88, %dma_start3A_94] : memref<128x128xi32, #tpu.memory_space<vmem>> -> memref<1x128xi32, #tpu.memory_space<vmem>>
    %dma_start3A_96 = tpu.memref_squeeze %dma_start3A_95 : memref<1x128xi32, #tpu.memory_space<vmem>> -> memref<128xi32, #tpu.memory_space<vmem>>
    %dma_start3A_97 = arith.constant 0 : i32
    %dma_start3A_98 = tpu.memref_slice %arg5[%dma_start3A_97] : memref<1000000xf32, #tpu.memory_space<hbm>> -> memref<1000000xf32, #tpu.memory_space<hbm>>
    %dma_start3A_99 = tpu.memref_slice %arg13[%dma_start3A_90] : memref<4x!tpu.dma_semaphore, #tpu.memory_space<semaphore_mem>> -> memref<1x!tpu.dma_semaphore, #tpu.memory_space<semaphore_mem>>
    %dma_start3A_100 = tpu.memref_squeeze %dma_start3A_99 : memref<1x!tpu.dma_semaphore, #tpu.memory_space<semaphore_mem>> -> memref<!tpu.dma_semaphore, #tpu.memory_space<semaphore_mem>>
    tpu.enqueue_indirect_dma source(%dma_start3A_98 : memref<1000000xf32, #tpu.memory_space<hbm>>) target(%dma_start3A_93 : memref<128xf32, #tpu.memory_space<vmem>>) offsets(%dma_start3A_96 : memref<128xi32, #tpu.memory_space<vmem>>) semaphore(%dma_start3A_100 : memref<!tpu.dma_semaphore, #tpu.memory_space<semaphore_mem>>)
    %dma_start3A_101 = arith.constant 1 : i32
    %dma_start3A_102 = arith.constant 1 : i32
    %dma_start3A_103 = arith.constant 1 : i32
    %dma_start3A_104 = arith.constant 128 : i32
    %dma_start3A_105 = tpu.memref_slice %arg9[%dma_start3A_102, %dma_start3A_104] : memref<4x200xf32, #tpu.memory_space<vmem>> -> memref<1x72xf32, #tpu.memory_space<vmem>>
    %dma_start3A_106 = tpu.memref_squeeze %dma_start3A_105 : memref<1x72xf32, #tpu.memory_space<vmem>> -> memref<72xf32, #tpu.memory_space<vmem>>
    %dma_start3A_107 = arith.constant 0 : i32
    %dma_start3A_108 = tpu.memref_slice %arg8[%dma_start3A_101, %dma_start3A_107] : memref<128x128xi32, #tpu.memory_space<vmem>> -> memref<1x72xi32, #tpu.memory_space<vmem>>
    %dma_start3A_109 = tpu.memref_squeeze %dma_start3A_108 : memref<1x72xi32, #tpu.memory_space<vmem>> -> memref<72xi32, #tpu.memory_space<vmem>>
    %dma_start3A_110 = arith.constant 0 : i32
    %dma_start3A_111 = tpu.memref_slice %arg5[%dma_start3A_110] : memref<1000000xf32, #tpu.memory_space<hbm>> -> memref<1000000xf32, #tpu.memory_space<hbm>>
    %dma_start3A_112 = tpu.memref_slice %arg13[%dma_start3A_103] : memref<4x!tpu.dma_semaphore, #tpu.memory_space<semaphore_mem>> -> memref<1x!tpu.dma_semaphore, #tpu.memory_space<semaphore_mem>>
    %dma_start3A_113 = tpu.memref_squeeze %dma_start3A_112 : memref<1x!tpu.dma_semaphore, #tpu.memory_space<semaphore_mem>> -> memref<!tpu.dma_semaphore, #tpu.memory_space<semaphore_mem>>
    tpu.enqueue_indirect_dma source(%dma_start3A_111 : memref<1000000xf32, #tpu.memory_space<hbm>>) target(%dma_start3A_106 : memref<72xf32, #tpu.memory_space<vmem>>) offsets(%dma_start3A_109 : memref<72xi32, #tpu.memory_space<vmem>>) semaphore(%dma_start3A_113 : memref<!tpu.dma_semaphore, #tpu.memory_space<semaphore_mem>>)
    %dma_start3A_114 = arith.constant 2 : i32
    %dma_start3A_115 = arith.constant 2 : i32
    %dma_start3A_116 = arith.constant 2 : i32
    %dma_start3A_117 = arith.constant 0 : i32
    %dma_start3A_118 = arith.constant 0 : i32
    %dma_start3A_119 = tpu.memref_slice %arg10[%dma_start3A_115, %dma_start3A_117, %dma_start3A_118] : memref<4x200x32xf32, #tpu.memory_space<vmem>> -> memref<1x128x32xf32, #tpu.memory_space<vmem>>
    %dma_start3A_120 = tpu.memref_squeeze %dma_start3A_119 : memref<1x128x32xf32, #tpu.memory_space<vmem>> -> memref<128x32xf32, #tpu.memory_space<vmem>>
    %dma_start3A_121 = arith.constant 0 : i32
    %dma_start3A_122 = tpu.memref_slice %arg7[%dma_start3A_114, %dma_start3A_121] : memref<128x128xi32, #tpu.memory_space<vmem>> -> memref<1x128xi32, #tpu.memory_space<vmem>>
    %dma_start3A_123 = tpu.memref_squeeze %dma_start3A_122 : memref<1x128xi32, #tpu.memory_space<vmem>> -> memref<128xi32, #tpu.memory_space<vmem>>
    %dma_start3A_124 = arith.constant 0 : i32
    %dma_start3A_125 = arith.constant 0 : i32
    %dma_start3A_126 = tpu.memref_slice %arg4[%dma_start3A_124, %dma_start3A_125] : memref<1000000x32xf32, #tpu.memory_space<hbm>> -> memref<1000000x32xf32, #tpu.memory_space<hbm>>
    %dma_start3A_127 = tpu.memref_slice %arg12[%dma_start3A_116] : memref<4x!tpu.dma_semaphore, #tpu.memory_space<semaphore_mem>> -> memref<1x!tpu.dma_semaphore, #tpu.memory_space<semaphore_mem>>
    %dma_start3A_128 = tpu.memref_squeeze %dma_start3A_127 : memref<1x!tpu.dma_semaphore, #tpu.memory_space<semaphore_mem>> -> memref<!tpu.dma_semaphore, #tpu.memory_space<semaphore_mem>>
    tpu.enqueue_indirect_dma source(%dma_start3A_126 : memref<1000000x32xf32, #tpu.memory_space<hbm>>) target(%dma_start3A_120 : memref<128x32xf32, #tpu.memory_space<vmem>>) offsets(%dma_start3A_123 : memref<128xi32, #tpu.memory_space<vmem>>) semaphore(%dma_start3A_128 : memref<!tpu.dma_semaphore, #tpu.memory_space<semaphore_mem>>)
    %dma_start3A_129 = arith.constant 2 : i32
    %dma_start3A_130 = arith.constant 2 : i32
    %dma_start3A_131 = arith.constant 2 : i32
    %dma_start3A_132 = arith.constant 128 : i32
    %dma_start3A_133 = arith.constant 0 : i32
    %dma_start3A_134 = tpu.memref_slice %arg10[%dma_start3A_130, %dma_start3A_132, %dma_start3A_133] : memref<4x200x32xf32, #tpu.memory_space<vmem>> -> memref<1x72x32xf32, #tpu.memory_space<vmem>>
    %dma_start3A_135 = tpu.memref_squeeze %dma_start3A_134 : memref<1x72x32xf32, #tpu.memory_space<vmem>> -> memref<72x32xf32, #tpu.memory_space<vmem>>
    %dma_start3A_136 = arith.constant 0 : i32
    %dma_start3A_137 = tpu.memref_slice %arg8[%dma_start3A_129, %dma_start3A_136] : memref<128x128xi32, #tpu.memory_space<vmem>> -> memref<1x72xi32, #tpu.memory_space<vmem>>
    %dma_start3A_138 = tpu.memref_squeeze %dma_start3A_137 : memref<1x72xi32, #tpu.memory_space<vmem>> -> memref<72xi32, #tpu.memory_space<vmem>>
    %dma_start3A_139 = arith.constant 0 : i32
    %dma_start3A_140 = arith.constant 0 : i32
    %dma_start3A_141 = tpu.memref_slice %arg4[%dma_start3A_139, %dma_start3A_140] : memref<1000000x32xf32, #tpu.memory_space<hbm>> -> memref<1000000x32xf32, #tpu.memory_space<hbm>>
    %dma_start3A_142 = tpu.memref_slice %arg12[%dma_start3A_131] : memref<4x!tpu.dma_semaphore, #tpu.memory_space<semaphore_mem>> -> memref<1x!tpu.dma_semaphore, #tpu.memory_space<semaphore_mem>>
    %dma_start3A_143 = tpu.memref_squeeze %dma_start3A_142 : memref<1x!tpu.dma_semaphore, #tpu.memory_space<semaphore_mem>> -> memref<!tpu.dma_semaphore, #tpu.memory_space<semaphore_mem>>
    tpu.enqueue_indirect_dma source(%dma_start3A_141 : memref<1000000x32xf32, #tpu.memory_space<hbm>>) target(%dma_start3A_135 : memref<72x32xf32, #tpu.memory_space<vmem>>) offsets(%dma_start3A_138 : memref<72xi32, #tpu.memory_space<vmem>>) semaphore(%dma_start3A_143 : memref<!tpu.dma_semaphore, #tpu.memory_space<semaphore_mem>>)
    %dma_start3A_144 = arith.constant 2 : i32
    %dma_start3A_145 = arith.constant 2 : i32
    %dma_start3A_146 = arith.constant 2 : i32
    %dma_start3A_147 = arith.constant 0 : i32
    %dma_start3A_148 = tpu.memref_slice %arg9[%dma_start3A_145, %dma_start3A_147] : memref<4x200xf32, #tpu.memory_space<vmem>> -> memref<1x128xf32, #tpu.memory_space<vmem>>
    %dma_start3A_149 = tpu.memref_squeeze %dma_start3A_148 : memref<1x128xf32, #tpu.memory_space<vmem>> -> memref<128xf32, #tpu.memory_space<vmem>>
    %dma_start3A_150 = arith.constant 0 : i32
    %dma_start3A_151 = tpu.memref_slice %arg7[%dma_start3A_144, %dma_start3A_150] : memref<128x128xi32, #tpu.memory_space<vmem>> -> memref<1x128xi32, #tpu.memory_space<vmem>>
    %dma_start3A_152 = tpu.memref_squeeze %dma_start3A_151 : memref<1x128xi32, #tpu.memory_space<vmem>> -> memref<128xi32, #tpu.memory_space<vmem>>
    %dma_start3A_153 = arith.constant 0 : i32
    %dma_start3A_154 = tpu.memref_slice %arg5[%dma_start3A_153] : memref<1000000xf32, #tpu.memory_space<hbm>> -> memref<1000000xf32, #tpu.memory_space<hbm>>
    %dma_start3A_155 = tpu.memref_slice %arg13[%dma_start3A_146] : memref<4x!tpu.dma_semaphore, #tpu.memory_space<semaphore_mem>> -> memref<1x!tpu.dma_semaphore, #tpu.memory_space<semaphore_mem>>
    %dma_start3A_156 = tpu.memref_squeeze %dma_start3A_155 : memref<1x!tpu.dma_semaphore, #tpu.memory_space<semaphore_mem>> -> memref<!tpu.dma_semaphore, #tpu.memory_space<semaphore_mem>>
    tpu.enqueue_indirect_dma source(%dma_start3A_154 : memref<1000000xf32, #tpu.memory_space<hbm>>) target(%dma_start3A_149 : memref<128xf32, #tpu.memory_space<vmem>>) offsets(%dma_start3A_152 : memref<128xi32, #tpu.memory_space<vmem>>) semaphore(%dma_start3A_156 : memref<!tpu.dma_semaphore, #tpu.memory_space<semaphore_mem>>)
    %dma_start3A_157 = arith.constant 2 : i32
    %dma_start3A_158 = arith.constant 2 : i32
    %dma_start3A_159 = arith.constant 2 : i32
    %dma_start3A_160 = arith.constant 128 : i32
    %dma_start3A_161 = tpu.memref_slice %arg9[%dma_start3A_158, %dma_start3A_160] : memref<4x200xf32, #tpu.memory_space<vmem>> -> memref<1x72xf32, #tpu.memory_space<vmem>>
    %dma_start3A_162 = tpu.memref_squeeze %dma_start3A_161 : memref<1x72xf32, #tpu.memory_space<vmem>> -> memref<72xf32, #tpu.memory_space<vmem>>
    %dma_start3A_163 = arith.constant 0 : i32
    %dma_start3A_164 = tpu.memref_slice %arg8[%dma_start3A_157, %dma_start3A_163] : memref<128x128xi32, #tpu.memory_space<vmem>> -> memref<1x72xi32, #tpu.memory_space<vmem>>
    %dma_start3A_165 = tpu.memref_squeeze %dma_start3A_164 : memref<1x72xi32, #tpu.memory_space<vmem>> -> memref<72xi32, #tpu.memory_space<vmem>>
    %dma_start3A_166 = arith.constant 0 : i32
    %dma_start3A_167 = tpu.memref_slice %arg5[%dma_start3A_166] : memref<1000000xf32, #tpu.memory_space<hbm>> -> memref<1000000xf32, #tpu.memory_space<hbm>>
    %dma_start3A_168 = tpu.memref_slice %arg13[%dma_start3A_159] : memref<4x!tpu.dma_semaphore, #tpu.memory_space<semaphore_mem>> -> memref<1x!tpu.dma_semaphore, #tpu.memory_space<semaphore_mem>>
    %dma_start3A_169 = tpu.memref_squeeze %dma_start3A_168 : memref<1x!tpu.dma_semaphore, #tpu.memory_space<semaphore_mem>> -> memref<!tpu.dma_semaphore, #tpu.memory_space<semaphore_mem>>
    tpu.enqueue_indirect_dma source(%dma_start3A_167 : memref<1000000xf32, #tpu.memory_space<hbm>>) target(%dma_start3A_162 : memref<72xf32, #tpu.memory_space<vmem>>) offsets(%dma_start3A_165 : memref<72xi32, #tpu.memory_space<vmem>>) semaphore(%dma_start3A_169 : memref<!tpu.dma_semaphore, #tpu.memory_space<semaphore_mem>>)
    %dma_start3A_170 = arith.constant 3 : i32
    %dma_start3A_171 = arith.constant 3 : i32
    %dma_start3A_172 = arith.constant 3 : i32
    %dma_start3A_173 = arith.constant 0 : i32
    %dma_start3A_174 = arith.constant 0 : i32
    %dma_start3A_175 = tpu.memref_slice %arg10[%dma_start3A_171, %dma_start3A_173, %dma_start3A_174] : memref<4x200x32xf32, #tpu.memory_space<vmem>> -> memref<1x128x32xf32, #tpu.memory_space<vmem>>
    %dma_start3A_176 = tpu.memref_squeeze %dma_start3A_175 : memref<1x128x32xf32, #tpu.memory_space<vmem>> -> memref<128x32xf32, #tpu.memory_space<vmem>>
    %dma_start3A_177 = arith.constant 0 : i32
    %dma_start3A_178 = tpu.memref_slice %arg7[%dma_start3A_170, %dma_start3A_177] : memref<128x128xi32, #tpu.memory_space<vmem>> -> memref<1x128xi32, #tpu.memory_space<vmem>>
    %dma_start3A_179 = tpu.memref_squeeze %dma_start3A_178 : memref<1x128xi32, #tpu.memory_space<vmem>> -> memref<128xi32, #tpu.memory_space<vmem>>
    %dma_start3A_180 = arith.constant 0 : i32
    %dma_start3A_181 = arith.constant 0 : i32
    %dma_start3A_182 = tpu.memref_slice %arg4[%dma_start3A_180, %dma_start3A_181] : memref<1000000x32xf32, #tpu.memory_space<hbm>> -> memref<1000000x32xf32, #tpu.memory_space<hbm>>
    %dma_start3A_183 = tpu.memref_slice %arg12[%dma_start3A_172] : memref<4x!tpu.dma_semaphore, #tpu.memory_space<semaphore_mem>> -> memref<1x!tpu.dma_semaphore, #tpu.memory_space<semaphore_mem>>
    %dma_start3A_184 = tpu.memref_squeeze %dma_start3A_183 : memref<1x!tpu.dma_semaphore, #tpu.memory_space<semaphore_mem>> -> memref<!tpu.dma_semaphore, #tpu.memory_space<semaphore_mem>>
    tpu.enqueue_indirect_dma source(%dma_start3A_182 : memref<1000000x32xf32, #tpu.memory_space<hbm>>) target(%dma_start3A_176 : memref<128x32xf32, #tpu.memory_space<vmem>>) offsets(%dma_start3A_179 : memref<128xi32, #tpu.memory_space<vmem>>) semaphore(%dma_start3A_184 : memref<!tpu.dma_semaphore, #tpu.memory_space<semaphore_mem>>)
    %dma_start3A_185 = arith.constant 3 : i32
    %dma_start3A_186 = arith.constant 3 : i32
    %dma_start3A_187 = arith.constant 3 : i32
    %dma_start3A_188 = arith.constant 128 : i32
    %dma_start3A_189 = arith.constant 0 : i32
    %dma_start3A_190 = tpu.memref_slice %arg10[%dma_start3A_186, %dma_start3A_188, %dma_start3A_189] : memref<4x200x32xf32, #tpu.memory_space<vmem>> -> memref<1x72x32xf32, #tpu.memory_space<vmem>>
    %dma_start3A_191 = tpu.memref_squeeze %dma_start3A_190 : memref<1x72x32xf32, #tpu.memory_space<vmem>> -> memref<72x32xf32, #tpu.memory_space<vmem>>
    %dma_start3A_192 = arith.constant 0 : i32
    %dma_start3A_193 = tpu.memref_slice %arg8[%dma_start3A_185, %dma_start3A_192] : memref<128x128xi32, #tpu.memory_space<vmem>> -> memref<1x72xi32, #tpu.memory_space<vmem>>
    %dma_start3A_194 = tpu.memref_squeeze %dma_start3A_193 : memref<1x72xi32, #tpu.memory_space<vmem>> -> memref<72xi32, #tpu.memory_space<vmem>>
    %dma_start3A_195 = arith.constant 0 : i32
    %dma_start3A_196 = arith.constant 0 : i32
    %dma_start3A_197 = tpu.memref_slice %arg4[%dma_start3A_195, %dma_start3A_196] : memref<1000000x32xf32, #tpu.memory_space<hbm>> -> memref<1000000x32xf32, #tpu.memory_space<hbm>>
    %dma_start3A_198 = tpu.memref_slice %arg12[%dma_start3A_187] : memref<4x!tpu.dma_semaphore, #tpu.memory_space<semaphore_mem>> -> memref<1x!tpu.dma_semaphore, #tpu.memory_space<semaphore_mem>>
    %dma_start3A_199 = tpu.memref_squeeze %dma_start3A_198 : memref<1x!tpu.dma_semaphore, #tpu.memory_space<semaphore_mem>> -> memref<!tpu.dma_semaphore, #tpu.memory_space<semaphore_mem>>
    tpu.enqueue_indirect_dma source(%dma_start3A_197 : memref<1000000x32xf32, #tpu.memory_space<hbm>>) target(%dma_start3A_191 : memref<72x32xf32, #tpu.memory_space<vmem>>) offsets(%dma_start3A_194 : memref<72xi32, #tpu.memory_space<vmem>>) semaphore(%dma_start3A_199 : memref<!tpu.dma_semaphore, #tpu.memory_space<semaphore_mem>>)
    %dma_start3A_200 = arith.constant 3 : i32
    %dma_start3A_201 = arith.constant 3 : i32
    %dma_start3A_202 = arith.constant 3 : i32
    %dma_start3A_203 = arith.constant 0 : i32
    %dma_start3A_204 = tpu.memref_slice %arg9[%dma_start3A_201, %dma_start3A_203] : memref<4x200xf32, #tpu.memory_space<vmem>> -> memref<1x128xf32, #tpu.memory_space<vmem>>
    %dma_start3A_205 = tpu.memref_squeeze %dma_start3A_204 : memref<1x128xf32, #tpu.memory_space<vmem>> -> memref<128xf32, #tpu.memory_space<vmem>>
    %dma_start3A_206 = arith.constant 0 : i32
    %dma_start3A_207 = tpu.memref_slice %arg7[%dma_start3A_200, %dma_start3A_206] : memref<128x128xi32, #tpu.memory_space<vmem>> -> memref<1x128xi32, #tpu.memory_space<vmem>>
    %dma_start3A_208 = tpu.memref_squeeze %dma_start3A_207 : memref<1x128xi32, #tpu.memory_space<vmem>> -> memref<128xi32, #tpu.memory_space<vmem>>
    %dma_start3A_209 = arith.constant 0 : i32
    %dma_start3A_210 = tpu.memref_slice %arg5[%dma_start3A_209] : memref<1000000xf32, #tpu.memory_space<hbm>> -> memref<1000000xf32, #tpu.memory_space<hbm>>
    %dma_start3A_211 = tpu.memref_slice %arg13[%dma_start3A_202] : memref<4x!tpu.dma_semaphore, #tpu.memory_space<semaphore_mem>> -> memref<1x!tpu.dma_semaphore, #tpu.memory_space<semaphore_mem>>
    %dma_start3A_212 = tpu.memref_squeeze %dma_start3A_211 : memref<1x!tpu.dma_semaphore, #tpu.memory_space<semaphore_mem>> -> memref<!tpu.dma_semaphore, #tpu.memory_space<semaphore_mem>>
    tpu.enqueue_indirect_dma source(%dma_start3A_210 : memref<1000000xf32, #tpu.memory_space<hbm>>) target(%dma_start3A_205 : memref<128xf32, #tpu.memory_space<vmem>>) offsets(%dma_start3A_208 : memref<128xi32, #tpu.memory_space<vmem>>) semaphore(%dma_start3A_212 : memref<!tpu.dma_semaphore, #tpu.memory_space<semaphore_mem>>)
    %dma_start3A_213 = arith.constant 3 : i32
    %dma_start3A_214 = arith.constant 3 : i32
    %dma_start3A_215 = arith.constant 3 : i32
    %dma_start3A_216 = arith.constant 128 : i32
    %dma_start3A_217 = tpu.memref_slice %arg9[%dma_start3A_214, %dma_start3A_216] : memref<4x200xf32, #tpu.memory_space<vmem>> -> memref<1x72xf32, #tpu.memory_space<vmem>>
    %dma_start3A_218 = tpu.memref_squeeze %dma_start3A_217 : memref<1x72xf32, #tpu.memory_space<vmem>> -> memref<72xf32, #tpu.memory_space<vmem>>
    %dma_start3A_219 = arith.constant 0 : i32
    %dma_start3A_220 = tpu.memref_slice %arg8[%dma_start3A_213, %dma_start3A_219] : memref<128x128xi32, #tpu.memory_space<vmem>> -> memref<1x72xi32, #tpu.memory_space<vmem>>
    %dma_start3A_221 = tpu.memref_squeeze %dma_start3A_220 : memref<1x72xi32, #tpu.memory_space<vmem>> -> memref<72xi32, #tpu.memory_space<vmem>>
    %dma_start3A_222 = arith.constant 0 : i32
    %dma_start3A_223 = tpu.memref_slice %arg5[%dma_start3A_222] : memref<1000000xf32, #tpu.memory_space<hbm>> -> memref<1000000xf32, #tpu.memory_space<hbm>>
    %dma_start3A_224 = tpu.memref_slice %arg13[%dma_start3A_215] : memref<4x!tpu.dma_semaphore, #tpu.memory_space<semaphore_mem>> -> memref<1x!tpu.dma_semaphore, #tpu.memory_space<semaphore_mem>>
    %dma_start3A_225 = tpu.memref_squeeze %dma_start3A_224 : memref<1x!tpu.dma_semaphore, #tpu.memory_space<semaphore_mem>> -> memref<!tpu.dma_semaphore, #tpu.memory_space<semaphore_mem>>
    tpu.enqueue_indirect_dma source(%dma_start3A_223 : memref<1000000xf32, #tpu.memory_space<hbm>>) target(%dma_start3A_218 : memref<72xf32, #tpu.memory_space<vmem>>) offsets(%dma_start3A_221 : memref<72xi32, #tpu.memory_space<vmem>>) semaphore(%dma_start3A_225 : memref<!tpu.dma_semaphore, #tpu.memory_space<semaphore_mem>>)
    %scan3A = arith.constant 0 : i32
    %scan3A_226 = arith.constant 0 : i32
    %scan3A_227 = arith.constant 32 : i32
    %scan3A_228 = arith.addi %scan3A_226, %scan3A_227 : i32
    %scan3A_229 = arith.constant 1 : i32
    %scan3A_230 = scf.for %scan3A_234 = %scan3A_226 to %scan3A_228 step %scan3A_229 iter_args(%scan3A_235 = %scan3A) -> (i32)  : i32 {
      %mul3A_236 = arith.constant 4 : i32
      %mul3A_237 = arith.muli %scan3A_234, %mul3A_236 : i32
      %add3A_238 = arith.constant 0 : i32
      %add3A_239 = arith.addi %mul3A_237, %add3A_238 : i32
      %dma_wait3A = arith.constant 0 : i32
      %dma_wait3A_240 = arith.constant 0 : i32
      %dma_wait3A_241 = arith.constant 0 : i32
      %dma_wait3A_242 = arith.constant 0 : i32
      %dma_wait3A_243 = tpu.memref_slice %arg10[%dma_wait3A, %dma_wait3A_241, %dma_wait3A_242] : memref<4x200x32xf32, #tpu.memory_space<vmem>> -> memref<1x128x32xf32, #tpu.memory_space<vmem>>
      %dma_wait3A_244 = tpu.memref_squeeze %dma_wait3A_243 : memref<1x128x32xf32, #tpu.memory_space<vmem>> -> memref<128x32xf32, #tpu.memory_space<vmem>>
      %dma_wait3A_245 = arith.constant 0 : i32
      %dma_wait3A_246 = tpu.memref_slice %arg7[%add3A_239, %dma_wait3A_245] : memref<128x128xi32, #tpu.memory_space<vmem>> -> memref<1x128xi32, #tpu.memory_space<vmem>>
      %dma_wait3A_247 = tpu.memref_squeeze %dma_wait3A_246 : memref<1x128xi32, #tpu.memory_space<vmem>> -> memref<128xi32, #tpu.memory_space<vmem>>
      %dma_wait3A_248 = arith.constant 0 : i32
      %dma_wait3A_249 = arith.constant 0 : i32
      %dma_wait3A_250 = tpu.memref_slice %arg4[%dma_wait3A_248, %dma_wait3A_249] : memref<1000000x32xf32, #tpu.memory_space<hbm>> -> memref<1000000x32xf32, #tpu.memory_space<hbm>>
      %dma_wait3A_251 = tpu.memref_slice %arg12[%dma_wait3A_240] : memref<4x!tpu.dma_semaphore, #tpu.memory_space<semaphore_mem>> -> memref<1x!tpu.dma_semaphore, #tpu.memory_space<semaphore_mem>>
      %dma_wait3A_252 = tpu.memref_squeeze %dma_wait3A_251 : memref<1x!tpu.dma_semaphore, #tpu.memory_space<semaphore_mem>> -> memref<!tpu.dma_semaphore, #tpu.memory_space<semaphore_mem>>
      tpu.wait_indirect_dma semaphore(%dma_wait3A_252 : memref<!tpu.dma_semaphore, #tpu.memory_space<semaphore_mem>>) src(%dma_wait3A_250 : memref<1000000x32xf32, #tpu.memory_space<hbm>>) dst(%dma_wait3A_244 : memref<128x32xf32, #tpu.memory_space<vmem>>)
      %dma_wait3A_253 = arith.constant 0 : i32
      %dma_wait3A_254 = arith.constant 0 : i32
      %dma_wait3A_255 = arith.constant 128 : i32
      %dma_wait3A_256 = arith.constant 0 : i32
      %dma_wait3A_257 = tpu.memref_slice %arg10[%dma_wait3A_253, %dma_wait3A_255, %dma_wait3A_256] : memref<4x200x32xf32, #tpu.memory_space<vmem>> -> memref<1x72x32xf32, #tpu.memory_space<vmem>>
      %dma_wait3A_258 = tpu.memref_squeeze %dma_wait3A_257 : memref<1x72x32xf32, #tpu.memory_space<vmem>> -> memref<72x32xf32, #tpu.memory_space<vmem>>
      %dma_wait3A_259 = arith.constant 0 : i32
      %dma_wait3A_260 = tpu.memref_slice %arg8[%add3A_239, %dma_wait3A_259] : memref<128x128xi32, #tpu.memory_space<vmem>> -> memref<1x72xi32, #tpu.memory_space<vmem>>
      %dma_wait3A_261 = tpu.memref_squeeze %dma_wait3A_260 : memref<1x72xi32, #tpu.memory_space<vmem>> -> memref<72xi32, #tpu.memory_space<vmem>>
      %dma_wait3A_262 = arith.constant 0 : i32
      %dma_wait3A_263 = arith.constant 0 : i32
      %dma_wait3A_264 = tpu.memref_slice %arg4[%dma_wait3A_262, %dma_wait3A_263] : memref<1000000x32xf32, #tpu.memory_space<hbm>> -> memref<1000000x32xf32, #tpu.memory_space<hbm>>
      %dma_wait3A_265 = tpu.memref_slice %arg12[%dma_wait3A_254] : memref<4x!tpu.dma_semaphore, #tpu.memory_space<semaphore_mem>> -> memref<1x!tpu.dma_semaphore, #tpu.memory_space<semaphore_mem>>
      %dma_wait3A_266 = tpu.memref_squeeze %dma_wait3A_265 : memref<1x!tpu.dma_semaphore, #tpu.memory_space<semaphore_mem>> -> memref<!tpu.dma_semaphore, #tpu.memory_space<semaphore_mem>>
      tpu.wait_indirect_dma semaphore(%dma_wait3A_266 : memref<!tpu.dma_semaphore, #tpu.memory_space<semaphore_mem>>) src(%dma_wait3A_264 : memref<1000000x32xf32, #tpu.memory_space<hbm>>) dst(%dma_wait3A_258 : memref<72x32xf32, #tpu.memory_space<vmem>>)
      %dma_wait3A_267 = arith.constant 0 : i32
      %dma_wait3A_268 = arith.constant 0 : i32
      %dma_wait3A_269 = arith.constant 0 : i32
      %dma_wait3A_270 = tpu.memref_slice %arg9[%dma_wait3A_267, %dma_wait3A_269] : memref<4x200xf32, #tpu.memory_space<vmem>> -> memref<1x128xf32, #tpu.memory_space<vmem>>
      %dma_wait3A_271 = tpu.memref_squeeze %dma_wait3A_270 : memref<1x128xf32, #tpu.memory_space<vmem>> -> memref<128xf32, #tpu.memory_space<vmem>>
      %dma_wait3A_272 = arith.constant 0 : i32
      %dma_wait3A_273 = tpu.memref_slice %arg7[%add3A_239, %dma_wait3A_272] : memref<128x128xi32, #tpu.memory_space<vmem>> -> memref<1x128xi32, #tpu.memory_space<vmem>>
      %dma_wait3A_274 = tpu.memref_squeeze %dma_wait3A_273 : memref<1x128xi32, #tpu.memory_space<vmem>> -> memref<128xi32, #tpu.memory_space<vmem>>
      %dma_wait3A_275 = arith.constant 0 : i32
      %dma_wait3A_276 = tpu.memref_slice %arg5[%dma_wait3A_275] : memref<1000000xf32, #tpu.memory_space<hbm>> -> memref<1000000xf32, #tpu.memory_space<hbm>>
      %dma_wait3A_277 = tpu.memref_slice %arg13[%dma_wait3A_268] : memref<4x!tpu.dma_semaphore, #tpu.memory_space<semaphore_mem>> -> memref<1x!tpu.dma_semaphore, #tpu.memory_space<semaphore_mem>>
      %dma_wait3A_278 = tpu.memref_squeeze %dma_wait3A_277 : memref<1x!tpu.dma_semaphore, #tpu.memory_space<semaphore_mem>> -> memref<!tpu.dma_semaphore, #tpu.memory_space<semaphore_mem>>
      tpu.wait_indirect_dma semaphore(%dma_wait3A_278 : memref<!tpu.dma_semaphore, #tpu.memory_space<semaphore_mem>>) src(%dma_wait3A_276 : memref<1000000xf32, #tpu.memory_space<hbm>>) dst(%dma_wait3A_271 : memref<128xf32, #tpu.memory_space<vmem>>)
      %dma_wait3A_279 = arith.constant 0 : i32
      %dma_wait3A_280 = arith.constant 0 : i32
      %dma_wait3A_281 = arith.constant 128 : i32
      %dma_wait3A_282 = tpu.memref_slice %arg9[%dma_wait3A_279, %dma_wait3A_281] : memref<4x200xf32, #tpu.memory_space<vmem>> -> memref<1x72xf32, #tpu.memory_space<vmem>>
      %dma_wait3A_283 = tpu.memref_squeeze %dma_wait3A_282 : memref<1x72xf32, #tpu.memory_space<vmem>> -> memref<72xf32, #tpu.memory_space<vmem>>
      %dma_wait3A_284 = arith.constant 0 : i32
      %dma_wait3A_285 = tpu.memref_slice %arg8[%add3A_239, %dma_wait3A_284] : memref<128x128xi32, #tpu.memory_space<vmem>> -> memref<1x72xi32, #tpu.memory_space<vmem>>
      %dma_wait3A_286 = tpu.memref_squeeze %dma_wait3A_285 : memref<1x72xi32, #tpu.memory_space<vmem>> -> memref<72xi32, #tpu.memory_space<vmem>>
      %dma_wait3A_287 = arith.constant 0 : i32
      %dma_wait3A_288 = tpu.memref_slice %arg5[%dma_wait3A_287] : memref<1000000xf32, #tpu.memory_space<hbm>> -> memref<1000000xf32, #tpu.memory_space<hbm>>
      %dma_wait3A_289 = tpu.memref_slice %arg13[%dma_wait3A_280] : memref<4x!tpu.dma_semaphore, #tpu.memory_space<semaphore_mem>> -> memref<1x!tpu.dma_semaphore, #tpu.memory_space<semaphore_mem>>
      %dma_wait3A_290 = tpu.memref_squeeze %dma_wait3A_289 : memref<1x!tpu.dma_semaphore, #tpu.memory_space<semaphore_mem>> -> memref<!tpu.dma_semaphore, #tpu.memory_space<semaphore_mem>>
      tpu.wait_indirect_dma semaphore(%dma_wait3A_290 : memref<!tpu.dma_semaphore, #tpu.memory_space<semaphore_mem>>) src(%dma_wait3A_288 : memref<1000000xf32, #tpu.memory_space<hbm>>) dst(%dma_wait3A_283 : memref<72xf32, #tpu.memory_space<vmem>>)
      %get3A = arith.index_cast %add3A_239 : i32 to index
      %get3A_291 = arith.constant 0 : index
      %get3A_292 = tpu.vector_load %arg7[%get3A, %get3A_291] {strides = array<i32>} : memref<128x128xi32, #tpu.memory_space<vmem>>, vector<1x16xi32>,
      %get3A_293 = vector.shape_cast %get3A_292 : vector<1x16xi32> to vector<16xi32>
      %ne3A = arith.constant 0 : i32
      %ne3A_294 = vector.broadcast %ne3A : i32 to vector<16xi32>
      %ne3A_295 = arith.cmpi ne, %get3A_293, %ne3A_294 : vector<16xi32>
      %get3A_296 = arith.constant 0 : i32
      %get3A_297 = arith.index_cast %get3A_296 : i32 to index
      %get3A_298 = arith.constant 0 : index
      %get3A_299 = tpu.vector_load %arg9[%get3A_297, %get3A_298] {strides = array<i32>} : memref<4x200xf32, #tpu.memory_space<vmem>>, vector<1x16xf32>,
      %get3A_300 = vector.shape_cast %get3A_299 : vector<1x16xf32> to vector<16xf32>
      %jit3A = arith.constant 0.000000e+00 : f32
      %broadcast_in_dim3A = vector.broadcast %jit3A : f32 to vector<16xf32>
      %select_n3A = arith.select %ne3A_295, %get3A_300, %broadcast_in_dim3A : vector<16xi1>, vector<16xf32>
      %swap3A = arith.constant 0 : i32
      %swap3A_301 = arith.index_cast %swap3A : i32 to index
      %swap3A_302 = arith.constant 0 : index
      %swap3A_303 = tpu.vector_load %arg9[%swap3A_301, %swap3A_302] {strides = array<i32>} : memref<4x200xf32, #tpu.memory_space<vmem>>, vector<1x16xf32>,
      %swap3A_304 = vector.shape_cast %swap3A_303 : vector<1x16xf32> to vector<16xf32>
      %swap3A_305 = vector.shape_cast %select_n3A : vector<16xf32> to vector<1x16xf32>
      tpu.vector_store %arg9[%swap3A_301, %swap3A_302], %swap3A_305 {strides = array<i32>} : memref<4x200xf32, #tpu.memory_space<vmem>>, vector<1x16xf32>,
      %get3A_306 = arith.index_cast %add3A_239 : i32 to index
      %get3A_307 = arith.constant 16 : index
      %get3A_308 = tpu.vector_load %arg7[%get3A_306, %get3A_307] {strides = array<i32>} : memref<128x128xi32, #tpu.memory_space<vmem>>, vector<1x16xi32>,
      %get3A_309 = vector.shape_cast %get3A_308 : vector<1x16xi32> to vector<16xi32>
      %ne3A_310 = arith.constant 0 : i32
      %ne3A_311 = vector.broadcast %ne3A_310 : i32 to vector<16xi32>
      %ne3A_312 = arith.cmpi ne, %get3A_309, %ne3A_311 : vector<16xi32>
      %get3A_313 = arith.constant 0 : i32
      %get3A_314 = arith.index_cast %get3A_313 : i32 to index
      %get3A_315 = arith.constant 16 : index
      %get3A_316 = tpu.vector_load %arg9[%get3A_314, %get3A_315] {strides = array<i32>} : memref<4x200xf32, #tpu.memory_space<vmem>>, vector<1x16xf32>,
      %get3A_317 = vector.shape_cast %get3A_316 : vector<1x16xf32> to vector<16xf32>
      %jit3A_318 = arith.constant 0.000000e+00 : f32
      %broadcast_in_dim3A_319 = vector.broadcast %jit3A_318 : f32 to vector<16xf32>
      %select_n3A_320 = arith.select %ne3A_312, %get3A_317, %broadcast_in_dim3A_319 : vector<16xi1>, vector<16xf32>
      %swap3A_321 = arith.constant 0 : i32
      %swap3A_322 = arith.index_cast %swap3A_321 : i32 to index
      %swap3A_323 = arith.constant 16 : index
      %swap3A_324 = tpu.vector_load %arg9[%swap3A_322, %swap3A_323] {strides = array<i32>} : memref<4x200xf32, #tpu.memory_space<vmem>>, vector<1x16xf32>,
      %swap3A_325 = vector.shape_cast %swap3A_324 : vector<1x16xf32> to vector<16xf32>
      %swap3A_326 = vector.shape_cast %select_n3A_320 : vector<16xf32> to vector<1x16xf32>
      tpu.vector_store %arg9[%swap3A_322, %swap3A_323], %swap3A_326 {strides = array<i32>} : memref<4x200xf32, #tpu.memory_space<vmem>>, vector<1x16xf32>,
      %get3A_327 = arith.index_cast %add3A_239 : i32 to index
      %get3A_328 = arith.constant 32 : index
      %get3A_329 = tpu.vector_load %arg7[%get3A_327, %get3A_328] {strides = array<i32>} : memref<128x128xi32, #tpu.memory_space<vmem>>, vector<1x16xi32>,
      %get3A_330 = vector.shape_cast %get3A_329 : vector<1x16xi32> to vector<16xi32>
      %ne3A_331 = arith.constant 0 : i32
      %ne3A_332 = vector.broadcast %ne3A_331 : i32 to vector<16xi32>
      %ne3A_333 = arith.cmpi ne, %get3A_330, %ne3A_332 : vector<16xi32>
      %get3A_334 = arith.constant 0 : i32
      %get3A_335 = arith.index_cast %get3A_334 : i32 to index
      %get3A_336 = arith.constant 32 : index
      %get3A_337 = tpu.vector_load %arg9[%get3A_335, %get3A_336] {strides = array<i32>} : memref<4x200xf32, #tpu.memory_space<vmem>>, vector<1x16xf32>,
      %get3A_338 = vector.shape_cast %get3A_337 : vector<1x16xf32> to vector<16xf32>
      %jit3A_339 = arith.constant 0.000000e+00 : f32
      %broadcast_in_dim3A_340 = vector.broadcast %jit3A_339 : f32 to vector<16xf32>
      %select_n3A_341 = arith.select %ne3A_333, %get3A_338, %broadcast_in_dim3A_340 : vector<16xi1>, vector<16xf32>
      %swap3A_342 = arith.constant 0 : i32
      %swap3A_343 = arith.index_cast %swap3A_342 : i32 to index
      %swap3A_344 = arith.constant 32 : index
      %swap3A_345 = tpu.vector_load %arg9[%swap3A_343, %swap3A_344] {strides = array<i32>} : memref<4x200xf32, #tpu.memory_space<vmem>>, vector<1x16xf32>,
      %swap3A_346 = vector.shape_cast %swap3A_345 : vector<1x16xf32> to vector<16xf32>
      %swap3A_347 = vector.shape_cast %select_n3A_341 : vector<16xf32> to vector<1x16xf32>
      tpu.vector_store %arg9[%swap3A_343, %swap3A_344], %swap3A_347 {strides = array<i32>} : memref<4x200xf32, #tpu.memory_space<vmem>>, vector<1x16xf32>,
      %get3A_348 = arith.index_cast %add3A_239 : i32 to index
      %get3A_349 = arith.constant 48 : index
      %get3A_350 = tpu.vector_load %arg7[%get3A_348, %get3A_349] {strides = array<i32>} : memref<128x128xi32, #tpu.memory_space<vmem>>, vector<1x16xi32>,
      %get3A_351 = vector.shape_cast %get3A_350 : vector<1x16xi32> to vector<16xi32>
      %ne3A_352 = arith.constant 0 : i32
      %ne3A_353 = vector.broadcast %ne3A_352 : i32 to vector<16xi32>
      %ne3A_354 = arith.cmpi ne, %get3A_351, %ne3A_353 : vector<16xi32>
      %get3A_355 = arith.constant 0 : i32
      %get3A_356 = arith.index_cast %get3A_355 : i32 to index
      %get3A_357 = arith.constant 48 : index
      %get3A_358 = tpu.vector_load %arg9[%get3A_356, %get3A_357] {strides = array<i32>} : memref<4x200xf32, #tpu.memory_space<vmem>>, vector<1x16xf32>,
      %get3A_359 = vector.shape_cast %get3A_358 : vector<1x16xf32> to vector<16xf32>
      %jit3A_360 = arith.constant 0.000000e+00 : f32
      %broadcast_in_dim3A_361 = vector.broadcast %jit3A_360 : f32 to vector<16xf32>
      %select_n3A_362 = arith.select %ne3A_354, %get3A_359, %broadcast_in_dim3A_361 : vector<16xi1>, vector<16xf32>
      %swap3A_363 = arith.constant 0 : i32
      %swap3A_364 = arith.index_cast %swap3A_363 : i32 to index
      %swap3A_365 = arith.constant 48 : index
      %swap3A_366 = tpu.vector_load %arg9[%swap3A_364, %swap3A_365] {strides = array<i32>} : memref<4x200xf32, #tpu.memory_space<vmem>>, vector<1x16xf32>,
      %swap3A_367 = vector.shape_cast %swap3A_366 : vector<1x16xf32> to vector<16xf32>
      %swap3A_368 = vector.shape_cast %select_n3A_362 : vector<16xf32> to vector<1x16xf32>
      tpu.vector_store %arg9[%swap3A_364, %swap3A_365], %swap3A_368 {strides = array<i32>} : memref<4x200xf32, #tpu.memory_space<vmem>>, vector<1x16xf32>,
      %get3A_369 = arith.index_cast %add3A_239 : i32 to index
      %get3A_370 = arith.constant 64 : index
      %get3A_371 = tpu.vector_load %arg7[%get3A_369, %get3A_370] {strides = array<i32>} : memref<128x128xi32, #tpu.memory_space<vmem>>, vector<1x16xi32>,
      %get3A_372 = vector.shape_cast %get3A_371 : vector<1x16xi32> to vector<16xi32>
      %ne3A_373 = arith.constant 0 : i32
      %ne3A_374 = vector.broadcast %ne3A_373 : i32 to vector<16xi32>
      %ne3A_375 = arith.cmpi ne, %get3A_372, %ne3A_374 : vector<16xi32>
      %get3A_376 = arith.constant 0 : i32
      %get3A_377 = arith.index_cast %get3A_376 : i32 to index
      %get3A_378 = arith.constant 64 : index
      %get3A_379 = tpu.vector_load %arg9[%get3A_377, %get3A_378] {strides = array<i32>} : memref<4x200xf32, #tpu.memory_space<vmem>>, vector<1x16xf32>,
      %get3A_380 = vector.shape_cast %get3A_379 : vector<1x16xf32> to vector<16xf32>
      %jit3A_381 = arith.constant 0.000000e+00 : f32
      %broadcast_in_dim3A_382 = vector.broadcast %jit3A_381 : f32 to vector<16xf32>
      %select_n3A_383 = arith.select %ne3A_375, %get3A_380, %broadcast_in_dim3A_382 : vector<16xi1>, vector<16xf32>
      %swap3A_384 = arith.constant 0 : i32
      %swap3A_385 = arith.index_cast %swap3A_384 : i32 to index
      %swap3A_386 = arith.constant 64 : index
      %swap3A_387 = tpu.vector_load %arg9[%swap3A_385, %swap3A_386] {strides = array<i32>} : memref<4x200xf32, #tpu.memory_space<vmem>>, vector<1x16xf32>,
      %swap3A_388 = vector.shape_cast %swap3A_387 : vector<1x16xf32> to vector<16xf32>
      %swap3A_389 = vector.shape_cast %select_n3A_383 : vector<16xf32> to vector<1x16xf32>
      tpu.vector_store %arg9[%swap3A_385, %swap3A_386], %swap3A_389 {strides = array<i32>} : memref<4x200xf32, #tpu.memory_space<vmem>>, vector<1x16xf32>,
      %get3A_390 = arith.index_cast %add3A_239 : i32 to index
      %get3A_391 = arith.constant 80 : index
      %get3A_392 = tpu.vector_load %arg7[%get3A_390, %get3A_391] {strides = array<i32>} : memref<128x128xi32, #tpu.memory_space<vmem>>, vector<1x16xi32>,
      %get3A_393 = vector.shape_cast %get3A_392 : vector<1x16xi32> to vector<16xi32>
      %ne3A_394 = arith.constant 0 : i32
      %ne3A_395 = vector.broadcast %ne3A_394 : i32 to vector<16xi32>
      %ne3A_396 = arith.cmpi ne, %get3A_393, %ne3A_395 : vector<16xi32>
      %get3A_397 = arith.constant 0 : i32
      %get3A_398 = arith.index_cast %get3A_397 : i32 to index
      %get3A_399 = arith.constant 80 : index
      %get3A_400 = tpu.vector_load %arg9[%get3A_398, %get3A_399] {strides = array<i32>} : memref<4x200xf32, #tpu.memory_space<vmem>>, vector<1x16xf32>,
      %get3A_401 = vector.shape_cast %get3A_400 : vector<1x16xf32> to vector<16xf32>
      %jit3A_402 = arith.constant 0.000000e+00 : f32
      %broadcast_in_dim3A_403 = vector.broadcast %jit3A_402 : f32 to vector<16xf32>
      %select_n3A_404 = arith.select %ne3A_396, %get3A_401, %broadcast_in_dim3A_403 : vector<16xi1>, vector<16xf32>
      %swap3A_405 = arith.constant 0 : i32
      %swap3A_406 = arith.index_cast %swap3A_405 : i32 to index
      %swap3A_407 = arith.constant 80 : index
      %swap3A_408 = tpu.vector_load %arg9[%swap3A_406, %swap3A_407] {strides = array<i32>} : memref<4x200xf32, #tpu.memory_space<vmem>>, vector<1x16xf32>,
      %swap3A_409 = vector.shape_cast %swap3A_408 : vector<1x16xf32> to vector<16xf32>
      %swap3A_410 = vector.shape_cast %select_n3A_404 : vector<16xf32> to vector<1x16xf32>
      tpu.vector_store %arg9[%swap3A_406, %swap3A_407], %swap3A_410 {strides = array<i32>} : memref<4x200xf32, #tpu.memory_space<vmem>>, vector<1x16xf32>,
      %get3A_411 = arith.index_cast %add3A_239 : i32 to index
      %get3A_412 = arith.constant 96 : index
      %get3A_413 = tpu.vector_load %arg7[%get3A_411, %get3A_412] {strides = array<i32>} : memref<128x128xi32, #tpu.memory_space<vmem>>, vector<1x16xi32>,
      %get3A_414 = vector.shape_cast %get3A_413 : vector<1x16xi32> to vector<16xi32>
      %ne3A_415 = arith.constant 0 : i32
      %ne3A_416 = vector.broadcast %ne3A_415 : i32 to vector<16xi32>
      %ne3A_417 = arith.cmpi ne, %get3A_414, %ne3A_416 : vector<16xi32>
      %get3A_418 = arith.constant 0 : i32
      %get3A_419 = arith.index_cast %get3A_418 : i32 to index
      %get3A_420 = arith.constant 96 : index
      %get3A_421 = tpu.vector_load %arg9[%get3A_419, %get3A_420] {strides = array<i32>} : memref<4x200xf32, #tpu.memory_space<vmem>>, vector<1x16xf32>,
      %get3A_422 = vector.shape_cast %get3A_421 : vector<1x16xf32> to vector<16xf32>
      %jit3A_423 = arith.constant 0.000000e+00 : f32
      %broadcast_in_dim3A_424 = vector.broadcast %jit3A_423 : f32 to vector<16xf32>
      %select_n3A_425 = arith.select %ne3A_417, %get3A_422, %broadcast_in_dim3A_424 : vector<16xi1>, vector<16xf32>
      %swap3A_426 = arith.constant 0 : i32
      %swap3A_427 = arith.index_cast %swap3A_426 : i32 to index
      %swap3A_428 = arith.constant 96 : index
      %swap3A_429 = tpu.vector_load %arg9[%swap3A_427, %swap3A_428] {strides = array<i32>} : memref<4x200xf32, #tpu.memory_space<vmem>>, vector<1x16xf32>,
      %swap3A_430 = vector.shape_cast %swap3A_429 : vector<1x16xf32> to vector<16xf32>
      %swap3A_431 = vector.shape_cast %select_n3A_425 : vector<16xf32> to vector<1x16xf32>
      tpu.vector_store %arg9[%swap3A_427, %swap3A_428], %swap3A_431 {strides = array<i32>} : memref<4x200xf32, #tpu.memory_space<vmem>>, vector<1x16xf32>,
      %get3A_432 = arith.index_cast %add3A_239 : i32 to index
      %get3A_433 = arith.constant 112 : index
      %get3A_434 = tpu.vector_load %arg7[%get3A_432, %get3A_433] {strides = array<i32>} : memref<128x128xi32, #tpu.memory_space<vmem>>, vector<1x16xi32>,
      %get3A_435 = vector.shape_cast %get3A_434 : vector<1x16xi32> to vector<16xi32>
      %ne3A_436 = arith.constant 0 : i32
      %ne3A_437 = vector.broadcast %ne3A_436 : i32 to vector<16xi32>
      %ne3A_438 = arith.cmpi ne, %get3A_435, %ne3A_437 : vector<16xi32>
      %get3A_439 = arith.constant 0 : i32
      %get3A_440 = arith.index_cast %get3A_439 : i32 to index
      %get3A_441 = arith.constant 112 : index
      %get3A_442 = tpu.vector_load %arg9[%get3A_440, %get3A_441] {strides = array<i32>} : memref<4x200xf32, #tpu.memory_space<vmem>>, vector<1x16xf32>,
      %get3A_443 = vector.shape_cast %get3A_442 : vector<1x16xf32> to vector<16xf32>
      %jit3A_444 = arith.constant 0.000000e+00 : f32
      %broadcast_in_dim3A_445 = vector.broadcast %jit3A_444 : f32 to vector<16xf32>
      %select_n3A_446 = arith.select %ne3A_438, %get3A_443, %broadcast_in_dim3A_445 : vector<16xi1>, vector<16xf32>
      %swap3A_447 = arith.constant 0 : i32
      %swap3A_448 = arith.index_cast %swap3A_447 : i32 to index
      %swap3A_449 = arith.constant 112 : index
      %swap3A_450 = tpu.vector_load %arg9[%swap3A_448, %swap3A_449] {strides = array<i32>} : memref<4x200xf32, #tpu.memory_space<vmem>>, vector<1x16xf32>,
      %swap3A_451 = vector.shape_cast %swap3A_450 : vector<1x16xf32> to vector<16xf32>
      %swap3A_452 = vector.shape_cast %select_n3A_446 : vector<16xf32> to vector<1x16xf32>
      tpu.vector_store %arg9[%swap3A_448, %swap3A_449], %swap3A_452 {strides = array<i32>} : memref<4x200xf32, #tpu.memory_space<vmem>>, vector<1x16xf32>,
      %get3A_453 = arith.index_cast %add3A_239 : i32 to index
      %get3A_454 = arith.constant 0 : index
      %get3A_455 = tpu.vector_load %arg8[%get3A_453, %get3A_454] {strides = array<i32>} : memref<128x128xi32, #tpu.memory_space<vmem>>, vector<1x16xi32>,
      %get3A_456 = vector.shape_cast %get3A_455 : vector<1x16xi32> to vector<16xi32>
      %ne3A_457 = arith.constant 0 : i32
      %ne3A_458 = vector.broadcast %ne3A_457 : i32 to vector<16xi32>
      %ne3A_459 = arith.cmpi ne, %get3A_456, %ne3A_458 : vector<16xi32>
      %get3A_460 = arith.constant 0 : i32
      %get3A_461 = arith.index_cast %get3A_460 : i32 to index
      %get3A_462 = arith.constant 128 : index
      %get3A_463 = tpu.vector_load %arg9[%get3A_461, %get3A_462] {strides = array<i32>} : memref<4x200xf32, #tpu.memory_space<vmem>>, vector<1x16xf32>,
      %get3A_464 = vector.shape_cast %get3A_463 : vector<1x16xf32> to vector<16xf32>
      %jit3A_465 = arith.constant 0.000000e+00 : f32
      %broadcast_in_dim3A_466 = vector.broadcast %jit3A_465 : f32 to vector<16xf32>
      %select_n3A_467 = arith.select %ne3A_459, %get3A_464, %broadcast_in_dim3A_466 : vector<16xi1>, vector<16xf32>
      %swap3A_468 = arith.constant 0 : i32
      %swap3A_469 = arith.index_cast %swap3A_468 : i32 to index
      %swap3A_470 = arith.constant 128 : index
      %swap3A_471 = tpu.vector_load %arg9[%swap3A_469, %swap3A_470] {strides = array<i32>} : memref<4x200xf32, #tpu.memory_space<vmem>>, vector<1x16xf32>,
      %swap3A_472 = vector.shape_cast %swap3A_471 : vector<1x16xf32> to vector<16xf32>
      %swap3A_473 = vector.shape_cast %select_n3A_467 : vector<16xf32> to vector<1x16xf32>
      tpu.vector_store %arg9[%swap3A_469, %swap3A_470], %swap3A_473 {strides = array<i32>} : memref<4x200xf32, #tpu.memory_space<vmem>>, vector<1x16xf32>,
      %get3A_474 = arith.index_cast %add3A_239 : i32 to index
      %get3A_475 = arith.constant 16 : index
      %get3A_476 = tpu.vector_load %arg8[%get3A_474, %get3A_475] {strides = array<i32>} : memref<128x128xi32, #tpu.memory_space<vmem>>, vector<1x16xi32>,
      %get3A_477 = vector.shape_cast %get3A_476 : vector<1x16xi32> to vector<16xi32>
      %ne3A_478 = arith.constant 0 : i32
      %ne3A_479 = vector.broadcast %ne3A_478 : i32 to vector<16xi32>
      %ne3A_480 = arith.cmpi ne, %get3A_477, %ne3A_479 : vector<16xi32>
      %get3A_481 = arith.constant 0 : i32
      %get3A_482 = arith.index_cast %get3A_481 : i32 to index
      %get3A_483 = arith.constant 144 : index
      %get3A_484 = tpu.vector_load %arg9[%get3A_482, %get3A_483] {strides = array<i32>} : memref<4x200xf32, #tpu.memory_space<vmem>>, vector<1x16xf32>,
      %get3A_485 = vector.shape_cast %get3A_484 : vector<1x16xf32> to vector<16xf32>
      %jit3A_486 = arith.constant 0.000000e+00 : f32
      %broadcast_in_dim3A_487 = vector.broadcast %jit3A_486 : f32 to vector<16xf32>
      %select_n3A_488 = arith.select %ne3A_480, %get3A_485, %broadcast_in_dim3A_487 : vector<16xi1>, vector<16xf32>
      %swap3A_489 = arith.constant 0 : i32
      %swap3A_490 = arith.index_cast %swap3A_489 : i32 to index
      %swap3A_491 = arith.constant 144 : index
      %swap3A_492 = tpu.vector_load %arg9[%swap3A_490, %swap3A_491] {strides = array<i32>} : memref<4x200xf32, #tpu.memory_space<vmem>>, vector<1x16xf32>,
      %swap3A_493 = vector.shape_cast %swap3A_492 : vector<1x16xf32> to vector<16xf32>
      %swap3A_494 = vector.shape_cast %select_n3A_488 : vector<16xf32> to vector<1x16xf32>
      tpu.vector_store %arg9[%swap3A_490, %swap3A_491], %swap3A_494 {strides = array<i32>} : memref<4x200xf32, #tpu.memory_space<vmem>>, vector<1x16xf32>,
      %get3A_495 = arith.index_cast %add3A_239 : i32 to index
      %get3A_496 = arith.constant 32 : index
      %get3A_497 = tpu.vector_load %arg8[%get3A_495, %get3A_496] {strides = array<i32>} : memref<128x128xi32, #tpu.memory_space<vmem>>, vector<1x16xi32>,
      %get3A_498 = vector.shape_cast %get3A_497 : vector<1x16xi32> to vector<16xi32>
      %ne3A_499 = arith.constant 0 : i32
      %ne3A_500 = vector.broadcast %ne3A_499 : i32 to vector<16xi32>
      %ne3A_501 = arith.cmpi ne, %get3A_498, %ne3A_500 : vector<16xi32>
      %get3A_502 = arith.constant 0 : i32
      %get3A_503 = arith.index_cast %get3A_502 : i32 to index
      %get3A_504 = arith.constant 160 : index
      %get3A_505 = tpu.vector_load %arg9[%get3A_503, %get3A_504] {strides = array<i32>} : memref<4x200xf32, #tpu.memory_space<vmem>>, vector<1x16xf32>,
      %get3A_506 = vector.shape_cast %get3A_505 : vector<1x16xf32> to vector<16xf32>
      %jit3A_507 = arith.constant 0.000000e+00 : f32
      %broadcast_in_dim3A_508 = vector.broadcast %jit3A_507 : f32 to vector<16xf32>
      %select_n3A_509 = arith.select %ne3A_501, %get3A_506, %broadcast_in_dim3A_508 : vector<16xi1>, vector<16xf32>
      %swap3A_510 = arith.constant 0 : i32
      %swap3A_511 = arith.index_cast %swap3A_510 : i32 to index
      %swap3A_512 = arith.constant 160 : index
      %swap3A_513 = tpu.vector_load %arg9[%swap3A_511, %swap3A_512] {strides = array<i32>} : memref<4x200xf32, #tpu.memory_space<vmem>>, vector<1x16xf32>,
      %swap3A_514 = vector.shape_cast %swap3A_513 : vector<1x16xf32> to vector<16xf32>
      %swap3A_515 = vector.shape_cast %select_n3A_509 : vector<16xf32> to vector<1x16xf32>
      tpu.vector_store %arg9[%swap3A_511, %swap3A_512], %swap3A_515 {strides = array<i32>} : memref<4x200xf32, #tpu.memory_space<vmem>>, vector<1x16xf32>,
      %get3A_516 = arith.index_cast %add3A_239 : i32 to index
      %get3A_517 = arith.constant 48 : index
      %get3A_518 = tpu.vector_load %arg8[%get3A_516, %get3A_517] {strides = array<i32>} : memref<128x128xi32, #tpu.memory_space<vmem>>, vector<1x16xi32>,
      %get3A_519 = vector.shape_cast %get3A_518 : vector<1x16xi32> to vector<16xi32>
      %ne3A_520 = arith.constant 0 : i32
      %ne3A_521 = vector.broadcast %ne3A_520 : i32 to vector<16xi32>
      %ne3A_522 = arith.cmpi ne, %get3A_519, %ne3A_521 : vector<16xi32>
      %get3A_523 = arith.constant 0 : i32
      %get3A_524 = arith.index_cast %get3A_523 : i32 to index
      %get3A_525 = arith.constant 176 : index
      %get3A_526 = tpu.vector_load %arg9[%get3A_524, %get3A_525] {strides = array<i32>} : memref<4x200xf32, #tpu.memory_space<vmem>>, vector<1x16xf32>,
      %get3A_527 = vector.shape_cast %get3A_526 : vector<1x16xf32> to vector<16xf32>
      %jit3A_528 = arith.constant 0.000000e+00 : f32
      %broadcast_in_dim3A_529 = vector.broadcast %jit3A_528 : f32 to vector<16xf32>
      %select_n3A_530 = arith.select %ne3A_522, %get3A_527, %broadcast_in_dim3A_529 : vector<16xi1>, vector<16xf32>
      %swap3A_531 = arith.constant 0 : i32
      %swap3A_532 = arith.index_cast %swap3A_531 : i32 to index
      %swap3A_533 = arith.constant 176 : index
      %swap3A_534 = tpu.vector_load %arg9[%swap3A_532, %swap3A_533] {strides = array<i32>} : memref<4x200xf32, #tpu.memory_space<vmem>>, vector<1x16xf32>,
      %swap3A_535 = vector.shape_cast %swap3A_534 : vector<1x16xf32> to vector<16xf32>
      %swap3A_536 = vector.shape_cast %select_n3A_530 : vector<16xf32> to vector<1x16xf32>
      tpu.vector_store %arg9[%swap3A_532, %swap3A_533], %swap3A_536 {strides = array<i32>} : memref<4x200xf32, #tpu.memory_space<vmem>>, vector<1x16xf32>,
      %get3A_537 = arith.index_cast %add3A_239 : i32 to index
      %get3A_538 = arith.constant 56 : index
      %get3A_539 = tpu.vector_load %arg8[%get3A_537, %get3A_538] {strides = array<i32>} : memref<128x128xi32, #tpu.memory_space<vmem>>, vector<1x16xi32>,
      %get3A_540 = vector.shape_cast %get3A_539 : vector<1x16xi32> to vector<16xi32>
      %ne3A_541 = arith.constant 0 : i32
      %ne3A_542 = vector.broadcast %ne3A_541 : i32 to vector<16xi32>
      %ne3A_543 = arith.cmpi ne, %get3A_540, %ne3A_542 : vector<16xi32>
      %get3A_544 = arith.constant 0 : i32
      %get3A_545 = arith.index_cast %get3A_544 : i32 to index
      %get3A_546 = arith.constant 184 : index
      %get3A_547 = tpu.vector_load %arg9[%get3A_545, %get3A_546] {strides = array<i32>} : memref<4x200xf32, #tpu.memory_space<vmem>>, vector<1x16xf32>,
      %get3A_548 = vector.shape_cast %get3A_547 : vector<1x16xf32> to vector<16xf32>
      %jit3A_549 = arith.constant 0.000000e+00 : f32
      %broadcast_in_dim3A_550 = vector.broadcast %jit3A_549 : f32 to vector<16xf32>
      %select_n3A_551 = arith.select %ne3A_543, %get3A_548, %broadcast_in_dim3A_550 : vector<16xi1>, vector<16xf32>
      %swap3A_552 = arith.constant 0 : i32
      %swap3A_553 = arith.index_cast %swap3A_552 : i32 to index
      %swap3A_554 = arith.constant 184 : index
      %swap3A_555 = tpu.vector_load %arg9[%swap3A_553, %swap3A_554] {strides = array<i32>} : memref<4x200xf32, #tpu.memory_space<vmem>>, vector<1x16xf32>,
      %swap3A_556 = vector.shape_cast %swap3A_555 : vector<1x16xf32> to vector<16xf32>
      %swap3A_557 = vector.shape_cast %select_n3A_551 : vector<16xf32> to vector<1x16xf32>
      tpu.vector_store %arg9[%swap3A_553, %swap3A_554], %swap3A_557 {strides = array<i32>} : memref<4x200xf32, #tpu.memory_space<vmem>>, vector<1x16xf32>,
      %broadcast_in_dim3A_558 = arith.constant 0.000000e+00 : f32
      %broadcast_in_dim3A_559 = vector.broadcast %broadcast_in_dim3A_558 : f32 to vector<16xf32>
      %scan3A_560 = arith.constant 0 : i32
      %scan3A_561 = arith.constant 12 : i32
      %scan3A_562 = arith.addi %scan3A_560, %scan3A_561 : i32
      %scan3A_563 = arith.constant 1 : i32
      %scan3A_564:2 = scf.for %scan3A_2381 = %scan3A_560 to %scan3A_562 step %scan3A_563 iter_args(%scan3A_2382 = %broadcast_in_dim3A_559, %scan3A_2383 = %broadcast_in_dim3A_559) -> (vector<16xf32>, vector<16xf32>)  : i32 {
        %mul3A_2384 = arith.constant 16 : i32
        %mul3A_2385 = arith.muli %scan3A_2381, %mul3A_2384 : i32
        %get3A_2386 = arith.constant 0 : i32
        %get3A_2387 = arith.index_cast %get3A_2386 : i32 to index
        %get3A_2388 = arith.index_cast %mul3A_2385 : i32 to index
        %get3A_2389 = tpu.vector_load %arg9[%get3A_2387, %get3A_2388] {strides = array<i32>} : memref<4x200xf32, #tpu.memory_space<vmem>>, vector<1x16xf32>,
        %get3A_2390 = vector.shape_cast %get3A_2389 : vector<1x16xf32> to vector<16xf32>
        %mul3A_2391 = arith.constant 16 : i32
        %mul3A_2392 = arith.muli %scan3A_2381, %mul3A_2391 : i32
        %add3A_2393 = arith.constant 0 : i32
        %add3A_2394 = arith.addi %mul3A_2392, %add3A_2393 : i32
        %slice3A_2395 = vector.extract_strided_slice %get3A_2390 {offsets = [0], sizes = [1], strides = [1]} : vector<16xf32> to vector<1xf32>
        %squeeze3A_2396 = vector.extract %slice3A_2395[0] : f32 from vector<1xf32>
        %get3A_2397 = arith.constant 0 : i32
        %get3A_2398 = arith.index_cast %get3A_2397 : i32 to index
        %get3A_2399 = arith.index_cast %add3A_2394 : i32 to index
        %get3A_2400 = arith.constant 0 : index
        %get3A_2401 = tpu.vector_load %arg10[%get3A_2398, %get3A_2399, %get3A_2400] {strides = array<i32>} : memref<4x200x32xf32, #tpu.memory_space<vmem>>, vector<1x1x16xf32>,
        %get3A_2402 = vector.shape_cast %get3A_2401 : vector<1x1x16xf32> to vector<16xf32>
        %mul3A_2403 = vector.broadcast %squeeze3A_2396 : f32 to vector<16xf32>
        %mul3A_2404 = arith.mulf %mul3A_2403, %get3A_2402 : vector<16xf32>
        %add3A_2405 = arith.addf %scan3A_2382, %mul3A_2404 : vector<16xf32>
        %get3A_2406 = arith.constant 0 : i32
        %get3A_2407 = arith.index_cast %get3A_2406 : i32 to index
        %get3A_2408 = arith.index_cast %add3A_2394 : i32 to index
        %get3A_2409 = arith.constant 16 : index
        %get3A_2410 = tpu.vector_load %arg10[%get3A_2407, %get3A_2408, %get3A_2409] {strides = array<i32>} : memref<4x200x32xf32, #tpu.memory_space<vmem>>, vector<1x1x16xf32>,
        %get3A_2411 = vector.shape_cast %get3A_2410 : vector<1x1x16xf32> to vector<16xf32>
        %mul3A_2412 = vector.broadcast %squeeze3A_2396 : f32 to vector<16xf32>
        %mul3A_2413 = arith.mulf %mul3A_2412, %get3A_2411 : vector<16xf32>
        %add3A_2414 = arith.addf %scan3A_2383, %mul3A_2413 : vector<16xf32>
        %add3A_2415 = arith.constant 1 : i32
        %add3A_2416 = arith.addi %mul3A_2392, %add3A_2415 : i32
        %slice3A_2417 = vector.extract_strided_slice %get3A_2390 {offsets = [1], sizes = [1], strides = [1]} : vector<16xf32> to vector<1xf32>
        %squeeze3A_2418 = vector.extract %slice3A_2417[0] : f32 from vector<1xf32>
        %get3A_2419 = arith.constant 0 : i32
        %get3A_2420 = arith.index_cast %get3A_2419 : i32 to index
        %get3A_2421 = arith.index_cast %add3A_2416 : i32 to index
        %get3A_2422 = arith.constant 0 : index
        %get3A_2423 = tpu.vector_load %arg10[%get3A_2420, %get3A_2421, %get3A_2422] {strides = array<i32>} : memref<4x200x32xf32, #tpu.memory_space<vmem>>, vector<1x1x16xf32>,
        %get3A_2424 = vector.shape_cast %get3A_2423 : vector<1x1x16xf32> to vector<16xf32>
        %mul3A_2425 = vector.broadcast %squeeze3A_2418 : f32 to vector<16xf32>
        %mul3A_2426 = arith.mulf %mul3A_2425, %get3A_2424 : vector<16xf32>
        %add3A_2427 = arith.addf %add3A_2405, %mul3A_2426 : vector<16xf32>
        %get3A_2428 = arith.constant 0 : i32
        %get3A_2429 = arith.index_cast %get3A_2428 : i32 to index
        %get3A_2430 = arith.index_cast %add3A_2416 : i32 to index
        %get3A_2431 = arith.constant 16 : index
        %get3A_2432 = tpu.vector_load %arg10[%get3A_2429, %get3A_2430, %get3A_2431] {strides = array<i32>} : memref<4x200x32xf32, #tpu.memory_space<vmem>>, vector<1x1x16xf32>,
        %get3A_2433 = vector.shape_cast %get3A_2432 : vector<1x1x16xf32> to vector<16xf32>
        %mul3A_2434 = vector.broadcast %squeeze3A_2418 : f32 to vector<16xf32>
        %mul3A_2435 = arith.mulf %mul3A_2434, %get3A_2433 : vector<16xf32>
        %add3A_2436 = arith.addf %add3A_2414, %mul3A_2435 : vector<16xf32>
        %add3A_2437 = arith.constant 2 : i32
        %add3A_2438 = arith.addi %mul3A_2392, %add3A_2437 : i32
        %slice3A_2439 = vector.extract_strided_slice %get3A_2390 {offsets = [2], sizes = [1], strides = [1]} : vector<16xf32> to vector<1xf32>
        %squeeze3A_2440 = vector.extract %slice3A_2439[0] : f32 from vector<1xf32>
        %get3A_2441 = arith.constant 0 : i32
        %get3A_2442 = arith.index_cast %get3A_2441 : i32 to index
        %get3A_2443 = arith.index_cast %add3A_2438 : i32 to index
        %get3A_2444 = arith.constant 0 : index
        %get3A_2445 = tpu.vector_load %arg10[%get3A_2442, %get3A_2443, %get3A_2444] {strides = array<i32>} : memref<4x200x32xf32, #tpu.memory_space<vmem>>, vector<1x1x16xf32>,
        %get3A_2446 = vector.shape_cast %get3A_2445 : vector<1x1x16xf32> to vector<16xf32>
        %mul3A_2447 = vector.broadcast %squeeze3A_2440 : f32 to vector<16xf32>
        %mul3A_2448 = arith.mulf %mul3A_2447, %get3A_2446 : vector<16xf32>
        %add3A_2449 = arith.addf %add3A_2427, %mul3A_2448 : vector<16xf32>
        %get3A_2450 = arith.constant 0 : i32
        %get3A_2451 = arith.index_cast %get3A_2450 : i32 to index
        %get3A_2452 = arith.index_cast %add3A_2438 : i32 to index
        %get3A_2453 = arith.constant 16 : index
        %get3A_2454 = tpu.vector_load %arg10[%get3A_2451, %get3A_2452, %get3A_2453] {strides = array<i32>} : memref<4x200x32xf32, #tpu.memory_space<vmem>>, vector<1x1x16xf32>,
        %get3A_2455 = vector.shape_cast %get3A_2454 : vector<1x1x16xf32> to vector<16xf32>
        %mul3A_2456 = vector.broadcast %squeeze3A_2440 : f32 to vector<16xf32>
        %mul3A_2457 = arith.mulf %mul3A_2456, %get3A_2455 : vector<16xf32>
        %add3A_2458 = arith.addf %add3A_2436, %mul3A_2457 : vector<16xf32>
        %add3A_2459 = arith.constant 3 : i32
        %add3A_2460 = arith.addi %mul3A_2392, %add3A_2459 : i32
        %slice3A_2461 = vector.extract_strided_slice %get3A_2390 {offsets = [3], sizes = [1], strides = [1]} : vector<16xf32> to vector<1xf32>
        %squeeze3A_2462 = vector.extract %slice3A_2461[0] : f32 from vector<1xf32>
        %get3A_2463 = arith.constant 0 : i32
        %get3A_2464 = arith.index_cast %get3A_2463 : i32 to index
        %get3A_2465 = arith.index_cast %add3A_2460 : i32 to index
        %get3A_2466 = arith.constant 0 : index
        %get3A_2467 = tpu.vector_load %arg10[%get3A_2464, %get3A_2465, %get3A_2466] {strides = array<i32>} : memref<4x200x32xf32, #tpu.memory_space<vmem>>, vector<1x1x16xf32>,
        %get3A_2468 = vector.shape_cast %get3A_2467 : vector<1x1x16xf32> to vector<16xf32>
        %mul3A_2469 = vector.broadcast %squeeze3A_2462 : f32 to vector<16xf32>
        %mul3A_2470 = arith.mulf %mul3A_2469, %get3A_2468 : vector<16xf32>
        %add3A_2471 = arith.addf %add3A_2449, %mul3A_2470 : vector<16xf32>
        %get3A_2472 = arith.constant 0 : i32
        %get3A_2473 = arith.index_cast %get3A_2472 : i32 to index
        %get3A_2474 = arith.index_cast %add3A_2460 : i32 to index
        %get3A_2475 = arith.constant 16 : index
        %get3A_2476 = tpu.vector_load %arg10[%get3A_2473, %get3A_2474, %get3A_2475] {strides = array<i32>} : memref<4x200x32xf32, #tpu.memory_space<vmem>>, vector<1x1x16xf32>,
        %get3A_2477 = vector.shape_cast %get3A_2476 : vector<1x1x16xf32> to vector<16xf32>
        %mul3A_2478 = vector.broadcast %squeeze3A_2462 : f32 to vector<16xf32>
        %mul3A_2479 = arith.mulf %mul3A_2478, %get3A_2477 : vector<16xf32>
        %add3A_2480 = arith.addf %add3A_2458, %mul3A_2479 : vector<16xf32>
        %add3A_2481 = arith.constant 4 : i32
        %add3A_2482 = arith.addi %mul3A_2392, %add3A_2481 : i32
        %slice3A_2483 = vector.extract_strided_slice %get3A_2390 {offsets = [4], sizes = [1], strides = [1]} : vector<16xf32> to vector<1xf32>
        %squeeze3A_2484 = vector.extract %slice3A_2483[0] : f32 from vector<1xf32>
        %get3A_2485 = arith.constant 0 : i32
        %get3A_2486 = arith.index_cast %get3A_2485 : i32 to index
        %get3A_2487 = arith.index_cast %add3A_2482 : i32 to index
        %get3A_2488 = arith.constant 0 : index
        %get3A_2489 = tpu.vector_load %arg10[%get3A_2486, %get3A_2487, %get3A_2488] {strides = array<i32>} : memref<4x200x32xf32, #tpu.memory_space<vmem>>, vector<1x1x16xf32>,
        %get3A_2490 = vector.shape_cast %get3A_2489 : vector<1x1x16xf32> to vector<16xf32>
        %mul3A_2491 = vector.broadcast %squeeze3A_2484 : f32 to vector<16xf32>
        %mul3A_2492 = arith.mulf %mul3A_2491, %get3A_2490 : vector<16xf32>
        %add3A_2493 = arith.addf %add3A_2471, %mul3A_2492 : vector<16xf32>
        %get3A_2494 = arith.constant 0 : i32
        %get3A_2495 = arith.index_cast %get3A_2494 : i32 to index
        %get3A_2496 = arith.index_cast %add3A_2482 : i32 to index
        %get3A_2497 = arith.constant 16 : index
        %get3A_2498 = tpu.vector_load %arg10[%get3A_2495, %get3A_2496, %get3A_2497] {strides = array<i32>} : memref<4x200x32xf32, #tpu.memory_space<vmem>>, vector<1x1x16xf32>,
        %get3A_2499 = vector.shape_cast %get3A_2498 : vector<1x1x16xf32> to vector<16xf32>
        %mul3A_2500 = vector.broadcast %squeeze3A_2484 : f32 to vector<16xf32>
        %mul3A_2501 = arith.mulf %mul3A_2500, %get3A_2499 : vector<16xf32>
        %add3A_2502 = arith.addf %add3A_2480, %mul3A_2501 : vector<16xf32>
        %add3A_2503 = arith.constant 5 : i32
        %add3A_2504 = arith.addi %mul3A_2392, %add3A_2503 : i32
        %slice3A_2505 = vector.extract_strided_slice %get3A_2390 {offsets = [5], sizes = [1], strides = [1]} : vector<16xf32> to vector<1xf32>
        %squeeze3A_2506 = vector.extract %slice3A_2505[0] : f32 from vector<1xf32>
        %get3A_2507 = arith.constant 0 : i32
        %get3A_2508 = arith.index_cast %get3A_2507 : i32 to index
        %get3A_2509 = arith.index_cast %add3A_2504 : i32 to index
        %get3A_2510 = arith.constant 0 : index
        %get3A_2511 = tpu.vector_load %arg10[%get3A_2508, %get3A_2509, %get3A_2510] {strides = array<i32>} : memref<4x200x32xf32, #tpu.memory_space<vmem>>, vector<1x1x16xf32>,
        %get3A_2512 = vector.shape_cast %get3A_2511 : vector<1x1x16xf32> to vector<16xf32>
        %mul3A_2513 = vector.broadcast %squeeze3A_2506 : f32 to vector<16xf32>
        %mul3A_2514 = arith.mulf %mul3A_2513, %get3A_2512 : vector<16xf32>
        %add3A_2515 = arith.addf %add3A_2493, %mul3A_2514 : vector<16xf32>
        %get3A_2516 = arith.constant 0 : i32
        %get3A_2517 = arith.index_cast %get3A_2516 : i32 to index
        %get3A_2518 = arith.index_cast %add3A_2504 : i32 to index
        %get3A_2519 = arith.constant 16 : index
        %get3A_2520 = tpu.vector_load %arg10[%get3A_2517, %get3A_2518, %get3A_2519] {strides = array<i32>} : memref<4x200x32xf32, #tpu.memory_space<vmem>>, vector<1x1x16xf32>,
        %get3A_2521 = vector.shape_cast %get3A_2520 : vector<1x1x16xf32> to vector<16xf32>
        %mul3A_2522 = vector.broadcast %squeeze3A_2506 : f32 to vector<16xf32>
        %mul3A_2523 = arith.mulf %mul3A_2522, %get3A_2521 : vector<16xf32>
        %add3A_2524 = arith.addf %add3A_2502, %mul3A_2523 : vector<16xf32>
        %add3A_2525 = arith.constant 6 : i32
        %add3A_2526 = arith.addi %mul3A_2392, %add3A_2525 : i32
        %slice3A_2527 = vector.extract_strided_slice %get3A_2390 {offsets = [6], sizes = [1], strides = [1]} : vector<16xf32> to vector<1xf32>
        %squeeze3A_2528 = vector.extract %slice3A_2527[0] : f32 from vector<1xf32>
        %get3A_2529 = arith.constant 0 : i32
        %get3A_2530 = arith.index_cast %get3A_2529 : i32 to index
        %get3A_2531 = arith.index_cast %add3A_2526 : i32 to index
        %get3A_2532 = arith.constant 0 : index
        %get3A_2533 = tpu.vector_load %arg10[%get3A_2530, %get3A_2531, %get3A_2532] {strides = array<i32>} : memref<4x200x32xf32, #tpu.memory_space<vmem>>, vector<1x1x16xf32>,
        %get3A_2534 = vector.shape_cast %get3A_2533 : vector<1x1x16xf32> to vector<16xf32>
        %mul3A_2535 = vector.broadcast %squeeze3A_2528 : f32 to vector<16xf32>
        %mul3A_2536 = arith.mulf %mul3A_2535, %get3A_2534 : vector<16xf32>
        %add3A_2537 = arith.addf %add3A_2515, %mul3A_2536 : vector<16xf32>
        %get3A_2538 = arith.constant 0 : i32
        %get3A_2539 = arith.index_cast %get3A_2538 : i32 to index
        %get3A_2540 = arith.index_cast %add3A_2526 : i32 to index
        %get3A_2541 = arith.constant 16 : index
        %get3A_2542 = tpu.vector_load %arg10[%get3A_2539, %get3A_2540, %get3A_2541] {strides = array<i32>} : memref<4x200x32xf32, #tpu.memory_space<vmem>>, vector<1x1x16xf32>,
        %get3A_2543 = vector.shape_cast %get3A_2542 : vector<1x1x16xf32> to vector<16xf32>
        %mul3A_2544 = vector.broadcast %squeeze3A_2528 : f32 to vector<16xf32>
        %mul3A_2545 = arith.mulf %mul3A_2544, %get3A_2543 : vector<16xf32>
        %add3A_2546 = arith.addf %add3A_2524, %mul3A_2545 : vector<16xf32>
        %add3A_2547 = arith.constant 7 : i32
        %add3A_2548 = arith.addi %mul3A_2392, %add3A_2547 : i32
        %slice3A_2549 = vector.extract_strided_slice %get3A_2390 {offsets = [7], sizes = [1], strides = [1]} : vector<16xf32> to vector<1xf32>
        %squeeze3A_2550 = vector.extract %slice3A_2549[0] : f32 from vector<1xf32>
        %get3A_2551 = arith.constant 0 : i32
        %get3A_2552 = arith.index_cast %get3A_2551 : i32 to index
        %get3A_2553 = arith.index_cast %add3A_2548 : i32 to index
        %get3A_2554 = arith.constant 0 : index
        %get3A_2555 = tpu.vector_load %arg10[%get3A_2552, %get3A_2553, %get3A_2554] {strides = array<i32>} : memref<4x200x32xf32, #tpu.memory_space<vmem>>, vector<1x1x16xf32>,
        %get3A_2556 = vector.shape_cast %get3A_2555 : vector<1x1x16xf32> to vector<16xf32>
        %mul3A_2557 = vector.broadcast %squeeze3A_2550 : f32 to vector<16xf32>
        %mul3A_2558 = arith.mulf %mul3A_2557, %get3A_2556 : vector<16xf32>
        %add3A_2559 = arith.addf %add3A_2537, %mul3A_2558 : vector<16xf32>
        %get3A_2560 = arith.constant 0 : i32
        %get3A_2561 = arith.index_cast %get3A_2560 : i32 to index
        %get3A_2562 = arith.index_cast %add3A_2548 : i32 to index
        %get3A_2563 = arith.constant 16 : index
        %get3A_2564 = tpu.vector_load %arg10[%get3A_2561, %get3A_2562, %get3A_2563] {strides = array<i32>} : memref<4x200x32xf32, #tpu.memory_space<vmem>>, vector<1x1x16xf32>,
        %get3A_2565 = vector.shape_cast %get3A_2564 : vector<1x1x16xf32> to vector<16xf32>
        %mul3A_2566 = vector.broadcast %squeeze3A_2550 : f32 to vector<16xf32>
        %mul3A_2567 = arith.mulf %mul3A_2566, %get3A_2565 : vector<16xf32>
        %add3A_2568 = arith.addf %add3A_2546, %mul3A_2567 : vector<16xf32>
        %add3A_2569 = arith.constant 8 : i32
        %add3A_2570 = arith.addi %mul3A_2392, %add3A_2569 : i32
        %slice3A_2571 = vector.extract_strided_slice %get3A_2390 {offsets = [8], sizes = [1], strides = [1]} : vector<16xf32> to vector<1xf32>
        %squeeze3A_2572 = vector.extract %slice3A_2571[0] : f32 from vector<1xf32>
        %get3A_2573 = arith.constant 0 : i32
        %get3A_2574 = arith.index_cast %get3A_2573 : i32 to index
        %get3A_2575 = arith.index_cast %add3A_2570 : i32 to index
        %get3A_2576 = arith.constant 0 : index
        %get3A_2577 = tpu.vector_load %arg10[%get3A_2574, %get3A_2575, %get3A_2576] {strides = array<i32>} : memref<4x200x32xf32, #tpu.memory_space<vmem>>, vector<1x1x16xf32>,
        %get3A_2578 = vector.shape_cast %get3A_2577 : vector<1x1x16xf32> to vector<16xf32>
        %mul3A_2579 = vector.broadcast %squeeze3A_2572 : f32 to vector<16xf32>
        %mul3A_2580 = arith.mulf %mul3A_2579, %get3A_2578 : vector<16xf32>
        %add3A_2581 = arith.addf %add3A_2559, %mul3A_2580 : vector<16xf32>
        %get3A_2582 = arith.constant 0 : i32
        %get3A_2583 = arith.index_cast %get3A_2582 : i32 to index
        %get3A_2584 = arith.index_cast %add3A_2570 : i32 to index
        %get3A_2585 = arith.constant 16 : index
        %get3A_2586 = tpu.vector_load %arg10[%get3A_2583, %get3A_2584, %get3A_2585] {strides = array<i32>} : memref<4x200x32xf32, #tpu.memory_space<vmem>>, vector<1x1x16xf32>,
        %get3A_2587 = vector.shape_cast %get3A_2586 : vector<1x1x16xf32> to vector<16xf32>
        %mul3A_2588 = vector.broadcast %squeeze3A_2572 : f32 to vector<16xf32>
        %mul3A_2589 = arith.mulf %mul3A_2588, %get3A_2587 : vector<16xf32>
        %add3A_2590 = arith.addf %add3A_2568, %mul3A_2589 : vector<16xf32>
        %add3A_2591 = arith.constant 9 : i32
        %add3A_2592 = arith.addi %mul3A_2392, %add3A_2591 : i32
        %slice3A_2593 = vector.extract_strided_slice %get3A_2390 {offsets = [9], sizes = [1], strides = [1]} : vector<16xf32> to vector<1xf32>
        %squeeze3A_2594 = vector.extract %slice3A_2593[0] : f32 from vector<1xf32>
        %get3A_2595 = arith.constant 0 : i32
        %get3A_2596 = arith.index_cast %get3A_2595 : i32 to index
        %get3A_2597 = arith.index_cast %add3A_2592 : i32 to index
        %get3A_2598 = arith.constant 0 : index
        %get3A_2599 = tpu.vector_load %arg10[%get3A_2596, %get3A_2597, %get3A_2598] {strides = array<i32>} : memref<4x200x32xf32, #tpu.memory_space<vmem>>, vector<1x1x16xf32>,
        %get3A_2600 = vector.shape_cast %get3A_2599 : vector<1x1x16xf32> to vector<16xf32>
        %mul3A_2601 = vector.broadcast %squeeze3A_2594 : f32 to vector<16xf32>
        %mul3A_2602 = arith.mulf %mul3A_2601, %get3A_2600 : vector<16xf32>
        %add3A_2603 = arith.addf %add3A_2581, %mul3A_2602 : vector<16xf32>
        %get3A_2604 = arith.constant 0 : i32
        %get3A_2605 = arith.index_cast %get3A_2604 : i32 to index
        %get3A_2606 = arith.index_cast %add3A_2592 : i32 to index
        %get3A_2607 = arith.constant 16 : index
        %get3A_2608 = tpu.vector_load %arg10[%get3A_2605, %get3A_2606, %get3A_2607] {strides = array<i32>} : memref<4x200x32xf32, #tpu.memory_space<vmem>>, vector<1x1x16xf32>,
        %get3A_2609 = vector.shape_cast %get3A_2608 : vector<1x1x16xf32> to vector<16xf32>
        %mul3A_2610 = vector.broadcast %squeeze3A_2594 : f32 to vector<16xf32>
        %mul3A_2611 = arith.mulf %mul3A_2610, %get3A_2609 : vector<16xf32>
        %add3A_2612 = arith.addf %add3A_2590, %mul3A_2611 : vector<16xf32>
        %add3A_2613 = arith.constant 10 : i32
        %add3A_2614 = arith.addi %mul3A_2392, %add3A_2613 : i32
        %slice3A_2615 = vector.extract_strided_slice %get3A_2390 {offsets = [10], sizes = [1], strides = [1]} : vector<16xf32> to vector<1xf32>
        %squeeze3A_2616 = vector.extract %slice3A_2615[0] : f32 from vector<1xf32>
        %get3A_2617 = arith.constant 0 : i32
        %get3A_2618 = arith.index_cast %get3A_2617 : i32 to index
        %get3A_2619 = arith.index_cast %add3A_2614 : i32 to index
        %get3A_2620 = arith.constant 0 : index
        %get3A_2621 = tpu.vector_load %arg10[%get3A_2618, %get3A_2619, %get3A_2620] {strides = array<i32>} : memref<4x200x32xf32, #tpu.memory_space<vmem>>, vector<1x1x16xf32>,
        %get3A_2622 = vector.shape_cast %get3A_2621 : vector<1x1x16xf32> to vector<16xf32>
        %mul3A_2623 = vector.broadcast %squeeze3A_2616 : f32 to vector<16xf32>
        %mul3A_2624 = arith.mulf %mul3A_2623, %get3A_2622 : vector<16xf32>
        %add3A_2625 = arith.addf %add3A_2603, %mul3A_2624 : vector<16xf32>
        %get3A_2626 = arith.constant 0 : i32
        %get3A_2627 = arith.index_cast %get3A_2626 : i32 to index
        %get3A_2628 = arith.index_cast %add3A_2614 : i32 to index
        %get3A_2629 = arith.constant 16 : index
        %get3A_2630 = tpu.vector_load %arg10[%get3A_2627, %get3A_2628, %get3A_2629] {strides = array<i32>} : memref<4x200x32xf32, #tpu.memory_space<vmem>>, vector<1x1x16xf32>,
        %get3A_2631 = vector.shape_cast %get3A_2630 : vector<1x1x16xf32> to vector<16xf32>
        %mul3A_2632 = vector.broadcast %squeeze3A_2616 : f32 to vector<16xf32>
        %mul3A_2633 = arith.mulf %mul3A_2632, %get3A_2631 : vector<16xf32>
        %add3A_2634 = arith.addf %add3A_2612, %mul3A_2633 : vector<16xf32>
        %add3A_2635 = arith.constant 11 : i32
        %add3A_2636 = arith.addi %mul3A_2392, %add3A_2635 : i32
        %slice3A_2637 = vector.extract_strided_slice %get3A_2390 {offsets = [11], sizes = [1], strides = [1]} : vector<16xf32> to vector<1xf32>
        %squeeze3A_2638 = vector.extract %slice3A_2637[0] : f32 from vector<1xf32>
        %get3A_2639 = arith.constant 0 : i32
        %get3A_2640 = arith.index_cast %get3A_2639 : i32 to index
        %get3A_2641 = arith.index_cast %add3A_2636 : i32 to index
        %get3A_2642 = arith.constant 0 : index
        %get3A_2643 = tpu.vector_load %arg10[%get3A_2640, %get3A_2641, %get3A_2642] {strides = array<i32>} : memref<4x200x32xf32, #tpu.memory_space<vmem>>, vector<1x1x16xf32>,
        %get3A_2644 = vector.shape_cast %get3A_2643 : vector<1x1x16xf32> to vector<16xf32>
        %mul3A_2645 = vector.broadcast %squeeze3A_2638 : f32 to vector<16xf32>
        %mul3A_2646 = arith.mulf %mul3A_2645, %get3A_2644 : vector<16xf32>
        %add3A_2647 = arith.addf %add3A_2625, %mul3A_2646 : vector<16xf32>
        %get3A_2648 = arith.constant 0 : i32
        %get3A_2649 = arith.index_cast %get3A_2648 : i32 to index
        %get3A_2650 = arith.index_cast %add3A_2636 : i32 to index
        %get3A_2651 = arith.constant 16 : index
        %get3A_2652 = tpu.vector_load %arg10[%get3A_2649, %get3A_2650, %get3A_2651] {strides = array<i32>} : memref<4x200x32xf32, #tpu.memory_space<vmem>>, vector<1x1x16xf32>,
        %get3A_2653 = vector.shape_cast %get3A_2652 : vector<1x1x16xf32> to vector<16xf32>
        %mul3A_2654 = vector.broadcast %squeeze3A_2638 : f32 to vector<16xf32>
        %mul3A_2655 = arith.mulf %mul3A_2654, %get3A_2653 : vector<16xf32>
        %add3A_2656 = arith.addf %add3A_2634, %mul3A_2655 : vector<16xf32>
        %add3A_2657 = arith.constant 12 : i32
        %add3A_2658 = arith.addi %mul3A_2392, %add3A_2657 : i32
        %slice3A_2659 = vector.extract_strided_slice %get3A_2390 {offsets = [12], sizes = [1], strides = [1]} : vector<16xf32> to vector<1xf32>
        %squeeze3A_2660 = vector.extract %slice3A_2659[0] : f32 from vector<1xf32>
        %get3A_2661 = arith.constant 0 : i32
        %get3A_2662 = arith.index_cast %get3A_2661 : i32 to index
        %get3A_2663 = arith.index_cast %add3A_2658 : i32 to index
        %get3A_2664 = arith.constant 0 : index
        %get3A_2665 = tpu.vector_load %arg10[%get3A_2662, %get3A_2663, %get3A_2664] {strides = array<i32>} : memref<4x200x32xf32, #tpu.memory_space<vmem>>, vector<1x1x16xf32>,
        %get3A_2666 = vector.shape_cast %get3A_2665 : vector<1x1x16xf32> to vector<16xf32>
        %mul3A_2667 = vector.broadcast %squeeze3A_2660 : f32 to vector<16xf32>
        %mul3A_2668 = arith.mulf %mul3A_2667, %get3A_2666 : vector<16xf32>
        %add3A_2669 = arith.addf %add3A_2647, %mul3A_2668 : vector<16xf32>
        %get3A_2670 = arith.constant 0 : i32
        %get3A_2671 = arith.index_cast %get3A_2670 : i32 to index
        %get3A_2672 = arith.index_cast %add3A_2658 : i32 to index
        %get3A_2673 = arith.constant 16 : index
        %get3A_2674 = tpu.vector_load %arg10[%get3A_2671, %get3A_2672, %get3A_2673] {strides = array<i32>} : memref<4x200x32xf32, #tpu.memory_space<vmem>>, vector<1x1x16xf32>,
        %get3A_2675 = vector.shape_cast %get3A_2674 : vector<1x1x16xf32> to vector<16xf32>
        %mul3A_2676 = vector.broadcast %squeeze3A_2660 : f32 to vector<16xf32>
        %mul3A_2677 = arith.mulf %mul3A_2676, %get3A_2675 : vector<16xf32>
        %add3A_2678 = arith.addf %add3A_2656, %mul3A_2677 : vector<16xf32>
        %add3A_2679 = arith.constant 13 : i32
        %add3A_2680 = arith.addi %mul3A_2392, %add3A_2679 : i32
        %slice3A_2681 = vector.extract_strided_slice %get3A_2390 {offsets = [13], sizes = [1], strides = [1]} : vector<16xf32> to vector<1xf32>
        %squeeze3A_2682 = vector.extract %slice3A_2681[0] : f32 from vector<1xf32>
        %get3A_2683 = arith.constant 0 : i32
        %get3A_2684 = arith.index_cast %get3A_2683 : i32 to index
        %get3A_2685 = arith.index_cast %add3A_2680 : i32 to index
        %get3A_2686 = arith.constant 0 : index
        %get3A_2687 = tpu.vector_load %arg10[%get3A_2684, %get3A_2685, %get3A_2686] {strides = array<i32>} : memref<4x200x32xf32, #tpu.memory_space<vmem>>, vector<1x1x16xf32>,
        %get3A_2688 = vector.shape_cast %get3A_2687 : vector<1x1x16xf32> to vector<16xf32>
        %mul3A_2689 = vector.broadcast %squeeze3A_2682 : f32 to vector<16xf32>
        %mul3A_2690 = arith.mulf %mul3A_2689, %get3A_2688 : vector<16xf32>
        %add3A_2691 = arith.addf %add3A_2669, %mul3A_2690 : vector<16xf32>
        %get3A_2692 = arith.constant 0 : i32
        %get3A_2693 = arith.index_cast %get3A_2692 : i32 to index
        %get3A_2694 = arith.index_cast %add3A_2680 : i32 to index
        %get3A_2695 = arith.constant 16 : index
        %get3A_2696 = tpu.vector_load %arg10[%get3A_2693, %get3A_2694, %get3A_2695] {strides = array<i32>} : memref<4x200x32xf32, #tpu.memory_space<vmem>>, vector<1x1x16xf32>,
        %get3A_2697 = vector.shape_cast %get3A_2696 : vector<1x1x16xf32> to vector<16xf32>
        %mul3A_2698 = vector.broadcast %squeeze3A_2682 : f32 to vector<16xf32>
        %mul3A_2699 = arith.mulf %mul3A_2698, %get3A_2697 : vector<16xf32>
        %add3A_2700 = arith.addf %add3A_2678, %mul3A_2699 : vector<16xf32>
        %add3A_2701 = arith.constant 14 : i32
        %add3A_2702 = arith.addi %mul3A_2392, %add3A_2701 : i32
        %slice3A_2703 = vector.extract_strided_slice %get3A_2390 {offsets = [14], sizes = [1], strides = [1]} : vector<16xf32> to vector<1xf32>
        %squeeze3A_2704 = vector.extract %slice3A_2703[0] : f32 from vector<1xf32>
        %get3A_2705 = arith.constant 0 : i32
        %get3A_2706 = arith.index_cast %get3A_2705 : i32 to index
        %get3A_2707 = arith.index_cast %add3A_2702 : i32 to index
        %get3A_2708 = arith.constant 0 : index
        %get3A_2709 = tpu.vector_load %arg10[%get3A_2706, %get3A_2707, %get3A_2708] {strides = array<i32>} : memref<4x200x32xf32, #tpu.memory_space<vmem>>, vector<1x1x16xf32>,
        %get3A_2710 = vector.shape_cast %get3A_2709 : vector<1x1x16xf32> to vector<16xf32>
        %mul3A_2711 = vector.broadcast %squeeze3A_2704 : f32 to vector<16xf32>
        %mul3A_2712 = arith.mulf %mul3A_2711, %get3A_2710 : vector<16xf32>
        %add3A_2713 = arith.addf %add3A_2691, %mul3A_2712 : vector<16xf32>
        %get3A_2714 = arith.constant 0 : i32
        %get3A_2715 = arith.index_cast %get3A_2714 : i32 to index
        %get3A_2716 = arith.index_cast %add3A_2702 : i32 to index
        %get3A_2717 = arith.constant 16 : index
        %get3A_2718 = tpu.vector_load %arg10[%get3A_2715, %get3A_2716, %get3A_2717] {strides = array<i32>} : memref<4x200x32xf32, #tpu.memory_space<vmem>>, vector<1x1x16xf32>,
        %get3A_2719 = vector.shape_cast %get3A_2718 : vector<1x1x16xf32> to vector<16xf32>
        %mul3A_2720 = vector.broadcast %squeeze3A_2704 : f32 to vector<16xf32>
        %mul3A_2721 = arith.mulf %mul3A_2720, %get3A_2719 : vector<16xf32>
        %add3A_2722 = arith.addf %add3A_2700, %mul3A_2721 : vector<16xf32>
        %add3A_2723 = arith.constant 15 : i32
        %add3A_2724 = arith.addi %mul3A_2392, %add3A_2723 : i32
        %slice3A_2725 = vector.extract_strided_slice %get3A_2390 {offsets = [15], sizes = [1], strides = [1]} : vector<16xf32> to vector<1xf32>
        %squeeze3A_2726 = vector.extract %slice3A_2725[0] : f32 from vector<1xf32>
        %get3A_2727 = arith.constant 0 : i32
        %get3A_2728 = arith.index_cast %get3A_2727 : i32 to index
        %get3A_2729 = arith.index_cast %add3A_2724 : i32 to index
        %get3A_2730 = arith.constant 0 : index
        %get3A_2731 = tpu.vector_load %arg10[%get3A_2728, %get3A_2729, %get3A_2730] {strides = array<i32>} : memref<4x200x32xf32, #tpu.memory_space<vmem>>, vector<1x1x16xf32>,
        %get3A_2732 = vector.shape_cast %get3A_2731 : vector<1x1x16xf32> to vector<16xf32>
        %mul3A_2733 = vector.broadcast %squeeze3A_2726 : f32 to vector<16xf32>
        %mul3A_2734 = arith.mulf %mul3A_2733, %get3A_2732 : vector<16xf32>
        %add3A_2735 = arith.addf %add3A_2713, %mul3A_2734 : vector<16xf32>
        %get3A_2736 = arith.constant 0 : i32
        %get3A_2737 = arith.index_cast %get3A_2736 : i32 to index
        %get3A_2738 = arith.index_cast %add3A_2724 : i32 to index
        %get3A_2739 = arith.constant 16 : index
        %get3A_2740 = tpu.vector_load %arg10[%get3A_2737, %get3A_2738, %get3A_2739] {strides = array<i32>} : memref<4x200x32xf32, #tpu.memory_space<vmem>>, vector<1x1x16xf32>,
        %get3A_2741 = vector.shape_cast %get3A_2740 : vector<1x1x16xf32> to vector<16xf32>
        %mul3A_2742 = vector.broadcast %squeeze3A_2726 : f32 to vector<16xf32>
        %mul3A_2743 = arith.mulf %mul3A_2742, %get3A_2741 : vector<16xf32>
        %add3A_2744 = arith.addf %add3A_2722, %mul3A_2743 : vector<16xf32>
        scf.yield %add3A_2735, %add3A_2744 : vector<16xf32>, vector<16xf32>
      }
      %scan3A_565 = arith.constant 12 : i32
      %get3A_566 = arith.constant 0 : i32
      %get3A_567 = arith.index_cast %get3A_566 : i32 to index
      %get3A_568 = arith.constant 184 : index
      %get3A_569 = tpu.vector_load %arg9[%get3A_567, %get3A_568] {strides = array<i32>} : memref<4x200xf32, #tpu.memory_space<vmem>>, vector<1x16xf32>,
      %get3A_570 = vector.shape_cast %get3A_569 : vector<1x16xf32> to vector<16xf32>
      %slice3A = vector.extract_strided_slice %get3A_570 {offsets = [8], sizes = [1], strides = [1]} : vector<16xf32> to vector<1xf32>
      %squeeze3A = vector.extract %slice3A[0] : f32 from vector<1xf32>
      %get3A_571 = arith.constant 0 : i32
      %get3A_572 = arith.constant 192 : i32
      %get3A_573 = arith.index_cast %get3A_571 : i32 to index
      %get3A_574 = arith.index_cast %get3A_572 : i32 to index
      %get3A_575 = arith.constant 0 : index
      %get3A_576 = tpu.vector_load %arg10[%get3A_573, %get3A_574, %get3A_575] {strides = array<i32>} : memref<4x200x32xf32, #tpu.memory_space<vmem>>, vector<1x1x16xf32>,
      %get3A_577 = vector.shape_cast %get3A_576 : vector<1x1x16xf32> to vector<16xf32>
      %mul3A_578 = vector.broadcast %squeeze3A : f32 to vector<16xf32>
      %mul3A_579 = arith.mulf %mul3A_578, %get3A_577 : vector<16xf32>
      %add3A_580 = arith.addf %scan3A_564#0, %mul3A_579 : vector<16xf32>
      %get3A_581 = arith.constant 0 : i32
      %get3A_582 = arith.constant 192 : i32
      %get3A_583 = arith.index_cast %get3A_581 : i32 to index
      %get3A_584 = arith.index_cast %get3A_582 : i32 to index
      %get3A_585 = arith.constant 16 : index
      %get3A_586 = tpu.vector_load %arg10[%get3A_583, %get3A_584, %get3A_585] {strides = array<i32>} : memref<4x200x32xf32, #tpu.memory_space<vmem>>, vector<1x1x16xf32>,
      %get3A_587 = vector.shape_cast %get3A_586 : vector<1x1x16xf32> to vector<16xf32>
      %mul3A_588 = vector.broadcast %squeeze3A : f32 to vector<16xf32>
      %mul3A_589 = arith.mulf %mul3A_588, %get3A_587 : vector<16xf32>
      %add3A_590 = arith.addf %scan3A_564#1, %mul3A_589 : vector<16xf32>
      %slice3A_591 = vector.extract_strided_slice %get3A_570 {offsets = [9], sizes = [1], strides = [1]} : vector<16xf32> to vector<1xf32>
      %squeeze3A_592 = vector.extract %slice3A_591[0] : f32 from vector<1xf32>
      %get3A_593 = arith.constant 0 : i32
      %get3A_594 = arith.constant 193 : i32
      %get3A_595 = arith.index_cast %get3A_593 : i32 to index
      %get3A_596 = arith.index_cast %get3A_594 : i32 to index
      %get3A_597 = arith.constant 0 : index
      %get3A_598 = tpu.vector_load %arg10[%get3A_595, %get3A_596, %get3A_597] {strides = array<i32>} : memref<4x200x32xf32, #tpu.memory_space<vmem>>, vector<1x1x16xf32>,
      %get3A_599 = vector.shape_cast %get3A_598 : vector<1x1x16xf32> to vector<16xf32>
      %mul3A_600 = vector.broadcast %squeeze3A_592 : f32 to vector<16xf32>
      %mul3A_601 = arith.mulf %mul3A_600, %get3A_599 : vector<16xf32>
      %add3A_602 = arith.addf %add3A_580, %mul3A_601 : vector<16xf32>
      %get3A_603 = arith.constant 0 : i32
      %get3A_604 = arith.constant 193 : i32
      %get3A_605 = arith.index_cast %get3A_603 : i32 to index
      %get3A_606 = arith.index_cast %get3A_604 : i32 to index
      %get3A_607 = arith.constant 16 : index
      %get3A_608 = tpu.vector_load %arg10[%get3A_605, %get3A_606, %get3A_607] {strides = array<i32>} : memref<4x200x32xf32, #tpu.memory_space<vmem>>, vector<1x1x16xf32>,
      %get3A_609 = vector.shape_cast %get3A_608 : vector<1x1x16xf32> to vector<16xf32>
      %mul3A_610 = vector.broadcast %squeeze3A_592 : f32 to vector<16xf32>
      %mul3A_611 = arith.mulf %mul3A_610, %get3A_609 : vector<16xf32>
      %add3A_612 = arith.addf %add3A_590, %mul3A_611 : vector<16xf32>
      %slice3A_613 = vector.extract_strided_slice %get3A_570 {offsets = [10], sizes = [1], strides = [1]} : vector<16xf32> to vector<1xf32>
      %squeeze3A_614 = vector.extract %slice3A_613[0] : f32 from vector<1xf32>
      %get3A_615 = arith.constant 0 : i32
      %get3A_616 = arith.constant 194 : i32
      %get3A_617 = arith.index_cast %get3A_615 : i32 to index
      %get3A_618 = arith.index_cast %get3A_616 : i32 to index
      %get3A_619 = arith.constant 0 : index
      %get3A_620 = tpu.vector_load %arg10[%get3A_617, %get3A_618, %get3A_619] {strides = array<i32>} : memref<4x200x32xf32, #tpu.memory_space<vmem>>, vector<1x1x16xf32>,
      %get3A_621 = vector.shape_cast %get3A_620 : vector<1x1x16xf32> to vector<16xf32>
      %mul3A_622 = vector.broadcast %squeeze3A_614 : f32 to vector<16xf32>
      %mul3A_623 = arith.mulf %mul3A_622, %get3A_621 : vector<16xf32>
      %add3A_624 = arith.addf %add3A_602, %mul3A_623 : vector<16xf32>
      %get3A_625 = arith.constant 0 : i32
      %get3A_626 = arith.constant 194 : i32
      %get3A_627 = arith.index_cast %get3A_625 : i32 to index
      %get3A_628 = arith.index_cast %get3A_626 : i32 to index
      %get3A_629 = arith.constant 16 : index
      %get3A_630 = tpu.vector_load %arg10[%get3A_627, %get3A_628, %get3A_629] {strides = array<i32>} : memref<4x200x32xf32, #tpu.memory_space<vmem>>, vector<1x1x16xf32>,
      %get3A_631 = vector.shape_cast %get3A_630 : vector<1x1x16xf32> to vector<16xf32>
      %mul3A_632 = vector.broadcast %squeeze3A_614 : f32 to vector<16xf32>
      %mul3A_633 = arith.mulf %mul3A_632, %get3A_631 : vector<16xf32>
      %add3A_634 = arith.addf %add3A_612, %mul3A_633 : vector<16xf32>
      %slice3A_635 = vector.extract_strided_slice %get3A_570 {offsets = [11], sizes = [1], strides = [1]} : vector<16xf32> to vector<1xf32>
      %squeeze3A_636 = vector.extract %slice3A_635[0] : f32 from vector<1xf32>
      %get3A_637 = arith.constant 0 : i32
      %get3A_638 = arith.constant 195 : i32
      %get3A_639 = arith.index_cast %get3A_637 : i32 to index
      %get3A_640 = arith.index_cast %get3A_638 : i32 to index
      %get3A_641 = arith.constant 0 : index
      %get3A_642 = tpu.vector_load %arg10[%get3A_639, %get3A_640, %get3A_641] {strides = array<i32>} : memref<4x200x32xf32, #tpu.memory_space<vmem>>, vector<1x1x16xf32>,
      %get3A_643 = vector.shape_cast %get3A_642 : vector<1x1x16xf32> to vector<16xf32>
      %mul3A_644 = vector.broadcast %squeeze3A_636 : f32 to vector<16xf32>
      %mul3A_645 = arith.mulf %mul3A_644, %get3A_643 : vector<16xf32>
      %add3A_646 = arith.addf %add3A_624, %mul3A_645 : vector<16xf32>
      %get3A_647 = arith.constant 0 : i32
      %get3A_648 = arith.constant 195 : i32
      %get3A_649 = arith.index_cast %get3A_647 : i32 to index
      %get3A_650 = arith.index_cast %get3A_648 : i32 to index
      %get3A_651 = arith.constant 16 : index
      %get3A_652 = tpu.vector_load %arg10[%get3A_649, %get3A_650, %get3A_651] {strides = array<i32>} : memref<4x200x32xf32, #tpu.memory_space<vmem>>, vector<1x1x16xf32>,
      %get3A_653 = vector.shape_cast %get3A_652 : vector<1x1x16xf32> to vector<16xf32>
      %mul3A_654 = vector.broadcast %squeeze3A_636 : f32 to vector<16xf32>
      %mul3A_655 = arith.mulf %mul3A_654, %get3A_653 : vector<16xf32>
      %add3A_656 = arith.addf %add3A_634, %mul3A_655 : vector<16xf32>
      %slice3A_657 = vector.extract_strided_slice %get3A_570 {offsets = [12], sizes = [1], strides = [1]} : vector<16xf32> to vector<1xf32>
      %squeeze3A_658 = vector.extract %slice3A_657[0] : f32 from vector<1xf32>
      %get3A_659 = arith.constant 0 : i32
      %get3A_660 = arith.constant 196 : i32
      %get3A_661 = arith.index_cast %get3A_659 : i32 to index
      %get3A_662 = arith.index_cast %get3A_660 : i32 to index
      %get3A_663 = arith.constant 0 : index
      %get3A_664 = tpu.vector_load %arg10[%get3A_661, %get3A_662, %get3A_663] {strides = array<i32>} : memref<4x200x32xf32, #tpu.memory_space<vmem>>, vector<1x1x16xf32>,
      %get3A_665 = vector.shape_cast %get3A_664 : vector<1x1x16xf32> to vector<16xf32>
      %mul3A_666 = vector.broadcast %squeeze3A_658 : f32 to vector<16xf32>
      %mul3A_667 = arith.mulf %mul3A_666, %get3A_665 : vector<16xf32>
      %add3A_668 = arith.addf %add3A_646, %mul3A_667 : vector<16xf32>
      %get3A_669 = arith.constant 0 : i32
      %get3A_670 = arith.constant 196 : i32
      %get3A_671 = arith.index_cast %get3A_669 : i32 to index
      %get3A_672 = arith.index_cast %get3A_670 : i32 to index
      %get3A_673 = arith.constant 16 : index
      %get3A_674 = tpu.vector_load %arg10[%get3A_671, %get3A_672, %get3A_673] {strides = array<i32>} : memref<4x200x32xf32, #tpu.memory_space<vmem>>, vector<1x1x16xf32>,
      %get3A_675 = vector.shape_cast %get3A_674 : vector<1x1x16xf32> to vector<16xf32>
      %mul3A_676 = vector.broadcast %squeeze3A_658 : f32 to vector<16xf32>
      %mul3A_677 = arith.mulf %mul3A_676, %get3A_675 : vector<16xf32>
      %add3A_678 = arith.addf %add3A_656, %mul3A_677 : vector<16xf32>
      %slice3A_679 = vector.extract_strided_slice %get3A_570 {offsets = [13], sizes = [1], strides = [1]} : vector<16xf32> to vector<1xf32>
      %squeeze3A_680 = vector.extract %slice3A_679[0] : f32 from vector<1xf32>
      %get3A_681 = arith.constant 0 : i32
      %get3A_682 = arith.constant 197 : i32
      %get3A_683 = arith.index_cast %get3A_681 : i32 to index
      %get3A_684 = arith.index_cast %get3A_682 : i32 to index
      %get3A_685 = arith.constant 0 : index
      %get3A_686 = tpu.vector_load %arg10[%get3A_683, %get3A_684, %get3A_685] {strides = array<i32>} : memref<4x200x32xf32, #tpu.memory_space<vmem>>, vector<1x1x16xf32>,
      %get3A_687 = vector.shape_cast %get3A_686 : vector<1x1x16xf32> to vector<16xf32>
      %mul3A_688 = vector.broadcast %squeeze3A_680 : f32 to vector<16xf32>
      %mul3A_689 = arith.mulf %mul3A_688, %get3A_687 : vector<16xf32>
      %add3A_690 = arith.addf %add3A_668, %mul3A_689 : vector<16xf32>
      %get3A_691 = arith.constant 0 : i32
      %get3A_692 = arith.constant 197 : i32
      %get3A_693 = arith.index_cast %get3A_691 : i32 to index
      %get3A_694 = arith.index_cast %get3A_692 : i32 to index
      %get3A_695 = arith.constant 16 : index
      %get3A_696 = tpu.vector_load %arg10[%get3A_693, %get3A_694, %get3A_695] {strides = array<i32>} : memref<4x200x32xf32, #tpu.memory_space<vmem>>, vector<1x1x16xf32>,
      %get3A_697 = vector.shape_cast %get3A_696 : vector<1x1x16xf32> to vector<16xf32>
      %mul3A_698 = vector.broadcast %squeeze3A_680 : f32 to vector<16xf32>
      %mul3A_699 = arith.mulf %mul3A_698, %get3A_697 : vector<16xf32>
      %add3A_700 = arith.addf %add3A_678, %mul3A_699 : vector<16xf32>
      %slice3A_701 = vector.extract_strided_slice %get3A_570 {offsets = [14], sizes = [1], strides = [1]} : vector<16xf32> to vector<1xf32>
      %squeeze3A_702 = vector.extract %slice3A_701[0] : f32 from vector<1xf32>
      %get3A_703 = arith.constant 0 : i32
      %get3A_704 = arith.constant 198 : i32
      %get3A_705 = arith.index_cast %get3A_703 : i32 to index
      %get3A_706 = arith.index_cast %get3A_704 : i32 to index
      %get3A_707 = arith.constant 0 : index
      %get3A_708 = tpu.vector_load %arg10[%get3A_705, %get3A_706, %get3A_707] {strides = array<i32>} : memref<4x200x32xf32, #tpu.memory_space<vmem>>, vector<1x1x16xf32>,
      %get3A_709 = vector.shape_cast %get3A_708 : vector<1x1x16xf32> to vector<16xf32>
      %mul3A_710 = vector.broadcast %squeeze3A_702 : f32 to vector<16xf32>
      %mul3A_711 = arith.mulf %mul3A_710, %get3A_709 : vector<16xf32>
      %add3A_712 = arith.addf %add3A_690, %mul3A_711 : vector<16xf32>
      %get3A_713 = arith.constant 0 : i32
      %get3A_714 = arith.constant 198 : i32
      %get3A_715 = arith.index_cast %get3A_713 : i32 to index
      %get3A_716 = arith.index_cast %get3A_714 : i32 to index
      %get3A_717 = arith.constant 16 : index
      %get3A_718 = tpu.vector_load %arg10[%get3A_715, %get3A_716, %get3A_717] {strides = array<i32>} : memref<4x200x32xf32, #tpu.memory_space<vmem>>, vector<1x1x16xf32>,
      %get3A_719 = vector.shape_cast %get3A_718 : vector<1x1x16xf32> to vector<16xf32>
      %mul3A_720 = vector.broadcast %squeeze3A_702 : f32 to vector<16xf32>
      %mul3A_721 = arith.mulf %mul3A_720, %get3A_719 : vector<16xf32>
      %add3A_722 = arith.addf %add3A_700, %mul3A_721 : vector<16xf32>
      %slice3A_723 = vector.extract_strided_slice %get3A_570 {offsets = [15], sizes = [1], strides = [1]} : vector<16xf32> to vector<1xf32>
      %squeeze3A_724 = vector.extract %slice3A_723[0] : f32 from vector<1xf32>
      %get3A_725 = arith.constant 0 : i32
      %get3A_726 = arith.constant 199 : i32
      %get3A_727 = arith.index_cast %get3A_725 : i32 to index
      %get3A_728 = arith.index_cast %get3A_726 : i32 to index
      %get3A_729 = arith.constant 0 : index
      %get3A_730 = tpu.vector_load %arg10[%get3A_727, %get3A_728, %get3A_729] {strides = array<i32>} : memref<4x200x32xf32, #tpu.memory_space<vmem>>, vector<1x1x16xf32>,
      %get3A_731 = vector.shape_cast %get3A_730 : vector<1x1x16xf32> to vector<16xf32>
      %mul3A_732 = vector.broadcast %squeeze3A_724 : f32 to vector<16xf32>
      %mul3A_733 = arith.mulf %mul3A_732, %get3A_731 : vector<16xf32>
      %add3A_734 = arith.addf %add3A_712, %mul3A_733 : vector<16xf32>
      %get3A_735 = arith.constant 0 : i32
      %get3A_736 = arith.constant 199 : i32
      %get3A_737 = arith.index_cast %get3A_735 : i32 to index
      %get3A_738 = arith.index_cast %get3A_736 : i32 to index
      %get3A_739 = arith.constant 16 : index
      %get3A_740 = tpu.vector_load %arg10[%get3A_737, %get3A_738, %get3A_739] {strides = array<i32>} : memref<4x200x32xf32, #tpu.memory_space<vmem>>, vector<1x1x16xf32>,
      %get3A_741 = vector.shape_cast %get3A_740 : vector<1x1x16xf32> to vector<16xf32>
      %mul3A_742 = vector.broadcast %squeeze3A_724 : f32 to vector<16xf32>
      %mul3A_743 = arith.mulf %mul3A_742, %get3A_741 : vector<16xf32>
      %add3A_744 = arith.addf %add3A_722, %mul3A_743 : vector<16xf32>
      %mul3A_745 = arith.constant 32 : i32
      %mul3A_746 = arith.muli %add3A_239, %mul3A_745 : i32
      %swap3A_747 = arith.index_cast %mul3A_746 : i32 to index
      %swap3A_748 = tpu.vector_load %arg11[%swap3A_747] {strides = array<i32>} : memref<4096xf32, #tpu.memory_space<vmem>>, vector<16xf32>,
      %swap3A_749 = vector.shape_cast %swap3A_748 : vector<16xf32> to vector<16xf32>
      %swap3A_750 = vector.shape_cast %add3A_734 : vector<16xf32> to vector<16xf32>
      tpu.vector_store %arg11[%swap3A_747], %swap3A_750 {strides = array<i32>} : memref<4096xf32, #tpu.memory_space<vmem>>, vector<16xf32>,
      %mul3A_751 = arith.constant 32 : i32
      %mul3A_752 = arith.muli %add3A_239, %mul3A_751 : i32
      %add3A_753 = arith.constant 16 : i32
      %add3A_754 = arith.addi %mul3A_752, %add3A_753 : i32
      %swap3A_755 = arith.index_cast %add3A_754 : i32 to index
      %swap3A_756 = tpu.vector_load %arg11[%swap3A_755] {strides = array<i32>} : memref<4096xf32, #tpu.memory_space<vmem>>, vector<16xf32>,
      %swap3A_757 = vector.shape_cast %swap3A_756 : vector<16xf32> to vector<16xf32>
      %swap3A_758 = vector.shape_cast %add3A_744 : vector<16xf32> to vector<16xf32>
      tpu.vector_store %arg11[%swap3A_755], %swap3A_758 {strides = array<i32>} : memref<4096xf32, #tpu.memory_space<vmem>>, vector<16xf32>,
      %add3A_759 = arith.constant 4 : i32
      %add3A_760 = arith.addi %add3A_239, %add3A_759 : i32
      %lt3A = arith.constant 128 : i32
      %lt3A_761 = arith.cmpi slt, %add3A_760, %lt3A : i32
      %convert_element_type3A = arith.extui %lt3A_761 : i1 to i32
      %cond3A = arith.constant 0 : i32
      %cond3A_762 = arith.cmpi ne, %convert_element_type3A, %cond3A : i32
      scf.if %cond3A_762 {
        %dma_start3A_2381 = arith.constant 0 : i32
        %dma_start3A_2382 = arith.constant 0 : i32
        %dma_start3A_2383 = arith.constant 0 : i32
        %dma_start3A_2384 = arith.constant 0 : i32
        %dma_start3A_2385 = tpu.memref_slice %arg10[%dma_start3A_2381, %dma_start3A_2383, %dma_start3A_2384] : memref<4x200x32xf32, #tpu.memory_space<vmem>> -> memref<1x128x32xf32, #tpu.memory_space<vmem>>
        %dma_start3A_2386 = tpu.memref_squeeze %dma_start3A_2385 : memref<1x128x32xf32, #tpu.memory_space<vmem>> -> memref<128x32xf32, #tpu.memory_space<vmem>>
        %dma_start3A_2387 = arith.constant 0 : i32
        %dma_start3A_2388 = tpu.memref_slice %arg7[%add3A_760, %dma_start3A_2387] : memref<128x128xi32, #tpu.memory_space<vmem>> -> memref<1x128xi32, #tpu.memory_space<vmem>>
        %dma_start3A_2389 = tpu.memref_squeeze %dma_start3A_2388 : memref<1x128xi32, #tpu.memory_space<vmem>> -> memref<128xi32, #tpu.memory_space<vmem>>
        %dma_start3A_2390 = arith.constant 0 : i32
        %dma_start3A_2391 = arith.constant 0 : i32
        %dma_start3A_2392 = tpu.memref_slice %arg4[%dma_start3A_2390, %dma_start3A_2391] : memref<1000000x32xf32, #tpu.memory_space<hbm>> -> memref<1000000x32xf32, #tpu.memory_space<hbm>>
        %dma_start3A_2393 = tpu.memref_slice %arg12[%dma_start3A_2382] : memref<4x!tpu.dma_semaphore, #tpu.memory_space<semaphore_mem>> -> memref<1x!tpu.dma_semaphore, #tpu.memory_space<semaphore_mem>>
        %dma_start3A_2394 = tpu.memref_squeeze %dma_start3A_2393 : memref<1x!tpu.dma_semaphore, #tpu.memory_space<semaphore_mem>> -> memref<!tpu.dma_semaphore, #tpu.memory_space<semaphore_mem>>
        tpu.enqueue_indirect_dma source(%dma_start3A_2392 : memref<1000000x32xf32, #tpu.memory_space<hbm>>) target(%dma_start3A_2386 : memref<128x32xf32, #tpu.memory_space<vmem>>) offsets(%dma_start3A_2389 : memref<128xi32, #tpu.memory_space<vmem>>) semaphore(%dma_start3A_2394 : memref<!tpu.dma_semaphore, #tpu.memory_space<semaphore_mem>>)
        %dma_start3A_2395 = arith.constant 0 : i32
        %dma_start3A_2396 = arith.constant 0 : i32
        %dma_start3A_2397 = arith.constant 128 : i32
        %dma_start3A_2398 = arith.constant 0 : i32
        %dma_start3A_2399 = tpu.memref_slice %arg10[%dma_start3A_2395, %dma_start3A_2397, %dma_start3A_2398] : memref<4x200x32xf32, #tpu.memory_space<vmem>> -> memref<1x72x32xf32, #tpu.memory_space<vmem>>
        %dma_start3A_2400 = tpu.memref_squeeze %dma_start3A_2399 : memref<1x72x32xf32, #tpu.memory_space<vmem>> -> memref<72x32xf32, #tpu.memory_space<vmem>>
        %dma_start3A_2401 = arith.constant 0 : i32
        %dma_start3A_2402 = tpu.memref_slice %arg8[%add3A_760, %dma_start3A_2401] : memref<128x128xi32, #tpu.memory_space<vmem>> -> memref<1x72xi32, #tpu.memory_space<vmem>>
        %dma_start3A_2403 = tpu.memref_squeeze %dma_start3A_2402 : memref<1x72xi32, #tpu.memory_space<vmem>> -> memref<72xi32, #tpu.memory_space<vmem>>
        %dma_start3A_2404 = arith.constant 0 : i32
        %dma_start3A_2405 = arith.constant 0 : i32
        %dma_start3A_2406 = tpu.memref_slice %arg4[%dma_start3A_2404, %dma_start3A_2405] : memref<1000000x32xf32, #tpu.memory_space<hbm>> -> memref<1000000x32xf32, #tpu.memory_space<hbm>>
        %dma_start3A_2407 = tpu.memref_slice %arg12[%dma_start3A_2396] : memref<4x!tpu.dma_semaphore, #tpu.memory_space<semaphore_mem>> -> memref<1x!tpu.dma_semaphore, #tpu.memory_space<semaphore_mem>>
        %dma_start3A_2408 = tpu.memref_squeeze %dma_start3A_2407 : memref<1x!tpu.dma_semaphore, #tpu.memory_space<semaphore_mem>> -> memref<!tpu.dma_semaphore, #tpu.memory_space<semaphore_mem>>
        tpu.enqueue_indirect_dma source(%dma_start3A_2406 : memref<1000000x32xf32, #tpu.memory_space<hbm>>) target(%dma_start3A_2400 : memref<72x32xf32, #tpu.memory_space<vmem>>) offsets(%dma_start3A_2403 : memref<72xi32, #tpu.memory_space<vmem>>) semaphore(%dma_start3A_2408 : memref<!tpu.dma_semaphore, #tpu.memory_space<semaphore_mem>>)
        %dma_start3A_2409 = arith.constant 0 : i32
        %dma_start3A_2410 = arith.constant 0 : i32
        %dma_start3A_2411 = arith.constant 0 : i32
        %dma_start3A_2412 = tpu.memref_slice %arg9[%dma_start3A_2409, %dma_start3A_2411] : memref<4x200xf32, #tpu.memory_space<vmem>> -> memref<1x128xf32, #tpu.memory_space<vmem>>
        %dma_start3A_2413 = tpu.memref_squeeze %dma_start3A_2412 : memref<1x128xf32, #tpu.memory_space<vmem>> -> memref<128xf32, #tpu.memory_space<vmem>>
        %dma_start3A_2414 = arith.constant 0 : i32
        %dma_start3A_2415 = tpu.memref_slice %arg7[%add3A_760, %dma_start3A_2414] : memref<128x128xi32, #tpu.memory_space<vmem>> -> memref<1x128xi32, #tpu.memory_space<vmem>>
        %dma_start3A_2416 = tpu.memref_squeeze %dma_start3A_2415 : memref<1x128xi32, #tpu.memory_space<vmem>> -> memref<128xi32, #tpu.memory_space<vmem>>
        %dma_start3A_2417 = arith.constant 0 : i32
        %dma_start3A_2418 = tpu.memref_slice %arg5[%dma_start3A_2417] : memref<1000000xf32, #tpu.memory_space<hbm>> -> memref<1000000xf32, #tpu.memory_space<hbm>>
        %dma_start3A_2419 = tpu.memref_slice %arg13[%dma_start3A_2410] : memref<4x!tpu.dma_semaphore, #tpu.memory_space<semaphore_mem>> -> memref<1x!tpu.dma_semaphore, #tpu.memory_space<semaphore_mem>>
        %dma_start3A_2420 = tpu.memref_squeeze %dma_start3A_2419 : memref<1x!tpu.dma_semaphore, #tpu.memory_space<semaphore_mem>> -> memref<!tpu.dma_semaphore, #tpu.memory_space<semaphore_mem>>
        tpu.enqueue_indirect_dma source(%dma_start3A_2418 : memref<1000000xf32, #tpu.memory_space<hbm>>) target(%dma_start3A_2413 : memref<128xf32, #tpu.memory_space<vmem>>) offsets(%dma_start3A_2416 : memref<128xi32, #tpu.memory_space<vmem>>) semaphore(%dma_start3A_2420 : memref<!tpu.dma_semaphore, #tpu.memory_space<semaphore_mem>>)
        %dma_start3A_2421 = arith.constant 0 : i32
        %dma_start3A_2422 = arith.constant 0 : i32
        %dma_start3A_2423 = arith.constant 128 : i32
        %dma_start3A_2424 = tpu.memref_slice %arg9[%dma_start3A_2421, %dma_start3A_2423] : memref<4x200xf32, #tpu.memory_space<vmem>> -> memref<1x72xf32, #tpu.memory_space<vmem>>
        %dma_start3A_2425 = tpu.memref_squeeze %dma_start3A_2424 : memref<1x72xf32, #tpu.memory_space<vmem>> -> memref<72xf32, #tpu.memory_space<vmem>>
        %dma_start3A_2426 = arith.constant 0 : i32
        %dma_start3A_2427 = tpu.memref_slice %arg8[%add3A_760, %dma_start3A_2426] : memref<128x128xi32, #tpu.memory_space<vmem>> -> memref<1x72xi32, #tpu.memory_space<vmem>>
        %dma_start3A_2428 = tpu.memref_squeeze %dma_start3A_2427 : memref<1x72xi32, #tpu.memory_space<vmem>> -> memref<72xi32, #tpu.memory_space<vmem>>
        %dma_start3A_2429 = arith.constant 0 : i32
        %dma_start3A_2430 = tpu.memref_slice %arg5[%dma_start3A_2429] : memref<1000000xf32, #tpu.memory_space<hbm>> -> memref<1000000xf32, #tpu.memory_space<hbm>>
        %dma_start3A_2431 = tpu.memref_slice %arg13[%dma_start3A_2422] : memref<4x!tpu.dma_semaphore, #tpu.memory_space<semaphore_mem>> -> memref<1x!tpu.dma_semaphore, #tpu.memory_space<semaphore_mem>>
        %dma_start3A_2432 = tpu.memref_squeeze %dma_start3A_2431 : memref<1x!tpu.dma_semaphore, #tpu.memory_space<semaphore_mem>> -> memref<!tpu.dma_semaphore, #tpu.memory_space<semaphore_mem>>
        tpu.enqueue_indirect_dma source(%dma_start3A_2430 : memref<1000000xf32, #tpu.memory_space<hbm>>) target(%dma_start3A_2425 : memref<72xf32, #tpu.memory_space<vmem>>) offsets(%dma_start3A_2428 : memref<72xi32, #tpu.memory_space<vmem>>) semaphore(%dma_start3A_2432 : memref<!tpu.dma_semaphore, #tpu.memory_space<semaphore_mem>>)
      } else {
      }
      %mul3A_763 = arith.constant 4 : i32
      %mul3A_764 = arith.muli %scan3A_234, %mul3A_763 : i32
      %add3A_765 = arith.constant 1 : i32
      %add3A_766 = arith.addi %mul3A_764, %add3A_765 : i32
      %dma_wait3A_767 = arith.constant 1 : i32
      %dma_wait3A_768 = arith.constant 1 : i32
      %dma_wait3A_769 = arith.constant 0 : i32
      %dma_wait3A_770 = arith.constant 0 : i32
      %dma_wait3A_771 = tpu.memref_slice %arg10[%dma_wait3A_767, %dma_wait3A_769, %dma_wait3A_770] : memref<4x200x32xf32, #tpu.memory_space<vmem>> -> memref<1x128x32xf32, #tpu.memory_space<vmem>>
      %dma_wait3A_772 = tpu.memref_squeeze %dma_wait3A_771 : memref<1x128x32xf32, #tpu.memory_space<vmem>> -> memref<128x32xf32, #tpu.memory_space<vmem>>
      %dma_wait3A_773 = arith.constant 0 : i32
      %dma_wait3A_774 = tpu.memref_slice %arg7[%add3A_766, %dma_wait3A_773] : memref<128x128xi32, #tpu.memory_space<vmem>> -> memref<1x128xi32, #tpu.memory_space<vmem>>
      %dma_wait3A_775 = tpu.memref_squeeze %dma_wait3A_774 : memref<1x128xi32, #tpu.memory_space<vmem>> -> memref<128xi32, #tpu.memory_space<vmem>>
      %dma_wait3A_776 = arith.constant 0 : i32
      %dma_wait3A_777 = arith.constant 0 : i32
      %dma_wait3A_778 = tpu.memref_slice %arg4[%dma_wait3A_776, %dma_wait3A_777] : memref<1000000x32xf32, #tpu.memory_space<hbm>> -> memref<1000000x32xf32, #tpu.memory_space<hbm>>
      %dma_wait3A_779 = tpu.memref_slice %arg12[%dma_wait3A_768] : memref<4x!tpu.dma_semaphore, #tpu.memory_space<semaphore_mem>> -> memref<1x!tpu.dma_semaphore, #tpu.memory_space<semaphore_mem>>
      %dma_wait3A_780 = tpu.memref_squeeze %dma_wait3A_779 : memref<1x!tpu.dma_semaphore, #tpu.memory_space<semaphore_mem>> -> memref<!tpu.dma_semaphore, #tpu.memory_space<semaphore_mem>>
      tpu.wait_indirect_dma semaphore(%dma_wait3A_780 : memref<!tpu.dma_semaphore, #tpu.memory_space<semaphore_mem>>) src(%dma_wait3A_778 : memref<1000000x32xf32, #tpu.memory_space<hbm>>) dst(%dma_wait3A_772 : memref<128x32xf32, #tpu.memory_space<vmem>>)
      %dma_wait3A_781 = arith.constant 1 : i32
      %dma_wait3A_782 = arith.constant 1 : i32
      %dma_wait3A_783 = arith.constant 128 : i32
      %dma_wait3A_784 = arith.constant 0 : i32
      %dma_wait3A_785 = tpu.memref_slice %arg10[%dma_wait3A_781, %dma_wait3A_783, %dma_wait3A_784] : memref<4x200x32xf32, #tpu.memory_space<vmem>> -> memref<1x72x32xf32, #tpu.memory_space<vmem>>
      %dma_wait3A_786 = tpu.memref_squeeze %dma_wait3A_785 : memref<1x72x32xf32, #tpu.memory_space<vmem>> -> memref<72x32xf32, #tpu.memory_space<vmem>>
      %dma_wait3A_787 = arith.constant 0 : i32
      %dma_wait3A_788 = tpu.memref_slice %arg8[%add3A_766, %dma_wait3A_787] : memref<128x128xi32, #tpu.memory_space<vmem>> -> memref<1x72xi32, #tpu.memory_space<vmem>>
      %dma_wait3A_789 = tpu.memref_squeeze %dma_wait3A_788 : memref<1x72xi32, #tpu.memory_space<vmem>> -> memref<72xi32, #tpu.memory_space<vmem>>
      %dma_wait3A_790 = arith.constant 0 : i32
      %dma_wait3A_791 = arith.constant 0 : i32
      %dma_wait3A_792 = tpu.memref_slice %arg4[%dma_wait3A_790, %dma_wait3A_791] : memref<1000000x32xf32, #tpu.memory_space<hbm>> -> memref<1000000x32xf32, #tpu.memory_space<hbm>>
      %dma_wait3A_793 = tpu.memref_slice %arg12[%dma_wait3A_782] : memref<4x!tpu.dma_semaphore, #tpu.memory_space<semaphore_mem>> -> memref<1x!tpu.dma_semaphore, #tpu.memory_space<semaphore_mem>>
      %dma_wait3A_794 = tpu.memref_squeeze %dma_wait3A_793 : memref<1x!tpu.dma_semaphore, #tpu.memory_space<semaphore_mem>> -> memref<!tpu.dma_semaphore, #tpu.memory_space<semaphore_mem>>
      tpu.wait_indirect_dma semaphore(%dma_wait3A_794 : memref<!tpu.dma_semaphore, #tpu.memory_space<semaphore_mem>>) src(%dma_wait3A_792 : memref<1000000x32xf32, #tpu.memory_space<hbm>>) dst(%dma_wait3A_786 : memref<72x32xf32, #tpu.memory_space<vmem>>)
      %dma_wait3A_795 = arith.constant 1 : i32
      %dma_wait3A_796 = arith.constant 1 : i32
      %dma_wait3A_797 = arith.constant 0 : i32
      %dma_wait3A_798 = tpu.memref_slice %arg9[%dma_wait3A_795, %dma_wait3A_797] : memref<4x200xf32, #tpu.memory_space<vmem>> -> memref<1x128xf32, #tpu.memory_space<vmem>>
      %dma_wait3A_799 = tpu.memref_squeeze %dma_wait3A_798 : memref<1x128xf32, #tpu.memory_space<vmem>> -> memref<128xf32, #tpu.memory_space<vmem>>
      %dma_wait3A_800 = arith.constant 0 : i32
      %dma_wait3A_801 = tpu.memref_slice %arg7[%add3A_766, %dma_wait3A_800] : memref<128x128xi32, #tpu.memory_space<vmem>> -> memref<1x128xi32, #tpu.memory_space<vmem>>
      %dma_wait3A_802 = tpu.memref_squeeze %dma_wait3A_801 : memref<1x128xi32, #tpu.memory_space<vmem>> -> memref<128xi32, #tpu.memory_space<vmem>>
      %dma_wait3A_803 = arith.constant 0 : i32
      %dma_wait3A_804 = tpu.memref_slice %arg5[%dma_wait3A_803] : memref<1000000xf32, #tpu.memory_space<hbm>> -> memref<1000000xf32, #tpu.memory_space<hbm>>
      %dma_wait3A_805 = tpu.memref_slice %arg13[%dma_wait3A_796] : memref<4x!tpu.dma_semaphore, #tpu.memory_space<semaphore_mem>> -> memref<1x!tpu.dma_semaphore, #tpu.memory_space<semaphore_mem>>
      %dma_wait3A_806 = tpu.memref_squeeze %dma_wait3A_805 : memref<1x!tpu.dma_semaphore, #tpu.memory_space<semaphore_mem>> -> memref<!tpu.dma_semaphore, #tpu.memory_space<semaphore_mem>>
      tpu.wait_indirect_dma semaphore(%dma_wait3A_806 : memref<!tpu.dma_semaphore, #tpu.memory_space<semaphore_mem>>) src(%dma_wait3A_804 : memref<1000000xf32, #tpu.memory_space<hbm>>) dst(%dma_wait3A_799 : memref<128xf32, #tpu.memory_space<vmem>>)
      %dma_wait3A_807 = arith.constant 1 : i32
      %dma_wait3A_808 = arith.constant 1 : i32
      %dma_wait3A_809 = arith.constant 128 : i32
      %dma_wait3A_810 = tpu.memref_slice %arg9[%dma_wait3A_807, %dma_wait3A_809] : memref<4x200xf32, #tpu.memory_space<vmem>> -> memref<1x72xf32, #tpu.memory_space<vmem>>
      %dma_wait3A_811 = tpu.memref_squeeze %dma_wait3A_810 : memref<1x72xf32, #tpu.memory_space<vmem>> -> memref<72xf32, #tpu.memory_space<vmem>>
      %dma_wait3A_812 = arith.constant 0 : i32
      %dma_wait3A_813 = tpu.memref_slice %arg8[%add3A_766, %dma_wait3A_812] : memref<128x128xi32, #tpu.memory_space<vmem>> -> memref<1x72xi32, #tpu.memory_space<vmem>>
      %dma_wait3A_814 = tpu.memref_squeeze %dma_wait3A_813 : memref<1x72xi32, #tpu.memory_space<vmem>> -> memref<72xi32, #tpu.memory_space<vmem>>
      %dma_wait3A_815 = arith.constant 0 : i32
      %dma_wait3A_816 = tpu.memref_slice %arg5[%dma_wait3A_815] : memref<1000000xf32, #tpu.memory_space<hbm>> -> memref<1000000xf32, #tpu.memory_space<hbm>>
      %dma_wait3A_817 = tpu.memref_slice %arg13[%dma_wait3A_808] : memref<4x!tpu.dma_semaphore, #tpu.memory_space<semaphore_mem>> -> memref<1x!tpu.dma_semaphore, #tpu.memory_space<semaphore_mem>>
      %dma_wait3A_818 = tpu.memref_squeeze %dma_wait3A_817 : memref<1x!tpu.dma_semaphore, #tpu.memory_space<semaphore_mem>> -> memref<!tpu.dma_semaphore, #tpu.memory_space<semaphore_mem>>
      tpu.wait_indirect_dma semaphore(%dma_wait3A_818 : memref<!tpu.dma_semaphore, #tpu.memory_space<semaphore_mem>>) src(%dma_wait3A_816 : memref<1000000xf32, #tpu.memory_space<hbm>>) dst(%dma_wait3A_811 : memref<72xf32, #tpu.memory_space<vmem>>)
      %get3A_819 = arith.index_cast %add3A_766 : i32 to index
      %get3A_820 = arith.constant 0 : index
      %get3A_821 = tpu.vector_load %arg7[%get3A_819, %get3A_820] {strides = array<i32>} : memref<128x128xi32, #tpu.memory_space<vmem>>, vector<1x16xi32>,
      %get3A_822 = vector.shape_cast %get3A_821 : vector<1x16xi32> to vector<16xi32>
      %ne3A_823 = arith.constant 0 : i32
      %ne3A_824 = vector.broadcast %ne3A_823 : i32 to vector<16xi32>
      %ne3A_825 = arith.cmpi ne, %get3A_822, %ne3A_824 : vector<16xi32>
      %get3A_826 = arith.constant 1 : i32
      %get3A_827 = arith.index_cast %get3A_826 : i32 to index
      %get3A_828 = arith.constant 0 : index
      %get3A_829 = tpu.vector_load %arg9[%get3A_827, %get3A_828] {strides = array<i32>} : memref<4x200xf32, #tpu.memory_space<vmem>>, vector<1x16xf32>,
      %get3A_830 = vector.shape_cast %get3A_829 : vector<1x16xf32> to vector<16xf32>
      %jit3A_831 = arith.constant 0.000000e+00 : f32
      %broadcast_in_dim3A_832 = vector.broadcast %jit3A_831 : f32 to vector<16xf32>
      %select_n3A_833 = arith.select %ne3A_825, %get3A_830, %broadcast_in_dim3A_832 : vector<16xi1>, vector<16xf32>
      %swap3A_834 = arith.constant 1 : i32
      %swap3A_835 = arith.index_cast %swap3A_834 : i32 to index
      %swap3A_836 = arith.constant 0 : index
      %swap3A_837 = tpu.vector_load %arg9[%swap3A_835, %swap3A_836] {strides = array<i32>} : memref<4x200xf32, #tpu.memory_space<vmem>>, vector<1x16xf32>,
      %swap3A_838 = vector.shape_cast %swap3A_837 : vector<1x16xf32> to vector<16xf32>
      %swap3A_839 = vector.shape_cast %select_n3A_833 : vector<16xf32> to vector<1x16xf32>
      tpu.vector_store %arg9[%swap3A_835, %swap3A_836], %swap3A_839 {strides = array<i32>} : memref<4x200xf32, #tpu.memory_space<vmem>>, vector<1x16xf32>,
      %get3A_840 = arith.index_cast %add3A_766 : i32 to index
      %get3A_841 = arith.constant 16 : index
      %get3A_842 = tpu.vector_load %arg7[%get3A_840, %get3A_841] {strides = array<i32>} : memref<128x128xi32, #tpu.memory_space<vmem>>, vector<1x16xi32>,
      %get3A_843 = vector.shape_cast %get3A_842 : vector<1x16xi32> to vector<16xi32>
      %ne3A_844 = arith.constant 0 : i32
      %ne3A_845 = vector.broadcast %ne3A_844 : i32 to vector<16xi32>
      %ne3A_846 = arith.cmpi ne, %get3A_843, %ne3A_845 : vector<16xi32>
      %get3A_847 = arith.constant 1 : i32
      %get3A_848 = arith.index_cast %get3A_847 : i32 to index
      %get3A_849 = arith.constant 16 : index
      %get3A_850 = tpu.vector_load %arg9[%get3A_848, %get3A_849] {strides = array<i32>} : memref<4x200xf32, #tpu.memory_space<vmem>>, vector<1x16xf32>,
      %get3A_851 = vector.shape_cast %get3A_850 : vector<1x16xf32> to vector<16xf32>
      %jit3A_852 = arith.constant 0.000000e+00 : f32
      %broadcast_in_dim3A_853 = vector.broadcast %jit3A_852 : f32 to vector<16xf32>
      %select_n3A_854 = arith.select %ne3A_846, %get3A_851, %broadcast_in_dim3A_853 : vector<16xi1>, vector<16xf32>
      %swap3A_855 = arith.constant 1 : i32
      %swap3A_856 = arith.index_cast %swap3A_855 : i32 to index
      %swap3A_857 = arith.constant 16 : index
      %swap3A_858 = tpu.vector_load %arg9[%swap3A_856, %swap3A_857] {strides = array<i32>} : memref<4x200xf32, #tpu.memory_space<vmem>>, vector<1x16xf32>,
      %swap3A_859 = vector.shape_cast %swap3A_858 : vector<1x16xf32> to vector<16xf32>
      %swap3A_860 = vector.shape_cast %select_n3A_854 : vector<16xf32> to vector<1x16xf32>
      tpu.vector_store %arg9[%swap3A_856, %swap3A_857], %swap3A_860 {strides = array<i32>} : memref<4x200xf32, #tpu.memory_space<vmem>>, vector<1x16xf32>,
      %get3A_861 = arith.index_cast %add3A_766 : i32 to index
      %get3A_862 = arith.constant 32 : index
      %get3A_863 = tpu.vector_load %arg7[%get3A_861, %get3A_862] {strides = array<i32>} : memref<128x128xi32, #tpu.memory_space<vmem>>, vector<1x16xi32>,
      %get3A_864 = vector.shape_cast %get3A_863 : vector<1x16xi32> to vector<16xi32>
      %ne3A_865 = arith.constant 0 : i32
      %ne3A_866 = vector.broadcast %ne3A_865 : i32 to vector<16xi32>
      %ne3A_867 = arith.cmpi ne, %get3A_864, %ne3A_866 : vector<16xi32>
      %get3A_868 = arith.constant 1 : i32
      %get3A_869 = arith.index_cast %get3A_868 : i32 to index
      %get3A_870 = arith.constant 32 : index
      %get3A_871 = tpu.vector_load %arg9[%get3A_869, %get3A_870] {strides = array<i32>} : memref<4x200xf32, #tpu.memory_space<vmem>>, vector<1x16xf32>,
      %get3A_872 = vector.shape_cast %get3A_871 : vector<1x16xf32> to vector<16xf32>
      %jit3A_873 = arith.constant 0.000000e+00 : f32
      %broadcast_in_dim3A_874 = vector.broadcast %jit3A_873 : f32 to vector<16xf32>
      %select_n3A_875 = arith.select %ne3A_867, %get3A_872, %broadcast_in_dim3A_874 : vector<16xi1>, vector<16xf32>
      %swap3A_876 = arith.constant 1 : i32
      %swap3A_877 = arith.index_cast %swap3A_876 : i32 to index
      %swap3A_878 = arith.constant 32 : index
      %swap3A_879 = tpu.vector_load %arg9[%swap3A_877, %swap3A_878] {strides = array<i32>} : memref<4x200xf32, #tpu.memory_space<vmem>>, vector<1x16xf32>,
      %swap3A_880 = vector.shape_cast %swap3A_879 : vector<1x16xf32> to vector<16xf32>
      %swap3A_881 = vector.shape_cast %select_n3A_875 : vector<16xf32> to vector<1x16xf32>
      tpu.vector_store %arg9[%swap3A_877, %swap3A_878], %swap3A_881 {strides = array<i32>} : memref<4x200xf32, #tpu.memory_space<vmem>>, vector<1x16xf32>,
      %get3A_882 = arith.index_cast %add3A_766 : i32 to index
      %get3A_883 = arith.constant 48 : index
      %get3A_884 = tpu.vector_load %arg7[%get3A_882, %get3A_883] {strides = array<i32>} : memref<128x128xi32, #tpu.memory_space<vmem>>, vector<1x16xi32>,
      %get3A_885 = vector.shape_cast %get3A_884 : vector<1x16xi32> to vector<16xi32>
      %ne3A_886 = arith.constant 0 : i32
      %ne3A_887 = vector.broadcast %ne3A_886 : i32 to vector<16xi32>
      %ne3A_888 = arith.cmpi ne, %get3A_885, %ne3A_887 : vector<16xi32>
      %get3A_889 = arith.constant 1 : i32
      %get3A_890 = arith.index_cast %get3A_889 : i32 to index
      %get3A_891 = arith.constant 48 : index
      %get3A_892 = tpu.vector_load %arg9[%get3A_890, %get3A_891] {strides = array<i32>} : memref<4x200xf32, #tpu.memory_space<vmem>>, vector<1x16xf32>,
      %get3A_893 = vector.shape_cast %get3A_892 : vector<1x16xf32> to vector<16xf32>
      %jit3A_894 = arith.constant 0.000000e+00 : f32
      %broadcast_in_dim3A_895 = vector.broadcast %jit3A_894 : f32 to vector<16xf32>
      %select_n3A_896 = arith.select %ne3A_888, %get3A_893, %broadcast_in_dim3A_895 : vector<16xi1>, vector<16xf32>
      %swap3A_897 = arith.constant 1 : i32
      %swap3A_898 = arith.index_cast %swap3A_897 : i32 to index
      %swap3A_899 = arith.constant 48 : index
      %swap3A_900 = tpu.vector_load %arg9[%swap3A_898, %swap3A_899] {strides = array<i32>} : memref<4x200xf32, #tpu.memory_space<vmem>>, vector<1x16xf32>,
      %swap3A_901 = vector.shape_cast %swap3A_900 : vector<1x16xf32> to vector<16xf32>
      %swap3A_902 = vector.shape_cast %select_n3A_896 : vector<16xf32> to vector<1x16xf32>
      tpu.vector_store %arg9[%swap3A_898, %swap3A_899], %swap3A_902 {strides = array<i32>} : memref<4x200xf32, #tpu.memory_space<vmem>>, vector<1x16xf32>,
      %get3A_903 = arith.index_cast %add3A_766 : i32 to index
      %get3A_904 = arith.constant 64 : index
      %get3A_905 = tpu.vector_load %arg7[%get3A_903, %get3A_904] {strides = array<i32>} : memref<128x128xi32, #tpu.memory_space<vmem>>, vector<1x16xi32>,
      %get3A_906 = vector.shape_cast %get3A_905 : vector<1x16xi32> to vector<16xi32>
      %ne3A_907 = arith.constant 0 : i32
      %ne3A_908 = vector.broadcast %ne3A_907 : i32 to vector<16xi32>
      %ne3A_909 = arith.cmpi ne, %get3A_906, %ne3A_908 : vector<16xi32>
      %get3A_910 = arith.constant 1 : i32
      %get3A_911 = arith.index_cast %get3A_910 : i32 to index
      %get3A_912 = arith.constant 64 : index
      %get3A_913 = tpu.vector_load %arg9[%get3A_911, %get3A_912] {strides = array<i32>} : memref<4x200xf32, #tpu.memory_space<vmem>>, vector<1x16xf32>,
      %get3A_914 = vector.shape_cast %get3A_913 : vector<1x16xf32> to vector<16xf32>
      %jit3A_915 = arith.constant 0.000000e+00 : f32
      %broadcast_in_dim3A_916 = vector.broadcast %jit3A_915 : f32 to vector<16xf32>
      %select_n3A_917 = arith.select %ne3A_909, %get3A_914, %broadcast_in_dim3A_916 : vector<16xi1>, vector<16xf32>
      %swap3A_918 = arith.constant 1 : i32
      %swap3A_919 = arith.index_cast %swap3A_918 : i32 to index
      %swap3A_920 = arith.constant 64 : index
      %swap3A_921 = tpu.vector_load %arg9[%swap3A_919, %swap3A_920] {strides = array<i32>} : memref<4x200xf32, #tpu.memory_space<vmem>>, vector<1x16xf32>,
      %swap3A_922 = vector.shape_cast %swap3A_921 : vector<1x16xf32> to vector<16xf32>
      %swap3A_923 = vector.shape_cast %select_n3A_917 : vector<16xf32> to vector<1x16xf32>
      tpu.vector_store %arg9[%swap3A_919, %swap3A_920], %swap3A_923 {strides = array<i32>} : memref<4x200xf32, #tpu.memory_space<vmem>>, vector<1x16xf32>,
      %get3A_924 = arith.index_cast %add3A_766 : i32 to index
      %get3A_925 = arith.constant 80 : index
      %get3A_926 = tpu.vector_load %arg7[%get3A_924, %get3A_925] {strides = array<i32>} : memref<128x128xi32, #tpu.memory_space<vmem>>, vector<1x16xi32>,
      %get3A_927 = vector.shape_cast %get3A_926 : vector<1x16xi32> to vector<16xi32>
      %ne3A_928 = arith.constant 0 : i32
      %ne3A_929 = vector.broadcast %ne3A_928 : i32 to vector<16xi32>
      %ne3A_930 = arith.cmpi ne, %get3A_927, %ne3A_929 : vector<16xi32>
      %get3A_931 = arith.constant 1 : i32
      %get3A_932 = arith.index_cast %get3A_931 : i32 to index
      %get3A_933 = arith.constant 80 : index
      %get3A_934 = tpu.vector_load %arg9[%get3A_932, %get3A_933] {strides = array<i32>} : memref<4x200xf32, #tpu.memory_space<vmem>>, vector<1x16xf32>,
      %get3A_935 = vector.shape_cast %get3A_934 : vector<1x16xf32> to vector<16xf32>
      %jit3A_936 = arith.constant 0.000000e+00 : f32
      %broadcast_in_dim3A_937 = vector.broadcast %jit3A_936 : f32 to vector<16xf32>
      %select_n3A_938 = arith.select %ne3A_930, %get3A_935, %broadcast_in_dim3A_937 : vector<16xi1>, vector<16xf32>
      %swap3A_939 = arith.constant 1 : i32
      %swap3A_940 = arith.index_cast %swap3A_939 : i32 to index
      %swap3A_941 = arith.constant 80 : index
      %swap3A_942 = tpu.vector_load %arg9[%swap3A_940, %swap3A_941] {strides = array<i32>} : memref<4x200xf32, #tpu.memory_space<vmem>>, vector<1x16xf32>,
      %swap3A_943 = vector.shape_cast %swap3A_942 : vector<1x16xf32> to vector<16xf32>
      %swap3A_944 = vector.shape_cast %select_n3A_938 : vector<16xf32> to vector<1x16xf32>
      tpu.vector_store %arg9[%swap3A_940, %swap3A_941], %swap3A_944 {strides = array<i32>} : memref<4x200xf32, #tpu.memory_space<vmem>>, vector<1x16xf32>,
      %get3A_945 = arith.index_cast %add3A_766 : i32 to index
      %get3A_946 = arith.constant 96 : index
      %get3A_947 = tpu.vector_load %arg7[%get3A_945, %get3A_946] {strides = array<i32>} : memref<128x128xi32, #tpu.memory_space<vmem>>, vector<1x16xi32>,
      %get3A_948 = vector.shape_cast %get3A_947 : vector<1x16xi32> to vector<16xi32>
      %ne3A_949 = arith.constant 0 : i32
      %ne3A_950 = vector.broadcast %ne3A_949 : i32 to vector<16xi32>
      %ne3A_951 = arith.cmpi ne, %get3A_948, %ne3A_950 : vector<16xi32>
      %get3A_952 = arith.constant 1 : i32
      %get3A_953 = arith.index_cast %get3A_952 : i32 to index
      %get3A_954 = arith.constant 96 : index
      %get3A_955 = tpu.vector_load %arg9[%get3A_953, %get3A_954] {strides = array<i32>} : memref<4x200xf32, #tpu.memory_space<vmem>>, vector<1x16xf32>,
      %get3A_956 = vector.shape_cast %get3A_955 : vector<1x16xf32> to vector<16xf32>
      %jit3A_957 = arith.constant 0.000000e+00 : f32
      %broadcast_in_dim3A_958 = vector.broadcast %jit3A_957 : f32 to vector<16xf32>
      %select_n3A_959 = arith.select %ne3A_951, %get3A_956, %broadcast_in_dim3A_958 : vector<16xi1>, vector<16xf32>
      %swap3A_960 = arith.constant 1 : i32
      %swap3A_961 = arith.index_cast %swap3A_960 : i32 to index
      %swap3A_962 = arith.constant 96 : index
      %swap3A_963 = tpu.vector_load %arg9[%swap3A_961, %swap3A_962] {strides = array<i32>} : memref<4x200xf32, #tpu.memory_space<vmem>>, vector<1x16xf32>,
      %swap3A_964 = vector.shape_cast %swap3A_963 : vector<1x16xf32> to vector<16xf32>
      %swap3A_965 = vector.shape_cast %select_n3A_959 : vector<16xf32> to vector<1x16xf32>
      tpu.vector_store %arg9[%swap3A_961, %swap3A_962], %swap3A_965 {strides = array<i32>} : memref<4x200xf32, #tpu.memory_space<vmem>>, vector<1x16xf32>,
      %get3A_966 = arith.index_cast %add3A_766 : i32 to index
      %get3A_967 = arith.constant 112 : index
      %get3A_968 = tpu.vector_load %arg7[%get3A_966, %get3A_967] {strides = array<i32>} : memref<128x128xi32, #tpu.memory_space<vmem>>, vector<1x16xi32>,
      %get3A_969 = vector.shape_cast %get3A_968 : vector<1x16xi32> to vector<16xi32>
      %ne3A_970 = arith.constant 0 : i32
      %ne3A_971 = vector.broadcast %ne3A_970 : i32 to vector<16xi32>
      %ne3A_972 = arith.cmpi ne, %get3A_969, %ne3A_971 : vector<16xi32>
      %get3A_973 = arith.constant 1 : i32
      %get3A_974 = arith.index_cast %get3A_973 : i32 to index
      %get3A_975 = arith.constant 112 : index
      %get3A_976 = tpu.vector_load %arg9[%get3A_974, %get3A_975] {strides = array<i32>} : memref<4x200xf32, #tpu.memory_space<vmem>>, vector<1x16xf32>,
      %get3A_977 = vector.shape_cast %get3A_976 : vector<1x16xf32> to vector<16xf32>
      %jit3A_978 = arith.constant 0.000000e+00 : f32
      %broadcast_in_dim3A_979 = vector.broadcast %jit3A_978 : f32 to vector<16xf32>
      %select_n3A_980 = arith.select %ne3A_972, %get3A_977, %broadcast_in_dim3A_979 : vector<16xi1>, vector<16xf32>
      %swap3A_981 = arith.constant 1 : i32
      %swap3A_982 = arith.index_cast %swap3A_981 : i32 to index
      %swap3A_983 = arith.constant 112 : index
      %swap3A_984 = tpu.vector_load %arg9[%swap3A_982, %swap3A_983] {strides = array<i32>} : memref<4x200xf32, #tpu.memory_space<vmem>>, vector<1x16xf32>,
      %swap3A_985 = vector.shape_cast %swap3A_984 : vector<1x16xf32> to vector<16xf32>
      %swap3A_986 = vector.shape_cast %select_n3A_980 : vector<16xf32> to vector<1x16xf32>
      tpu.vector_store %arg9[%swap3A_982, %swap3A_983], %swap3A_986 {strides = array<i32>} : memref<4x200xf32, #tpu.memory_space<vmem>>, vector<1x16xf32>,
      %get3A_987 = arith.index_cast %add3A_766 : i32 to index
      %get3A_988 = arith.constant 0 : index
      %get3A_989 = tpu.vector_load %arg8[%get3A_987, %get3A_988] {strides = array<i32>} : memref<128x128xi32, #tpu.memory_space<vmem>>, vector<1x16xi32>,
      %get3A_990 = vector.shape_cast %get3A_989 : vector<1x16xi32> to vector<16xi32>
      %ne3A_991 = arith.constant 0 : i32
      %ne3A_992 = vector.broadcast %ne3A_991 : i32 to vector<16xi32>
      %ne3A_993 = arith.cmpi ne, %get3A_990, %ne3A_992 : vector<16xi32>
      %get3A_994 = arith.constant 1 : i32
      %get3A_995 = arith.index_cast %get3A_994 : i32 to index
      %get3A_996 = arith.constant 128 : index
      %get3A_997 = tpu.vector_load %arg9[%get3A_995, %get3A_996] {strides = array<i32>} : memref<4x200xf32, #tpu.memory_space<vmem>>, vector<1x16xf32>,
      %get3A_998 = vector.shape_cast %get3A_997 : vector<1x16xf32> to vector<16xf32>
      %jit3A_999 = arith.constant 0.000000e+00 : f32
      %broadcast_in_dim3A_1000 = vector.broadcast %jit3A_999 : f32 to vector<16xf32>
      %select_n3A_1001 = arith.select %ne3A_993, %get3A_998, %broadcast_in_dim3A_1000 : vector<16xi1>, vector<16xf32>
      %swap3A_1002 = arith.constant 1 : i32
      %swap3A_1003 = arith.index_cast %swap3A_1002 : i32 to index
      %swap3A_1004 = arith.constant 128 : index
      %swap3A_1005 = tpu.vector_load %arg9[%swap3A_1003, %swap3A_1004] {strides = array<i32>} : memref<4x200xf32, #tpu.memory_space<vmem>>, vector<1x16xf32>,
      %swap3A_1006 = vector.shape_cast %swap3A_1005 : vector<1x16xf32> to vector<16xf32>
      %swap3A_1007 = vector.shape_cast %select_n3A_1001 : vector<16xf32> to vector<1x16xf32>
      tpu.vector_store %arg9[%swap3A_1003, %swap3A_1004], %swap3A_1007 {strides = array<i32>} : memref<4x200xf32, #tpu.memory_space<vmem>>, vector<1x16xf32>,
      %get3A_1008 = arith.index_cast %add3A_766 : i32 to index
      %get3A_1009 = arith.constant 16 : index
      %get3A_1010 = tpu.vector_load %arg8[%get3A_1008, %get3A_1009] {strides = array<i32>} : memref<128x128xi32, #tpu.memory_space<vmem>>, vector<1x16xi32>,
      %get3A_1011 = vector.shape_cast %get3A_1010 : vector<1x16xi32> to vector<16xi32>
      %ne3A_1012 = arith.constant 0 : i32
      %ne3A_1013 = vector.broadcast %ne3A_1012 : i32 to vector<16xi32>
      %ne3A_1014 = arith.cmpi ne, %get3A_1011, %ne3A_1013 : vector<16xi32>
      %get3A_1015 = arith.constant 1 : i32
      %get3A_1016 = arith.index_cast %get3A_1015 : i32 to index
      %get3A_1017 = arith.constant 144 : index
      %get3A_1018 = tpu.vector_load %arg9[%get3A_1016, %get3A_1017] {strides = array<i32>} : memref<4x200xf32, #tpu.memory_space<vmem>>, vector<1x16xf32>,
      %get3A_1019 = vector.shape_cast %get3A_1018 : vector<1x16xf32> to vector<16xf32>
      %jit3A_1020 = arith.constant 0.000000e+00 : f32
      %broadcast_in_dim3A_1021 = vector.broadcast %jit3A_1020 : f32 to vector<16xf32>
      %select_n3A_1022 = arith.select %ne3A_1014, %get3A_1019, %broadcast_in_dim3A_1021 : vector<16xi1>, vector<16xf32>
      %swap3A_1023 = arith.constant 1 : i32
      %swap3A_1024 = arith.index_cast %swap3A_1023 : i32 to index
      %swap3A_1025 = arith.constant 144 : index
      %swap3A_1026 = tpu.vector_load %arg9[%swap3A_1024, %swap3A_1025] {strides = array<i32>} : memref<4x200xf32, #tpu.memory_space<vmem>>, vector<1x16xf32>,
      %swap3A_1027 = vector.shape_cast %swap3A_1026 : vector<1x16xf32> to vector<16xf32>
      %swap3A_1028 = vector.shape_cast %select_n3A_1022 : vector<16xf32> to vector<1x16xf32>
      tpu.vector_store %arg9[%swap3A_1024, %swap3A_1025], %swap3A_1028 {strides = array<i32>} : memref<4x200xf32, #tpu.memory_space<vmem>>, vector<1x16xf32>,
      %get3A_1029 = arith.index_cast %add3A_766 : i32 to index
      %get3A_1030 = arith.constant 32 : index
      %get3A_1031 = tpu.vector_load %arg8[%get3A_1029, %get3A_1030] {strides = array<i32>} : memref<128x128xi32, #tpu.memory_space<vmem>>, vector<1x16xi32>,
      %get3A_1032 = vector.shape_cast %get3A_1031 : vector<1x16xi32> to vector<16xi32>
      %ne3A_1033 = arith.constant 0 : i32
      %ne3A_1034 = vector.broadcast %ne3A_1033 : i32 to vector<16xi32>
      %ne3A_1035 = arith.cmpi ne, %get3A_1032, %ne3A_1034 : vector<16xi32>
      %get3A_1036 = arith.constant 1 : i32
      %get3A_1037 = arith.index_cast %get3A_1036 : i32 to index
      %get3A_1038 = arith.constant 160 : index
      %get3A_1039 = tpu.vector_load %arg9[%get3A_1037, %get3A_1038] {strides = array<i32>} : memref<4x200xf32, #tpu.memory_space<vmem>>, vector<1x16xf32>,
      %get3A_1040 = vector.shape_cast %get3A_1039 : vector<1x16xf32> to vector<16xf32>
      %jit3A_1041 = arith.constant 0.000000e+00 : f32
      %broadcast_in_dim3A_1042 = vector.broadcast %jit3A_1041 : f32 to vector<16xf32>
      %select_n3A_1043 = arith.select %ne3A_1035, %get3A_1040, %broadcast_in_dim3A_1042 : vector<16xi1>, vector<16xf32>
      %swap3A_1044 = arith.constant 1 : i32
      %swap3A_1045 = arith.index_cast %swap3A_1044 : i32 to index
      %swap3A_1046 = arith.constant 160 : index
      %swap3A_1047 = tpu.vector_load %arg9[%swap3A_1045, %swap3A_1046] {strides = array<i32>} : memref<4x200xf32, #tpu.memory_space<vmem>>, vector<1x16xf32>,
      %swap3A_1048 = vector.shape_cast %swap3A_1047 : vector<1x16xf32> to vector<16xf32>
      %swap3A_1049 = vector.shape_cast %select_n3A_1043 : vector<16xf32> to vector<1x16xf32>
      tpu.vector_store %arg9[%swap3A_1045, %swap3A_1046], %swap3A_1049 {strides = array<i32>} : memref<4x200xf32, #tpu.memory_space<vmem>>, vector<1x16xf32>,
      %get3A_1050 = arith.index_cast %add3A_766 : i32 to index
      %get3A_1051 = arith.constant 48 : index
      %get3A_1052 = tpu.vector_load %arg8[%get3A_1050, %get3A_1051] {strides = array<i32>} : memref<128x128xi32, #tpu.memory_space<vmem>>, vector<1x16xi32>,
      %get3A_1053 = vector.shape_cast %get3A_1052 : vector<1x16xi32> to vector<16xi32>
      %ne3A_1054 = arith.constant 0 : i32
      %ne3A_1055 = vector.broadcast %ne3A_1054 : i32 to vector<16xi32>
      %ne3A_1056 = arith.cmpi ne, %get3A_1053, %ne3A_1055 : vector<16xi32>
      %get3A_1057 = arith.constant 1 : i32
      %get3A_1058 = arith.index_cast %get3A_1057 : i32 to index
      %get3A_1059 = arith.constant 176 : index
      %get3A_1060 = tpu.vector_load %arg9[%get3A_1058, %get3A_1059] {strides = array<i32>} : memref<4x200xf32, #tpu.memory_space<vmem>>, vector<1x16xf32>,
      %get3A_1061 = vector.shape_cast %get3A_1060 : vector<1x16xf32> to vector<16xf32>
      %jit3A_1062 = arith.constant 0.000000e+00 : f32
      %broadcast_in_dim3A_1063 = vector.broadcast %jit3A_1062 : f32 to vector<16xf32>
      %select_n3A_1064 = arith.select %ne3A_1056, %get3A_1061, %broadcast_in_dim3A_1063 : vector<16xi1>, vector<16xf32>
      %swap3A_1065 = arith.constant 1 : i32
      %swap3A_1066 = arith.index_cast %swap3A_1065 : i32 to index
      %swap3A_1067 = arith.constant 176 : index
      %swap3A_1068 = tpu.vector_load %arg9[%swap3A_1066, %swap3A_1067] {strides = array<i32>} : memref<4x200xf32, #tpu.memory_space<vmem>>, vector<1x16xf32>,
      %swap3A_1069 = vector.shape_cast %swap3A_1068 : vector<1x16xf32> to vector<16xf32>
      %swap3A_1070 = vector.shape_cast %select_n3A_1064 : vector<16xf32> to vector<1x16xf32>
      tpu.vector_store %arg9[%swap3A_1066, %swap3A_1067], %swap3A_1070 {strides = array<i32>} : memref<4x200xf32, #tpu.memory_space<vmem>>, vector<1x16xf32>,
      %get3A_1071 = arith.index_cast %add3A_766 : i32 to index
      %get3A_1072 = arith.constant 56 : index
      %get3A_1073 = tpu.vector_load %arg8[%get3A_1071, %get3A_1072] {strides = array<i32>} : memref<128x128xi32, #tpu.memory_space<vmem>>, vector<1x16xi32>,
      %get3A_1074 = vector.shape_cast %get3A_1073 : vector<1x16xi32> to vector<16xi32>
      %ne3A_1075 = arith.constant 0 : i32
      %ne3A_1076 = vector.broadcast %ne3A_1075 : i32 to vector<16xi32>
      %ne3A_1077 = arith.cmpi ne, %get3A_1074, %ne3A_1076 : vector<16xi32>
      %get3A_1078 = arith.constant 1 : i32
      %get3A_1079 = arith.index_cast %get3A_1078 : i32 to index
      %get3A_1080 = arith.constant 184 : index
      %get3A_1081 = tpu.vector_load %arg9[%get3A_1079, %get3A_1080] {strides = array<i32>} : memref<4x200xf32, #tpu.memory_space<vmem>>, vector<1x16xf32>,
      %get3A_1082 = vector.shape_cast %get3A_1081 : vector<1x16xf32> to vector<16xf32>
      %jit3A_1083 = arith.constant 0.000000e+00 : f32
      %broadcast_in_dim3A_1084 = vector.broadcast %jit3A_1083 : f32 to vector<16xf32>
      %select_n3A_1085 = arith.select %ne3A_1077, %get3A_1082, %broadcast_in_dim3A_1084 : vector<16xi1>, vector<16xf32>
      %swap3A_1086 = arith.constant 1 : i32
      %swap3A_1087 = arith.index_cast %swap3A_1086 : i32 to index
      %swap3A_1088 = arith.constant 184 : index
      %swap3A_1089 = tpu.vector_load %arg9[%swap3A_1087, %swap3A_1088] {strides = array<i32>} : memref<4x200xf32, #tpu.memory_space<vmem>>, vector<1x16xf32>,
      %swap3A_1090 = vector.shape_cast %swap3A_1089 : vector<1x16xf32> to vector<16xf32>
      %swap3A_1091 = vector.shape_cast %select_n3A_1085 : vector<16xf32> to vector<1x16xf32>
      tpu.vector_store %arg9[%swap3A_1087, %swap3A_1088], %swap3A_1091 {strides = array<i32>} : memref<4x200xf32, #tpu.memory_space<vmem>>, vector<1x16xf32>,
      %broadcast_in_dim3A_1092 = arith.constant 0.000000e+00 : f32
      %broadcast_in_dim3A_1093 = vector.broadcast %broadcast_in_dim3A_1092 : f32 to vector<16xf32>
      %scan3A_1094 = arith.constant 0 : i32
      %scan3A_1095 = arith.constant 12 : i32
      %scan3A_1096 = arith.addi %scan3A_1094, %scan3A_1095 : i32
      %scan3A_1097 = arith.constant 1 : i32
      %scan3A_1098:2 = scf.for %scan3A_2381 = %scan3A_1094 to %scan3A_1096 step %scan3A_1097 iter_args(%scan3A_2382 = %broadcast_in_dim3A_1093, %scan3A_2383 = %broadcast_in_dim3A_1093) -> (vector<16xf32>, vector<16xf32>)  : i32 {
        %mul3A_2384 = arith.constant 16 : i32
        %mul3A_2385 = arith.muli %scan3A_2381, %mul3A_2384 : i32
        %get3A_2386 = arith.constant 1 : i32
        %get3A_2387 = arith.index_cast %get3A_2386 : i32 to index
        %get3A_2388 = arith.index_cast %mul3A_2385 : i32 to index
        %get3A_2389 = tpu.vector_load %arg9[%get3A_2387, %get3A_2388] {strides = array<i32>} : memref<4x200xf32, #tpu.memory_space<vmem>>, vector<1x16xf32>,
        %get3A_2390 = vector.shape_cast %get3A_2389 : vector<1x16xf32> to vector<16xf32>
        %mul3A_2391 = arith.constant 16 : i32
        %mul3A_2392 = arith.muli %scan3A_2381, %mul3A_2391 : i32
        %add3A_2393 = arith.constant 0 : i32
        %add3A_2394 = arith.addi %mul3A_2392, %add3A_2393 : i32
        %slice3A_2395 = vector.extract_strided_slice %get3A_2390 {offsets = [0], sizes = [1], strides = [1]} : vector<16xf32> to vector<1xf32>
        %squeeze3A_2396 = vector.extract %slice3A_2395[0] : f32 from vector<1xf32>
        %get3A_2397 = arith.constant 1 : i32
        %get3A_2398 = arith.index_cast %get3A_2397 : i32 to index
        %get3A_2399 = arith.index_cast %add3A_2394 : i32 to index
        %get3A_2400 = arith.constant 0 : index
        %get3A_2401 = tpu.vector_load %arg10[%get3A_2398, %get3A_2399, %get3A_2400] {strides = array<i32>} : memref<4x200x32xf32, #tpu.memory_space<vmem>>, vector<1x1x16xf32>,
        %get3A_2402 = vector.shape_cast %get3A_2401 : vector<1x1x16xf32> to vector<16xf32>
        %mul3A_2403 = vector.broadcast %squeeze3A_2396 : f32 to vector<16xf32>
        %mul3A_2404 = arith.mulf %mul3A_2403, %get3A_2402 : vector<16xf32>
        %add3A_2405 = arith.addf %scan3A_2382, %mul3A_2404 : vector<16xf32>
        %get3A_2406 = arith.constant 1 : i32
        %get3A_2407 = arith.index_cast %get3A_2406 : i32 to index
        %get3A_2408 = arith.index_cast %add3A_2394 : i32 to index
        %get3A_2409 = arith.constant 16 : index
        %get3A_2410 = tpu.vector_load %arg10[%get3A_2407, %get3A_2408, %get3A_2409] {strides = array<i32>} : memref<4x200x32xf32, #tpu.memory_space<vmem>>, vector<1x1x16xf32>,
        %get3A_2411 = vector.shape_cast %get3A_2410 : vector<1x1x16xf32> to vector<16xf32>
        %mul3A_2412 = vector.broadcast %squeeze3A_2396 : f32 to vector<16xf32>
        %mul3A_2413 = arith.mulf %mul3A_2412, %get3A_2411 : vector<16xf32>
        %add3A_2414 = arith.addf %scan3A_2383, %mul3A_2413 : vector<16xf32>
        %add3A_2415 = arith.constant 1 : i32
        %add3A_2416 = arith.addi %mul3A_2392, %add3A_2415 : i32
        %slice3A_2417 = vector.extract_strided_slice %get3A_2390 {offsets = [1], sizes = [1], strides = [1]} : vector<16xf32> to vector<1xf32>
        %squeeze3A_2418 = vector.extract %slice3A_2417[0] : f32 from vector<1xf32>
        %get3A_2419 = arith.constant 1 : i32
        %get3A_2420 = arith.index_cast %get3A_2419 : i32 to index
        %get3A_2421 = arith.index_cast %add3A_2416 : i32 to index
        %get3A_2422 = arith.constant 0 : index
        %get3A_2423 = tpu.vector_load %arg10[%get3A_2420, %get3A_2421, %get3A_2422] {strides = array<i32>} : memref<4x200x32xf32, #tpu.memory_space<vmem>>, vector<1x1x16xf32>,
        %get3A_2424 = vector.shape_cast %get3A_2423 : vector<1x1x16xf32> to vector<16xf32>
        %mul3A_2425 = vector.broadcast %squeeze3A_2418 : f32 to vector<16xf32>
        %mul3A_2426 = arith.mulf %mul3A_2425, %get3A_2424 : vector<16xf32>
        %add3A_2427 = arith.addf %add3A_2405, %mul3A_2426 : vector<16xf32>
        %get3A_2428 = arith.constant 1 : i32
        %get3A_2429 = arith.index_cast %get3A_2428 : i32 to index
        %get3A_2430 = arith.index_cast %add3A_2416 : i32 to index
        %get3A_2431 = arith.constant 16 : index
        %get3A_2432 = tpu.vector_load %arg10[%get3A_2429, %get3A_2430, %get3A_2431] {strides = array<i32>} : memref<4x200x32xf32, #tpu.memory_space<vmem>>, vector<1x1x16xf32>,
        %get3A_2433 = vector.shape_cast %get3A_2432 : vector<1x1x16xf32> to vector<16xf32>
        %mul3A_2434 = vector.broadcast %squeeze3A_2418 : f32 to vector<16xf32>
        %mul3A_2435 = arith.mulf %mul3A_2434, %get3A_2433 : vector<16xf32>
        %add3A_2436 = arith.addf %add3A_2414, %mul3A_2435 : vector<16xf32>
        %add3A_2437 = arith.constant 2 : i32
        %add3A_2438 = arith.addi %mul3A_2392, %add3A_2437 : i32
        %slice3A_2439 = vector.extract_strided_slice %get3A_2390 {offsets = [2], sizes = [1], strides = [1]} : vector<16xf32> to vector<1xf32>
        %squeeze3A_2440 = vector.extract %slice3A_2439[0] : f32 from vector<1xf32>
        %get3A_2441 = arith.constant 1 : i32
        %get3A_2442 = arith.index_cast %get3A_2441 : i32 to index
        %get3A_2443 = arith.index_cast %add3A_2438 : i32 to index
        %get3A_2444 = arith.constant 0 : index
        %get3A_2445 = tpu.vector_load %arg10[%get3A_2442, %get3A_2443, %get3A_2444] {strides = array<i32>} : memref<4x200x32xf32, #tpu.memory_space<vmem>>, vector<1x1x16xf32>,
        %get3A_2446 = vector.shape_cast %get3A_2445 : vector<1x1x16xf32> to vector<16xf32>
        %mul3A_2447 = vector.broadcast %squeeze3A_2440 : f32 to vector<16xf32>
        %mul3A_2448 = arith.mulf %mul3A_2447, %get3A_2446 : vector<16xf32>
        %add3A_2449 = arith.addf %add3A_2427, %mul3A_2448 : vector<16xf32>
        %get3A_2450 = arith.constant 1 : i32
        %get3A_2451 = arith.index_cast %get3A_2450 : i32 to index
        %get3A_2452 = arith.index_cast %add3A_2438 : i32 to index
        %get3A_2453 = arith.constant 16 : index
        %get3A_2454 = tpu.vector_load %arg10[%get3A_2451, %get3A_2452, %get3A_2453] {strides = array<i32>} : memref<4x200x32xf32, #tpu.memory_space<vmem>>, vector<1x1x16xf32>,
        %get3A_2455 = vector.shape_cast %get3A_2454 : vector<1x1x16xf32> to vector<16xf32>
        %mul3A_2456 = vector.broadcast %squeeze3A_2440 : f32 to vector<16xf32>
        %mul3A_2457 = arith.mulf %mul3A_2456, %get3A_2455 : vector<16xf32>
        %add3A_2458 = arith.addf %add3A_2436, %mul3A_2457 : vector<16xf32>
        %add3A_2459 = arith.constant 3 : i32
        %add3A_2460 = arith.addi %mul3A_2392, %add3A_2459 : i32
        %slice3A_2461 = vector.extract_strided_slice %get3A_2390 {offsets = [3], sizes = [1], strides = [1]} : vector<16xf32> to vector<1xf32>
        %squeeze3A_2462 = vector.extract %slice3A_2461[0] : f32 from vector<1xf32>
        %get3A_2463 = arith.constant 1 : i32
        %get3A_2464 = arith.index_cast %get3A_2463 : i32 to index
        %get3A_2465 = arith.index_cast %add3A_2460 : i32 to index
        %get3A_2466 = arith.constant 0 : index
        %get3A_2467 = tpu.vector_load %arg10[%get3A_2464, %get3A_2465, %get3A_2466] {strides = array<i32>} : memref<4x200x32xf32, #tpu.memory_space<vmem>>, vector<1x1x16xf32>,
        %get3A_2468 = vector.shape_cast %get3A_2467 : vector<1x1x16xf32> to vector<16xf32>
        %mul3A_2469 = vector.broadcast %squeeze3A_2462 : f32 to vector<16xf32>
        %mul3A_2470 = arith.mulf %mul3A_2469, %get3A_2468 : vector<16xf32>
        %add3A_2471 = arith.addf %add3A_2449, %mul3A_2470 : vector<16xf32>
        %get3A_2472 = arith.constant 1 : i32
        %get3A_2473 = arith.index_cast %get3A_2472 : i32 to index
        %get3A_2474 = arith.index_cast %add3A_2460 : i32 to index
        %get3A_2475 = arith.constant 16 : index
        %get3A_2476 = tpu.vector_load %arg10[%get3A_2473, %get3A_2474, %get3A_2475] {strides = array<i32>} : memref<4x200x32xf32, #tpu.memory_space<vmem>>, vector<1x1x16xf32>,
        %get3A_2477 = vector.shape_cast %get3A_2476 : vector<1x1x16xf32> to vector<16xf32>
        %mul3A_2478 = vector.broadcast %squeeze3A_2462 : f32 to vector<16xf32>
        %mul3A_2479 = arith.mulf %mul3A_2478, %get3A_2477 : vector<16xf32>
        %add3A_2480 = arith.addf %add3A_2458, %mul3A_2479 : vector<16xf32>
        %add3A_2481 = arith.constant 4 : i32
        %add3A_2482 = arith.addi %mul3A_2392, %add3A_2481 : i32
        %slice3A_2483 = vector.extract_strided_slice %get3A_2390 {offsets = [4], sizes = [1], strides = [1]} : vector<16xf32> to vector<1xf32>
        %squeeze3A_2484 = vector.extract %slice3A_2483[0] : f32 from vector<1xf32>
        %get3A_2485 = arith.constant 1 : i32
        %get3A_2486 = arith.index_cast %get3A_2485 : i32 to index
        %get3A_2487 = arith.index_cast %add3A_2482 : i32 to index
        %get3A_2488 = arith.constant 0 : index
        %get3A_2489 = tpu.vector_load %arg10[%get3A_2486, %get3A_2487, %get3A_2488] {strides = array<i32>} : memref<4x200x32xf32, #tpu.memory_space<vmem>>, vector<1x1x16xf32>,
        %get3A_2490 = vector.shape_cast %get3A_2489 : vector<1x1x16xf32> to vector<16xf32>
        %mul3A_2491 = vector.broadcast %squeeze3A_2484 : f32 to vector<16xf32>
        %mul3A_2492 = arith.mulf %mul3A_2491, %get3A_2490 : vector<16xf32>
        %add3A_2493 = arith.addf %add3A_2471, %mul3A_2492 : vector<16xf32>
        %get3A_2494 = arith.constant 1 : i32
        %get3A_2495 = arith.index_cast %get3A_2494 : i32 to index
        %get3A_2496 = arith.index_cast %add3A_2482 : i32 to index
        %get3A_2497 = arith.constant 16 : index
        %get3A_2498 = tpu.vector_load %arg10[%get3A_2495, %get3A_2496, %get3A_2497] {strides = array<i32>} : memref<4x200x32xf32, #tpu.memory_space<vmem>>, vector<1x1x16xf32>,
        %get3A_2499 = vector.shape_cast %get3A_2498 : vector<1x1x16xf32> to vector<16xf32>
        %mul3A_2500 = vector.broadcast %squeeze3A_2484 : f32 to vector<16xf32>
        %mul3A_2501 = arith.mulf %mul3A_2500, %get3A_2499 : vector<16xf32>
        %add3A_2502 = arith.addf %add3A_2480, %mul3A_2501 : vector<16xf32>
        %add3A_2503 = arith.constant 5 : i32
        %add3A_2504 = arith.addi %mul3A_2392, %add3A_2503 : i32
        %slice3A_2505 = vector.extract_strided_slice %get3A_2390 {offsets = [5], sizes = [1], strides = [1]} : vector<16xf32> to vector<1xf32>
        %squeeze3A_2506 = vector.extract %slice3A_2505[0] : f32 from vector<1xf32>
        %get3A_2507 = arith.constant 1 : i32
        %get3A_2508 = arith.index_cast %get3A_2507 : i32 to index
        %get3A_2509 = arith.index_cast %add3A_2504 : i32 to index
        %get3A_2510 = arith.constant 0 : index
        %get3A_2511 = tpu.vector_load %arg10[%get3A_2508, %get3A_2509, %get3A_2510] {strides = array<i32>} : memref<4x200x32xf32, #tpu.memory_space<vmem>>, vector<1x1x16xf32>,
        %get3A_2512 = vector.shape_cast %get3A_2511 : vector<1x1x16xf32> to vector<16xf32>
        %mul3A_2513 = vector.broadcast %squeeze3A_2506 : f32 to vector<16xf32>
        %mul3A_2514 = arith.mulf %mul3A_2513, %get3A_2512 : vector<16xf32>
        %add3A_2515 = arith.addf %add3A_2493, %mul3A_2514 : vector<16xf32>
        %get3A_2516 = arith.constant 1 : i32
        %get3A_2517 = arith.index_cast %get3A_2516 : i32 to index
        %get3A_2518 = arith.index_cast %add3A_2504 : i32 to index
        %get3A_2519 = arith.constant 16 : index
        %get3A_2520 = tpu.vector_load %arg10[%get3A_2517, %get3A_2518, %get3A_2519] {strides = array<i32>} : memref<4x200x32xf32, #tpu.memory_space<vmem>>, vector<1x1x16xf32>,
        %get3A_2521 = vector.shape_cast %get3A_2520 : vector<1x1x16xf32> to vector<16xf32>
        %mul3A_2522 = vector.broadcast %squeeze3A_2506 : f32 to vector<16xf32>
        %mul3A_2523 = arith.mulf %mul3A_2522, %get3A_2521 : vector<16xf32>
        %add3A_2524 = arith.addf %add3A_2502, %mul3A_2523 : vector<16xf32>
        %add3A_2525 = arith.constant 6 : i32
        %add3A_2526 = arith.addi %mul3A_2392, %add3A_2525 : i32
        %slice3A_2527 = vector.extract_strided_slice %get3A_2390 {offsets = [6], sizes = [1], strides = [1]} : vector<16xf32> to vector<1xf32>
        %squeeze3A_2528 = vector.extract %slice3A_2527[0] : f32 from vector<1xf32>
        %get3A_2529 = arith.constant 1 : i32
        %get3A_2530 = arith.index_cast %get3A_2529 : i32 to index
        %get3A_2531 = arith.index_cast %add3A_2526 : i32 to index
        %get3A_2532 = arith.constant 0 : index
        %get3A_2533 = tpu.vector_load %arg10[%get3A_2530, %get3A_2531, %get3A_2532] {strides = array<i32>} : memref<4x200x32xf32, #tpu.memory_space<vmem>>, vector<1x1x16xf32>,
        %get3A_2534 = vector.shape_cast %get3A_2533 : vector<1x1x16xf32> to vector<16xf32>
        %mul3A_2535 = vector.broadcast %squeeze3A_2528 : f32 to vector<16xf32>
        %mul3A_2536 = arith.mulf %mul3A_2535, %get3A_2534 : vector<16xf32>
        %add3A_2537 = arith.addf %add3A_2515, %mul3A_2536 : vector<16xf32>
        %get3A_2538 = arith.constant 1 : i32
        %get3A_2539 = arith.index_cast %get3A_2538 : i32 to index
        %get3A_2540 = arith.index_cast %add3A_2526 : i32 to index
        %get3A_2541 = arith.constant 16 : index
        %get3A_2542 = tpu.vector_load %arg10[%get3A_2539, %get3A_2540, %get3A_2541] {strides = array<i32>} : memref<4x200x32xf32, #tpu.memory_space<vmem>>, vector<1x1x16xf32>,
        %get3A_2543 = vector.shape_cast %get3A_2542 : vector<1x1x16xf32> to vector<16xf32>
        %mul3A_2544 = vector.broadcast %squeeze3A_2528 : f32 to vector<16xf32>
        %mul3A_2545 = arith.mulf %mul3A_2544, %get3A_2543 : vector<16xf32>
        %add3A_2546 = arith.addf %add3A_2524, %mul3A_2545 : vector<16xf32>
        %add3A_2547 = arith.constant 7 : i32
        %add3A_2548 = arith.addi %mul3A_2392, %add3A_2547 : i32
        %slice3A_2549 = vector.extract_strided_slice %get3A_2390 {offsets = [7], sizes = [1], strides = [1]} : vector<16xf32> to vector<1xf32>
        %squeeze3A_2550 = vector.extract %slice3A_2549[0] : f32 from vector<1xf32>
        %get3A_2551 = arith.constant 1 : i32
        %get3A_2552 = arith.index_cast %get3A_2551 : i32 to index
        %get3A_2553 = arith.index_cast %add3A_2548 : i32 to index
        %get3A_2554 = arith.constant 0 : index
        %get3A_2555 = tpu.vector_load %arg10[%get3A_2552, %get3A_2553, %get3A_2554] {strides = array<i32>} : memref<4x200x32xf32, #tpu.memory_space<vmem>>, vector<1x1x16xf32>,
        %get3A_2556 = vector.shape_cast %get3A_2555 : vector<1x1x16xf32> to vector<16xf32>
        %mul3A_2557 = vector.broadcast %squeeze3A_2550 : f32 to vector<16xf32>
        %mul3A_2558 = arith.mulf %mul3A_2557, %get3A_2556 : vector<16xf32>
        %add3A_2559 = arith.addf %add3A_2537, %mul3A_2558 : vector<16xf32>
        %get3A_2560 = arith.constant 1 : i32
        %get3A_2561 = arith.index_cast %get3A_2560 : i32 to index
        %get3A_2562 = arith.index_cast %add3A_2548 : i32 to index
        %get3A_2563 = arith.constant 16 : index
        %get3A_2564 = tpu.vector_load %arg10[%get3A_2561, %get3A_2562, %get3A_2563] {strides = array<i32>} : memref<4x200x32xf32, #tpu.memory_space<vmem>>, vector<1x1x16xf32>,
        %get3A_2565 = vector.shape_cast %get3A_2564 : vector<1x1x16xf32> to vector<16xf32>
        %mul3A_2566 = vector.broadcast %squeeze3A_2550 : f32 to vector<16xf32>
        %mul3A_2567 = arith.mulf %mul3A_2566, %get3A_2565 : vector<16xf32>
        %add3A_2568 = arith.addf %add3A_2546, %mul3A_2567 : vector<16xf32>
        %add3A_2569 = arith.constant 8 : i32
        %add3A_2570 = arith.addi %mul3A_2392, %add3A_2569 : i32
        %slice3A_2571 = vector.extract_strided_slice %get3A_2390 {offsets = [8], sizes = [1], strides = [1]} : vector<16xf32> to vector<1xf32>
        %squeeze3A_2572 = vector.extract %slice3A_2571[0] : f32 from vector<1xf32>
        %get3A_2573 = arith.constant 1 : i32
        %get3A_2574 = arith.index_cast %get3A_2573 : i32 to index
        %get3A_2575 = arith.index_cast %add3A_2570 : i32 to index
        %get3A_2576 = arith.constant 0 : index
        %get3A_2577 = tpu.vector_load %arg10[%get3A_2574, %get3A_2575, %get3A_2576] {strides = array<i32>} : memref<4x200x32xf32, #tpu.memory_space<vmem>>, vector<1x1x16xf32>,
        %get3A_2578 = vector.shape_cast %get3A_2577 : vector<1x1x16xf32> to vector<16xf32>
        %mul3A_2579 = vector.broadcast %squeeze3A_2572 : f32 to vector<16xf32>
        %mul3A_2580 = arith.mulf %mul3A_2579, %get3A_2578 : vector<16xf32>
        %add3A_2581 = arith.addf %add3A_2559, %mul3A_2580 : vector<16xf32>
        %get3A_2582 = arith.constant 1 : i32
        %get3A_2583 = arith.index_cast %get3A_2582 : i32 to index
        %get3A_2584 = arith.index_cast %add3A_2570 : i32 to index
        %get3A_2585 = arith.constant 16 : index
        %get3A_2586 = tpu.vector_load %arg10[%get3A_2583, %get3A_2584, %get3A_2585] {strides = array<i32>} : memref<4x200x32xf32, #tpu.memory_space<vmem>>, vector<1x1x16xf32>,
        %get3A_2587 = vector.shape_cast %get3A_2586 : vector<1x1x16xf32> to vector<16xf32>
        %mul3A_2588 = vector.broadcast %squeeze3A_2572 : f32 to vector<16xf32>
        %mul3A_2589 = arith.mulf %mul3A_2588, %get3A_2587 : vector<16xf32>
        %add3A_2590 = arith.addf %add3A_2568, %mul3A_2589 : vector<16xf32>
        %add3A_2591 = arith.constant 9 : i32
        %add3A_2592 = arith.addi %mul3A_2392, %add3A_2591 : i32
        %slice3A_2593 = vector.extract_strided_slice %get3A_2390 {offsets = [9], sizes = [1], strides = [1]} : vector<16xf32> to vector<1xf32>
        %squeeze3A_2594 = vector.extract %slice3A_2593[0] : f32 from vector<1xf32>
        %get3A_2595 = arith.constant 1 : i32
        %get3A_2596 = arith.index_cast %get3A_2595 : i32 to index
        %get3A_2597 = arith.index_cast %add3A_2592 : i32 to index
        %get3A_2598 = arith.constant 0 : index
        %get3A_2599 = tpu.vector_load %arg10[%get3A_2596, %get3A_2597, %get3A_2598] {strides = array<i32>} : memref<4x200x32xf32, #tpu.memory_space<vmem>>, vector<1x1x16xf32>,
        %get3A_2600 = vector.shape_cast %get3A_2599 : vector<1x1x16xf32> to vector<16xf32>
        %mul3A_2601 = vector.broadcast %squeeze3A_2594 : f32 to vector<16xf32>
        %mul3A_2602 = arith.mulf %mul3A_2601, %get3A_2600 : vector<16xf32>
        %add3A_2603 = arith.addf %add3A_2581, %mul3A_2602 : vector<16xf32>
        %get3A_2604 = arith.constant 1 : i32
        %get3A_2605 = arith.index_cast %get3A_2604 : i32 to index
        %get3A_2606 = arith.index_cast %add3A_2592 : i32 to index
        %get3A_2607 = arith.constant 16 : index
        %get3A_2608 = tpu.vector_load %arg10[%get3A_2605, %get3A_2606, %get3A_2607] {strides = array<i32>} : memref<4x200x32xf32, #tpu.memory_space<vmem>>, vector<1x1x16xf32>,
        %get3A_2609 = vector.shape_cast %get3A_2608 : vector<1x1x16xf32> to vector<16xf32>
        %mul3A_2610 = vector.broadcast %squeeze3A_2594 : f32 to vector<16xf32>
        %mul3A_2611 = arith.mulf %mul3A_2610, %get3A_2609 : vector<16xf32>
        %add3A_2612 = arith.addf %add3A_2590, %mul3A_2611 : vector<16xf32>
        %add3A_2613 = arith.constant 10 : i32
        %add3A_2614 = arith.addi %mul3A_2392, %add3A_2613 : i32
        %slice3A_2615 = vector.extract_strided_slice %get3A_2390 {offsets = [10], sizes = [1], strides = [1]} : vector<16xf32> to vector<1xf32>
        %squeeze3A_2616 = vector.extract %slice3A_2615[0] : f32 from vector<1xf32>
        %get3A_2617 = arith.constant 1 : i32
        %get3A_2618 = arith.index_cast %get3A_2617 : i32 to index
        %get3A_2619 = arith.index_cast %add3A_2614 : i32 to index
        %get3A_2620 = arith.constant 0 : index
        %get3A_2621 = tpu.vector_load %arg10[%get3A_2618, %get3A_2619, %get3A_2620] {strides = array<i32>} : memref<4x200x32xf32, #tpu.memory_space<vmem>>, vector<1x1x16xf32>,
        %get3A_2622 = vector.shape_cast %get3A_2621 : vector<1x1x16xf32> to vector<16xf32>
        %mul3A_2623 = vector.broadcast %squeeze3A_2616 : f32 to vector<16xf32>
        %mul3A_2624 = arith.mulf %mul3A_2623, %get3A_2622 : vector<16xf32>
        %add3A_2625 = arith.addf %add3A_2603, %mul3A_2624 : vector<16xf32>
        %get3A_2626 = arith.constant 1 : i32
        %get3A_2627 = arith.index_cast %get3A_2626 : i32 to index
        %get3A_2628 = arith.index_cast %add3A_2614 : i32 to index
        %get3A_2629 = arith.constant 16 : index
        %get3A_2630 = tpu.vector_load %arg10[%get3A_2627, %get3A_2628, %get3A_2629] {strides = array<i32>} : memref<4x200x32xf32, #tpu.memory_space<vmem>>, vector<1x1x16xf32>,
        %get3A_2631 = vector.shape_cast %get3A_2630 : vector<1x1x16xf32> to vector<16xf32>
        %mul3A_2632 = vector.broadcast %squeeze3A_2616 : f32 to vector<16xf32>
        %mul3A_2633 = arith.mulf %mul3A_2632, %get3A_2631 : vector<16xf32>
        %add3A_2634 = arith.addf %add3A_2612, %mul3A_2633 : vector<16xf32>
        %add3A_2635 = arith.constant 11 : i32
        %add3A_2636 = arith.addi %mul3A_2392, %add3A_2635 : i32
        %slice3A_2637 = vector.extract_strided_slice %get3A_2390 {offsets = [11], sizes = [1], strides = [1]} : vector<16xf32> to vector<1xf32>
        %squeeze3A_2638 = vector.extract %slice3A_2637[0] : f32 from vector<1xf32>
        %get3A_2639 = arith.constant 1 : i32
        %get3A_2640 = arith.index_cast %get3A_2639 : i32 to index
        %get3A_2641 = arith.index_cast %add3A_2636 : i32 to index
        %get3A_2642 = arith.constant 0 : index
        %get3A_2643 = tpu.vector_load %arg10[%get3A_2640, %get3A_2641, %get3A_2642] {strides = array<i32>} : memref<4x200x32xf32, #tpu.memory_space<vmem>>, vector<1x1x16xf32>,
        %get3A_2644 = vector.shape_cast %get3A_2643 : vector<1x1x16xf32> to vector<16xf32>
        %mul3A_2645 = vector.broadcast %squeeze3A_2638 : f32 to vector<16xf32>
        %mul3A_2646 = arith.mulf %mul3A_2645, %get3A_2644 : vector<16xf32>
        %add3A_2647 = arith.addf %add3A_2625, %mul3A_2646 : vector<16xf32>
        %get3A_2648 = arith.constant 1 : i32
        %get3A_2649 = arith.index_cast %get3A_2648 : i32 to index
        %get3A_2650 = arith.index_cast %add3A_2636 : i32 to index
        %get3A_2651 = arith.constant 16 : index
        %get3A_2652 = tpu.vector_load %arg10[%get3A_2649, %get3A_2650, %get3A_2651] {strides = array<i32>} : memref<4x200x32xf32, #tpu.memory_space<vmem>>, vector<1x1x16xf32>,
        %get3A_2653 = vector.shape_cast %get3A_2652 : vector<1x1x16xf32> to vector<16xf32>
        %mul3A_2654 = vector.broadcast %squeeze3A_2638 : f32 to vector<16xf32>
        %mul3A_2655 = arith.mulf %mul3A_2654, %get3A_2653 : vector<16xf32>
        %add3A_2656 = arith.addf %add3A_2634, %mul3A_2655 : vector<16xf32>
        %add3A_2657 = arith.constant 12 : i32
        %add3A_2658 = arith.addi %mul3A_2392, %add3A_2657 : i32
        %slice3A_2659 = vector.extract_strided_slice %get3A_2390 {offsets = [12], sizes = [1], strides = [1]} : vector<16xf32> to vector<1xf32>
        %squeeze3A_2660 = vector.extract %slice3A_2659[0] : f32 from vector<1xf32>
        %get3A_2661 = arith.constant 1 : i32
        %get3A_2662 = arith.index_cast %get3A_2661 : i32 to index
        %get3A_2663 = arith.index_cast %add3A_2658 : i32 to index
        %get3A_2664 = arith.constant 0 : index
        %get3A_2665 = tpu.vector_load %arg10[%get3A_2662, %get3A_2663, %get3A_2664] {strides = array<i32>} : memref<4x200x32xf32, #tpu.memory_space<vmem>>, vector<1x1x16xf32>,
        %get3A_2666 = vector.shape_cast %get3A_2665 : vector<1x1x16xf32> to vector<16xf32>
        %mul3A_2667 = vector.broadcast %squeeze3A_2660 : f32 to vector<16xf32>
        %mul3A_2668 = arith.mulf %mul3A_2667, %get3A_2666 : vector<16xf32>
        %add3A_2669 = arith.addf %add3A_2647, %mul3A_2668 : vector<16xf32>
        %get3A_2670 = arith.constant 1 : i32
        %get3A_2671 = arith.index_cast %get3A_2670 : i32 to index
        %get3A_2672 = arith.index_cast %add3A_2658 : i32 to index
        %get3A_2673 = arith.constant 16 : index
        %get3A_2674 = tpu.vector_load %arg10[%get3A_2671, %get3A_2672, %get3A_2673] {strides = array<i32>} : memref<4x200x32xf32, #tpu.memory_space<vmem>>, vector<1x1x16xf32>,
        %get3A_2675 = vector.shape_cast %get3A_2674 : vector<1x1x16xf32> to vector<16xf32>
        %mul3A_2676 = vector.broadcast %squeeze3A_2660 : f32 to vector<16xf32>
        %mul3A_2677 = arith.mulf %mul3A_2676, %get3A_2675 : vector<16xf32>
        %add3A_2678 = arith.addf %add3A_2656, %mul3A_2677 : vector<16xf32>
        %add3A_2679 = arith.constant 13 : i32
        %add3A_2680 = arith.addi %mul3A_2392, %add3A_2679 : i32
        %slice3A_2681 = vector.extract_strided_slice %get3A_2390 {offsets = [13], sizes = [1], strides = [1]} : vector<16xf32> to vector<1xf32>
        %squeeze3A_2682 = vector.extract %slice3A_2681[0] : f32 from vector<1xf32>
        %get3A_2683 = arith.constant 1 : i32
        %get3A_2684 = arith.index_cast %get3A_2683 : i32 to index
        %get3A_2685 = arith.index_cast %add3A_2680 : i32 to index
        %get3A_2686 = arith.constant 0 : index
        %get3A_2687 = tpu.vector_load %arg10[%get3A_2684, %get3A_2685, %get3A_2686] {strides = array<i32>} : memref<4x200x32xf32, #tpu.memory_space<vmem>>, vector<1x1x16xf32>,
        %get3A_2688 = vector.shape_cast %get3A_2687 : vector<1x1x16xf32> to vector<16xf32>
        %mul3A_2689 = vector.broadcast %squeeze3A_2682 : f32 to vector<16xf32>
        %mul3A_2690 = arith.mulf %mul3A_2689, %get3A_2688 : vector<16xf32>
        %add3A_2691 = arith.addf %add3A_2669, %mul3A_2690 : vector<16xf32>
        %get3A_2692 = arith.constant 1 : i32
        %get3A_2693 = arith.index_cast %get3A_2692 : i32 to index
        %get3A_2694 = arith.index_cast %add3A_2680 : i32 to index
        %get3A_2695 = arith.constant 16 : index
        %get3A_2696 = tpu.vector_load %arg10[%get3A_2693, %get3A_2694, %get3A_2695] {strides = array<i32>} : memref<4x200x32xf32, #tpu.memory_space<vmem>>, vector<1x1x16xf32>,
        %get3A_2697 = vector.shape_cast %get3A_2696 : vector<1x1x16xf32> to vector<16xf32>
        %mul3A_2698 = vector.broadcast %squeeze3A_2682 : f32 to vector<16xf32>
        %mul3A_2699 = arith.mulf %mul3A_2698, %get3A_2697 : vector<16xf32>
        %add3A_2700 = arith.addf %add3A_2678, %mul3A_2699 : vector<16xf32>
        %add3A_2701 = arith.constant 14 : i32
        %add3A_2702 = arith.addi %mul3A_2392, %add3A_2701 : i32
        %slice3A_2703 = vector.extract_strided_slice %get3A_2390 {offsets = [14], sizes = [1], strides = [1]} : vector<16xf32> to vector<1xf32>
        %squeeze3A_2704 = vector.extract %slice3A_2703[0] : f32 from vector<1xf32>
        %get3A_2705 = arith.constant 1 : i32
        %get3A_2706 = arith.index_cast %get3A_2705 : i32 to index
        %get3A_2707 = arith.index_cast %add3A_2702 : i32 to index
        %get3A_2708 = arith.constant 0 : index
        %get3A_2709 = tpu.vector_load %arg10[%get3A_2706, %get3A_2707, %get3A_2708] {strides = array<i32>} : memref<4x200x32xf32, #tpu.memory_space<vmem>>, vector<1x1x16xf32>,
        %get3A_2710 = vector.shape_cast %get3A_2709 : vector<1x1x16xf32> to vector<16xf32>
        %mul3A_2711 = vector.broadcast %squeeze3A_2704 : f32 to vector<16xf32>
        %mul3A_2712 = arith.mulf %mul3A_2711, %get3A_2710 : vector<16xf32>
        %add3A_2713 = arith.addf %add3A_2691, %mul3A_2712 : vector<16xf32>
        %get3A_2714 = arith.constant 1 : i32
        %get3A_2715 = arith.index_cast %get3A_2714 : i32 to index
        %get3A_2716 = arith.index_cast %add3A_2702 : i32 to index
        %get3A_2717 = arith.constant 16 : index
        %get3A_2718 = tpu.vector_load %arg10[%get3A_2715, %get3A_2716, %get3A_2717] {strides = array<i32>} : memref<4x200x32xf32, #tpu.memory_space<vmem>>, vector<1x1x16xf32>,
        %get3A_2719 = vector.shape_cast %get3A_2718 : vector<1x1x16xf32> to vector<16xf32>
        %mul3A_2720 = vector.broadcast %squeeze3A_2704 : f32 to vector<16xf32>
        %mul3A_2721 = arith.mulf %mul3A_2720, %get3A_2719 : vector<16xf32>
        %add3A_2722 = arith.addf %add3A_2700, %mul3A_2721 : vector<16xf32>
        %add3A_2723 = arith.constant 15 : i32
        %add3A_2724 = arith.addi %mul3A_2392, %add3A_2723 : i32
        %slice3A_2725 = vector.extract_strided_slice %get3A_2390 {offsets = [15], sizes = [1], strides = [1]} : vector<16xf32> to vector<1xf32>
        %squeeze3A_2726 = vector.extract %slice3A_2725[0] : f32 from vector<1xf32>
        %get3A_2727 = arith.constant 1 : i32
        %get3A_2728 = arith.index_cast %get3A_2727 : i32 to index
        %get3A_2729 = arith.index_cast %add3A_2724 : i32 to index
        %get3A_2730 = arith.constant 0 : index
        %get3A_2731 = tpu.vector_load %arg10[%get3A_2728, %get3A_2729, %get3A_2730] {strides = array<i32>} : memref<4x200x32xf32, #tpu.memory_space<vmem>>, vector<1x1x16xf32>,
        %get3A_2732 = vector.shape_cast %get3A_2731 : vector<1x1x16xf32> to vector<16xf32>
        %mul3A_2733 = vector.broadcast %squeeze3A_2726 : f32 to vector<16xf32>
        %mul3A_2734 = arith.mulf %mul3A_2733, %get3A_2732 : vector<16xf32>
        %add3A_2735 = arith.addf %add3A_2713, %mul3A_2734 : vector<16xf32>
        %get3A_2736 = arith.constant 1 : i32
        %get3A_2737 = arith.index_cast %get3A_2736 : i32 to index
        %get3A_2738 = arith.index_cast %add3A_2724 : i32 to index
        %get3A_2739 = arith.constant 16 : index
        %get3A_2740 = tpu.vector_load %arg10[%get3A_2737, %get3A_2738, %get3A_2739] {strides = array<i32>} : memref<4x200x32xf32, #tpu.memory_space<vmem>>, vector<1x1x16xf32>,
        %get3A_2741 = vector.shape_cast %get3A_2740 : vector<1x1x16xf32> to vector<16xf32>
        %mul3A_2742 = vector.broadcast %squeeze3A_2726 : f32 to vector<16xf32>
        %mul3A_2743 = arith.mulf %mul3A_2742, %get3A_2741 : vector<16xf32>
        %add3A_2744 = arith.addf %add3A_2722, %mul3A_2743 : vector<16xf32>
        scf.yield %add3A_2735, %add3A_2744 : vector<16xf32>, vector<16xf32>
      }
      %scan3A_1099 = arith.constant 12 : i32
      %get3A_1100 = arith.constant 1 : i32
      %get3A_1101 = arith.index_cast %get3A_1100 : i32 to index
      %get3A_1102 = arith.constant 184 : index
      %get3A_1103 = tpu.vector_load %arg9[%get3A_1101, %get3A_1102] {strides = array<i32>} : memref<4x200xf32, #tpu.memory_space<vmem>>, vector<1x16xf32>,
      %get3A_1104 = vector.shape_cast %get3A_1103 : vector<1x16xf32> to vector<16xf32>
      %slice3A_1105 = vector.extract_strided_slice %get3A_1104 {offsets = [8], sizes = [1], strides = [1]} : vector<16xf32> to vector<1xf32>
      %squeeze3A_1106 = vector.extract %slice3A_1105[0] : f32 from vector<1xf32>
      %get3A_1107 = arith.constant 1 : i32
      %get3A_1108 = arith.constant 192 : i32
      %get3A_1109 = arith.index_cast %get3A_1107 : i32 to index
      %get3A_1110 = arith.index_cast %get3A_1108 : i32 to index
      %get3A_1111 = arith.constant 0 : index
      %get3A_1112 = tpu.vector_load %arg10[%get3A_1109, %get3A_1110, %get3A_1111] {strides = array<i32>} : memref<4x200x32xf32, #tpu.memory_space<vmem>>, vector<1x1x16xf32>,
      %get3A_1113 = vector.shape_cast %get3A_1112 : vector<1x1x16xf32> to vector<16xf32>
      %mul3A_1114 = vector.broadcast %squeeze3A_1106 : f32 to vector<16xf32>
      %mul3A_1115 = arith.mulf %mul3A_1114, %get3A_1113 : vector<16xf32>
      %add3A_1116 = arith.addf %scan3A_1098#0, %mul3A_1115 : vector<16xf32>
      %get3A_1117 = arith.constant 1 : i32
      %get3A_1118 = arith.constant 192 : i32
      %get3A_1119 = arith.index_cast %get3A_1117 : i32 to index
      %get3A_1120 = arith.index_cast %get3A_1118 : i32 to index
      %get3A_1121 = arith.constant 16 : index
      %get3A_1122 = tpu.vector_load %arg10[%get3A_1119, %get3A_1120, %get3A_1121] {strides = array<i32>} : memref<4x200x32xf32, #tpu.memory_space<vmem>>, vector<1x1x16xf32>,
      %get3A_1123 = vector.shape_cast %get3A_1122 : vector<1x1x16xf32> to vector<16xf32>
      %mul3A_1124 = vector.broadcast %squeeze3A_1106 : f32 to vector<16xf32>
      %mul3A_1125 = arith.mulf %mul3A_1124, %get3A_1123 : vector<16xf32>
      %add3A_1126 = arith.addf %scan3A_1098#1, %mul3A_1125 : vector<16xf32>
      %slice3A_1127 = vector.extract_strided_slice %get3A_1104 {offsets = [9], sizes = [1], strides = [1]} : vector<16xf32> to vector<1xf32>
      %squeeze3A_1128 = vector.extract %slice3A_1127[0] : f32 from vector<1xf32>
      %get3A_1129 = arith.constant 1 : i32
      %get3A_1130 = arith.constant 193 : i32
      %get3A_1131 = arith.index_cast %get3A_1129 : i32 to index
      %get3A_1132 = arith.index_cast %get3A_1130 : i32 to index
      %get3A_1133 = arith.constant 0 : index
      %get3A_1134 = tpu.vector_load %arg10[%get3A_1131, %get3A_1132, %get3A_1133] {strides = array<i32>} : memref<4x200x32xf32, #tpu.memory_space<vmem>>, vector<1x1x16xf32>,
      %get3A_1135 = vector.shape_cast %get3A_1134 : vector<1x1x16xf32> to vector<16xf32>
      %mul3A_1136 = vector.broadcast %squeeze3A_1128 : f32 to vector<16xf32>
      %mul3A_1137 = arith.mulf %mul3A_1136, %get3A_1135 : vector<16xf32>
      %add3A_1138 = arith.addf %add3A_1116, %mul3A_1137 : vector<16xf32>
      %get3A_1139 = arith.constant 1 : i32
      %get3A_1140 = arith.constant 193 : i32
      %get3A_1141 = arith.index_cast %get3A_1139 : i32 to index
      %get3A_1142 = arith.index_cast %get3A_1140 : i32 to index
      %get3A_1143 = arith.constant 16 : index
      %get3A_1144 = tpu.vector_load %arg10[%get3A_1141, %get3A_1142, %get3A_1143] {strides = array<i32>} : memref<4x200x32xf32, #tpu.memory_space<vmem>>, vector<1x1x16xf32>,
      %get3A_1145 = vector.shape_cast %get3A_1144 : vector<1x1x16xf32> to vector<16xf32>
      %mul3A_1146 = vector.broadcast %squeeze3A_1128 : f32 to vector<16xf32>
      %mul3A_1147 = arith.mulf %mul3A_1146, %get3A_1145 : vector<16xf32>
      %add3A_1148 = arith.addf %add3A_1126, %mul3A_1147 : vector<16xf32>
      %slice3A_1149 = vector.extract_strided_slice %get3A_1104 {offsets = [10], sizes = [1], strides = [1]} : vector<16xf32> to vector<1xf32>
      %squeeze3A_1150 = vector.extract %slice3A_1149[0] : f32 from vector<1xf32>
      %get3A_1151 = arith.constant 1 : i32
      %get3A_1152 = arith.constant 194 : i32
      %get3A_1153 = arith.index_cast %get3A_1151 : i32 to index
      %get3A_1154 = arith.index_cast %get3A_1152 : i32 to index
      %get3A_1155 = arith.constant 0 : index
      %get3A_1156 = tpu.vector_load %arg10[%get3A_1153, %get3A_1154, %get3A_1155] {strides = array<i32>} : memref<4x200x32xf32, #tpu.memory_space<vmem>>, vector<1x1x16xf32>,
      %get3A_1157 = vector.shape_cast %get3A_1156 : vector<1x1x16xf32> to vector<16xf32>
      %mul3A_1158 = vector.broadcast %squeeze3A_1150 : f32 to vector<16xf32>
      %mul3A_1159 = arith.mulf %mul3A_1158, %get3A_1157 : vector<16xf32>
      %add3A_1160 = arith.addf %add3A_1138, %mul3A_1159 : vector<16xf32>
      %get3A_1161 = arith.constant 1 : i32
      %get3A_1162 = arith.constant 194 : i32
      %get3A_1163 = arith.index_cast %get3A_1161 : i32 to index
      %get3A_1164 = arith.index_cast %get3A_1162 : i32 to index
      %get3A_1165 = arith.constant 16 : index
      %get3A_1166 = tpu.vector_load %arg10[%get3A_1163, %get3A_1164, %get3A_1165] {strides = array<i32>} : memref<4x200x32xf32, #tpu.memory_space<vmem>>, vector<1x1x16xf32>,
      %get3A_1167 = vector.shape_cast %get3A_1166 : vector<1x1x16xf32> to vector<16xf32>
      %mul3A_1168 = vector.broadcast %squeeze3A_1150 : f32 to vector<16xf32>
      %mul3A_1169 = arith.mulf %mul3A_1168, %get3A_1167 : vector<16xf32>
      %add3A_1170 = arith.addf %add3A_1148, %mul3A_1169 : vector<16xf32>
      %slice3A_1171 = vector.extract_strided_slice %get3A_1104 {offsets = [11], sizes = [1], strides = [1]} : vector<16xf32> to vector<1xf32>
      %squeeze3A_1172 = vector.extract %slice3A_1171[0] : f32 from vector<1xf32>
      %get3A_1173 = arith.constant 1 : i32
      %get3A_1174 = arith.constant 195 : i32
      %get3A_1175 = arith.index_cast %get3A_1173 : i32 to index
      %get3A_1176 = arith.index_cast %get3A_1174 : i32 to index
      %get3A_1177 = arith.constant 0 : index
      %get3A_1178 = tpu.vector_load %arg10[%get3A_1175, %get3A_1176, %get3A_1177] {strides = array<i32>} : memref<4x200x32xf32, #tpu.memory_space<vmem>>, vector<1x1x16xf32>,
      %get3A_1179 = vector.shape_cast %get3A_1178 : vector<1x1x16xf32> to vector<16xf32>
      %mul3A_1180 = vector.broadcast %squeeze3A_1172 : f32 to vector<16xf32>
      %mul3A_1181 = arith.mulf %mul3A_1180, %get3A_1179 : vector<16xf32>
      %add3A_1182 = arith.addf %add3A_1160, %mul3A_1181 : vector<16xf32>
      %get3A_1183 = arith.constant 1 : i32
      %get3A_1184 = arith.constant 195 : i32
      %get3A_1185 = arith.index_cast %get3A_1183 : i32 to index
      %get3A_1186 = arith.index_cast %get3A_1184 : i32 to index
      %get3A_1187 = arith.constant 16 : index
      %get3A_1188 = tpu.vector_load %arg10[%get3A_1185, %get3A_1186, %get3A_1187] {strides = array<i32>} : memref<4x200x32xf32, #tpu.memory_space<vmem>>, vector<1x1x16xf32>,
      %get3A_1189 = vector.shape_cast %get3A_1188 : vector<1x1x16xf32> to vector<16xf32>
      %mul3A_1190 = vector.broadcast %squeeze3A_1172 : f32 to vector<16xf32>
      %mul3A_1191 = arith.mulf %mul3A_1190, %get3A_1189 : vector<16xf32>
      %add3A_1192 = arith.addf %add3A_1170, %mul3A_1191 : vector<16xf32>
      %slice3A_1193 = vector.extract_strided_slice %get3A_1104 {offsets = [12], sizes = [1], strides = [1]} : vector<16xf32> to vector<1xf32>
      %squeeze3A_1194 = vector.extract %slice3A_1193[0] : f32 from vector<1xf32>
      %get3A_1195 = arith.constant 1 : i32
      %get3A_1196 = arith.constant 196 : i32
      %get3A_1197 = arith.index_cast %get3A_1195 : i32 to index
      %get3A_1198 = arith.index_cast %get3A_1196 : i32 to index
      %get3A_1199 = arith.constant 0 : index
      %get3A_1200 = tpu.vector_load %arg10[%get3A_1197, %get3A_1198, %get3A_1199] {strides = array<i32>} : memref<4x200x32xf32, #tpu.memory_space<vmem>>, vector<1x1x16xf32>,
      %get3A_1201 = vector.shape_cast %get3A_1200 : vector<1x1x16xf32> to vector<16xf32>
      %mul3A_1202 = vector.broadcast %squeeze3A_1194 : f32 to vector<16xf32>
      %mul3A_1203 = arith.mulf %mul3A_1202, %get3A_1201 : vector<16xf32>
      %add3A_1204 = arith.addf %add3A_1182, %mul3A_1203 : vector<16xf32>
      %get3A_1205 = arith.constant 1 : i32
      %get3A_1206 = arith.constant 196 : i32
      %get3A_1207 = arith.index_cast %get3A_1205 : i32 to index
      %get3A_1208 = arith.index_cast %get3A_1206 : i32 to index
      %get3A_1209 = arith.constant 16 : index
      %get3A_1210 = tpu.vector_load %arg10[%get3A_1207, %get3A_1208, %get3A_1209] {strides = array<i32>} : memref<4x200x32xf32, #tpu.memory_space<vmem>>, vector<1x1x16xf32>,
      %get3A_1211 = vector.shape_cast %get3A_1210 : vector<1x1x16xf32> to vector<16xf32>
      %mul3A_1212 = vector.broadcast %squeeze3A_1194 : f32 to vector<16xf32>
      %mul3A_1213 = arith.mulf %mul3A_1212, %get3A_1211 : vector<16xf32>
      %add3A_1214 = arith.addf %add3A_1192, %mul3A_1213 : vector<16xf32>
      %slice3A_1215 = vector.extract_strided_slice %get3A_1104 {offsets = [13], sizes = [1], strides = [1]} : vector<16xf32> to vector<1xf32>
      %squeeze3A_1216 = vector.extract %slice3A_1215[0] : f32 from vector<1xf32>
      %get3A_1217 = arith.constant 1 : i32
      %get3A_1218 = arith.constant 197 : i32
      %get3A_1219 = arith.index_cast %get3A_1217 : i32 to index
      %get3A_1220 = arith.index_cast %get3A_1218 : i32 to index
      %get3A_1221 = arith.constant 0 : index
      %get3A_1222 = tpu.vector_load %arg10[%get3A_1219, %get3A_1220, %get3A_1221] {strides = array<i32>} : memref<4x200x32xf32, #tpu.memory_space<vmem>>, vector<1x1x16xf32>,
      %get3A_1223 = vector.shape_cast %get3A_1222 : vector<1x1x16xf32> to vector<16xf32>
      %mul3A_1224 = vector.broadcast %squeeze3A_1216 : f32 to vector<16xf32>
      %mul3A_1225 = arith.mulf %mul3A_1224, %get3A_1223 : vector<16xf32>
      %add3A_1226 = arith.addf %add3A_1204, %mul3A_1225 : vector<16xf32>
      %get3A_1227 = arith.constant 1 : i32
      %get3A_1228 = arith.constant 197 : i32
      %get3A_1229 = arith.index_cast %get3A_1227 : i32 to index
      %get3A_1230 = arith.index_cast %get3A_1228 : i32 to index
      %get3A_1231 = arith.constant 16 : index
      %get3A_1232 = tpu.vector_load %arg10[%get3A_1229, %get3A_1230, %get3A_1231] {strides = array<i32>} : memref<4x200x32xf32, #tpu.memory_space<vmem>>, vector<1x1x16xf32>,
      %get3A_1233 = vector.shape_cast %get3A_1232 : vector<1x1x16xf32> to vector<16xf32>
      %mul3A_1234 = vector.broadcast %squeeze3A_1216 : f32 to vector<16xf32>
      %mul3A_1235 = arith.mulf %mul3A_1234, %get3A_1233 : vector<16xf32>
      %add3A_1236 = arith.addf %add3A_1214, %mul3A_1235 : vector<16xf32>
      %slice3A_1237 = vector.extract_strided_slice %get3A_1104 {offsets = [14], sizes = [1], strides = [1]} : vector<16xf32> to vector<1xf32>
      %squeeze3A_1238 = vector.extract %slice3A_1237[0] : f32 from vector<1xf32>
      %get3A_1239 = arith.constant 1 : i32
      %get3A_1240 = arith.constant 198 : i32
      %get3A_1241 = arith.index_cast %get3A_1239 : i32 to index
      %get3A_1242 = arith.index_cast %get3A_1240 : i32 to index
      %get3A_1243 = arith.constant 0 : index
      %get3A_1244 = tpu.vector_load %arg10[%get3A_1241, %get3A_1242, %get3A_1243] {strides = array<i32>} : memref<4x200x32xf32, #tpu.memory_space<vmem>>, vector<1x1x16xf32>,
      %get3A_1245 = vector.shape_cast %get3A_1244 : vector<1x1x16xf32> to vector<16xf32>
      %mul3A_1246 = vector.broadcast %squeeze3A_1238 : f32 to vector<16xf32>
      %mul3A_1247 = arith.mulf %mul3A_1246, %get3A_1245 : vector<16xf32>
      %add3A_1248 = arith.addf %add3A_1226, %mul3A_1247 : vector<16xf32>
      %get3A_1249 = arith.constant 1 : i32
      %get3A_1250 = arith.constant 198 : i32
      %get3A_1251 = arith.index_cast %get3A_1249 : i32 to index
      %get3A_1252 = arith.index_cast %get3A_1250 : i32 to index
      %get3A_1253 = arith.constant 16 : index
      %get3A_1254 = tpu.vector_load %arg10[%get3A_1251, %get3A_1252, %get3A_1253] {strides = array<i32>} : memref<4x200x32xf32, #tpu.memory_space<vmem>>, vector<1x1x16xf32>,
      %get3A_1255 = vector.shape_cast %get3A_1254 : vector<1x1x16xf32> to vector<16xf32>
      %mul3A_1256 = vector.broadcast %squeeze3A_1238 : f32 to vector<16xf32>
      %mul3A_1257 = arith.mulf %mul3A_1256, %get3A_1255 : vector<16xf32>
      %add3A_1258 = arith.addf %add3A_1236, %mul3A_1257 : vector<16xf32>
      %slice3A_1259 = vector.extract_strided_slice %get3A_1104 {offsets = [15], sizes = [1], strides = [1]} : vector<16xf32> to vector<1xf32>
      %squeeze3A_1260 = vector.extract %slice3A_1259[0] : f32 from vector<1xf32>
      %get3A_1261 = arith.constant 1 : i32
      %get3A_1262 = arith.constant 199 : i32
      %get3A_1263 = arith.index_cast %get3A_1261 : i32 to index
      %get3A_1264 = arith.index_cast %get3A_1262 : i32 to index
      %get3A_1265 = arith.constant 0 : index
      %get3A_1266 = tpu.vector_load %arg10[%get3A_1263, %get3A_1264, %get3A_1265] {strides = array<i32>} : memref<4x200x32xf32, #tpu.memory_space<vmem>>, vector<1x1x16xf32>,
      %get3A_1267 = vector.shape_cast %get3A_1266 : vector<1x1x16xf32> to vector<16xf32>
      %mul3A_1268 = vector.broadcast %squeeze3A_1260 : f32 to vector<16xf32>
      %mul3A_1269 = arith.mulf %mul3A_1268, %get3A_1267 : vector<16xf32>
      %add3A_1270 = arith.addf %add3A_1248, %mul3A_1269 : vector<16xf32>
      %get3A_1271 = arith.constant 1 : i32
      %get3A_1272 = arith.constant 199 : i32
      %get3A_1273 = arith.index_cast %get3A_1271 : i32 to index
      %get3A_1274 = arith.index_cast %get3A_1272 : i32 to index
      %get3A_1275 = arith.constant 16 : index
      %get3A_1276 = tpu.vector_load %arg10[%get3A_1273, %get3A_1274, %get3A_1275] {strides = array<i32>} : memref<4x200x32xf32, #tpu.memory_space<vmem>>, vector<1x1x16xf32>,
      %get3A_1277 = vector.shape_cast %get3A_1276 : vector<1x1x16xf32> to vector<16xf32>
      %mul3A_1278 = vector.broadcast %squeeze3A_1260 : f32 to vector<16xf32>
      %mul3A_1279 = arith.mulf %mul3A_1278, %get3A_1277 : vector<16xf32>
      %add3A_1280 = arith.addf %add3A_1258, %mul3A_1279 : vector<16xf32>
      %mul3A_1281 = arith.constant 32 : i32
      %mul3A_1282 = arith.muli %add3A_766, %mul3A_1281 : i32
      %swap3A_1283 = arith.index_cast %mul3A_1282 : i32 to index
      %swap3A_1284 = tpu.vector_load %arg11[%swap3A_1283] {strides = array<i32>} : memref<4096xf32, #tpu.memory_space<vmem>>, vector<16xf32>,
      %swap3A_1285 = vector.shape_cast %swap3A_1284 : vector<16xf32> to vector<16xf32>
      %swap3A_1286 = vector.shape_cast %add3A_1270 : vector<16xf32> to vector<16xf32>
      tpu.vector_store %arg11[%swap3A_1283], %swap3A_1286 {strides = array<i32>} : memref<4096xf32, #tpu.memory_space<vmem>>, vector<16xf32>,
      %mul3A_1287 = arith.constant 32 : i32
      %mul3A_1288 = arith.muli %add3A_766, %mul3A_1287 : i32
      %add3A_1289 = arith.constant 16 : i32
      %add3A_1290 = arith.addi %mul3A_1288, %add3A_1289 : i32
      %swap3A_1291 = arith.index_cast %add3A_1290 : i32 to index
      %swap3A_1292 = tpu.vector_load %arg11[%swap3A_1291] {strides = array<i32>} : memref<4096xf32, #tpu.memory_space<vmem>>, vector<16xf32>,
      %swap3A_1293 = vector.shape_cast %swap3A_1292 : vector<16xf32> to vector<16xf32>
      %swap3A_1294 = vector.shape_cast %add3A_1280 : vector<16xf32> to vector<16xf32>
      tpu.vector_store %arg11[%swap3A_1291], %swap3A_1294 {strides = array<i32>} : memref<4096xf32, #tpu.memory_space<vmem>>, vector<16xf32>,
      %add3A_1295 = arith.constant 4 : i32
      %add3A_1296 = arith.addi %add3A_766, %add3A_1295 : i32
      %lt3A_1297 = arith.constant 128 : i32
      %lt3A_1298 = arith.cmpi slt, %add3A_1296, %lt3A_1297 : i32
      %convert_element_type3A_1299 = arith.extui %lt3A_1298 : i1 to i32
      %cond3A_1300 = arith.constant 0 : i32
      %cond3A_1301 = arith.cmpi ne, %convert_element_type3A_1299, %cond3A_1300 : i32
      scf.if %cond3A_1301 {
        %dma_start3A_2381 = arith.constant 1 : i32
        %dma_start3A_2382 = arith.constant 1 : i32
        %dma_start3A_2383 = arith.constant 0 : i32
        %dma_start3A_2384 = arith.constant 0 : i32
        %dma_start3A_2385 = tpu.memref_slice %arg10[%dma_start3A_2381, %dma_start3A_2383, %dma_start3A_2384] : memref<4x200x32xf32, #tpu.memory_space<vmem>> -> memref<1x128x32xf32, #tpu.memory_space<vmem>>
        %dma_start3A_2386 = tpu.memref_squeeze %dma_start3A_2385 : memref<1x128x32xf32, #tpu.memory_space<vmem>> -> memref<128x32xf32, #tpu.memory_space<vmem>>
        %dma_start3A_2387 = arith.constant 0 : i32
        %dma_start3A_2388 = tpu.memref_slice %arg7[%add3A_1296, %dma_start3A_2387] : memref<128x128xi32, #tpu.memory_space<vmem>> -> memref<1x128xi32, #tpu.memory_space<vmem>>
        %dma_start3A_2389 = tpu.memref_squeeze %dma_start3A_2388 : memref<1x128xi32, #tpu.memory_space<vmem>> -> memref<128xi32, #tpu.memory_space<vmem>>
        %dma_start3A_2390 = arith.constant 0 : i32
        %dma_start3A_2391 = arith.constant 0 : i32
        %dma_start3A_2392 = tpu.memref_slice %arg4[%dma_start3A_2390, %dma_start3A_2391] : memref<1000000x32xf32, #tpu.memory_space<hbm>> -> memref<1000000x32xf32, #tpu.memory_space<hbm>>
        %dma_start3A_2393 = tpu.memref_slice %arg12[%dma_start3A_2382] : memref<4x!tpu.dma_semaphore, #tpu.memory_space<semaphore_mem>> -> memref<1x!tpu.dma_semaphore, #tpu.memory_space<semaphore_mem>>
        %dma_start3A_2394 = tpu.memref_squeeze %dma_start3A_2393 : memref<1x!tpu.dma_semaphore, #tpu.memory_space<semaphore_mem>> -> memref<!tpu.dma_semaphore, #tpu.memory_space<semaphore_mem>>
        tpu.enqueue_indirect_dma source(%dma_start3A_2392 : memref<1000000x32xf32, #tpu.memory_space<hbm>>) target(%dma_start3A_2386 : memref<128x32xf32, #tpu.memory_space<vmem>>) offsets(%dma_start3A_2389 : memref<128xi32, #tpu.memory_space<vmem>>) semaphore(%dma_start3A_2394 : memref<!tpu.dma_semaphore, #tpu.memory_space<semaphore_mem>>)
        %dma_start3A_2395 = arith.constant 1 : i32
        %dma_start3A_2396 = arith.constant 1 : i32
        %dma_start3A_2397 = arith.constant 128 : i32
        %dma_start3A_2398 = arith.constant 0 : i32
        %dma_start3A_2399 = tpu.memref_slice %arg10[%dma_start3A_2395, %dma_start3A_2397, %dma_start3A_2398] : memref<4x200x32xf32, #tpu.memory_space<vmem>> -> memref<1x72x32xf32, #tpu.memory_space<vmem>>
        %dma_start3A_2400 = tpu.memref_squeeze %dma_start3A_2399 : memref<1x72x32xf32, #tpu.memory_space<vmem>> -> memref<72x32xf32, #tpu.memory_space<vmem>>
        %dma_start3A_2401 = arith.constant 0 : i32
        %dma_start3A_2402 = tpu.memref_slice %arg8[%add3A_1296, %dma_start3A_2401] : memref<128x128xi32, #tpu.memory_space<vmem>> -> memref<1x72xi32, #tpu.memory_space<vmem>>
        %dma_start3A_2403 = tpu.memref_squeeze %dma_start3A_2402 : memref<1x72xi32, #tpu.memory_space<vmem>> -> memref<72xi32, #tpu.memory_space<vmem>>
        %dma_start3A_2404 = arith.constant 0 : i32
        %dma_start3A_2405 = arith.constant 0 : i32
        %dma_start3A_2406 = tpu.memref_slice %arg4[%dma_start3A_2404, %dma_start3A_2405] : memref<1000000x32xf32, #tpu.memory_space<hbm>> -> memref<1000000x32xf32, #tpu.memory_space<hbm>>
        %dma_start3A_2407 = tpu.memref_slice %arg12[%dma_start3A_2396] : memref<4x!tpu.dma_semaphore, #tpu.memory_space<semaphore_mem>> -> memref<1x!tpu.dma_semaphore, #tpu.memory_space<semaphore_mem>>
        %dma_start3A_2408 = tpu.memref_squeeze %dma_start3A_2407 : memref<1x!tpu.dma_semaphore, #tpu.memory_space<semaphore_mem>> -> memref<!tpu.dma_semaphore, #tpu.memory_space<semaphore_mem>>
        tpu.enqueue_indirect_dma source(%dma_start3A_2406 : memref<1000000x32xf32, #tpu.memory_space<hbm>>) target(%dma_start3A_2400 : memref<72x32xf32, #tpu.memory_space<vmem>>) offsets(%dma_start3A_2403 : memref<72xi32, #tpu.memory_space<vmem>>) semaphore(%dma_start3A_2408 : memref<!tpu.dma_semaphore, #tpu.memory_space<semaphore_mem>>)
        %dma_start3A_2409 = arith.constant 1 : i32
        %dma_start3A_2410 = arith.constant 1 : i32
        %dma_start3A_2411 = arith.constant 0 : i32
        %dma_start3A_2412 = tpu.memref_slice %arg9[%dma_start3A_2409, %dma_start3A_2411] : memref<4x200xf32, #tpu.memory_space<vmem>> -> memref<1x128xf32, #tpu.memory_space<vmem>>
        %dma_start3A_2413 = tpu.memref_squeeze %dma_start3A_2412 : memref<1x128xf32, #tpu.memory_space<vmem>> -> memref<128xf32, #tpu.memory_space<vmem>>
        %dma_start3A_2414 = arith.constant 0 : i32
        %dma_start3A_2415 = tpu.memref_slice %arg7[%add3A_1296, %dma_start3A_2414] : memref<128x128xi32, #tpu.memory_space<vmem>> -> memref<1x128xi32, #tpu.memory_space<vmem>>
        %dma_start3A_2416 = tpu.memref_squeeze %dma_start3A_2415 : memref<1x128xi32, #tpu.memory_space<vmem>> -> memref<128xi32, #tpu.memory_space<vmem>>
        %dma_start3A_2417 = arith.constant 0 : i32
        %dma_start3A_2418 = tpu.memref_slice %arg5[%dma_start3A_2417] : memref<1000000xf32, #tpu.memory_space<hbm>> -> memref<1000000xf32, #tpu.memory_space<hbm>>
        %dma_start3A_2419 = tpu.memref_slice %arg13[%dma_start3A_2410] : memref<4x!tpu.dma_semaphore, #tpu.memory_space<semaphore_mem>> -> memref<1x!tpu.dma_semaphore, #tpu.memory_space<semaphore_mem>>
        %dma_start3A_2420 = tpu.memref_squeeze %dma_start3A_2419 : memref<1x!tpu.dma_semaphore, #tpu.memory_space<semaphore_mem>> -> memref<!tpu.dma_semaphore, #tpu.memory_space<semaphore_mem>>
        tpu.enqueue_indirect_dma source(%dma_start3A_2418 : memref<1000000xf32, #tpu.memory_space<hbm>>) target(%dma_start3A_2413 : memref<128xf32, #tpu.memory_space<vmem>>) offsets(%dma_start3A_2416 : memref<128xi32, #tpu.memory_space<vmem>>) semaphore(%dma_start3A_2420 : memref<!tpu.dma_semaphore, #tpu.memory_space<semaphore_mem>>)
        %dma_start3A_2421 = arith.constant 1 : i32
        %dma_start3A_2422 = arith.constant 1 : i32
        %dma_start3A_2423 = arith.constant 128 : i32
        %dma_start3A_2424 = tpu.memref_slice %arg9[%dma_start3A_2421, %dma_start3A_2423] : memref<4x200xf32, #tpu.memory_space<vmem>> -> memref<1x72xf32, #tpu.memory_space<vmem>>
        %dma_start3A_2425 = tpu.memref_squeeze %dma_start3A_2424 : memref<1x72xf32, #tpu.memory_space<vmem>> -> memref<72xf32, #tpu.memory_space<vmem>>
        %dma_start3A_2426 = arith.constant 0 : i32
        %dma_start3A_2427 = tpu.memref_slice %arg8[%add3A_1296, %dma_start3A_2426] : memref<128x128xi32, #tpu.memory_space<vmem>> -> memref<1x72xi32, #tpu.memory_space<vmem>>
        %dma_start3A_2428 = tpu.memref_squeeze %dma_start3A_2427 : memref<1x72xi32, #tpu.memory_space<vmem>> -> memref<72xi32, #tpu.memory_space<vmem>>
        %dma_start3A_2429 = arith.constant 0 : i32
        %dma_start3A_2430 = tpu.memref_slice %arg5[%dma_start3A_2429] : memref<1000000xf32, #tpu.memory_space<hbm>> -> memref<1000000xf32, #tpu.memory_space<hbm>>
        %dma_start3A_2431 = tpu.memref_slice %arg13[%dma_start3A_2422] : memref<4x!tpu.dma_semaphore, #tpu.memory_space<semaphore_mem>> -> memref<1x!tpu.dma_semaphore, #tpu.memory_space<semaphore_mem>>
        %dma_start3A_2432 = tpu.memref_squeeze %dma_start3A_2431 : memref<1x!tpu.dma_semaphore, #tpu.memory_space<semaphore_mem>> -> memref<!tpu.dma_semaphore, #tpu.memory_space<semaphore_mem>>
        tpu.enqueue_indirect_dma source(%dma_start3A_2430 : memref<1000000xf32, #tpu.memory_space<hbm>>) target(%dma_start3A_2425 : memref<72xf32, #tpu.memory_space<vmem>>) offsets(%dma_start3A_2428 : memref<72xi32, #tpu.memory_space<vmem>>) semaphore(%dma_start3A_2432 : memref<!tpu.dma_semaphore, #tpu.memory_space<semaphore_mem>>)
      } else {
      }
      %mul3A_1302 = arith.constant 4 : i32
      %mul3A_1303 = arith.muli %scan3A_234, %mul3A_1302 : i32
      %add3A_1304 = arith.constant 2 : i32
      %add3A_1305 = arith.addi %mul3A_1303, %add3A_1304 : i32
      %dma_wait3A_1306 = arith.constant 2 : i32
      %dma_wait3A_1307 = arith.constant 2 : i32
      %dma_wait3A_1308 = arith.constant 0 : i32
      %dma_wait3A_1309 = arith.constant 0 : i32
      %dma_wait3A_1310 = tpu.memref_slice %arg10[%dma_wait3A_1306, %dma_wait3A_1308, %dma_wait3A_1309] : memref<4x200x32xf32, #tpu.memory_space<vmem>> -> memref<1x128x32xf32, #tpu.memory_space<vmem>>
      %dma_wait3A_1311 = tpu.memref_squeeze %dma_wait3A_1310 : memref<1x128x32xf32, #tpu.memory_space<vmem>> -> memref<128x32xf32, #tpu.memory_space<vmem>>
      %dma_wait3A_1312 = arith.constant 0 : i32
      %dma_wait3A_1313 = tpu.memref_slice %arg7[%add3A_1305, %dma_wait3A_1312] : memref<128x128xi32, #tpu.memory_space<vmem>> -> memref<1x128xi32, #tpu.memory_space<vmem>>
      %dma_wait3A_1314 = tpu.memref_squeeze %dma_wait3A_1313 : memref<1x128xi32, #tpu.memory_space<vmem>> -> memref<128xi32, #tpu.memory_space<vmem>>
      %dma_wait3A_1315 = arith.constant 0 : i32
      %dma_wait3A_1316 = arith.constant 0 : i32
      %dma_wait3A_1317 = tpu.memref_slice %arg4[%dma_wait3A_1315, %dma_wait3A_1316] : memref<1000000x32xf32, #tpu.memory_space<hbm>> -> memref<1000000x32xf32, #tpu.memory_space<hbm>>
      %dma_wait3A_1318 = tpu.memref_slice %arg12[%dma_wait3A_1307] : memref<4x!tpu.dma_semaphore, #tpu.memory_space<semaphore_mem>> -> memref<1x!tpu.dma_semaphore, #tpu.memory_space<semaphore_mem>>
      %dma_wait3A_1319 = tpu.memref_squeeze %dma_wait3A_1318 : memref<1x!tpu.dma_semaphore, #tpu.memory_space<semaphore_mem>> -> memref<!tpu.dma_semaphore, #tpu.memory_space<semaphore_mem>>
      tpu.wait_indirect_dma semaphore(%dma_wait3A_1319 : memref<!tpu.dma_semaphore, #tpu.memory_space<semaphore_mem>>) src(%dma_wait3A_1317 : memref<1000000x32xf32, #tpu.memory_space<hbm>>) dst(%dma_wait3A_1311 : memref<128x32xf32, #tpu.memory_space<vmem>>)
      %dma_wait3A_1320 = arith.constant 2 : i32
      %dma_wait3A_1321 = arith.constant 2 : i32
      %dma_wait3A_1322 = arith.constant 128 : i32
      %dma_wait3A_1323 = arith.constant 0 : i32
      %dma_wait3A_1324 = tpu.memref_slice %arg10[%dma_wait3A_1320, %dma_wait3A_1322, %dma_wait3A_1323] : memref<4x200x32xf32, #tpu.memory_space<vmem>> -> memref<1x72x32xf32, #tpu.memory_space<vmem>>
      %dma_wait3A_1325 = tpu.memref_squeeze %dma_wait3A_1324 : memref<1x72x32xf32, #tpu.memory_space<vmem>> -> memref<72x32xf32, #tpu.memory_space<vmem>>
      %dma_wait3A_1326 = arith.constant 0 : i32
      %dma_wait3A_1327 = tpu.memref_slice %arg8[%add3A_1305, %dma_wait3A_1326] : memref<128x128xi32, #tpu.memory_space<vmem>> -> memref<1x72xi32, #tpu.memory_space<vmem>>
      %dma_wait3A_1328 = tpu.memref_squeeze %dma_wait3A_1327 : memref<1x72xi32, #tpu.memory_space<vmem>> -> memref<72xi32, #tpu.memory_space<vmem>>
      %dma_wait3A_1329 = arith.constant 0 : i32
      %dma_wait3A_1330 = arith.constant 0 : i32
      %dma_wait3A_1331 = tpu.memref_slice %arg4[%dma_wait3A_1329, %dma_wait3A_1330] : memref<1000000x32xf32, #tpu.memory_space<hbm>> -> memref<1000000x32xf32, #tpu.memory_space<hbm>>
      %dma_wait3A_1332 = tpu.memref_slice %arg12[%dma_wait3A_1321] : memref<4x!tpu.dma_semaphore, #tpu.memory_space<semaphore_mem>> -> memref<1x!tpu.dma_semaphore, #tpu.memory_space<semaphore_mem>>
      %dma_wait3A_1333 = tpu.memref_squeeze %dma_wait3A_1332 : memref<1x!tpu.dma_semaphore, #tpu.memory_space<semaphore_mem>> -> memref<!tpu.dma_semaphore, #tpu.memory_space<semaphore_mem>>
      tpu.wait_indirect_dma semaphore(%dma_wait3A_1333 : memref<!tpu.dma_semaphore, #tpu.memory_space<semaphore_mem>>) src(%dma_wait3A_1331 : memref<1000000x32xf32, #tpu.memory_space<hbm>>) dst(%dma_wait3A_1325 : memref<72x32xf32, #tpu.memory_space<vmem>>)
      %dma_wait3A_1334 = arith.constant 2 : i32
      %dma_wait3A_1335 = arith.constant 2 : i32
      %dma_wait3A_1336 = arith.constant 0 : i32
      %dma_wait3A_1337 = tpu.memref_slice %arg9[%dma_wait3A_1334, %dma_wait3A_1336] : memref<4x200xf32, #tpu.memory_space<vmem>> -> memref<1x128xf32, #tpu.memory_space<vmem>>
      %dma_wait3A_1338 = tpu.memref_squeeze %dma_wait3A_1337 : memref<1x128xf32, #tpu.memory_space<vmem>> -> memref<128xf32, #tpu.memory_space<vmem>>
      %dma_wait3A_1339 = arith.constant 0 : i32
      %dma_wait3A_1340 = tpu.memref_slice %arg7[%add3A_1305, %dma_wait3A_1339] : memref<128x128xi32, #tpu.memory_space<vmem>> -> memref<1x128xi32, #tpu.memory_space<vmem>>
      %dma_wait3A_1341 = tpu.memref_squeeze %dma_wait3A_1340 : memref<1x128xi32, #tpu.memory_space<vmem>> -> memref<128xi32, #tpu.memory_space<vmem>>
      %dma_wait3A_1342 = arith.constant 0 : i32
      %dma_wait3A_1343 = tpu.memref_slice %arg5[%dma_wait3A_1342] : memref<1000000xf32, #tpu.memory_space<hbm>> -> memref<1000000xf32, #tpu.memory_space<hbm>>
      %dma_wait3A_1344 = tpu.memref_slice %arg13[%dma_wait3A_1335] : memref<4x!tpu.dma_semaphore, #tpu.memory_space<semaphore_mem>> -> memref<1x!tpu.dma_semaphore, #tpu.memory_space<semaphore_mem>>
      %dma_wait3A_1345 = tpu.memref_squeeze %dma_wait3A_1344 : memref<1x!tpu.dma_semaphore, #tpu.memory_space<semaphore_mem>> -> memref<!tpu.dma_semaphore, #tpu.memory_space<semaphore_mem>>
      tpu.wait_indirect_dma semaphore(%dma_wait3A_1345 : memref<!tpu.dma_semaphore, #tpu.memory_space<semaphore_mem>>) src(%dma_wait3A_1343 : memref<1000000xf32, #tpu.memory_space<hbm>>) dst(%dma_wait3A_1338 : memref<128xf32, #tpu.memory_space<vmem>>)
      %dma_wait3A_1346 = arith.constant 2 : i32
      %dma_wait3A_1347 = arith.constant 2 : i32
      %dma_wait3A_1348 = arith.constant 128 : i32
      %dma_wait3A_1349 = tpu.memref_slice %arg9[%dma_wait3A_1346, %dma_wait3A_1348] : memref<4x200xf32, #tpu.memory_space<vmem>> -> memref<1x72xf32, #tpu.memory_space<vmem>>
      %dma_wait3A_1350 = tpu.memref_squeeze %dma_wait3A_1349 : memref<1x72xf32, #tpu.memory_space<vmem>> -> memref<72xf32, #tpu.memory_space<vmem>>
      %dma_wait3A_1351 = arith.constant 0 : i32
      %dma_wait3A_1352 = tpu.memref_slice %arg8[%add3A_1305, %dma_wait3A_1351] : memref<128x128xi32, #tpu.memory_space<vmem>> -> memref<1x72xi32, #tpu.memory_space<vmem>>
      %dma_wait3A_1353 = tpu.memref_squeeze %dma_wait3A_1352 : memref<1x72xi32, #tpu.memory_space<vmem>> -> memref<72xi32, #tpu.memory_space<vmem>>
      %dma_wait3A_1354 = arith.constant 0 : i32
      %dma_wait3A_1355 = tpu.memref_slice %arg5[%dma_wait3A_1354] : memref<1000000xf32, #tpu.memory_space<hbm>> -> memref<1000000xf32, #tpu.memory_space<hbm>>
      %dma_wait3A_1356 = tpu.memref_slice %arg13[%dma_wait3A_1347] : memref<4x!tpu.dma_semaphore, #tpu.memory_space<semaphore_mem>> -> memref<1x!tpu.dma_semaphore, #tpu.memory_space<semaphore_mem>>
      %dma_wait3A_1357 = tpu.memref_squeeze %dma_wait3A_1356 : memref<1x!tpu.dma_semaphore, #tpu.memory_space<semaphore_mem>> -> memref<!tpu.dma_semaphore, #tpu.memory_space<semaphore_mem>>
      tpu.wait_indirect_dma semaphore(%dma_wait3A_1357 : memref<!tpu.dma_semaphore, #tpu.memory_space<semaphore_mem>>) src(%dma_wait3A_1355 : memref<1000000xf32, #tpu.memory_space<hbm>>) dst(%dma_wait3A_1350 : memref<72xf32, #tpu.memory_space<vmem>>)
      %get3A_1358 = arith.index_cast %add3A_1305 : i32 to index
      %get3A_1359 = arith.constant 0 : index
      %get3A_1360 = tpu.vector_load %arg7[%get3A_1358, %get3A_1359] {strides = array<i32>} : memref<128x128xi32, #tpu.memory_space<vmem>>, vector<1x16xi32>,
      %get3A_1361 = vector.shape_cast %get3A_1360 : vector<1x16xi32> to vector<16xi32>
      %ne3A_1362 = arith.constant 0 : i32
      %ne3A_1363 = vector.broadcast %ne3A_1362 : i32 to vector<16xi32>
      %ne3A_1364 = arith.cmpi ne, %get3A_1361, %ne3A_1363 : vector<16xi32>
      %get3A_1365 = arith.constant 2 : i32
      %get3A_1366 = arith.index_cast %get3A_1365 : i32 to index
      %get3A_1367 = arith.constant 0 : index
      %get3A_1368 = tpu.vector_load %arg9[%get3A_1366, %get3A_1367] {strides = array<i32>} : memref<4x200xf32, #tpu.memory_space<vmem>>, vector<1x16xf32>,
      %get3A_1369 = vector.shape_cast %get3A_1368 : vector<1x16xf32> to vector<16xf32>
      %jit3A_1370 = arith.constant 0.000000e+00 : f32
      %broadcast_in_dim3A_1371 = vector.broadcast %jit3A_1370 : f32 to vector<16xf32>
      %select_n3A_1372 = arith.select %ne3A_1364, %get3A_1369, %broadcast_in_dim3A_1371 : vector<16xi1>, vector<16xf32>
      %swap3A_1373 = arith.constant 2 : i32
      %swap3A_1374 = arith.index_cast %swap3A_1373 : i32 to index
      %swap3A_1375 = arith.constant 0 : index
      %swap3A_1376 = tpu.vector_load %arg9[%swap3A_1374, %swap3A_1375] {strides = array<i32>} : memref<4x200xf32, #tpu.memory_space<vmem>>, vector<1x16xf32>,
      %swap3A_1377 = vector.shape_cast %swap3A_1376 : vector<1x16xf32> to vector<16xf32>
      %swap3A_1378 = vector.shape_cast %select_n3A_1372 : vector<16xf32> to vector<1x16xf32>
      tpu.vector_store %arg9[%swap3A_1374, %swap3A_1375], %swap3A_1378 {strides = array<i32>} : memref<4x200xf32, #tpu.memory_space<vmem>>, vector<1x16xf32>,
      %get3A_1379 = arith.index_cast %add3A_1305 : i32 to index
      %get3A_1380 = arith.constant 16 : index
      %get3A_1381 = tpu.vector_load %arg7[%get3A_1379, %get3A_1380] {strides = array<i32>} : memref<128x128xi32, #tpu.memory_space<vmem>>, vector<1x16xi32>,
      %get3A_1382 = vector.shape_cast %get3A_1381 : vector<1x16xi32> to vector<16xi32>
      %ne3A_1383 = arith.constant 0 : i32
      %ne3A_1384 = vector.broadcast %ne3A_1383 : i32 to vector<16xi32>
      %ne3A_1385 = arith.cmpi ne, %get3A_1382, %ne3A_1384 : vector<16xi32>
      %get3A_1386 = arith.constant 2 : i32
      %get3A_1387 = arith.index_cast %get3A_1386 : i32 to index
      %get3A_1388 = arith.constant 16 : index
      %get3A_1389 = tpu.vector_load %arg9[%get3A_1387, %get3A_1388] {strides = array<i32>} : memref<4x200xf32, #tpu.memory_space<vmem>>, vector<1x16xf32>,
      %get3A_1390 = vector.shape_cast %get3A_1389 : vector<1x16xf32> to vector<16xf32>
      %jit3A_1391 = arith.constant 0.000000e+00 : f32
      %broadcast_in_dim3A_1392 = vector.broadcast %jit3A_1391 : f32 to vector<16xf32>
      %select_n3A_1393 = arith.select %ne3A_1385, %get3A_1390, %broadcast_in_dim3A_1392 : vector<16xi1>, vector<16xf32>
      %swap3A_1394 = arith.constant 2 : i32
      %swap3A_1395 = arith.index_cast %swap3A_1394 : i32 to index
      %swap3A_1396 = arith.constant 16 : index
      %swap3A_1397 = tpu.vector_load %arg9[%swap3A_1395, %swap3A_1396] {strides = array<i32>} : memref<4x200xf32, #tpu.memory_space<vmem>>, vector<1x16xf32>,
      %swap3A_1398 = vector.shape_cast %swap3A_1397 : vector<1x16xf32> to vector<16xf32>
      %swap3A_1399 = vector.shape_cast %select_n3A_1393 : vector<16xf32> to vector<1x16xf32>
      tpu.vector_store %arg9[%swap3A_1395, %swap3A_1396], %swap3A_1399 {strides = array<i32>} : memref<4x200xf32, #tpu.memory_space<vmem>>, vector<1x16xf32>,
      %get3A_1400 = arith.index_cast %add3A_1305 : i32 to index
      %get3A_1401 = arith.constant 32 : index
      %get3A_1402 = tpu.vector_load %arg7[%get3A_1400, %get3A_1401] {strides = array<i32>} : memref<128x128xi32, #tpu.memory_space<vmem>>, vector<1x16xi32>,
      %get3A_1403 = vector.shape_cast %get3A_1402 : vector<1x16xi32> to vector<16xi32>
      %ne3A_1404 = arith.constant 0 : i32
      %ne3A_1405 = vector.broadcast %ne3A_1404 : i32 to vector<16xi32>
      %ne3A_1406 = arith.cmpi ne, %get3A_1403, %ne3A_1405 : vector<16xi32>
      %get3A_1407 = arith.constant 2 : i32
      %get3A_1408 = arith.index_cast %get3A_1407 : i32 to index
      %get3A_1409 = arith.constant 32 : index
      %get3A_1410 = tpu.vector_load %arg9[%get3A_1408, %get3A_1409] {strides = array<i32>} : memref<4x200xf32, #tpu.memory_space<vmem>>, vector<1x16xf32>,
      %get3A_1411 = vector.shape_cast %get3A_1410 : vector<1x16xf32> to vector<16xf32>
      %jit3A_1412 = arith.constant 0.000000e+00 : f32
      %broadcast_in_dim3A_1413 = vector.broadcast %jit3A_1412 : f32 to vector<16xf32>
      %select_n3A_1414 = arith.select %ne3A_1406, %get3A_1411, %broadcast_in_dim3A_1413 : vector<16xi1>, vector<16xf32>
      %swap3A_1415 = arith.constant 2 : i32
      %swap3A_1416 = arith.index_cast %swap3A_1415 : i32 to index
      %swap3A_1417 = arith.constant 32 : index
      %swap3A_1418 = tpu.vector_load %arg9[%swap3A_1416, %swap3A_1417] {strides = array<i32>} : memref<4x200xf32, #tpu.memory_space<vmem>>, vector<1x16xf32>,
      %swap3A_1419 = vector.shape_cast %swap3A_1418 : vector<1x16xf32> to vector<16xf32>
      %swap3A_1420 = vector.shape_cast %select_n3A_1414 : vector<16xf32> to vector<1x16xf32>
      tpu.vector_store %arg9[%swap3A_1416, %swap3A_1417], %swap3A_1420 {strides = array<i32>} : memref<4x200xf32, #tpu.memory_space<vmem>>, vector<1x16xf32>,
      %get3A_1421 = arith.index_cast %add3A_1305 : i32 to index
      %get3A_1422 = arith.constant 48 : index
      %get3A_1423 = tpu.vector_load %arg7[%get3A_1421, %get3A_1422] {strides = array<i32>} : memref<128x128xi32, #tpu.memory_space<vmem>>, vector<1x16xi32>,
      %get3A_1424 = vector.shape_cast %get3A_1423 : vector<1x16xi32> to vector<16xi32>
      %ne3A_1425 = arith.constant 0 : i32
      %ne3A_1426 = vector.broadcast %ne3A_1425 : i32 to vector<16xi32>
      %ne3A_1427 = arith.cmpi ne, %get3A_1424, %ne3A_1426 : vector<16xi32>
      %get3A_1428 = arith.constant 2 : i32
      %get3A_1429 = arith.index_cast %get3A_1428 : i32 to index
      %get3A_1430 = arith.constant 48 : index
      %get3A_1431 = tpu.vector_load %arg9[%get3A_1429, %get3A_1430] {strides = array<i32>} : memref<4x200xf32, #tpu.memory_space<vmem>>, vector<1x16xf32>,
      %get3A_1432 = vector.shape_cast %get3A_1431 : vector<1x16xf32> to vector<16xf32>
      %jit3A_1433 = arith.constant 0.000000e+00 : f32
      %broadcast_in_dim3A_1434 = vector.broadcast %jit3A_1433 : f32 to vector<16xf32>
      %select_n3A_1435 = arith.select %ne3A_1427, %get3A_1432, %broadcast_in_dim3A_1434 : vector<16xi1>, vector<16xf32>
      %swap3A_1436 = arith.constant 2 : i32
      %swap3A_1437 = arith.index_cast %swap3A_1436 : i32 to index
      %swap3A_1438 = arith.constant 48 : index
      %swap3A_1439 = tpu.vector_load %arg9[%swap3A_1437, %swap3A_1438] {strides = array<i32>} : memref<4x200xf32, #tpu.memory_space<vmem>>, vector<1x16xf32>,
      %swap3A_1440 = vector.shape_cast %swap3A_1439 : vector<1x16xf32> to vector<16xf32>
      %swap3A_1441 = vector.shape_cast %select_n3A_1435 : vector<16xf32> to vector<1x16xf32>
      tpu.vector_store %arg9[%swap3A_1437, %swap3A_1438], %swap3A_1441 {strides = array<i32>} : memref<4x200xf32, #tpu.memory_space<vmem>>, vector<1x16xf32>,
      %get3A_1442 = arith.index_cast %add3A_1305 : i32 to index
      %get3A_1443 = arith.constant 64 : index
      %get3A_1444 = tpu.vector_load %arg7[%get3A_1442, %get3A_1443] {strides = array<i32>} : memref<128x128xi32, #tpu.memory_space<vmem>>, vector<1x16xi32>,
      %get3A_1445 = vector.shape_cast %get3A_1444 : vector<1x16xi32> to vector<16xi32>
      %ne3A_1446 = arith.constant 0 : i32
      %ne3A_1447 = vector.broadcast %ne3A_1446 : i32 to vector<16xi32>
      %ne3A_1448 = arith.cmpi ne, %get3A_1445, %ne3A_1447 : vector<16xi32>
      %get3A_1449 = arith.constant 2 : i32
      %get3A_1450 = arith.index_cast %get3A_1449 : i32 to index
      %get3A_1451 = arith.constant 64 : index
      %get3A_1452 = tpu.vector_load %arg9[%get3A_1450, %get3A_1451] {strides = array<i32>} : memref<4x200xf32, #tpu.memory_space<vmem>>, vector<1x16xf32>,
      %get3A_1453 = vector.shape_cast %get3A_1452 : vector<1x16xf32> to vector<16xf32>
      %jit3A_1454 = arith.constant 0.000000e+00 : f32
      %broadcast_in_dim3A_1455 = vector.broadcast %jit3A_1454 : f32 to vector<16xf32>
      %select_n3A_1456 = arith.select %ne3A_1448, %get3A_1453, %broadcast_in_dim3A_1455 : vector<16xi1>, vector<16xf32>
      %swap3A_1457 = arith.constant 2 : i32
      %swap3A_1458 = arith.index_cast %swap3A_1457 : i32 to index
      %swap3A_1459 = arith.constant 64 : index
      %swap3A_1460 = tpu.vector_load %arg9[%swap3A_1458, %swap3A_1459] {strides = array<i32>} : memref<4x200xf32, #tpu.memory_space<vmem>>, vector<1x16xf32>,
      %swap3A_1461 = vector.shape_cast %swap3A_1460 : vector<1x16xf32> to vector<16xf32>
      %swap3A_1462 = vector.shape_cast %select_n3A_1456 : vector<16xf32> to vector<1x16xf32>
      tpu.vector_store %arg9[%swap3A_1458, %swap3A_1459], %swap3A_1462 {strides = array<i32>} : memref<4x200xf32, #tpu.memory_space<vmem>>, vector<1x16xf32>,
      %get3A_1463 = arith.index_cast %add3A_1305 : i32 to index
      %get3A_1464 = arith.constant 80 : index
      %get3A_1465 = tpu.vector_load %arg7[%get3A_1463, %get3A_1464] {strides = array<i32>} : memref<128x128xi32, #tpu.memory_space<vmem>>, vector<1x16xi32>,
      %get3A_1466 = vector.shape_cast %get3A_1465 : vector<1x16xi32> to vector<16xi32>
      %ne3A_1467 = arith.constant 0 : i32
      %ne3A_1468 = vector.broadcast %ne3A_1467 : i32 to vector<16xi32>
      %ne3A_1469 = arith.cmpi ne, %get3A_1466, %ne3A_1468 : vector<16xi32>
      %get3A_1470 = arith.constant 2 : i32
      %get3A_1471 = arith.index_cast %get3A_1470 : i32 to index
      %get3A_1472 = arith.constant 80 : index
      %get3A_1473 = tpu.vector_load %arg9[%get3A_1471, %get3A_1472] {strides = array<i32>} : memref<4x200xf32, #tpu.memory_space<vmem>>, vector<1x16xf32>,
      %get3A_1474 = vector.shape_cast %get3A_1473 : vector<1x16xf32> to vector<16xf32>
      %jit3A_1475 = arith.constant 0.000000e+00 : f32
      %broadcast_in_dim3A_1476 = vector.broadcast %jit3A_1475 : f32 to vector<16xf32>
      %select_n3A_1477 = arith.select %ne3A_1469, %get3A_1474, %broadcast_in_dim3A_1476 : vector<16xi1>, vector<16xf32>
      %swap3A_1478 = arith.constant 2 : i32
      %swap3A_1479 = arith.index_cast %swap3A_1478 : i32 to index
      %swap3A_1480 = arith.constant 80 : index
      %swap3A_1481 = tpu.vector_load %arg9[%swap3A_1479, %swap3A_1480] {strides = array<i32>} : memref<4x200xf32, #tpu.memory_space<vmem>>, vector<1x16xf32>,
      %swap3A_1482 = vector.shape_cast %swap3A_1481 : vector<1x16xf32> to vector<16xf32>
      %swap3A_1483 = vector.shape_cast %select_n3A_1477 : vector<16xf32> to vector<1x16xf32>
      tpu.vector_store %arg9[%swap3A_1479, %swap3A_1480], %swap3A_1483 {strides = array<i32>} : memref<4x200xf32, #tpu.memory_space<vmem>>, vector<1x16xf32>,
      %get3A_1484 = arith.index_cast %add3A_1305 : i32 to index
      %get3A_1485 = arith.constant 96 : index
      %get3A_1486 = tpu.vector_load %arg7[%get3A_1484, %get3A_1485] {strides = array<i32>} : memref<128x128xi32, #tpu.memory_space<vmem>>, vector<1x16xi32>,
      %get3A_1487 = vector.shape_cast %get3A_1486 : vector<1x16xi32> to vector<16xi32>
      %ne3A_1488 = arith.constant 0 : i32
      %ne3A_1489 = vector.broadcast %ne3A_1488 : i32 to vector<16xi32>
      %ne3A_1490 = arith.cmpi ne, %get3A_1487, %ne3A_1489 : vector<16xi32>
      %get3A_1491 = arith.constant 2 : i32
      %get3A_1492 = arith.index_cast %get3A_1491 : i32 to index
      %get3A_1493 = arith.constant 96 : index
      %get3A_1494 = tpu.vector_load %arg9[%get3A_1492, %get3A_1493] {strides = array<i32>} : memref<4x200xf32, #tpu.memory_space<vmem>>, vector<1x16xf32>,
      %get3A_1495 = vector.shape_cast %get3A_1494 : vector<1x16xf32> to vector<16xf32>
      %jit3A_1496 = arith.constant 0.000000e+00 : f32
      %broadcast_in_dim3A_1497 = vector.broadcast %jit3A_1496 : f32 to vector<16xf32>
      %select_n3A_1498 = arith.select %ne3A_1490, %get3A_1495, %broadcast_in_dim3A_1497 : vector<16xi1>, vector<16xf32>
      %swap3A_1499 = arith.constant 2 : i32
      %swap3A_1500 = arith.index_cast %swap3A_1499 : i32 to index
      %swap3A_1501 = arith.constant 96 : index
      %swap3A_1502 = tpu.vector_load %arg9[%swap3A_1500, %swap3A_1501] {strides = array<i32>} : memref<4x200xf32, #tpu.memory_space<vmem>>, vector<1x16xf32>,
      %swap3A_1503 = vector.shape_cast %swap3A_1502 : vector<1x16xf32> to vector<16xf32>
      %swap3A_1504 = vector.shape_cast %select_n3A_1498 : vector<16xf32> to vector<1x16xf32>
      tpu.vector_store %arg9[%swap3A_1500, %swap3A_1501], %swap3A_1504 {strides = array<i32>} : memref<4x200xf32, #tpu.memory_space<vmem>>, vector<1x16xf32>,
      %get3A_1505 = arith.index_cast %add3A_1305 : i32 to index
      %get3A_1506 = arith.constant 112 : index
      %get3A_1507 = tpu.vector_load %arg7[%get3A_1505, %get3A_1506] {strides = array<i32>} : memref<128x128xi32, #tpu.memory_space<vmem>>, vector<1x16xi32>,
      %get3A_1508 = vector.shape_cast %get3A_1507 : vector<1x16xi32> to vector<16xi32>
      %ne3A_1509 = arith.constant 0 : i32
      %ne3A_1510 = vector.broadcast %ne3A_1509 : i32 to vector<16xi32>
      %ne3A_1511 = arith.cmpi ne, %get3A_1508, %ne3A_1510 : vector<16xi32>
      %get3A_1512 = arith.constant 2 : i32
      %get3A_1513 = arith.index_cast %get3A_1512 : i32 to index
      %get3A_1514 = arith.constant 112 : index
      %get3A_1515 = tpu.vector_load %arg9[%get3A_1513, %get3A_1514] {strides = array<i32>} : memref<4x200xf32, #tpu.memory_space<vmem>>, vector<1x16xf32>,
      %get3A_1516 = vector.shape_cast %get3A_1515 : vector<1x16xf32> to vector<16xf32>
      %jit3A_1517 = arith.constant 0.000000e+00 : f32
      %broadcast_in_dim3A_1518 = vector.broadcast %jit3A_1517 : f32 to vector<16xf32>
      %select_n3A_1519 = arith.select %ne3A_1511, %get3A_1516, %broadcast_in_dim3A_1518 : vector<16xi1>, vector<16xf32>
      %swap3A_1520 = arith.constant 2 : i32
      %swap3A_1521 = arith.index_cast %swap3A_1520 : i32 to index
      %swap3A_1522 = arith.constant 112 : index
      %swap3A_1523 = tpu.vector_load %arg9[%swap3A_1521, %swap3A_1522] {strides = array<i32>} : memref<4x200xf32, #tpu.memory_space<vmem>>, vector<1x16xf32>,
      %swap3A_1524 = vector.shape_cast %swap3A_1523 : vector<1x16xf32> to vector<16xf32>
      %swap3A_1525 = vector.shape_cast %select_n3A_1519 : vector<16xf32> to vector<1x16xf32>
      tpu.vector_store %arg9[%swap3A_1521, %swap3A_1522], %swap3A_1525 {strides = array<i32>} : memref<4x200xf32, #tpu.memory_space<vmem>>, vector<1x16xf32>,
      %get3A_1526 = arith.index_cast %add3A_1305 : i32 to index
      %get3A_1527 = arith.constant 0 : index
      %get3A_1528 = tpu.vector_load %arg8[%get3A_1526, %get3A_1527] {strides = array<i32>} : memref<128x128xi32, #tpu.memory_space<vmem>>, vector<1x16xi32>,
      %get3A_1529 = vector.shape_cast %get3A_1528 : vector<1x16xi32> to vector<16xi32>
      %ne3A_1530 = arith.constant 0 : i32
      %ne3A_1531 = vector.broadcast %ne3A_1530 : i32 to vector<16xi32>
      %ne3A_1532 = arith.cmpi ne, %get3A_1529, %ne3A_1531 : vector<16xi32>
      %get3A_1533 = arith.constant 2 : i32
      %get3A_1534 = arith.index_cast %get3A_1533 : i32 to index
      %get3A_1535 = arith.constant 128 : index
      %get3A_1536 = tpu.vector_load %arg9[%get3A_1534, %get3A_1535] {strides = array<i32>} : memref<4x200xf32, #tpu.memory_space<vmem>>, vector<1x16xf32>,
      %get3A_1537 = vector.shape_cast %get3A_1536 : vector<1x16xf32> to vector<16xf32>
      %jit3A_1538 = arith.constant 0.000000e+00 : f32
      %broadcast_in_dim3A_1539 = vector.broadcast %jit3A_1538 : f32 to vector<16xf32>
      %select_n3A_1540 = arith.select %ne3A_1532, %get3A_1537, %broadcast_in_dim3A_1539 : vector<16xi1>, vector<16xf32>
      %swap3A_1541 = arith.constant 2 : i32
      %swap3A_1542 = arith.index_cast %swap3A_1541 : i32 to index
      %swap3A_1543 = arith.constant 128 : index
      %swap3A_1544 = tpu.vector_load %arg9[%swap3A_1542, %swap3A_1543] {strides = array<i32>} : memref<4x200xf32, #tpu.memory_space<vmem>>, vector<1x16xf32>,
      %swap3A_1545 = vector.shape_cast %swap3A_1544 : vector<1x16xf32> to vector<16xf32>
      %swap3A_1546 = vector.shape_cast %select_n3A_1540 : vector<16xf32> to vector<1x16xf32>
      tpu.vector_store %arg9[%swap3A_1542, %swap3A_1543], %swap3A_1546 {strides = array<i32>} : memref<4x200xf32, #tpu.memory_space<vmem>>, vector<1x16xf32>,
      %get3A_1547 = arith.index_cast %add3A_1305 : i32 to index
      %get3A_1548 = arith.constant 16 : index
      %get3A_1549 = tpu.vector_load %arg8[%get3A_1547, %get3A_1548] {strides = array<i32>} : memref<128x128xi32, #tpu.memory_space<vmem>>, vector<1x16xi32>,
      %get3A_1550 = vector.shape_cast %get3A_1549 : vector<1x16xi32> to vector<16xi32>
      %ne3A_1551 = arith.constant 0 : i32
      %ne3A_1552 = vector.broadcast %ne3A_1551 : i32 to vector<16xi32>
      %ne3A_1553 = arith.cmpi ne, %get3A_1550, %ne3A_1552 : vector<16xi32>
      %get3A_1554 = arith.constant 2 : i32
      %get3A_1555 = arith.index_cast %get3A_1554 : i32 to index
      %get3A_1556 = arith.constant 144 : index
      %get3A_1557 = tpu.vector_load %arg9[%get3A_1555, %get3A_1556] {strides = array<i32>} : memref<4x200xf32, #tpu.memory_space<vmem>>, vector<1x16xf32>,
      %get3A_1558 = vector.shape_cast %get3A_1557 : vector<1x16xf32> to vector<16xf32>
      %jit3A_1559 = arith.constant 0.000000e+00 : f32
      %broadcast_in_dim3A_1560 = vector.broadcast %jit3A_1559 : f32 to vector<16xf32>
      %select_n3A_1561 = arith.select %ne3A_1553, %get3A_1558, %broadcast_in_dim3A_1560 : vector<16xi1>, vector<16xf32>
      %swap3A_1562 = arith.constant 2 : i32
      %swap3A_1563 = arith.index_cast %swap3A_1562 : i32 to index
      %swap3A_1564 = arith.constant 144 : index
      %swap3A_1565 = tpu.vector_load %arg9[%swap3A_1563, %swap3A_1564] {strides = array<i32>} : memref<4x200xf32, #tpu.memory_space<vmem>>, vector<1x16xf32>,
      %swap3A_1566 = vector.shape_cast %swap3A_1565 : vector<1x16xf32> to vector<16xf32>
      %swap3A_1567 = vector.shape_cast %select_n3A_1561 : vector<16xf32> to vector<1x16xf32>
      tpu.vector_store %arg9[%swap3A_1563, %swap3A_1564], %swap3A_1567 {strides = array<i32>} : memref<4x200xf32, #tpu.memory_space<vmem>>, vector<1x16xf32>,
      %get3A_1568 = arith.index_cast %add3A_1305 : i32 to index
      %get3A_1569 = arith.constant 32 : index
      %get3A_1570 = tpu.vector_load %arg8[%get3A_1568, %get3A_1569] {strides = array<i32>} : memref<128x128xi32, #tpu.memory_space<vmem>>, vector<1x16xi32>,
      %get3A_1571 = vector.shape_cast %get3A_1570 : vector<1x16xi32> to vector<16xi32>
      %ne3A_1572 = arith.constant 0 : i32
      %ne3A_1573 = vector.broadcast %ne3A_1572 : i32 to vector<16xi32>
      %ne3A_1574 = arith.cmpi ne, %get3A_1571, %ne3A_1573 : vector<16xi32>
      %get3A_1575 = arith.constant 2 : i32
      %get3A_1576 = arith.index_cast %get3A_1575 : i32 to index
      %get3A_1577 = arith.constant 160 : index
      %get3A_1578 = tpu.vector_load %arg9[%get3A_1576, %get3A_1577] {strides = array<i32>} : memref<4x200xf32, #tpu.memory_space<vmem>>, vector<1x16xf32>,
      %get3A_1579 = vector.shape_cast %get3A_1578 : vector<1x16xf32> to vector<16xf32>
      %jit3A_1580 = arith.constant 0.000000e+00 : f32
      %broadcast_in_dim3A_1581 = vector.broadcast %jit3A_1580 : f32 to vector<16xf32>
      %select_n3A_1582 = arith.select %ne3A_1574, %get3A_1579, %broadcast_in_dim3A_1581 : vector<16xi1>, vector<16xf32>
      %swap3A_1583 = arith.constant 2 : i32
      %swap3A_1584 = arith.index_cast %swap3A_1583 : i32 to index
      %swap3A_1585 = arith.constant 160 : index
      %swap3A_1586 = tpu.vector_load %arg9[%swap3A_1584, %swap3A_1585] {strides = array<i32>} : memref<4x200xf32, #tpu.memory_space<vmem>>, vector<1x16xf32>,
      %swap3A_1587 = vector.shape_cast %swap3A_1586 : vector<1x16xf32> to vector<16xf32>
      %swap3A_1588 = vector.shape_cast %select_n3A_1582 : vector<16xf32> to vector<1x16xf32>
      tpu.vector_store %arg9[%swap3A_1584, %swap3A_1585], %swap3A_1588 {strides = array<i32>} : memref<4x200xf32, #tpu.memory_space<vmem>>, vector<1x16xf32>,
      %get3A_1589 = arith.index_cast %add3A_1305 : i32 to index
      %get3A_1590 = arith.constant 48 : index
      %get3A_1591 = tpu.vector_load %arg8[%get3A_1589, %get3A_1590] {strides = array<i32>} : memref<128x128xi32, #tpu.memory_space<vmem>>, vector<1x16xi32>,
      %get3A_1592 = vector.shape_cast %get3A_1591 : vector<1x16xi32> to vector<16xi32>
      %ne3A_1593 = arith.constant 0 : i32
      %ne3A_1594 = vector.broadcast %ne3A_1593 : i32 to vector<16xi32>
      %ne3A_1595 = arith.cmpi ne, %get3A_1592, %ne3A_1594 : vector<16xi32>
      %get3A_1596 = arith.constant 2 : i32
      %get3A_1597 = arith.index_cast %get3A_1596 : i32 to index
      %get3A_1598 = arith.constant 176 : index
      %get3A_1599 = tpu.vector_load %arg9[%get3A_1597, %get3A_1598] {strides = array<i32>} : memref<4x200xf32, #tpu.memory_space<vmem>>, vector<1x16xf32>,
      %get3A_1600 = vector.shape_cast %get3A_1599 : vector<1x16xf32> to vector<16xf32>
      %jit3A_1601 = arith.constant 0.000000e+00 : f32
      %broadcast_in_dim3A_1602 = vector.broadcast %jit3A_1601 : f32 to vector<16xf32>
      %select_n3A_1603 = arith.select %ne3A_1595, %get3A_1600, %broadcast_in_dim3A_1602 : vector<16xi1>, vector<16xf32>
      %swap3A_1604 = arith.constant 2 : i32
      %swap3A_1605 = arith.index_cast %swap3A_1604 : i32 to index
      %swap3A_1606 = arith.constant 176 : index
      %swap3A_1607 = tpu.vector_load %arg9[%swap3A_1605, %swap3A_1606] {strides = array<i32>} : memref<4x200xf32, #tpu.memory_space<vmem>>, vector<1x16xf32>,
      %swap3A_1608 = vector.shape_cast %swap3A_1607 : vector<1x16xf32> to vector<16xf32>
      %swap3A_1609 = vector.shape_cast %select_n3A_1603 : vector<16xf32> to vector<1x16xf32>
      tpu.vector_store %arg9[%swap3A_1605, %swap3A_1606], %swap3A_1609 {strides = array<i32>} : memref<4x200xf32, #tpu.memory_space<vmem>>, vector<1x16xf32>,
      %get3A_1610 = arith.index_cast %add3A_1305 : i32 to index
      %get3A_1611 = arith.constant 56 : index
      %get3A_1612 = tpu.vector_load %arg8[%get3A_1610, %get3A_1611] {strides = array<i32>} : memref<128x128xi32, #tpu.memory_space<vmem>>, vector<1x16xi32>,
      %get3A_1613 = vector.shape_cast %get3A_1612 : vector<1x16xi32> to vector<16xi32>
      %ne3A_1614 = arith.constant 0 : i32
      %ne3A_1615 = vector.broadcast %ne3A_1614 : i32 to vector<16xi32>
      %ne3A_1616 = arith.cmpi ne, %get3A_1613, %ne3A_1615 : vector<16xi32>
      %get3A_1617 = arith.constant 2 : i32
      %get3A_1618 = arith.index_cast %get3A_1617 : i32 to index
      %get3A_1619 = arith.constant 184 : index
      %get3A_1620 = tpu.vector_load %arg9[%get3A_1618, %get3A_1619] {strides = array<i32>} : memref<4x200xf32, #tpu.memory_space<vmem>>, vector<1x16xf32>,
      %get3A_1621 = vector.shape_cast %get3A_1620 : vector<1x16xf32> to vector<16xf32>
      %jit3A_1622 = arith.constant 0.000000e+00 : f32
      %broadcast_in_dim3A_1623 = vector.broadcast %jit3A_1622 : f32 to vector<16xf32>
      %select_n3A_1624 = arith.select %ne3A_1616, %get3A_1621, %broadcast_in_dim3A_1623 : vector<16xi1>, vector<16xf32>
      %swap3A_1625 = arith.constant 2 : i32
      %swap3A_1626 = arith.index_cast %swap3A_1625 : i32 to index
      %swap3A_1627 = arith.constant 184 : index
      %swap3A_1628 = tpu.vector_load %arg9[%swap3A_1626, %swap3A_1627] {strides = array<i32>} : memref<4x200xf32, #tpu.memory_space<vmem>>, vector<1x16xf32>,
      %swap3A_1629 = vector.shape_cast %swap3A_1628 : vector<1x16xf32> to vector<16xf32>
      %swap3A_1630 = vector.shape_cast %select_n3A_1624 : vector<16xf32> to vector<1x16xf32>
      tpu.vector_store %arg9[%swap3A_1626, %swap3A_1627], %swap3A_1630 {strides = array<i32>} : memref<4x200xf32, #tpu.memory_space<vmem>>, vector<1x16xf32>,
      %broadcast_in_dim3A_1631 = arith.constant 0.000000e+00 : f32
      %broadcast_in_dim3A_1632 = vector.broadcast %broadcast_in_dim3A_1631 : f32 to vector<16xf32>
      %scan3A_1633 = arith.constant 0 : i32
      %scan3A_1634 = arith.constant 12 : i32
      %scan3A_1635 = arith.addi %scan3A_1633, %scan3A_1634 : i32
      %scan3A_1636 = arith.constant 1 : i32
      %scan3A_1637:2 = scf.for %scan3A_2381 = %scan3A_1633 to %scan3A_1635 step %scan3A_1636 iter_args(%scan3A_2382 = %broadcast_in_dim3A_1632, %scan3A_2383 = %broadcast_in_dim3A_1632) -> (vector<16xf32>, vector<16xf32>)  : i32 {
        %mul3A_2384 = arith.constant 16 : i32
        %mul3A_2385 = arith.muli %scan3A_2381, %mul3A_2384 : i32
        %get3A_2386 = arith.constant 2 : i32
        %get3A_2387 = arith.index_cast %get3A_2386 : i32 to index
        %get3A_2388 = arith.index_cast %mul3A_2385 : i32 to index
        %get3A_2389 = tpu.vector_load %arg9[%get3A_2387, %get3A_2388] {strides = array<i32>} : memref<4x200xf32, #tpu.memory_space<vmem>>, vector<1x16xf32>,
        %get3A_2390 = vector.shape_cast %get3A_2389 : vector<1x16xf32> to vector<16xf32>
        %mul3A_2391 = arith.constant 16 : i32
        %mul3A_2392 = arith.muli %scan3A_2381, %mul3A_2391 : i32
        %add3A_2393 = arith.constant 0 : i32
        %add3A_2394 = arith.addi %mul3A_2392, %add3A_2393 : i32
        %slice3A_2395 = vector.extract_strided_slice %get3A_2390 {offsets = [0], sizes = [1], strides = [1]} : vector<16xf32> to vector<1xf32>
        %squeeze3A_2396 = vector.extract %slice3A_2395[0] : f32 from vector<1xf32>
        %get3A_2397 = arith.constant 2 : i32
        %get3A_2398 = arith.index_cast %get3A_2397 : i32 to index
        %get3A_2399 = arith.index_cast %add3A_2394 : i32 to index
        %get3A_2400 = arith.constant 0 : index
        %get3A_2401 = tpu.vector_load %arg10[%get3A_2398, %get3A_2399, %get3A_2400] {strides = array<i32>} : memref<4x200x32xf32, #tpu.memory_space<vmem>>, vector<1x1x16xf32>,
        %get3A_2402 = vector.shape_cast %get3A_2401 : vector<1x1x16xf32> to vector<16xf32>
        %mul3A_2403 = vector.broadcast %squeeze3A_2396 : f32 to vector<16xf32>
        %mul3A_2404 = arith.mulf %mul3A_2403, %get3A_2402 : vector<16xf32>
        %add3A_2405 = arith.addf %scan3A_2382, %mul3A_2404 : vector<16xf32>
        %get3A_2406 = arith.constant 2 : i32
        %get3A_2407 = arith.index_cast %get3A_2406 : i32 to index
        %get3A_2408 = arith.index_cast %add3A_2394 : i32 to index
        %get3A_2409 = arith.constant 16 : index
        %get3A_2410 = tpu.vector_load %arg10[%get3A_2407, %get3A_2408, %get3A_2409] {strides = array<i32>} : memref<4x200x32xf32, #tpu.memory_space<vmem>>, vector<1x1x16xf32>,
        %get3A_2411 = vector.shape_cast %get3A_2410 : vector<1x1x16xf32> to vector<16xf32>
        %mul3A_2412 = vector.broadcast %squeeze3A_2396 : f32 to vector<16xf32>
        %mul3A_2413 = arith.mulf %mul3A_2412, %get3A_2411 : vector<16xf32>
        %add3A_2414 = arith.addf %scan3A_2383, %mul3A_2413 : vector<16xf32>
        %add3A_2415 = arith.constant 1 : i32
        %add3A_2416 = arith.addi %mul3A_2392, %add3A_2415 : i32
        %slice3A_2417 = vector.extract_strided_slice %get3A_2390 {offsets = [1], sizes = [1], strides = [1]} : vector<16xf32> to vector<1xf32>
        %squeeze3A_2418 = vector.extract %slice3A_2417[0] : f32 from vector<1xf32>
        %get3A_2419 = arith.constant 2 : i32
        %get3A_2420 = arith.index_cast %get3A_2419 : i32 to index
        %get3A_2421 = arith.index_cast %add3A_2416 : i32 to index
        %get3A_2422 = arith.constant 0 : index
        %get3A_2423 = tpu.vector_load %arg10[%get3A_2420, %get3A_2421, %get3A_2422] {strides = array<i32>} : memref<4x200x32xf32, #tpu.memory_space<vmem>>, vector<1x1x16xf32>,
        %get3A_2424 = vector.shape_cast %get3A_2423 : vector<1x1x16xf32> to vector<16xf32>
        %mul3A_2425 = vector.broadcast %squeeze3A_2418 : f32 to vector<16xf32>
        %mul3A_2426 = arith.mulf %mul3A_2425, %get3A_2424 : vector<16xf32>
        %add3A_2427 = arith.addf %add3A_2405, %mul3A_2426 : vector<16xf32>
        %get3A_2428 = arith.constant 2 : i32
        %get3A_2429 = arith.index_cast %get3A_2428 : i32 to index
        %get3A_2430 = arith.index_cast %add3A_2416 : i32 to index
        %get3A_2431 = arith.constant 16 : index
        %get3A_2432 = tpu.vector_load %arg10[%get3A_2429, %get3A_2430, %get3A_2431] {strides = array<i32>} : memref<4x200x32xf32, #tpu.memory_space<vmem>>, vector<1x1x16xf32>,
        %get3A_2433 = vector.shape_cast %get3A_2432 : vector<1x1x16xf32> to vector<16xf32>
        %mul3A_2434 = vector.broadcast %squeeze3A_2418 : f32 to vector<16xf32>
        %mul3A_2435 = arith.mulf %mul3A_2434, %get3A_2433 : vector<16xf32>
        %add3A_2436 = arith.addf %add3A_2414, %mul3A_2435 : vector<16xf32>
        %add3A_2437 = arith.constant 2 : i32
        %add3A_2438 = arith.addi %mul3A_2392, %add3A_2437 : i32
        %slice3A_2439 = vector.extract_strided_slice %get3A_2390 {offsets = [2], sizes = [1], strides = [1]} : vector<16xf32> to vector<1xf32>
        %squeeze3A_2440 = vector.extract %slice3A_2439[0] : f32 from vector<1xf32>
        %get3A_2441 = arith.constant 2 : i32
        %get3A_2442 = arith.index_cast %get3A_2441 : i32 to index
        %get3A_2443 = arith.index_cast %add3A_2438 : i32 to index
        %get3A_2444 = arith.constant 0 : index
        %get3A_2445 = tpu.vector_load %arg10[%get3A_2442, %get3A_2443, %get3A_2444] {strides = array<i32>} : memref<4x200x32xf32, #tpu.memory_space<vmem>>, vector<1x1x16xf32>,
        %get3A_2446 = vector.shape_cast %get3A_2445 : vector<1x1x16xf32> to vector<16xf32>
        %mul3A_2447 = vector.broadcast %squeeze3A_2440 : f32 to vector<16xf32>
        %mul3A_2448 = arith.mulf %mul3A_2447, %get3A_2446 : vector<16xf32>
        %add3A_2449 = arith.addf %add3A_2427, %mul3A_2448 : vector<16xf32>
        %get3A_2450 = arith.constant 2 : i32
        %get3A_2451 = arith.index_cast %get3A_2450 : i32 to index
        %get3A_2452 = arith.index_cast %add3A_2438 : i32 to index
        %get3A_2453 = arith.constant 16 : index
        %get3A_2454 = tpu.vector_load %arg10[%get3A_2451, %get3A_2452, %get3A_2453] {strides = array<i32>} : memref<4x200x32xf32, #tpu.memory_space<vmem>>, vector<1x1x16xf32>,
        %get3A_2455 = vector.shape_cast %get3A_2454 : vector<1x1x16xf32> to vector<16xf32>
        %mul3A_2456 = vector.broadcast %squeeze3A_2440 : f32 to vector<16xf32>
        %mul3A_2457 = arith.mulf %mul3A_2456, %get3A_2455 : vector<16xf32>
        %add3A_2458 = arith.addf %add3A_2436, %mul3A_2457 : vector<16xf32>
        %add3A_2459 = arith.constant 3 : i32
        %add3A_2460 = arith.addi %mul3A_2392, %add3A_2459 : i32
        %slice3A_2461 = vector.extract_strided_slice %get3A_2390 {offsets = [3], sizes = [1], strides = [1]} : vector<16xf32> to vector<1xf32>
        %squeeze3A_2462 = vector.extract %slice3A_2461[0] : f32 from vector<1xf32>
        %get3A_2463 = arith.constant 2 : i32
        %get3A_2464 = arith.index_cast %get3A_2463 : i32 to index
        %get3A_2465 = arith.index_cast %add3A_2460 : i32 to index
        %get3A_2466 = arith.constant 0 : index
        %get3A_2467 = tpu.vector_load %arg10[%get3A_2464, %get3A_2465, %get3A_2466] {strides = array<i32>} : memref<4x200x32xf32, #tpu.memory_space<vmem>>, vector<1x1x16xf32>,
        %get3A_2468 = vector.shape_cast %get3A_2467 : vector<1x1x16xf32> to vector<16xf32>
        %mul3A_2469 = vector.broadcast %squeeze3A_2462 : f32 to vector<16xf32>
        %mul3A_2470 = arith.mulf %mul3A_2469, %get3A_2468 : vector<16xf32>
        %add3A_2471 = arith.addf %add3A_2449, %mul3A_2470 : vector<16xf32>
        %get3A_2472 = arith.constant 2 : i32
        %get3A_2473 = arith.index_cast %get3A_2472 : i32 to index
        %get3A_2474 = arith.index_cast %add3A_2460 : i32 to index
        %get3A_2475 = arith.constant 16 : index
        %get3A_2476 = tpu.vector_load %arg10[%get3A_2473, %get3A_2474, %get3A_2475] {strides = array<i32>} : memref<4x200x32xf32, #tpu.memory_space<vmem>>, vector<1x1x16xf32>,
        %get3A_2477 = vector.shape_cast %get3A_2476 : vector<1x1x16xf32> to vector<16xf32>
        %mul3A_2478 = vector.broadcast %squeeze3A_2462 : f32 to vector<16xf32>
        %mul3A_2479 = arith.mulf %mul3A_2478, %get3A_2477 : vector<16xf32>
        %add3A_2480 = arith.addf %add3A_2458, %mul3A_2479 : vector<16xf32>
        %add3A_2481 = arith.constant 4 : i32
        %add3A_2482 = arith.addi %mul3A_2392, %add3A_2481 : i32
        %slice3A_2483 = vector.extract_strided_slice %get3A_2390 {offsets = [4], sizes = [1], strides = [1]} : vector<16xf32> to vector<1xf32>
        %squeeze3A_2484 = vector.extract %slice3A_2483[0] : f32 from vector<1xf32>
        %get3A_2485 = arith.constant 2 : i32
        %get3A_2486 = arith.index_cast %get3A_2485 : i32 to index
        %get3A_2487 = arith.index_cast %add3A_2482 : i32 to index
        %get3A_2488 = arith.constant 0 : index
        %get3A_2489 = tpu.vector_load %arg10[%get3A_2486, %get3A_2487, %get3A_2488] {strides = array<i32>} : memref<4x200x32xf32, #tpu.memory_space<vmem>>, vector<1x1x16xf32>,
        %get3A_2490 = vector.shape_cast %get3A_2489 : vector<1x1x16xf32> to vector<16xf32>
        %mul3A_2491 = vector.broadcast %squeeze3A_2484 : f32 to vector<16xf32>
        %mul3A_2492 = arith.mulf %mul3A_2491, %get3A_2490 : vector<16xf32>
        %add3A_2493 = arith.addf %add3A_2471, %mul3A_2492 : vector<16xf32>
        %get3A_2494 = arith.constant 2 : i32
        %get3A_2495 = arith.index_cast %get3A_2494 : i32 to index
        %get3A_2496 = arith.index_cast %add3A_2482 : i32 to index
        %get3A_2497 = arith.constant 16 : index
        %get3A_2498 = tpu.vector_load %arg10[%get3A_2495, %get3A_2496, %get3A_2497] {strides = array<i32>} : memref<4x200x32xf32, #tpu.memory_space<vmem>>, vector<1x1x16xf32>,
        %get3A_2499 = vector.shape_cast %get3A_2498 : vector<1x1x16xf32> to vector<16xf32>
        %mul3A_2500 = vector.broadcast %squeeze3A_2484 : f32 to vector<16xf32>
        %mul3A_2501 = arith.mulf %mul3A_2500, %get3A_2499 : vector<16xf32>
        %add3A_2502 = arith.addf %add3A_2480, %mul3A_2501 : vector<16xf32>
        %add3A_2503 = arith.constant 5 : i32
        %add3A_2504 = arith.addi %mul3A_2392, %add3A_2503 : i32
        %slice3A_2505 = vector.extract_strided_slice %get3A_2390 {offsets = [5], sizes = [1], strides = [1]} : vector<16xf32> to vector<1xf32>
        %squeeze3A_2506 = vector.extract %slice3A_2505[0] : f32 from vector<1xf32>
        %get3A_2507 = arith.constant 2 : i32
        %get3A_2508 = arith.index_cast %get3A_2507 : i32 to index
        %get3A_2509 = arith.index_cast %add3A_2504 : i32 to index
        %get3A_2510 = arith.constant 0 : index
        %get3A_2511 = tpu.vector_load %arg10[%get3A_2508, %get3A_2509, %get3A_2510] {strides = array<i32>} : memref<4x200x32xf32, #tpu.memory_space<vmem>>, vector<1x1x16xf32>,
        %get3A_2512 = vector.shape_cast %get3A_2511 : vector<1x1x16xf32> to vector<16xf32>
        %mul3A_2513 = vector.broadcast %squeeze3A_2506 : f32 to vector<16xf32>
        %mul3A_2514 = arith.mulf %mul3A_2513, %get3A_2512 : vector<16xf32>
        %add3A_2515 = arith.addf %add3A_2493, %mul3A_2514 : vector<16xf32>
        %get3A_2516 = arith.constant 2 : i32
        %get3A_2517 = arith.index_cast %get3A_2516 : i32 to index
        %get3A_2518 = arith.index_cast %add3A_2504 : i32 to index
        %get3A_2519 = arith.constant 16 : index
        %get3A_2520 = tpu.vector_load %arg10[%get3A_2517, %get3A_2518, %get3A_2519] {strides = array<i32>} : memref<4x200x32xf32, #tpu.memory_space<vmem>>, vector<1x1x16xf32>,
        %get3A_2521 = vector.shape_cast %get3A_2520 : vector<1x1x16xf32> to vector<16xf32>
        %mul3A_2522 = vector.broadcast %squeeze3A_2506 : f32 to vector<16xf32>
        %mul3A_2523 = arith.mulf %mul3A_2522, %get3A_2521 : vector<16xf32>
        %add3A_2524 = arith.addf %add3A_2502, %mul3A_2523 : vector<16xf32>
        %add3A_2525 = arith.constant 6 : i32
        %add3A_2526 = arith.addi %mul3A_2392, %add3A_2525 : i32
        %slice3A_2527 = vector.extract_strided_slice %get3A_2390 {offsets = [6], sizes = [1], strides = [1]} : vector<16xf32> to vector<1xf32>
        %squeeze3A_2528 = vector.extract %slice3A_2527[0] : f32 from vector<1xf32>
        %get3A_2529 = arith.constant 2 : i32
        %get3A_2530 = arith.index_cast %get3A_2529 : i32 to index
        %get3A_2531 = arith.index_cast %add3A_2526 : i32 to index
        %get3A_2532 = arith.constant 0 : index
        %get3A_2533 = tpu.vector_load %arg10[%get3A_2530, %get3A_2531, %get3A_2532] {strides = array<i32>} : memref<4x200x32xf32, #tpu.memory_space<vmem>>, vector<1x1x16xf32>,
        %get3A_2534 = vector.shape_cast %get3A_2533 : vector<1x1x16xf32> to vector<16xf32>
        %mul3A_2535 = vector.broadcast %squeeze3A_2528 : f32 to vector<16xf32>
        %mul3A_2536 = arith.mulf %mul3A_2535, %get3A_2534 : vector<16xf32>
        %add3A_2537 = arith.addf %add3A_2515, %mul3A_2536 : vector<16xf32>
        %get3A_2538 = arith.constant 2 : i32
        %get3A_2539 = arith.index_cast %get3A_2538 : i32 to index
        %get3A_2540 = arith.index_cast %add3A_2526 : i32 to index
        %get3A_2541 = arith.constant 16 : index
        %get3A_2542 = tpu.vector_load %arg10[%get3A_2539, %get3A_2540, %get3A_2541] {strides = array<i32>} : memref<4x200x32xf32, #tpu.memory_space<vmem>>, vector<1x1x16xf32>,
        %get3A_2543 = vector.shape_cast %get3A_2542 : vector<1x1x16xf32> to vector<16xf32>
        %mul3A_2544 = vector.broadcast %squeeze3A_2528 : f32 to vector<16xf32>
        %mul3A_2545 = arith.mulf %mul3A_2544, %get3A_2543 : vector<16xf32>
        %add3A_2546 = arith.addf %add3A_2524, %mul3A_2545 : vector<16xf32>
        %add3A_2547 = arith.constant 7 : i32
        %add3A_2548 = arith.addi %mul3A_2392, %add3A_2547 : i32
        %slice3A_2549 = vector.extract_strided_slice %get3A_2390 {offsets = [7], sizes = [1], strides = [1]} : vector<16xf32> to vector<1xf32>
        %squeeze3A_2550 = vector.extract %slice3A_2549[0] : f32 from vector<1xf32>
        %get3A_2551 = arith.constant 2 : i32
        %get3A_2552 = arith.index_cast %get3A_2551 : i32 to index
        %get3A_2553 = arith.index_cast %add3A_2548 : i32 to index
        %get3A_2554 = arith.constant 0 : index
        %get3A_2555 = tpu.vector_load %arg10[%get3A_2552, %get3A_2553, %get3A_2554] {strides = array<i32>} : memref<4x200x32xf32, #tpu.memory_space<vmem>>, vector<1x1x16xf32>,
        %get3A_2556 = vector.shape_cast %get3A_2555 : vector<1x1x16xf32> to vector<16xf32>
        %mul3A_2557 = vector.broadcast %squeeze3A_2550 : f32 to vector<16xf32>
        %mul3A_2558 = arith.mulf %mul3A_2557, %get3A_2556 : vector<16xf32>
        %add3A_2559 = arith.addf %add3A_2537, %mul3A_2558 : vector<16xf32>
        %get3A_2560 = arith.constant 2 : i32
        %get3A_2561 = arith.index_cast %get3A_2560 : i32 to index
        %get3A_2562 = arith.index_cast %add3A_2548 : i32 to index
        %get3A_2563 = arith.constant 16 : index
        %get3A_2564 = tpu.vector_load %arg10[%get3A_2561, %get3A_2562, %get3A_2563] {strides = array<i32>} : memref<4x200x32xf32, #tpu.memory_space<vmem>>, vector<1x1x16xf32>,
        %get3A_2565 = vector.shape_cast %get3A_2564 : vector<1x1x16xf32> to vector<16xf32>
        %mul3A_2566 = vector.broadcast %squeeze3A_2550 : f32 to vector<16xf32>
        %mul3A_2567 = arith.mulf %mul3A_2566, %get3A_2565 : vector<16xf32>
        %add3A_2568 = arith.addf %add3A_2546, %mul3A_2567 : vector<16xf32>
        %add3A_2569 = arith.constant 8 : i32
        %add3A_2570 = arith.addi %mul3A_2392, %add3A_2569 : i32
        %slice3A_2571 = vector.extract_strided_slice %get3A_2390 {offsets = [8], sizes = [1], strides = [1]} : vector<16xf32> to vector<1xf32>
        %squeeze3A_2572 = vector.extract %slice3A_2571[0] : f32 from vector<1xf32>
        %get3A_2573 = arith.constant 2 : i32
        %get3A_2574 = arith.index_cast %get3A_2573 : i32 to index
        %get3A_2575 = arith.index_cast %add3A_2570 : i32 to index
        %get3A_2576 = arith.constant 0 : index
        %get3A_2577 = tpu.vector_load %arg10[%get3A_2574, %get3A_2575, %get3A_2576] {strides = array<i32>} : memref<4x200x32xf32, #tpu.memory_space<vmem>>, vector<1x1x16xf32>,
        %get3A_2578 = vector.shape_cast %get3A_2577 : vector<1x1x16xf32> to vector<16xf32>
        %mul3A_2579 = vector.broadcast %squeeze3A_2572 : f32 to vector<16xf32>
        %mul3A_2580 = arith.mulf %mul3A_2579, %get3A_2578 : vector<16xf32>
        %add3A_2581 = arith.addf %add3A_2559, %mul3A_2580 : vector<16xf32>
        %get3A_2582 = arith.constant 2 : i32
        %get3A_2583 = arith.index_cast %get3A_2582 : i32 to index
        %get3A_2584 = arith.index_cast %add3A_2570 : i32 to index
        %get3A_2585 = arith.constant 16 : index
        %get3A_2586 = tpu.vector_load %arg10[%get3A_2583, %get3A_2584, %get3A_2585] {strides = array<i32>} : memref<4x200x32xf32, #tpu.memory_space<vmem>>, vector<1x1x16xf32>,
        %get3A_2587 = vector.shape_cast %get3A_2586 : vector<1x1x16xf32> to vector<16xf32>
        %mul3A_2588 = vector.broadcast %squeeze3A_2572 : f32 to vector<16xf32>
        %mul3A_2589 = arith.mulf %mul3A_2588, %get3A_2587 : vector<16xf32>
        %add3A_2590 = arith.addf %add3A_2568, %mul3A_2589 : vector<16xf32>
        %add3A_2591 = arith.constant 9 : i32
        %add3A_2592 = arith.addi %mul3A_2392, %add3A_2591 : i32
        %slice3A_2593 = vector.extract_strided_slice %get3A_2390 {offsets = [9], sizes = [1], strides = [1]} : vector<16xf32> to vector<1xf32>
        %squeeze3A_2594 = vector.extract %slice3A_2593[0] : f32 from vector<1xf32>
        %get3A_2595 = arith.constant 2 : i32
        %get3A_2596 = arith.index_cast %get3A_2595 : i32 to index
        %get3A_2597 = arith.index_cast %add3A_2592 : i32 to index
        %get3A_2598 = arith.constant 0 : index
        %get3A_2599 = tpu.vector_load %arg10[%get3A_2596, %get3A_2597, %get3A_2598] {strides = array<i32>} : memref<4x200x32xf32, #tpu.memory_space<vmem>>, vector<1x1x16xf32>,
        %get3A_2600 = vector.shape_cast %get3A_2599 : vector<1x1x16xf32> to vector<16xf32>
        %mul3A_2601 = vector.broadcast %squeeze3A_2594 : f32 to vector<16xf32>
        %mul3A_2602 = arith.mulf %mul3A_2601, %get3A_2600 : vector<16xf32>
        %add3A_2603 = arith.addf %add3A_2581, %mul3A_2602 : vector<16xf32>
        %get3A_2604 = arith.constant 2 : i32
        %get3A_2605 = arith.index_cast %get3A_2604 : i32 to index
        %get3A_2606 = arith.index_cast %add3A_2592 : i32 to index
        %get3A_2607 = arith.constant 16 : index
        %get3A_2608 = tpu.vector_load %arg10[%get3A_2605, %get3A_2606, %get3A_2607] {strides = array<i32>} : memref<4x200x32xf32, #tpu.memory_space<vmem>>, vector<1x1x16xf32>,
        %get3A_2609 = vector.shape_cast %get3A_2608 : vector<1x1x16xf32> to vector<16xf32>
        %mul3A_2610 = vector.broadcast %squeeze3A_2594 : f32 to vector<16xf32>
        %mul3A_2611 = arith.mulf %mul3A_2610, %get3A_2609 : vector<16xf32>
        %add3A_2612 = arith.addf %add3A_2590, %mul3A_2611 : vector<16xf32>
        %add3A_2613 = arith.constant 10 : i32
        %add3A_2614 = arith.addi %mul3A_2392, %add3A_2613 : i32
        %slice3A_2615 = vector.extract_strided_slice %get3A_2390 {offsets = [10], sizes = [1], strides = [1]} : vector<16xf32> to vector<1xf32>
        %squeeze3A_2616 = vector.extract %slice3A_2615[0] : f32 from vector<1xf32>
        %get3A_2617 = arith.constant 2 : i32
        %get3A_2618 = arith.index_cast %get3A_2617 : i32 to index
        %get3A_2619 = arith.index_cast %add3A_2614 : i32 to index
        %get3A_2620 = arith.constant 0 : index
        %get3A_2621 = tpu.vector_load %arg10[%get3A_2618, %get3A_2619, %get3A_2620] {strides = array<i32>} : memref<4x200x32xf32, #tpu.memory_space<vmem>>, vector<1x1x16xf32>,
        %get3A_2622 = vector.shape_cast %get3A_2621 : vector<1x1x16xf32> to vector<16xf32>
        %mul3A_2623 = vector.broadcast %squeeze3A_2616 : f32 to vector<16xf32>
        %mul3A_2624 = arith.mulf %mul3A_2623, %get3A_2622 : vector<16xf32>
        %add3A_2625 = arith.addf %add3A_2603, %mul3A_2624 : vector<16xf32>
        %get3A_2626 = arith.constant 2 : i32
        %get3A_2627 = arith.index_cast %get3A_2626 : i32 to index
        %get3A_2628 = arith.index_cast %add3A_2614 : i32 to index
        %get3A_2629 = arith.constant 16 : index
        %get3A_2630 = tpu.vector_load %arg10[%get3A_2627, %get3A_2628, %get3A_2629] {strides = array<i32>} : memref<4x200x32xf32, #tpu.memory_space<vmem>>, vector<1x1x16xf32>,
        %get3A_2631 = vector.shape_cast %get3A_2630 : vector<1x1x16xf32> to vector<16xf32>
        %mul3A_2632 = vector.broadcast %squeeze3A_2616 : f32 to vector<16xf32>
        %mul3A_2633 = arith.mulf %mul3A_2632, %get3A_2631 : vector<16xf32>
        %add3A_2634 = arith.addf %add3A_2612, %mul3A_2633 : vector<16xf32>
        %add3A_2635 = arith.constant 11 : i32
        %add3A_2636 = arith.addi %mul3A_2392, %add3A_2635 : i32
        %slice3A_2637 = vector.extract_strided_slice %get3A_2390 {offsets = [11], sizes = [1], strides = [1]} : vector<16xf32> to vector<1xf32>
        %squeeze3A_2638 = vector.extract %slice3A_2637[0] : f32 from vector<1xf32>
        %get3A_2639 = arith.constant 2 : i32
        %get3A_2640 = arith.index_cast %get3A_2639 : i32 to index
        %get3A_2641 = arith.index_cast %add3A_2636 : i32 to index
        %get3A_2642 = arith.constant 0 : index
        %get3A_2643 = tpu.vector_load %arg10[%get3A_2640, %get3A_2641, %get3A_2642] {strides = array<i32>} : memref<4x200x32xf32, #tpu.memory_space<vmem>>, vector<1x1x16xf32>,
        %get3A_2644 = vector.shape_cast %get3A_2643 : vector<1x1x16xf32> to vector<16xf32>
        %mul3A_2645 = vector.broadcast %squeeze3A_2638 : f32 to vector<16xf32>
        %mul3A_2646 = arith.mulf %mul3A_2645, %get3A_2644 : vector<16xf32>
        %add3A_2647 = arith.addf %add3A_2625, %mul3A_2646 : vector<16xf32>
        %get3A_2648 = arith.constant 2 : i32
        %get3A_2649 = arith.index_cast %get3A_2648 : i32 to index
        %get3A_2650 = arith.index_cast %add3A_2636 : i32 to index
        %get3A_2651 = arith.constant 16 : index
        %get3A_2652 = tpu.vector_load %arg10[%get3A_2649, %get3A_2650, %get3A_2651] {strides = array<i32>} : memref<4x200x32xf32, #tpu.memory_space<vmem>>, vector<1x1x16xf32>,
        %get3A_2653 = vector.shape_cast %get3A_2652 : vector<1x1x16xf32> to vector<16xf32>
        %mul3A_2654 = vector.broadcast %squeeze3A_2638 : f32 to vector<16xf32>
        %mul3A_2655 = arith.mulf %mul3A_2654, %get3A_2653 : vector<16xf32>
        %add3A_2656 = arith.addf %add3A_2634, %mul3A_2655 : vector<16xf32>
        %add3A_2657 = arith.constant 12 : i32
        %add3A_2658 = arith.addi %mul3A_2392, %add3A_2657 : i32
        %slice3A_2659 = vector.extract_strided_slice %get3A_2390 {offsets = [12], sizes = [1], strides = [1]} : vector<16xf32> to vector<1xf32>
        %squeeze3A_2660 = vector.extract %slice3A_2659[0] : f32 from vector<1xf32>
        %get3A_2661 = arith.constant 2 : i32
        %get3A_2662 = arith.index_cast %get3A_2661 : i32 to index
        %get3A_2663 = arith.index_cast %add3A_2658 : i32 to index
        %get3A_2664 = arith.constant 0 : index
        %get3A_2665 = tpu.vector_load %arg10[%get3A_2662, %get3A_2663, %get3A_2664] {strides = array<i32>} : memref<4x200x32xf32, #tpu.memory_space<vmem>>, vector<1x1x16xf32>,
        %get3A_2666 = vector.shape_cast %get3A_2665 : vector<1x1x16xf32> to vector<16xf32>
        %mul3A_2667 = vector.broadcast %squeeze3A_2660 : f32 to vector<16xf32>
        %mul3A_2668 = arith.mulf %mul3A_2667, %get3A_2666 : vector<16xf32>
        %add3A_2669 = arith.addf %add3A_2647, %mul3A_2668 : vector<16xf32>
        %get3A_2670 = arith.constant 2 : i32
        %get3A_2671 = arith.index_cast %get3A_2670 : i32 to index
        %get3A_2672 = arith.index_cast %add3A_2658 : i32 to index
        %get3A_2673 = arith.constant 16 : index
        %get3A_2674 = tpu.vector_load %arg10[%get3A_2671, %get3A_2672, %get3A_2673] {strides = array<i32>} : memref<4x200x32xf32, #tpu.memory_space<vmem>>, vector<1x1x16xf32>,
        %get3A_2675 = vector.shape_cast %get3A_2674 : vector<1x1x16xf32> to vector<16xf32>
        %mul3A_2676 = vector.broadcast %squeeze3A_2660 : f32 to vector<16xf32>
        %mul3A_2677 = arith.mulf %mul3A_2676, %get3A_2675 : vector<16xf32>
        %add3A_2678 = arith.addf %add3A_2656, %mul3A_2677 : vector<16xf32>
        %add3A_2679 = arith.constant 13 : i32
        %add3A_2680 = arith.addi %mul3A_2392, %add3A_2679 : i32
        %slice3A_2681 = vector.extract_strided_slice %get3A_2390 {offsets = [13], sizes = [1], strides = [1]} : vector<16xf32> to vector<1xf32>
        %squeeze3A_2682 = vector.extract %slice3A_2681[0] : f32 from vector<1xf32>
        %get3A_2683 = arith.constant 2 : i32
        %get3A_2684 = arith.index_cast %get3A_2683 : i32 to index
        %get3A_2685 = arith.index_cast %add3A_2680 : i32 to index
        %get3A_2686 = arith.constant 0 : index
        %get3A_2687 = tpu.vector_load %arg10[%get3A_2684, %get3A_2685, %get3A_2686] {strides = array<i32>} : memref<4x200x32xf32, #tpu.memory_space<vmem>>, vector<1x1x16xf32>,
        %get3A_2688 = vector.shape_cast %get3A_2687 : vector<1x1x16xf32> to vector<16xf32>
        %mul3A_2689 = vector.broadcast %squeeze3A_2682 : f32 to vector<16xf32>
        %mul3A_2690 = arith.mulf %mul3A_2689, %get3A_2688 : vector<16xf32>
        %add3A_2691 = arith.addf %add3A_2669, %mul3A_2690 : vector<16xf32>
        %get3A_2692 = arith.constant 2 : i32
        %get3A_2693 = arith.index_cast %get3A_2692 : i32 to index
        %get3A_2694 = arith.index_cast %add3A_2680 : i32 to index
        %get3A_2695 = arith.constant 16 : index
        %get3A_2696 = tpu.vector_load %arg10[%get3A_2693, %get3A_2694, %get3A_2695] {strides = array<i32>} : memref<4x200x32xf32, #tpu.memory_space<vmem>>, vector<1x1x16xf32>,
        %get3A_2697 = vector.shape_cast %get3A_2696 : vector<1x1x16xf32> to vector<16xf32>
        %mul3A_2698 = vector.broadcast %squeeze3A_2682 : f32 to vector<16xf32>
        %mul3A_2699 = arith.mulf %mul3A_2698, %get3A_2697 : vector<16xf32>
        %add3A_2700 = arith.addf %add3A_2678, %mul3A_2699 : vector<16xf32>
        %add3A_2701 = arith.constant 14 : i32
        %add3A_2702 = arith.addi %mul3A_2392, %add3A_2701 : i32
        %slice3A_2703 = vector.extract_strided_slice %get3A_2390 {offsets = [14], sizes = [1], strides = [1]} : vector<16xf32> to vector<1xf32>
        %squeeze3A_2704 = vector.extract %slice3A_2703[0] : f32 from vector<1xf32>
        %get3A_2705 = arith.constant 2 : i32
        %get3A_2706 = arith.index_cast %get3A_2705 : i32 to index
        %get3A_2707 = arith.index_cast %add3A_2702 : i32 to index
        %get3A_2708 = arith.constant 0 : index
        %get3A_2709 = tpu.vector_load %arg10[%get3A_2706, %get3A_2707, %get3A_2708] {strides = array<i32>} : memref<4x200x32xf32, #tpu.memory_space<vmem>>, vector<1x1x16xf32>,
        %get3A_2710 = vector.shape_cast %get3A_2709 : vector<1x1x16xf32> to vector<16xf32>
        %mul3A_2711 = vector.broadcast %squeeze3A_2704 : f32 to vector<16xf32>
        %mul3A_2712 = arith.mulf %mul3A_2711, %get3A_2710 : vector<16xf32>
        %add3A_2713 = arith.addf %add3A_2691, %mul3A_2712 : vector<16xf32>
        %get3A_2714 = arith.constant 2 : i32
        %get3A_2715 = arith.index_cast %get3A_2714 : i32 to index
        %get3A_2716 = arith.index_cast %add3A_2702 : i32 to index
        %get3A_2717 = arith.constant 16 : index
        %get3A_2718 = tpu.vector_load %arg10[%get3A_2715, %get3A_2716, %get3A_2717] {strides = array<i32>} : memref<4x200x32xf32, #tpu.memory_space<vmem>>, vector<1x1x16xf32>,
        %get3A_2719 = vector.shape_cast %get3A_2718 : vector<1x1x16xf32> to vector<16xf32>
        %mul3A_2720 = vector.broadcast %squeeze3A_2704 : f32 to vector<16xf32>
        %mul3A_2721 = arith.mulf %mul3A_2720, %get3A_2719 : vector<16xf32>
        %add3A_2722 = arith.addf %add3A_2700, %mul3A_2721 : vector<16xf32>
        %add3A_2723 = arith.constant 15 : i32
        %add3A_2724 = arith.addi %mul3A_2392, %add3A_2723 : i32
        %slice3A_2725 = vector.extract_strided_slice %get3A_2390 {offsets = [15], sizes = [1], strides = [1]} : vector<16xf32> to vector<1xf32>
        %squeeze3A_2726 = vector.extract %slice3A_2725[0] : f32 from vector<1xf32>
        %get3A_2727 = arith.constant 2 : i32
        %get3A_2728 = arith.index_cast %get3A_2727 : i32 to index
        %get3A_2729 = arith.index_cast %add3A_2724 : i32 to index
        %get3A_2730 = arith.constant 0 : index
        %get3A_2731 = tpu.vector_load %arg10[%get3A_2728, %get3A_2729, %get3A_2730] {strides = array<i32>} : memref<4x200x32xf32, #tpu.memory_space<vmem>>, vector<1x1x16xf32>,
        %get3A_2732 = vector.shape_cast %get3A_2731 : vector<1x1x16xf32> to vector<16xf32>
        %mul3A_2733 = vector.broadcast %squeeze3A_2726 : f32 to vector<16xf32>
        %mul3A_2734 = arith.mulf %mul3A_2733, %get3A_2732 : vector<16xf32>
        %add3A_2735 = arith.addf %add3A_2713, %mul3A_2734 : vector<16xf32>
        %get3A_2736 = arith.constant 2 : i32
        %get3A_2737 = arith.index_cast %get3A_2736 : i32 to index
        %get3A_2738 = arith.index_cast %add3A_2724 : i32 to index
        %get3A_2739 = arith.constant 16 : index
        %get3A_2740 = tpu.vector_load %arg10[%get3A_2737, %get3A_2738, %get3A_2739] {strides = array<i32>} : memref<4x200x32xf32, #tpu.memory_space<vmem>>, vector<1x1x16xf32>,
        %get3A_2741 = vector.shape_cast %get3A_2740 : vector<1x1x16xf32> to vector<16xf32>
        %mul3A_2742 = vector.broadcast %squeeze3A_2726 : f32 to vector<16xf32>
        %mul3A_2743 = arith.mulf %mul3A_2742, %get3A_2741 : vector<16xf32>
        %add3A_2744 = arith.addf %add3A_2722, %mul3A_2743 : vector<16xf32>
        scf.yield %add3A_2735, %add3A_2744 : vector<16xf32>, vector<16xf32>
      }
      %scan3A_1638 = arith.constant 12 : i32
      %get3A_1639 = arith.constant 2 : i32
      %get3A_1640 = arith.index_cast %get3A_1639 : i32 to index
      %get3A_1641 = arith.constant 184 : index
      %get3A_1642 = tpu.vector_load %arg9[%get3A_1640, %get3A_1641] {strides = array<i32>} : memref<4x200xf32, #tpu.memory_space<vmem>>, vector<1x16xf32>,
      %get3A_1643 = vector.shape_cast %get3A_1642 : vector<1x16xf32> to vector<16xf32>
      %slice3A_1644 = vector.extract_strided_slice %get3A_1643 {offsets = [8], sizes = [1], strides = [1]} : vector<16xf32> to vector<1xf32>
      %squeeze3A_1645 = vector.extract %slice3A_1644[0] : f32 from vector<1xf32>
      %get3A_1646 = arith.constant 2 : i32
      %get3A_1647 = arith.constant 192 : i32
      %get3A_1648 = arith.index_cast %get3A_1646 : i32 to index
      %get3A_1649 = arith.index_cast %get3A_1647 : i32 to index
      %get3A_1650 = arith.constant 0 : index
      %get3A_1651 = tpu.vector_load %arg10[%get3A_1648, %get3A_1649, %get3A_1650] {strides = array<i32>} : memref<4x200x32xf32, #tpu.memory_space<vmem>>, vector<1x1x16xf32>,
      %get3A_1652 = vector.shape_cast %get3A_1651 : vector<1x1x16xf32> to vector<16xf32>
      %mul3A_1653 = vector.broadcast %squeeze3A_1645 : f32 to vector<16xf32>
      %mul3A_1654 = arith.mulf %mul3A_1653, %get3A_1652 : vector<16xf32>
      %add3A_1655 = arith.addf %scan3A_1637#0, %mul3A_1654 : vector<16xf32>
      %get3A_1656 = arith.constant 2 : i32
      %get3A_1657 = arith.constant 192 : i32
      %get3A_1658 = arith.index_cast %get3A_1656 : i32 to index
      %get3A_1659 = arith.index_cast %get3A_1657 : i32 to index
      %get3A_1660 = arith.constant 16 : index
      %get3A_1661 = tpu.vector_load %arg10[%get3A_1658, %get3A_1659, %get3A_1660] {strides = array<i32>} : memref<4x200x32xf32, #tpu.memory_space<vmem>>, vector<1x1x16xf32>,
      %get3A_1662 = vector.shape_cast %get3A_1661 : vector<1x1x16xf32> to vector<16xf32>
      %mul3A_1663 = vector.broadcast %squeeze3A_1645 : f32 to vector<16xf32>
      %mul3A_1664 = arith.mulf %mul3A_1663, %get3A_1662 : vector<16xf32>
      %add3A_1665 = arith.addf %scan3A_1637#1, %mul3A_1664 : vector<16xf32>
      %slice3A_1666 = vector.extract_strided_slice %get3A_1643 {offsets = [9], sizes = [1], strides = [1]} : vector<16xf32> to vector<1xf32>
      %squeeze3A_1667 = vector.extract %slice3A_1666[0] : f32 from vector<1xf32>
      %get3A_1668 = arith.constant 2 : i32
      %get3A_1669 = arith.constant 193 : i32
      %get3A_1670 = arith.index_cast %get3A_1668 : i32 to index
      %get3A_1671 = arith.index_cast %get3A_1669 : i32 to index
      %get3A_1672 = arith.constant 0 : index
      %get3A_1673 = tpu.vector_load %arg10[%get3A_1670, %get3A_1671, %get3A_1672] {strides = array<i32>} : memref<4x200x32xf32, #tpu.memory_space<vmem>>, vector<1x1x16xf32>,
      %get3A_1674 = vector.shape_cast %get3A_1673 : vector<1x1x16xf32> to vector<16xf32>
      %mul3A_1675 = vector.broadcast %squeeze3A_1667 : f32 to vector<16xf32>
      %mul3A_1676 = arith.mulf %mul3A_1675, %get3A_1674 : vector<16xf32>
      %add3A_1677 = arith.addf %add3A_1655, %mul3A_1676 : vector<16xf32>
      %get3A_1678 = arith.constant 2 : i32
      %get3A_1679 = arith.constant 193 : i32
      %get3A_1680 = arith.index_cast %get3A_1678 : i32 to index
      %get3A_1681 = arith.index_cast %get3A_1679 : i32 to index
      %get3A_1682 = arith.constant 16 : index
      %get3A_1683 = tpu.vector_load %arg10[%get3A_1680, %get3A_1681, %get3A_1682] {strides = array<i32>} : memref<4x200x32xf32, #tpu.memory_space<vmem>>, vector<1x1x16xf32>,
      %get3A_1684 = vector.shape_cast %get3A_1683 : vector<1x1x16xf32> to vector<16xf32>
      %mul3A_1685 = vector.broadcast %squeeze3A_1667 : f32 to vector<16xf32>
      %mul3A_1686 = arith.mulf %mul3A_1685, %get3A_1684 : vector<16xf32>
      %add3A_1687 = arith.addf %add3A_1665, %mul3A_1686 : vector<16xf32>
      %slice3A_1688 = vector.extract_strided_slice %get3A_1643 {offsets = [10], sizes = [1], strides = [1]} : vector<16xf32> to vector<1xf32>
      %squeeze3A_1689 = vector.extract %slice3A_1688[0] : f32 from vector<1xf32>
      %get3A_1690 = arith.constant 2 : i32
      %get3A_1691 = arith.constant 194 : i32
      %get3A_1692 = arith.index_cast %get3A_1690 : i32 to index
      %get3A_1693 = arith.index_cast %get3A_1691 : i32 to index
      %get3A_1694 = arith.constant 0 : index
      %get3A_1695 = tpu.vector_load %arg10[%get3A_1692, %get3A_1693, %get3A_1694] {strides = array<i32>} : memref<4x200x32xf32, #tpu.memory_space<vmem>>, vector<1x1x16xf32>,
      %get3A_1696 = vector.shape_cast %get3A_1695 : vector<1x1x16xf32> to vector<16xf32>
      %mul3A_1697 = vector.broadcast %squeeze3A_1689 : f32 to vector<16xf32>
      %mul3A_1698 = arith.mulf %mul3A_1697, %get3A_1696 : vector<16xf32>
      %add3A_1699 = arith.addf %add3A_1677, %mul3A_1698 : vector<16xf32>
      %get3A_1700 = arith.constant 2 : i32
      %get3A_1701 = arith.constant 194 : i32
      %get3A_1702 = arith.index_cast %get3A_1700 : i32 to index
      %get3A_1703 = arith.index_cast %get3A_1701 : i32 to index
      %get3A_1704 = arith.constant 16 : index
      %get3A_1705 = tpu.vector_load %arg10[%get3A_1702, %get3A_1703, %get3A_1704] {strides = array<i32>} : memref<4x200x32xf32, #tpu.memory_space<vmem>>, vector<1x1x16xf32>,
      %get3A_1706 = vector.shape_cast %get3A_1705 : vector<1x1x16xf32> to vector<16xf32>
      %mul3A_1707 = vector.broadcast %squeeze3A_1689 : f32 to vector<16xf32>
      %mul3A_1708 = arith.mulf %mul3A_1707, %get3A_1706 : vector<16xf32>
      %add3A_1709 = arith.addf %add3A_1687, %mul3A_1708 : vector<16xf32>
      %slice3A_1710 = vector.extract_strided_slice %get3A_1643 {offsets = [11], sizes = [1], strides = [1]} : vector<16xf32> to vector<1xf32>
      %squeeze3A_1711 = vector.extract %slice3A_1710[0] : f32 from vector<1xf32>
      %get3A_1712 = arith.constant 2 : i32
      %get3A_1713 = arith.constant 195 : i32
      %get3A_1714 = arith.index_cast %get3A_1712 : i32 to index
      %get3A_1715 = arith.index_cast %get3A_1713 : i32 to index
      %get3A_1716 = arith.constant 0 : index
      %get3A_1717 = tpu.vector_load %arg10[%get3A_1714, %get3A_1715, %get3A_1716] {strides = array<i32>} : memref<4x200x32xf32, #tpu.memory_space<vmem>>, vector<1x1x16xf32>,
      %get3A_1718 = vector.shape_cast %get3A_1717 : vector<1x1x16xf32> to vector<16xf32>
      %mul3A_1719 = vector.broadcast %squeeze3A_1711 : f32 to vector<16xf32>
      %mul3A_1720 = arith.mulf %mul3A_1719, %get3A_1718 : vector<16xf32>
      %add3A_1721 = arith.addf %add3A_1699, %mul3A_1720 : vector<16xf32>
      %get3A_1722 = arith.constant 2 : i32
      %get3A_1723 = arith.constant 195 : i32
      %get3A_1724 = arith.index_cast %get3A_1722 : i32 to index
      %get3A_1725 = arith.index_cast %get3A_1723 : i32 to index
      %get3A_1726 = arith.constant 16 : index
      %get3A_1727 = tpu.vector_load %arg10[%get3A_1724, %get3A_1725, %get3A_1726] {strides = array<i32>} : memref<4x200x32xf32, #tpu.memory_space<vmem>>, vector<1x1x16xf32>,
      %get3A_1728 = vector.shape_cast %get3A_1727 : vector<1x1x16xf32> to vector<16xf32>
      %mul3A_1729 = vector.broadcast %squeeze3A_1711 : f32 to vector<16xf32>
      %mul3A_1730 = arith.mulf %mul3A_1729, %get3A_1728 : vector<16xf32>
      %add3A_1731 = arith.addf %add3A_1709, %mul3A_1730 : vector<16xf32>
      %slice3A_1732 = vector.extract_strided_slice %get3A_1643 {offsets = [12], sizes = [1], strides = [1]} : vector<16xf32> to vector<1xf32>
      %squeeze3A_1733 = vector.extract %slice3A_1732[0] : f32 from vector<1xf32>
      %get3A_1734 = arith.constant 2 : i32
      %get3A_1735 = arith.constant 196 : i32
      %get3A_1736 = arith.index_cast %get3A_1734 : i32 to index
      %get3A_1737 = arith.index_cast %get3A_1735 : i32 to index
      %get3A_1738 = arith.constant 0 : index
      %get3A_1739 = tpu.vector_load %arg10[%get3A_1736, %get3A_1737, %get3A_1738] {strides = array<i32>} : memref<4x200x32xf32, #tpu.memory_space<vmem>>, vector<1x1x16xf32>,
      %get3A_1740 = vector.shape_cast %get3A_1739 : vector<1x1x16xf32> to vector<16xf32>
      %mul3A_1741 = vector.broadcast %squeeze3A_1733 : f32 to vector<16xf32>
      %mul3A_1742 = arith.mulf %mul3A_1741, %get3A_1740 : vector<16xf32>
      %add3A_1743 = arith.addf %add3A_1721, %mul3A_1742 : vector<16xf32>
      %get3A_1744 = arith.constant 2 : i32
      %get3A_1745 = arith.constant 196 : i32
      %get3A_1746 = arith.index_cast %get3A_1744 : i32 to index
      %get3A_1747 = arith.index_cast %get3A_1745 : i32 to index
      %get3A_1748 = arith.constant 16 : index
      %get3A_1749 = tpu.vector_load %arg10[%get3A_1746, %get3A_1747, %get3A_1748] {strides = array<i32>} : memref<4x200x32xf32, #tpu.memory_space<vmem>>, vector<1x1x16xf32>,
      %get3A_1750 = vector.shape_cast %get3A_1749 : vector<1x1x16xf32> to vector<16xf32>
      %mul3A_1751 = vector.broadcast %squeeze3A_1733 : f32 to vector<16xf32>
      %mul3A_1752 = arith.mulf %mul3A_1751, %get3A_1750 : vector<16xf32>
      %add3A_1753 = arith.addf %add3A_1731, %mul3A_1752 : vector<16xf32>
      %slice3A_1754 = vector.extract_strided_slice %get3A_1643 {offsets = [13], sizes = [1], strides = [1]} : vector<16xf32> to vector<1xf32>
      %squeeze3A_1755 = vector.extract %slice3A_1754[0] : f32 from vector<1xf32>
      %get3A_1756 = arith.constant 2 : i32
      %get3A_1757 = arith.constant 197 : i32
      %get3A_1758 = arith.index_cast %get3A_1756 : i32 to index
      %get3A_1759 = arith.index_cast %get3A_1757 : i32 to index
      %get3A_1760 = arith.constant 0 : index
      %get3A_1761 = tpu.vector_load %arg10[%get3A_1758, %get3A_1759, %get3A_1760] {strides = array<i32>} : memref<4x200x32xf32, #tpu.memory_space<vmem>>, vector<1x1x16xf32>,
      %get3A_1762 = vector.shape_cast %get3A_1761 : vector<1x1x16xf32> to vector<16xf32>
      %mul3A_1763 = vector.broadcast %squeeze3A_1755 : f32 to vector<16xf32>
      %mul3A_1764 = arith.mulf %mul3A_1763, %get3A_1762 : vector<16xf32>
      %add3A_1765 = arith.addf %add3A_1743, %mul3A_1764 : vector<16xf32>
      %get3A_1766 = arith.constant 2 : i32
      %get3A_1767 = arith.constant 197 : i32
      %get3A_1768 = arith.index_cast %get3A_1766 : i32 to index
      %get3A_1769 = arith.index_cast %get3A_1767 : i32 to index
      %get3A_1770 = arith.constant 16 : index
      %get3A_1771 = tpu.vector_load %arg10[%get3A_1768, %get3A_1769, %get3A_1770] {strides = array<i32>} : memref<4x200x32xf32, #tpu.memory_space<vmem>>, vector<1x1x16xf32>,
      %get3A_1772 = vector.shape_cast %get3A_1771 : vector<1x1x16xf32> to vector<16xf32>
      %mul3A_1773 = vector.broadcast %squeeze3A_1755 : f32 to vector<16xf32>
      %mul3A_1774 = arith.mulf %mul3A_1773, %get3A_1772 : vector<16xf32>
      %add3A_1775 = arith.addf %add3A_1753, %mul3A_1774 : vector<16xf32>
      %slice3A_1776 = vector.extract_strided_slice %get3A_1643 {offsets = [14], sizes = [1], strides = [1]} : vector<16xf32> to vector<1xf32>
      %squeeze3A_1777 = vector.extract %slice3A_1776[0] : f32 from vector<1xf32>
      %get3A_1778 = arith.constant 2 : i32
      %get3A_1779 = arith.constant 198 : i32
      %get3A_1780 = arith.index_cast %get3A_1778 : i32 to index
      %get3A_1781 = arith.index_cast %get3A_1779 : i32 to index
      %get3A_1782 = arith.constant 0 : index
      %get3A_1783 = tpu.vector_load %arg10[%get3A_1780, %get3A_1781, %get3A_1782] {strides = array<i32>} : memref<4x200x32xf32, #tpu.memory_space<vmem>>, vector<1x1x16xf32>,
      %get3A_1784 = vector.shape_cast %get3A_1783 : vector<1x1x16xf32> to vector<16xf32>
      %mul3A_1785 = vector.broadcast %squeeze3A_1777 : f32 to vector<16xf32>
      %mul3A_1786 = arith.mulf %mul3A_1785, %get3A_1784 : vector<16xf32>
      %add3A_1787 = arith.addf %add3A_1765, %mul3A_1786 : vector<16xf32>
      %get3A_1788 = arith.constant 2 : i32
      %get3A_1789 = arith.constant 198 : i32
      %get3A_1790 = arith.index_cast %get3A_1788 : i32 to index
      %get3A_1791 = arith.index_cast %get3A_1789 : i32 to index
      %get3A_1792 = arith.constant 16 : index
      %get3A_1793 = tpu.vector_load %arg10[%get3A_1790, %get3A_1791, %get3A_1792] {strides = array<i32>} : memref<4x200x32xf32, #tpu.memory_space<vmem>>, vector<1x1x16xf32>,
      %get3A_1794 = vector.shape_cast %get3A_1793 : vector<1x1x16xf32> to vector<16xf32>
      %mul3A_1795 = vector.broadcast %squeeze3A_1777 : f32 to vector<16xf32>
      %mul3A_1796 = arith.mulf %mul3A_1795, %get3A_1794 : vector<16xf32>
      %add3A_1797 = arith.addf %add3A_1775, %mul3A_1796 : vector<16xf32>
      %slice3A_1798 = vector.extract_strided_slice %get3A_1643 {offsets = [15], sizes = [1], strides = [1]} : vector<16xf32> to vector<1xf32>
      %squeeze3A_1799 = vector.extract %slice3A_1798[0] : f32 from vector<1xf32>
      %get3A_1800 = arith.constant 2 : i32
      %get3A_1801 = arith.constant 199 : i32
      %get3A_1802 = arith.index_cast %get3A_1800 : i32 to index
      %get3A_1803 = arith.index_cast %get3A_1801 : i32 to index
      %get3A_1804 = arith.constant 0 : index
      %get3A_1805 = tpu.vector_load %arg10[%get3A_1802, %get3A_1803, %get3A_1804] {strides = array<i32>} : memref<4x200x32xf32, #tpu.memory_space<vmem>>, vector<1x1x16xf32>,
      %get3A_1806 = vector.shape_cast %get3A_1805 : vector<1x1x16xf32> to vector<16xf32>
      %mul3A_1807 = vector.broadcast %squeeze3A_1799 : f32 to vector<16xf32>
      %mul3A_1808 = arith.mulf %mul3A_1807, %get3A_1806 : vector<16xf32>
      %add3A_1809 = arith.addf %add3A_1787, %mul3A_1808 : vector<16xf32>
      %get3A_1810 = arith.constant 2 : i32
      %get3A_1811 = arith.constant 199 : i32
      %get3A_1812 = arith.index_cast %get3A_1810 : i32 to index
      %get3A_1813 = arith.index_cast %get3A_1811 : i32 to index
      %get3A_1814 = arith.constant 16 : index
      %get3A_1815 = tpu.vector_load %arg10[%get3A_1812, %get3A_1813, %get3A_1814] {strides = array<i32>} : memref<4x200x32xf32, #tpu.memory_space<vmem>>, vector<1x1x16xf32>,
      %get3A_1816 = vector.shape_cast %get3A_1815 : vector<1x1x16xf32> to vector<16xf32>
      %mul3A_1817 = vector.broadcast %squeeze3A_1799 : f32 to vector<16xf32>
      %mul3A_1818 = arith.mulf %mul3A_1817, %get3A_1816 : vector<16xf32>
      %add3A_1819 = arith.addf %add3A_1797, %mul3A_1818 : vector<16xf32>
      %mul3A_1820 = arith.constant 32 : i32
      %mul3A_1821 = arith.muli %add3A_1305, %mul3A_1820 : i32
      %swap3A_1822 = arith.index_cast %mul3A_1821 : i32 to index
      %swap3A_1823 = tpu.vector_load %arg11[%swap3A_1822] {strides = array<i32>} : memref<4096xf32, #tpu.memory_space<vmem>>, vector<16xf32>,
      %swap3A_1824 = vector.shape_cast %swap3A_1823 : vector<16xf32> to vector<16xf32>
      %swap3A_1825 = vector.shape_cast %add3A_1809 : vector<16xf32> to vector<16xf32>
      tpu.vector_store %arg11[%swap3A_1822], %swap3A_1825 {strides = array<i32>} : memref<4096xf32, #tpu.memory_space<vmem>>, vector<16xf32>,
      %mul3A_1826 = arith.constant 32 : i32
      %mul3A_1827 = arith.muli %add3A_1305, %mul3A_1826 : i32
      %add3A_1828 = arith.constant 16 : i32
      %add3A_1829 = arith.addi %mul3A_1827, %add3A_1828 : i32
      %swap3A_1830 = arith.index_cast %add3A_1829 : i32 to index
      %swap3A_1831 = tpu.vector_load %arg11[%swap3A_1830] {strides = array<i32>} : memref<4096xf32, #tpu.memory_space<vmem>>, vector<16xf32>,
      %swap3A_1832 = vector.shape_cast %swap3A_1831 : vector<16xf32> to vector<16xf32>
      %swap3A_1833 = vector.shape_cast %add3A_1819 : vector<16xf32> to vector<16xf32>
      tpu.vector_store %arg11[%swap3A_1830], %swap3A_1833 {strides = array<i32>} : memref<4096xf32, #tpu.memory_space<vmem>>, vector<16xf32>,
      %add3A_1834 = arith.constant 4 : i32
      %add3A_1835 = arith.addi %add3A_1305, %add3A_1834 : i32
      %lt3A_1836 = arith.constant 128 : i32
      %lt3A_1837 = arith.cmpi slt, %add3A_1835, %lt3A_1836 : i32
      %convert_element_type3A_1838 = arith.extui %lt3A_1837 : i1 to i32
      %cond3A_1839 = arith.constant 0 : i32
      %cond3A_1840 = arith.cmpi ne, %convert_element_type3A_1838, %cond3A_1839 : i32
      scf.if %cond3A_1840 {
        %dma_start3A_2381 = arith.constant 2 : i32
        %dma_start3A_2382 = arith.constant 2 : i32
        %dma_start3A_2383 = arith.constant 0 : i32
        %dma_start3A_2384 = arith.constant 0 : i32
        %dma_start3A_2385 = tpu.memref_slice %arg10[%dma_start3A_2381, %dma_start3A_2383, %dma_start3A_2384] : memref<4x200x32xf32, #tpu.memory_space<vmem>> -> memref<1x128x32xf32, #tpu.memory_space<vmem>>
        %dma_start3A_2386 = tpu.memref_squeeze %dma_start3A_2385 : memref<1x128x32xf32, #tpu.memory_space<vmem>> -> memref<128x32xf32, #tpu.memory_space<vmem>>
        %dma_start3A_2387 = arith.constant 0 : i32
        %dma_start3A_2388 = tpu.memref_slice %arg7[%add3A_1835, %dma_start3A_2387] : memref<128x128xi32, #tpu.memory_space<vmem>> -> memref<1x128xi32, #tpu.memory_space<vmem>>
        %dma_start3A_2389 = tpu.memref_squeeze %dma_start3A_2388 : memref<1x128xi32, #tpu.memory_space<vmem>> -> memref<128xi32, #tpu.memory_space<vmem>>
        %dma_start3A_2390 = arith.constant 0 : i32
        %dma_start3A_2391 = arith.constant 0 : i32
        %dma_start3A_2392 = tpu.memref_slice %arg4[%dma_start3A_2390, %dma_start3A_2391] : memref<1000000x32xf32, #tpu.memory_space<hbm>> -> memref<1000000x32xf32, #tpu.memory_space<hbm>>
        %dma_start3A_2393 = tpu.memref_slice %arg12[%dma_start3A_2382] : memref<4x!tpu.dma_semaphore, #tpu.memory_space<semaphore_mem>> -> memref<1x!tpu.dma_semaphore, #tpu.memory_space<semaphore_mem>>
        %dma_start3A_2394 = tpu.memref_squeeze %dma_start3A_2393 : memref<1x!tpu.dma_semaphore, #tpu.memory_space<semaphore_mem>> -> memref<!tpu.dma_semaphore, #tpu.memory_space<semaphore_mem>>
        tpu.enqueue_indirect_dma source(%dma_start3A_2392 : memref<1000000x32xf32, #tpu.memory_space<hbm>>) target(%dma_start3A_2386 : memref<128x32xf32, #tpu.memory_space<vmem>>) offsets(%dma_start3A_2389 : memref<128xi32, #tpu.memory_space<vmem>>) semaphore(%dma_start3A_2394 : memref<!tpu.dma_semaphore, #tpu.memory_space<semaphore_mem>>)
        %dma_start3A_2395 = arith.constant 2 : i32
        %dma_start3A_2396 = arith.constant 2 : i32
        %dma_start3A_2397 = arith.constant 128 : i32
        %dma_start3A_2398 = arith.constant 0 : i32
        %dma_start3A_2399 = tpu.memref_slice %arg10[%dma_start3A_2395, %dma_start3A_2397, %dma_start3A_2398] : memref<4x200x32xf32, #tpu.memory_space<vmem>> -> memref<1x72x32xf32, #tpu.memory_space<vmem>>
        %dma_start3A_2400 = tpu.memref_squeeze %dma_start3A_2399 : memref<1x72x32xf32, #tpu.memory_space<vmem>> -> memref<72x32xf32, #tpu.memory_space<vmem>>
        %dma_start3A_2401 = arith.constant 0 : i32
        %dma_start3A_2402 = tpu.memref_slice %arg8[%add3A_1835, %dma_start3A_2401] : memref<128x128xi32, #tpu.memory_space<vmem>> -> memref<1x72xi32, #tpu.memory_space<vmem>>
        %dma_start3A_2403 = tpu.memref_squeeze %dma_start3A_2402 : memref<1x72xi32, #tpu.memory_space<vmem>> -> memref<72xi32, #tpu.memory_space<vmem>>
        %dma_start3A_2404 = arith.constant 0 : i32
        %dma_start3A_2405 = arith.constant 0 : i32
        %dma_start3A_2406 = tpu.memref_slice %arg4[%dma_start3A_2404, %dma_start3A_2405] : memref<1000000x32xf32, #tpu.memory_space<hbm>> -> memref<1000000x32xf32, #tpu.memory_space<hbm>>
        %dma_start3A_2407 = tpu.memref_slice %arg12[%dma_start3A_2396] : memref<4x!tpu.dma_semaphore, #tpu.memory_space<semaphore_mem>> -> memref<1x!tpu.dma_semaphore, #tpu.memory_space<semaphore_mem>>
        %dma_start3A_2408 = tpu.memref_squeeze %dma_start3A_2407 : memref<1x!tpu.dma_semaphore, #tpu.memory_space<semaphore_mem>> -> memref<!tpu.dma_semaphore, #tpu.memory_space<semaphore_mem>>
        tpu.enqueue_indirect_dma source(%dma_start3A_2406 : memref<1000000x32xf32, #tpu.memory_space<hbm>>) target(%dma_start3A_2400 : memref<72x32xf32, #tpu.memory_space<vmem>>) offsets(%dma_start3A_2403 : memref<72xi32, #tpu.memory_space<vmem>>) semaphore(%dma_start3A_2408 : memref<!tpu.dma_semaphore, #tpu.memory_space<semaphore_mem>>)
        %dma_start3A_2409 = arith.constant 2 : i32
        %dma_start3A_2410 = arith.constant 2 : i32
        %dma_start3A_2411 = arith.constant 0 : i32
        %dma_start3A_2412 = tpu.memref_slice %arg9[%dma_start3A_2409, %dma_start3A_2411] : memref<4x200xf32, #tpu.memory_space<vmem>> -> memref<1x128xf32, #tpu.memory_space<vmem>>
        %dma_start3A_2413 = tpu.memref_squeeze %dma_start3A_2412 : memref<1x128xf32, #tpu.memory_space<vmem>> -> memref<128xf32, #tpu.memory_space<vmem>>
        %dma_start3A_2414 = arith.constant 0 : i32
        %dma_start3A_2415 = tpu.memref_slice %arg7[%add3A_1835, %dma_start3A_2414] : memref<128x128xi32, #tpu.memory_space<vmem>> -> memref<1x128xi32, #tpu.memory_space<vmem>>
        %dma_start3A_2416 = tpu.memref_squeeze %dma_start3A_2415 : memref<1x128xi32, #tpu.memory_space<vmem>> -> memref<128xi32, #tpu.memory_space<vmem>>
        %dma_start3A_2417 = arith.constant 0 : i32
        %dma_start3A_2418 = tpu.memref_slice %arg5[%dma_start3A_2417] : memref<1000000xf32, #tpu.memory_space<hbm>> -> memref<1000000xf32, #tpu.memory_space<hbm>>
        %dma_start3A_2419 = tpu.memref_slice %arg13[%dma_start3A_2410] : memref<4x!tpu.dma_semaphore, #tpu.memory_space<semaphore_mem>> -> memref<1x!tpu.dma_semaphore, #tpu.memory_space<semaphore_mem>>
        %dma_start3A_2420 = tpu.memref_squeeze %dma_start3A_2419 : memref<1x!tpu.dma_semaphore, #tpu.memory_space<semaphore_mem>> -> memref<!tpu.dma_semaphore, #tpu.memory_space<semaphore_mem>>
        tpu.enqueue_indirect_dma source(%dma_start3A_2418 : memref<1000000xf32, #tpu.memory_space<hbm>>) target(%dma_start3A_2413 : memref<128xf32, #tpu.memory_space<vmem>>) offsets(%dma_start3A_2416 : memref<128xi32, #tpu.memory_space<vmem>>) semaphore(%dma_start3A_2420 : memref<!tpu.dma_semaphore, #tpu.memory_space<semaphore_mem>>)
        %dma_start3A_2421 = arith.constant 2 : i32
        %dma_start3A_2422 = arith.constant 2 : i32
        %dma_start3A_2423 = arith.constant 128 : i32
        %dma_start3A_2424 = tpu.memref_slice %arg9[%dma_start3A_2421, %dma_start3A_2423] : memref<4x200xf32, #tpu.memory_space<vmem>> -> memref<1x72xf32, #tpu.memory_space<vmem>>
        %dma_start3A_2425 = tpu.memref_squeeze %dma_start3A_2424 : memref<1x72xf32, #tpu.memory_space<vmem>> -> memref<72xf32, #tpu.memory_space<vmem>>
        %dma_start3A_2426 = arith.constant 0 : i32
        %dma_start3A_2427 = tpu.memref_slice %arg8[%add3A_1835, %dma_start3A_2426] : memref<128x128xi32, #tpu.memory_space<vmem>> -> memref<1x72xi32, #tpu.memory_space<vmem>>
        %dma_start3A_2428 = tpu.memref_squeeze %dma_start3A_2427 : memref<1x72xi32, #tpu.memory_space<vmem>> -> memref<72xi32, #tpu.memory_space<vmem>>
        %dma_start3A_2429 = arith.constant 0 : i32
        %dma_start3A_2430 = tpu.memref_slice %arg5[%dma_start3A_2429] : memref<1000000xf32, #tpu.memory_space<hbm>> -> memref<1000000xf32, #tpu.memory_space<hbm>>
        %dma_start3A_2431 = tpu.memref_slice %arg13[%dma_start3A_2422] : memref<4x!tpu.dma_semaphore, #tpu.memory_space<semaphore_mem>> -> memref<1x!tpu.dma_semaphore, #tpu.memory_space<semaphore_mem>>
        %dma_start3A_2432 = tpu.memref_squeeze %dma_start3A_2431 : memref<1x!tpu.dma_semaphore, #tpu.memory_space<semaphore_mem>> -> memref<!tpu.dma_semaphore, #tpu.memory_space<semaphore_mem>>
        tpu.enqueue_indirect_dma source(%dma_start3A_2430 : memref<1000000xf32, #tpu.memory_space<hbm>>) target(%dma_start3A_2425 : memref<72xf32, #tpu.memory_space<vmem>>) offsets(%dma_start3A_2428 : memref<72xi32, #tpu.memory_space<vmem>>) semaphore(%dma_start3A_2432 : memref<!tpu.dma_semaphore, #tpu.memory_space<semaphore_mem>>)
      } else {
      }
      %mul3A_1841 = arith.constant 4 : i32
      %mul3A_1842 = arith.muli %scan3A_234, %mul3A_1841 : i32
      %add3A_1843 = arith.constant 3 : i32
      %add3A_1844 = arith.addi %mul3A_1842, %add3A_1843 : i32
      %dma_wait3A_1845 = arith.constant 3 : i32
      %dma_wait3A_1846 = arith.constant 3 : i32
      %dma_wait3A_1847 = arith.constant 0 : i32
      %dma_wait3A_1848 = arith.constant 0 : i32
      %dma_wait3A_1849 = tpu.memref_slice %arg10[%dma_wait3A_1845, %dma_wait3A_1847, %dma_wait3A_1848] : memref<4x200x32xf32, #tpu.memory_space<vmem>> -> memref<1x128x32xf32, #tpu.memory_space<vmem>>
      %dma_wait3A_1850 = tpu.memref_squeeze %dma_wait3A_1849 : memref<1x128x32xf32, #tpu.memory_space<vmem>> -> memref<128x32xf32, #tpu.memory_space<vmem>>
      %dma_wait3A_1851 = arith.constant 0 : i32
      %dma_wait3A_1852 = tpu.memref_slice %arg7[%add3A_1844, %dma_wait3A_1851] : memref<128x128xi32, #tpu.memory_space<vmem>> -> memref<1x128xi32, #tpu.memory_space<vmem>>
      %dma_wait3A_1853 = tpu.memref_squeeze %dma_wait3A_1852 : memref<1x128xi32, #tpu.memory_space<vmem>> -> memref<128xi32, #tpu.memory_space<vmem>>
      %dma_wait3A_1854 = arith.constant 0 : i32
      %dma_wait3A_1855 = arith.constant 0 : i32
      %dma_wait3A_1856 = tpu.memref_slice %arg4[%dma_wait3A_1854, %dma_wait3A_1855] : memref<1000000x32xf32, #tpu.memory_space<hbm>> -> memref<1000000x32xf32, #tpu.memory_space<hbm>>
      %dma_wait3A_1857 = tpu.memref_slice %arg12[%dma_wait3A_1846] : memref<4x!tpu.dma_semaphore, #tpu.memory_space<semaphore_mem>> -> memref<1x!tpu.dma_semaphore, #tpu.memory_space<semaphore_mem>>
      %dma_wait3A_1858 = tpu.memref_squeeze %dma_wait3A_1857 : memref<1x!tpu.dma_semaphore, #tpu.memory_space<semaphore_mem>> -> memref<!tpu.dma_semaphore, #tpu.memory_space<semaphore_mem>>
      tpu.wait_indirect_dma semaphore(%dma_wait3A_1858 : memref<!tpu.dma_semaphore, #tpu.memory_space<semaphore_mem>>) src(%dma_wait3A_1856 : memref<1000000x32xf32, #tpu.memory_space<hbm>>) dst(%dma_wait3A_1850 : memref<128x32xf32, #tpu.memory_space<vmem>>)
      %dma_wait3A_1859 = arith.constant 3 : i32
      %dma_wait3A_1860 = arith.constant 3 : i32
      %dma_wait3A_1861 = arith.constant 128 : i32
      %dma_wait3A_1862 = arith.constant 0 : i32
      %dma_wait3A_1863 = tpu.memref_slice %arg10[%dma_wait3A_1859, %dma_wait3A_1861, %dma_wait3A_1862] : memref<4x200x32xf32, #tpu.memory_space<vmem>> -> memref<1x72x32xf32, #tpu.memory_space<vmem>>
      %dma_wait3A_1864 = tpu.memref_squeeze %dma_wait3A_1863 : memref<1x72x32xf32, #tpu.memory_space<vmem>> -> memref<72x32xf32, #tpu.memory_space<vmem>>
      %dma_wait3A_1865 = arith.constant 0 : i32
      %dma_wait3A_1866 = tpu.memref_slice %arg8[%add3A_1844, %dma_wait3A_1865] : memref<128x128xi32, #tpu.memory_space<vmem>> -> memref<1x72xi32, #tpu.memory_space<vmem>>
      %dma_wait3A_1867 = tpu.memref_squeeze %dma_wait3A_1866 : memref<1x72xi32, #tpu.memory_space<vmem>> -> memref<72xi32, #tpu.memory_space<vmem>>
      %dma_wait3A_1868 = arith.constant 0 : i32
      %dma_wait3A_1869 = arith.constant 0 : i32
      %dma_wait3A_1870 = tpu.memref_slice %arg4[%dma_wait3A_1868, %dma_wait3A_1869] : memref<1000000x32xf32, #tpu.memory_space<hbm>> -> memref<1000000x32xf32, #tpu.memory_space<hbm>>
      %dma_wait3A_1871 = tpu.memref_slice %arg12[%dma_wait3A_1860] : memref<4x!tpu.dma_semaphore, #tpu.memory_space<semaphore_mem>> -> memref<1x!tpu.dma_semaphore, #tpu.memory_space<semaphore_mem>>
      %dma_wait3A_1872 = tpu.memref_squeeze %dma_wait3A_1871 : memref<1x!tpu.dma_semaphore, #tpu.memory_space<semaphore_mem>> -> memref<!tpu.dma_semaphore, #tpu.memory_space<semaphore_mem>>
      tpu.wait_indirect_dma semaphore(%dma_wait3A_1872 : memref<!tpu.dma_semaphore, #tpu.memory_space<semaphore_mem>>) src(%dma_wait3A_1870 : memref<1000000x32xf32, #tpu.memory_space<hbm>>) dst(%dma_wait3A_1864 : memref<72x32xf32, #tpu.memory_space<vmem>>)
      %dma_wait3A_1873 = arith.constant 3 : i32
      %dma_wait3A_1874 = arith.constant 3 : i32
      %dma_wait3A_1875 = arith.constant 0 : i32
      %dma_wait3A_1876 = tpu.memref_slice %arg9[%dma_wait3A_1873, %dma_wait3A_1875] : memref<4x200xf32, #tpu.memory_space<vmem>> -> memref<1x128xf32, #tpu.memory_space<vmem>>
      %dma_wait3A_1877 = tpu.memref_squeeze %dma_wait3A_1876 : memref<1x128xf32, #tpu.memory_space<vmem>> -> memref<128xf32, #tpu.memory_space<vmem>>
      %dma_wait3A_1878 = arith.constant 0 : i32
      %dma_wait3A_1879 = tpu.memref_slice %arg7[%add3A_1844, %dma_wait3A_1878] : memref<128x128xi32, #tpu.memory_space<vmem>> -> memref<1x128xi32, #tpu.memory_space<vmem>>
      %dma_wait3A_1880 = tpu.memref_squeeze %dma_wait3A_1879 : memref<1x128xi32, #tpu.memory_space<vmem>> -> memref<128xi32, #tpu.memory_space<vmem>>
      %dma_wait3A_1881 = arith.constant 0 : i32
      %dma_wait3A_1882 = tpu.memref_slice %arg5[%dma_wait3A_1881] : memref<1000000xf32, #tpu.memory_space<hbm>> -> memref<1000000xf32, #tpu.memory_space<hbm>>
      %dma_wait3A_1883 = tpu.memref_slice %arg13[%dma_wait3A_1874] : memref<4x!tpu.dma_semaphore, #tpu.memory_space<semaphore_mem>> -> memref<1x!tpu.dma_semaphore, #tpu.memory_space<semaphore_mem>>
      %dma_wait3A_1884 = tpu.memref_squeeze %dma_wait3A_1883 : memref<1x!tpu.dma_semaphore, #tpu.memory_space<semaphore_mem>> -> memref<!tpu.dma_semaphore, #tpu.memory_space<semaphore_mem>>
      tpu.wait_indirect_dma semaphore(%dma_wait3A_1884 : memref<!tpu.dma_semaphore, #tpu.memory_space<semaphore_mem>>) src(%dma_wait3A_1882 : memref<1000000xf32, #tpu.memory_space<hbm>>) dst(%dma_wait3A_1877 : memref<128xf32, #tpu.memory_space<vmem>>)
      %dma_wait3A_1885 = arith.constant 3 : i32
      %dma_wait3A_1886 = arith.constant 3 : i32
      %dma_wait3A_1887 = arith.constant 128 : i32
      %dma_wait3A_1888 = tpu.memref_slice %arg9[%dma_wait3A_1885, %dma_wait3A_1887] : memref<4x200xf32, #tpu.memory_space<vmem>> -> memref<1x72xf32, #tpu.memory_space<vmem>>
      %dma_wait3A_1889 = tpu.memref_squeeze %dma_wait3A_1888 : memref<1x72xf32, #tpu.memory_space<vmem>> -> memref<72xf32, #tpu.memory_space<vmem>>
      %dma_wait3A_1890 = arith.constant 0 : i32
      %dma_wait3A_1891 = tpu.memref_slice %arg8[%add3A_1844, %dma_wait3A_1890] : memref<128x128xi32, #tpu.memory_space<vmem>> -> memref<1x72xi32, #tpu.memory_space<vmem>>
      %dma_wait3A_1892 = tpu.memref_squeeze %dma_wait3A_1891 : memref<1x72xi32, #tpu.memory_space<vmem>> -> memref<72xi32, #tpu.memory_space<vmem>>
      %dma_wait3A_1893 = arith.constant 0 : i32
      %dma_wait3A_1894 = tpu.memref_slice %arg5[%dma_wait3A_1893] : memref<1000000xf32, #tpu.memory_space<hbm>> -> memref<1000000xf32, #tpu.memory_space<hbm>>
      %dma_wait3A_1895 = tpu.memref_slice %arg13[%dma_wait3A_1886] : memref<4x!tpu.dma_semaphore, #tpu.memory_space<semaphore_mem>> -> memref<1x!tpu.dma_semaphore, #tpu.memory_space<semaphore_mem>>
      %dma_wait3A_1896 = tpu.memref_squeeze %dma_wait3A_1895 : memref<1x!tpu.dma_semaphore, #tpu.memory_space<semaphore_mem>> -> memref<!tpu.dma_semaphore, #tpu.memory_space<semaphore_mem>>
      tpu.wait_indirect_dma semaphore(%dma_wait3A_1896 : memref<!tpu.dma_semaphore, #tpu.memory_space<semaphore_mem>>) src(%dma_wait3A_1894 : memref<1000000xf32, #tpu.memory_space<hbm>>) dst(%dma_wait3A_1889 : memref<72xf32, #tpu.memory_space<vmem>>)
      %get3A_1897 = arith.index_cast %add3A_1844 : i32 to index
      %get3A_1898 = arith.constant 0 : index
      %get3A_1899 = tpu.vector_load %arg7[%get3A_1897, %get3A_1898] {strides = array<i32>} : memref<128x128xi32, #tpu.memory_space<vmem>>, vector<1x16xi32>,
      %get3A_1900 = vector.shape_cast %get3A_1899 : vector<1x16xi32> to vector<16xi32>
      %ne3A_1901 = arith.constant 0 : i32
      %ne3A_1902 = vector.broadcast %ne3A_1901 : i32 to vector<16xi32>
      %ne3A_1903 = arith.cmpi ne, %get3A_1900, %ne3A_1902 : vector<16xi32>
      %get3A_1904 = arith.constant 3 : i32
      %get3A_1905 = arith.index_cast %get3A_1904 : i32 to index
      %get3A_1906 = arith.constant 0 : index
      %get3A_1907 = tpu.vector_load %arg9[%get3A_1905, %get3A_1906] {strides = array<i32>} : memref<4x200xf32, #tpu.memory_space<vmem>>, vector<1x16xf32>,
      %get3A_1908 = vector.shape_cast %get3A_1907 : vector<1x16xf32> to vector<16xf32>
      %jit3A_1909 = arith.constant 0.000000e+00 : f32
      %broadcast_in_dim3A_1910 = vector.broadcast %jit3A_1909 : f32 to vector<16xf32>
      %select_n3A_1911 = arith.select %ne3A_1903, %get3A_1908, %broadcast_in_dim3A_1910 : vector<16xi1>, vector<16xf32>
      %swap3A_1912 = arith.constant 3 : i32
      %swap3A_1913 = arith.index_cast %swap3A_1912 : i32 to index
      %swap3A_1914 = arith.constant 0 : index
      %swap3A_1915 = tpu.vector_load %arg9[%swap3A_1913, %swap3A_1914] {strides = array<i32>} : memref<4x200xf32, #tpu.memory_space<vmem>>, vector<1x16xf32>,
      %swap3A_1916 = vector.shape_cast %swap3A_1915 : vector<1x16xf32> to vector<16xf32>
      %swap3A_1917 = vector.shape_cast %select_n3A_1911 : vector<16xf32> to vector<1x16xf32>
      tpu.vector_store %arg9[%swap3A_1913, %swap3A_1914], %swap3A_1917 {strides = array<i32>} : memref<4x200xf32, #tpu.memory_space<vmem>>, vector<1x16xf32>,
      %get3A_1918 = arith.index_cast %add3A_1844 : i32 to index
      %get3A_1919 = arith.constant 16 : index
      %get3A_1920 = tpu.vector_load %arg7[%get3A_1918, %get3A_1919] {strides = array<i32>} : memref<128x128xi32, #tpu.memory_space<vmem>>, vector<1x16xi32>,
      %get3A_1921 = vector.shape_cast %get3A_1920 : vector<1x16xi32> to vector<16xi32>
      %ne3A_1922 = arith.constant 0 : i32
      %ne3A_1923 = vector.broadcast %ne3A_1922 : i32 to vector<16xi32>
      %ne3A_1924 = arith.cmpi ne, %get3A_1921, %ne3A_1923 : vector<16xi32>
      %get3A_1925 = arith.constant 3 : i32
      %get3A_1926 = arith.index_cast %get3A_1925 : i32 to index
      %get3A_1927 = arith.constant 16 : index
      %get3A_1928 = tpu.vector_load %arg9[%get3A_1926, %get3A_1927] {strides = array<i32>} : memref<4x200xf32, #tpu.memory_space<vmem>>, vector<1x16xf32>,
      %get3A_1929 = vector.shape_cast %get3A_1928 : vector<1x16xf32> to vector<16xf32>
      %jit3A_1930 = arith.constant 0.000000e+00 : f32
      %broadcast_in_dim3A_1931 = vector.broadcast %jit3A_1930 : f32 to vector<16xf32>
      %select_n3A_1932 = arith.select %ne3A_1924, %get3A_1929, %broadcast_in_dim3A_1931 : vector<16xi1>, vector<16xf32>
      %swap3A_1933 = arith.constant 3 : i32
      %swap3A_1934 = arith.index_cast %swap3A_1933 : i32 to index
      %swap3A_1935 = arith.constant 16 : index
      %swap3A_1936 = tpu.vector_load %arg9[%swap3A_1934, %swap3A_1935] {strides = array<i32>} : memref<4x200xf32, #tpu.memory_space<vmem>>, vector<1x16xf32>,
      %swap3A_1937 = vector.shape_cast %swap3A_1936 : vector<1x16xf32> to vector<16xf32>
      %swap3A_1938 = vector.shape_cast %select_n3A_1932 : vector<16xf32> to vector<1x16xf32>
      tpu.vector_store %arg9[%swap3A_1934, %swap3A_1935], %swap3A_1938 {strides = array<i32>} : memref<4x200xf32, #tpu.memory_space<vmem>>, vector<1x16xf32>,
      %get3A_1939 = arith.index_cast %add3A_1844 : i32 to index
      %get3A_1940 = arith.constant 32 : index
      %get3A_1941 = tpu.vector_load %arg7[%get3A_1939, %get3A_1940] {strides = array<i32>} : memref<128x128xi32, #tpu.memory_space<vmem>>, vector<1x16xi32>,
      %get3A_1942 = vector.shape_cast %get3A_1941 : vector<1x16xi32> to vector<16xi32>
      %ne3A_1943 = arith.constant 0 : i32
      %ne3A_1944 = vector.broadcast %ne3A_1943 : i32 to vector<16xi32>
      %ne3A_1945 = arith.cmpi ne, %get3A_1942, %ne3A_1944 : vector<16xi32>
      %get3A_1946 = arith.constant 3 : i32
      %get3A_1947 = arith.index_cast %get3A_1946 : i32 to index
      %get3A_1948 = arith.constant 32 : index
      %get3A_1949 = tpu.vector_load %arg9[%get3A_1947, %get3A_1948] {strides = array<i32>} : memref<4x200xf32, #tpu.memory_space<vmem>>, vector<1x16xf32>,
      %get3A_1950 = vector.shape_cast %get3A_1949 : vector<1x16xf32> to vector<16xf32>
      %jit3A_1951 = arith.constant 0.000000e+00 : f32
      %broadcast_in_dim3A_1952 = vector.broadcast %jit3A_1951 : f32 to vector<16xf32>
      %select_n3A_1953 = arith.select %ne3A_1945, %get3A_1950, %broadcast_in_dim3A_1952 : vector<16xi1>, vector<16xf32>
      %swap3A_1954 = arith.constant 3 : i32
      %swap3A_1955 = arith.index_cast %swap3A_1954 : i32 to index
      %swap3A_1956 = arith.constant 32 : index
      %swap3A_1957 = tpu.vector_load %arg9[%swap3A_1955, %swap3A_1956] {strides = array<i32>} : memref<4x200xf32, #tpu.memory_space<vmem>>, vector<1x16xf32>,
      %swap3A_1958 = vector.shape_cast %swap3A_1957 : vector<1x16xf32> to vector<16xf32>
      %swap3A_1959 = vector.shape_cast %select_n3A_1953 : vector<16xf32> to vector<1x16xf32>
      tpu.vector_store %arg9[%swap3A_1955, %swap3A_1956], %swap3A_1959 {strides = array<i32>} : memref<4x200xf32, #tpu.memory_space<vmem>>, vector<1x16xf32>,
      %get3A_1960 = arith.index_cast %add3A_1844 : i32 to index
      %get3A_1961 = arith.constant 48 : index
      %get3A_1962 = tpu.vector_load %arg7[%get3A_1960, %get3A_1961] {strides = array<i32>} : memref<128x128xi32, #tpu.memory_space<vmem>>, vector<1x16xi32>,
      %get3A_1963 = vector.shape_cast %get3A_1962 : vector<1x16xi32> to vector<16xi32>
      %ne3A_1964 = arith.constant 0 : i32
      %ne3A_1965 = vector.broadcast %ne3A_1964 : i32 to vector<16xi32>
      %ne3A_1966 = arith.cmpi ne, %get3A_1963, %ne3A_1965 : vector<16xi32>
      %get3A_1967 = arith.constant 3 : i32
      %get3A_1968 = arith.index_cast %get3A_1967 : i32 to index
      %get3A_1969 = arith.constant 48 : index
      %get3A_1970 = tpu.vector_load %arg9[%get3A_1968, %get3A_1969] {strides = array<i32>} : memref<4x200xf32, #tpu.memory_space<vmem>>, vector<1x16xf32>,
      %get3A_1971 = vector.shape_cast %get3A_1970 : vector<1x16xf32> to vector<16xf32>
      %jit3A_1972 = arith.constant 0.000000e+00 : f32
      %broadcast_in_dim3A_1973 = vector.broadcast %jit3A_1972 : f32 to vector<16xf32>
      %select_n3A_1974 = arith.select %ne3A_1966, %get3A_1971, %broadcast_in_dim3A_1973 : vector<16xi1>, vector<16xf32>
      %swap3A_1975 = arith.constant 3 : i32
      %swap3A_1976 = arith.index_cast %swap3A_1975 : i32 to index
      %swap3A_1977 = arith.constant 48 : index
      %swap3A_1978 = tpu.vector_load %arg9[%swap3A_1976, %swap3A_1977] {strides = array<i32>} : memref<4x200xf32, #tpu.memory_space<vmem>>, vector<1x16xf32>,
      %swap3A_1979 = vector.shape_cast %swap3A_1978 : vector<1x16xf32> to vector<16xf32>
      %swap3A_1980 = vector.shape_cast %select_n3A_1974 : vector<16xf32> to vector<1x16xf32>
      tpu.vector_store %arg9[%swap3A_1976, %swap3A_1977], %swap3A_1980 {strides = array<i32>} : memref<4x200xf32, #tpu.memory_space<vmem>>, vector<1x16xf32>,
      %get3A_1981 = arith.index_cast %add3A_1844 : i32 to index
      %get3A_1982 = arith.constant 64 : index
      %get3A_1983 = tpu.vector_load %arg7[%get3A_1981, %get3A_1982] {strides = array<i32>} : memref<128x128xi32, #tpu.memory_space<vmem>>, vector<1x16xi32>,
      %get3A_1984 = vector.shape_cast %get3A_1983 : vector<1x16xi32> to vector<16xi32>
      %ne3A_1985 = arith.constant 0 : i32
      %ne3A_1986 = vector.broadcast %ne3A_1985 : i32 to vector<16xi32>
      %ne3A_1987 = arith.cmpi ne, %get3A_1984, %ne3A_1986 : vector<16xi32>
      %get3A_1988 = arith.constant 3 : i32
      %get3A_1989 = arith.index_cast %get3A_1988 : i32 to index
      %get3A_1990 = arith.constant 64 : index
      %get3A_1991 = tpu.vector_load %arg9[%get3A_1989, %get3A_1990] {strides = array<i32>} : memref<4x200xf32, #tpu.memory_space<vmem>>, vector<1x16xf32>,
      %get3A_1992 = vector.shape_cast %get3A_1991 : vector<1x16xf32> to vector<16xf32>
      %jit3A_1993 = arith.constant 0.000000e+00 : f32
      %broadcast_in_dim3A_1994 = vector.broadcast %jit3A_1993 : f32 to vector<16xf32>
      %select_n3A_1995 = arith.select %ne3A_1987, %get3A_1992, %broadcast_in_dim3A_1994 : vector<16xi1>, vector<16xf32>
      %swap3A_1996 = arith.constant 3 : i32
      %swap3A_1997 = arith.index_cast %swap3A_1996 : i32 to index
      %swap3A_1998 = arith.constant 64 : index
      %swap3A_1999 = tpu.vector_load %arg9[%swap3A_1997, %swap3A_1998] {strides = array<i32>} : memref<4x200xf32, #tpu.memory_space<vmem>>, vector<1x16xf32>,
      %swap3A_2000 = vector.shape_cast %swap3A_1999 : vector<1x16xf32> to vector<16xf32>
      %swap3A_2001 = vector.shape_cast %select_n3A_1995 : vector<16xf32> to vector<1x16xf32>
      tpu.vector_store %arg9[%swap3A_1997, %swap3A_1998], %swap3A_2001 {strides = array<i32>} : memref<4x200xf32, #tpu.memory_space<vmem>>, vector<1x16xf32>,
      %get3A_2002 = arith.index_cast %add3A_1844 : i32 to index
      %get3A_2003 = arith.constant 80 : index
      %get3A_2004 = tpu.vector_load %arg7[%get3A_2002, %get3A_2003] {strides = array<i32>} : memref<128x128xi32, #tpu.memory_space<vmem>>, vector<1x16xi32>,
      %get3A_2005 = vector.shape_cast %get3A_2004 : vector<1x16xi32> to vector<16xi32>
      %ne3A_2006 = arith.constant 0 : i32
      %ne3A_2007 = vector.broadcast %ne3A_2006 : i32 to vector<16xi32>
      %ne3A_2008 = arith.cmpi ne, %get3A_2005, %ne3A_2007 : vector<16xi32>
      %get3A_2009 = arith.constant 3 : i32
      %get3A_2010 = arith.index_cast %get3A_2009 : i32 to index
      %get3A_2011 = arith.constant 80 : index
      %get3A_2012 = tpu.vector_load %arg9[%get3A_2010, %get3A_2011] {strides = array<i32>} : memref<4x200xf32, #tpu.memory_space<vmem>>, vector<1x16xf32>,
      %get3A_2013 = vector.shape_cast %get3A_2012 : vector<1x16xf32> to vector<16xf32>
      %jit3A_2014 = arith.constant 0.000000e+00 : f32
      %broadcast_in_dim3A_2015 = vector.broadcast %jit3A_2014 : f32 to vector<16xf32>
      %select_n3A_2016 = arith.select %ne3A_2008, %get3A_2013, %broadcast_in_dim3A_2015 : vector<16xi1>, vector<16xf32>
      %swap3A_2017 = arith.constant 3 : i32
      %swap3A_2018 = arith.index_cast %swap3A_2017 : i32 to index
      %swap3A_2019 = arith.constant 80 : index
      %swap3A_2020 = tpu.vector_load %arg9[%swap3A_2018, %swap3A_2019] {strides = array<i32>} : memref<4x200xf32, #tpu.memory_space<vmem>>, vector<1x16xf32>,
      %swap3A_2021 = vector.shape_cast %swap3A_2020 : vector<1x16xf32> to vector<16xf32>
      %swap3A_2022 = vector.shape_cast %select_n3A_2016 : vector<16xf32> to vector<1x16xf32>
      tpu.vector_store %arg9[%swap3A_2018, %swap3A_2019], %swap3A_2022 {strides = array<i32>} : memref<4x200xf32, #tpu.memory_space<vmem>>, vector<1x16xf32>,
      %get3A_2023 = arith.index_cast %add3A_1844 : i32 to index
      %get3A_2024 = arith.constant 96 : index
      %get3A_2025 = tpu.vector_load %arg7[%get3A_2023, %get3A_2024] {strides = array<i32>} : memref<128x128xi32, #tpu.memory_space<vmem>>, vector<1x16xi32>,
      %get3A_2026 = vector.shape_cast %get3A_2025 : vector<1x16xi32> to vector<16xi32>
      %ne3A_2027 = arith.constant 0 : i32
      %ne3A_2028 = vector.broadcast %ne3A_2027 : i32 to vector<16xi32>
      %ne3A_2029 = arith.cmpi ne, %get3A_2026, %ne3A_2028 : vector<16xi32>
      %get3A_2030 = arith.constant 3 : i32
      %get3A_2031 = arith.index_cast %get3A_2030 : i32 to index
      %get3A_2032 = arith.constant 96 : index
      %get3A_2033 = tpu.vector_load %arg9[%get3A_2031, %get3A_2032] {strides = array<i32>} : memref<4x200xf32, #tpu.memory_space<vmem>>, vector<1x16xf32>,
      %get3A_2034 = vector.shape_cast %get3A_2033 : vector<1x16xf32> to vector<16xf32>
      %jit3A_2035 = arith.constant 0.000000e+00 : f32
      %broadcast_in_dim3A_2036 = vector.broadcast %jit3A_2035 : f32 to vector<16xf32>
      %select_n3A_2037 = arith.select %ne3A_2029, %get3A_2034, %broadcast_in_dim3A_2036 : vector<16xi1>, vector<16xf32>
      %swap3A_2038 = arith.constant 3 : i32
      %swap3A_2039 = arith.index_cast %swap3A_2038 : i32 to index
      %swap3A_2040 = arith.constant 96 : index
      %swap3A_2041 = tpu.vector_load %arg9[%swap3A_2039, %swap3A_2040] {strides = array<i32>} : memref<4x200xf32, #tpu.memory_space<vmem>>, vector<1x16xf32>,
      %swap3A_2042 = vector.shape_cast %swap3A_2041 : vector<1x16xf32> to vector<16xf32>
      %swap3A_2043 = vector.shape_cast %select_n3A_2037 : vector<16xf32> to vector<1x16xf32>
      tpu.vector_store %arg9[%swap3A_2039, %swap3A_2040], %swap3A_2043 {strides = array<i32>} : memref<4x200xf32, #tpu.memory_space<vmem>>, vector<1x16xf32>,
      %get3A_2044 = arith.index_cast %add3A_1844 : i32 to index
      %get3A_2045 = arith.constant 112 : index
      %get3A_2046 = tpu.vector_load %arg7[%get3A_2044, %get3A_2045] {strides = array<i32>} : memref<128x128xi32, #tpu.memory_space<vmem>>, vector<1x16xi32>,
      %get3A_2047 = vector.shape_cast %get3A_2046 : vector<1x16xi32> to vector<16xi32>
      %ne3A_2048 = arith.constant 0 : i32
      %ne3A_2049 = vector.broadcast %ne3A_2048 : i32 to vector<16xi32>
      %ne3A_2050 = arith.cmpi ne, %get3A_2047, %ne3A_2049 : vector<16xi32>
      %get3A_2051 = arith.constant 3 : i32
      %get3A_2052 = arith.index_cast %get3A_2051 : i32 to index
      %get3A_2053 = arith.constant 112 : index
      %get3A_2054 = tpu.vector_load %arg9[%get3A_2052, %get3A_2053] {strides = array<i32>} : memref<4x200xf32, #tpu.memory_space<vmem>>, vector<1x16xf32>,
      %get3A_2055 = vector.shape_cast %get3A_2054 : vector<1x16xf32> to vector<16xf32>
      %jit3A_2056 = arith.constant 0.000000e+00 : f32
      %broadcast_in_dim3A_2057 = vector.broadcast %jit3A_2056 : f32 to vector<16xf32>
      %select_n3A_2058 = arith.select %ne3A_2050, %get3A_2055, %broadcast_in_dim3A_2057 : vector<16xi1>, vector<16xf32>
      %swap3A_2059 = arith.constant 3 : i32
      %swap3A_2060 = arith.index_cast %swap3A_2059 : i32 to index
      %swap3A_2061 = arith.constant 112 : index
      %swap3A_2062 = tpu.vector_load %arg9[%swap3A_2060, %swap3A_2061] {strides = array<i32>} : memref<4x200xf32, #tpu.memory_space<vmem>>, vector<1x16xf32>,
      %swap3A_2063 = vector.shape_cast %swap3A_2062 : vector<1x16xf32> to vector<16xf32>
      %swap3A_2064 = vector.shape_cast %select_n3A_2058 : vector<16xf32> to vector<1x16xf32>
      tpu.vector_store %arg9[%swap3A_2060, %swap3A_2061], %swap3A_2064 {strides = array<i32>} : memref<4x200xf32, #tpu.memory_space<vmem>>, vector<1x16xf32>,
      %get3A_2065 = arith.index_cast %add3A_1844 : i32 to index
      %get3A_2066 = arith.constant 0 : index
      %get3A_2067 = tpu.vector_load %arg8[%get3A_2065, %get3A_2066] {strides = array<i32>} : memref<128x128xi32, #tpu.memory_space<vmem>>, vector<1x16xi32>,
      %get3A_2068 = vector.shape_cast %get3A_2067 : vector<1x16xi32> to vector<16xi32>
      %ne3A_2069 = arith.constant 0 : i32
      %ne3A_2070 = vector.broadcast %ne3A_2069 : i32 to vector<16xi32>
      %ne3A_2071 = arith.cmpi ne, %get3A_2068, %ne3A_2070 : vector<16xi32>
      %get3A_2072 = arith.constant 3 : i32
      %get3A_2073 = arith.index_cast %get3A_2072 : i32 to index
      %get3A_2074 = arith.constant 128 : index
      %get3A_2075 = tpu.vector_load %arg9[%get3A_2073, %get3A_2074] {strides = array<i32>} : memref<4x200xf32, #tpu.memory_space<vmem>>, vector<1x16xf32>,
      %get3A_2076 = vector.shape_cast %get3A_2075 : vector<1x16xf32> to vector<16xf32>
      %jit3A_2077 = arith.constant 0.000000e+00 : f32
      %broadcast_in_dim3A_2078 = vector.broadcast %jit3A_2077 : f32 to vector<16xf32>
      %select_n3A_2079 = arith.select %ne3A_2071, %get3A_2076, %broadcast_in_dim3A_2078 : vector<16xi1>, vector<16xf32>
      %swap3A_2080 = arith.constant 3 : i32
      %swap3A_2081 = arith.index_cast %swap3A_2080 : i32 to index
      %swap3A_2082 = arith.constant 128 : index
      %swap3A_2083 = tpu.vector_load %arg9[%swap3A_2081, %swap3A_2082] {strides = array<i32>} : memref<4x200xf32, #tpu.memory_space<vmem>>, vector<1x16xf32>,
      %swap3A_2084 = vector.shape_cast %swap3A_2083 : vector<1x16xf32> to vector<16xf32>
      %swap3A_2085 = vector.shape_cast %select_n3A_2079 : vector<16xf32> to vector<1x16xf32>
      tpu.vector_store %arg9[%swap3A_2081, %swap3A_2082], %swap3A_2085 {strides = array<i32>} : memref<4x200xf32, #tpu.memory_space<vmem>>, vector<1x16xf32>,
      %get3A_2086 = arith.index_cast %add3A_1844 : i32 to index
      %get3A_2087 = arith.constant 16 : index
      %get3A_2088 = tpu.vector_load %arg8[%get3A_2086, %get3A_2087] {strides = array<i32>} : memref<128x128xi32, #tpu.memory_space<vmem>>, vector<1x16xi32>,
      %get3A_2089 = vector.shape_cast %get3A_2088 : vector<1x16xi32> to vector<16xi32>
      %ne3A_2090 = arith.constant 0 : i32
      %ne3A_2091 = vector.broadcast %ne3A_2090 : i32 to vector<16xi32>
      %ne3A_2092 = arith.cmpi ne, %get3A_2089, %ne3A_2091 : vector<16xi32>
      %get3A_2093 = arith.constant 3 : i32
      %get3A_2094 = arith.index_cast %get3A_2093 : i32 to index
      %get3A_2095 = arith.constant 144 : index
      %get3A_2096 = tpu.vector_load %arg9[%get3A_2094, %get3A_2095] {strides = array<i32>} : memref<4x200xf32, #tpu.memory_space<vmem>>, vector<1x16xf32>,
      %get3A_2097 = vector.shape_cast %get3A_2096 : vector<1x16xf32> to vector<16xf32>
      %jit3A_2098 = arith.constant 0.000000e+00 : f32
      %broadcast_in_dim3A_2099 = vector.broadcast %jit3A_2098 : f32 to vector<16xf32>
      %select_n3A_2100 = arith.select %ne3A_2092, %get3A_2097, %broadcast_in_dim3A_2099 : vector<16xi1>, vector<16xf32>
      %swap3A_2101 = arith.constant 3 : i32
      %swap3A_2102 = arith.index_cast %swap3A_2101 : i32 to index
      %swap3A_2103 = arith.constant 144 : index
      %swap3A_2104 = tpu.vector_load %arg9[%swap3A_2102, %swap3A_2103] {strides = array<i32>} : memref<4x200xf32, #tpu.memory_space<vmem>>, vector<1x16xf32>,
      %swap3A_2105 = vector.shape_cast %swap3A_2104 : vector<1x16xf32> to vector<16xf32>
      %swap3A_2106 = vector.shape_cast %select_n3A_2100 : vector<16xf32> to vector<1x16xf32>
      tpu.vector_store %arg9[%swap3A_2102, %swap3A_2103], %swap3A_2106 {strides = array<i32>} : memref<4x200xf32, #tpu.memory_space<vmem>>, vector<1x16xf32>,
      %get3A_2107 = arith.index_cast %add3A_1844 : i32 to index
      %get3A_2108 = arith.constant 32 : index
      %get3A_2109 = tpu.vector_load %arg8[%get3A_2107, %get3A_2108] {strides = array<i32>} : memref<128x128xi32, #tpu.memory_space<vmem>>, vector<1x16xi32>,
      %get3A_2110 = vector.shape_cast %get3A_2109 : vector<1x16xi32> to vector<16xi32>
      %ne3A_2111 = arith.constant 0 : i32
      %ne3A_2112 = vector.broadcast %ne3A_2111 : i32 to vector<16xi32>
      %ne3A_2113 = arith.cmpi ne, %get3A_2110, %ne3A_2112 : vector<16xi32>
      %get3A_2114 = arith.constant 3 : i32
      %get3A_2115 = arith.index_cast %get3A_2114 : i32 to index
      %get3A_2116 = arith.constant 160 : index
      %get3A_2117 = tpu.vector_load %arg9[%get3A_2115, %get3A_2116] {strides = array<i32>} : memref<4x200xf32, #tpu.memory_space<vmem>>, vector<1x16xf32>,
      %get3A_2118 = vector.shape_cast %get3A_2117 : vector<1x16xf32> to vector<16xf32>
      %jit3A_2119 = arith.constant 0.000000e+00 : f32
      %broadcast_in_dim3A_2120 = vector.broadcast %jit3A_2119 : f32 to vector<16xf32>
      %select_n3A_2121 = arith.select %ne3A_2113, %get3A_2118, %broadcast_in_dim3A_2120 : vector<16xi1>, vector<16xf32>
      %swap3A_2122 = arith.constant 3 : i32
      %swap3A_2123 = arith.index_cast %swap3A_2122 : i32 to index
      %swap3A_2124 = arith.constant 160 : index
      %swap3A_2125 = tpu.vector_load %arg9[%swap3A_2123, %swap3A_2124] {strides = array<i32>} : memref<4x200xf32, #tpu.memory_space<vmem>>, vector<1x16xf32>,
      %swap3A_2126 = vector.shape_cast %swap3A_2125 : vector<1x16xf32> to vector<16xf32>
      %swap3A_2127 = vector.shape_cast %select_n3A_2121 : vector<16xf32> to vector<1x16xf32>
      tpu.vector_store %arg9[%swap3A_2123, %swap3A_2124], %swap3A_2127 {strides = array<i32>} : memref<4x200xf32, #tpu.memory_space<vmem>>, vector<1x16xf32>,
      %get3A_2128 = arith.index_cast %add3A_1844 : i32 to index
      %get3A_2129 = arith.constant 48 : index
      %get3A_2130 = tpu.vector_load %arg8[%get3A_2128, %get3A_2129] {strides = array<i32>} : memref<128x128xi32, #tpu.memory_space<vmem>>, vector<1x16xi32>,
      %get3A_2131 = vector.shape_cast %get3A_2130 : vector<1x16xi32> to vector<16xi32>
      %ne3A_2132 = arith.constant 0 : i32
      %ne3A_2133 = vector.broadcast %ne3A_2132 : i32 to vector<16xi32>
      %ne3A_2134 = arith.cmpi ne, %get3A_2131, %ne3A_2133 : vector<16xi32>
      %get3A_2135 = arith.constant 3 : i32
      %get3A_2136 = arith.index_cast %get3A_2135 : i32 to index
      %get3A_2137 = arith.constant 176 : index
      %get3A_2138 = tpu.vector_load %arg9[%get3A_2136, %get3A_2137] {strides = array<i32>} : memref<4x200xf32, #tpu.memory_space<vmem>>, vector<1x16xf32>,
      %get3A_2139 = vector.shape_cast %get3A_2138 : vector<1x16xf32> to vector<16xf32>
      %jit3A_2140 = arith.constant 0.000000e+00 : f32
      %broadcast_in_dim3A_2141 = vector.broadcast %jit3A_2140 : f32 to vector<16xf32>
      %select_n3A_2142 = arith.select %ne3A_2134, %get3A_2139, %broadcast_in_dim3A_2141 : vector<16xi1>, vector<16xf32>
      %swap3A_2143 = arith.constant 3 : i32
      %swap3A_2144 = arith.index_cast %swap3A_2143 : i32 to index
      %swap3A_2145 = arith.constant 176 : index
      %swap3A_2146 = tpu.vector_load %arg9[%swap3A_2144, %swap3A_2145] {strides = array<i32>} : memref<4x200xf32, #tpu.memory_space<vmem>>, vector<1x16xf32>,
      %swap3A_2147 = vector.shape_cast %swap3A_2146 : vector<1x16xf32> to vector<16xf32>
      %swap3A_2148 = vector.shape_cast %select_n3A_2142 : vector<16xf32> to vector<1x16xf32>
      tpu.vector_store %arg9[%swap3A_2144, %swap3A_2145], %swap3A_2148 {strides = array<i32>} : memref<4x200xf32, #tpu.memory_space<vmem>>, vector<1x16xf32>,
      %get3A_2149 = arith.index_cast %add3A_1844 : i32 to index
      %get3A_2150 = arith.constant 56 : index
      %get3A_2151 = tpu.vector_load %arg8[%get3A_2149, %get3A_2150] {strides = array<i32>} : memref<128x128xi32, #tpu.memory_space<vmem>>, vector<1x16xi32>,
      %get3A_2152 = vector.shape_cast %get3A_2151 : vector<1x16xi32> to vector<16xi32>
      %ne3A_2153 = arith.constant 0 : i32
      %ne3A_2154 = vector.broadcast %ne3A_2153 : i32 to vector<16xi32>
      %ne3A_2155 = arith.cmpi ne, %get3A_2152, %ne3A_2154 : vector<16xi32>
      %get3A_2156 = arith.constant 3 : i32
      %get3A_2157 = arith.index_cast %get3A_2156 : i32 to index
      %get3A_2158 = arith.constant 184 : index
      %get3A_2159 = tpu.vector_load %arg9[%get3A_2157, %get3A_2158] {strides = array<i32>} : memref<4x200xf32, #tpu.memory_space<vmem>>, vector<1x16xf32>,
      %get3A_2160 = vector.shape_cast %get3A_2159 : vector<1x16xf32> to vector<16xf32>
      %jit3A_2161 = arith.constant 0.000000e+00 : f32
      %broadcast_in_dim3A_2162 = vector.broadcast %jit3A_2161 : f32 to vector<16xf32>
      %select_n3A_2163 = arith.select %ne3A_2155, %get3A_2160, %broadcast_in_dim3A_2162 : vector<16xi1>, vector<16xf32>
      %swap3A_2164 = arith.constant 3 : i32
      %swap3A_2165 = arith.index_cast %swap3A_2164 : i32 to index
      %swap3A_2166 = arith.constant 184 : index
      %swap3A_2167 = tpu.vector_load %arg9[%swap3A_2165, %swap3A_2166] {strides = array<i32>} : memref<4x200xf32, #tpu.memory_space<vmem>>, vector<1x16xf32>,
      %swap3A_2168 = vector.shape_cast %swap3A_2167 : vector<1x16xf32> to vector<16xf32>
      %swap3A_2169 = vector.shape_cast %select_n3A_2163 : vector<16xf32> to vector<1x16xf32>
      tpu.vector_store %arg9[%swap3A_2165, %swap3A_2166], %swap3A_2169 {strides = array<i32>} : memref<4x200xf32, #tpu.memory_space<vmem>>, vector<1x16xf32>,
      %broadcast_in_dim3A_2170 = arith.constant 0.000000e+00 : f32
      %broadcast_in_dim3A_2171 = vector.broadcast %broadcast_in_dim3A_2170 : f32 to vector<16xf32>
      %scan3A_2172 = arith.constant 0 : i32
      %scan3A_2173 = arith.constant 12 : i32
      %scan3A_2174 = arith.addi %scan3A_2172, %scan3A_2173 : i32
      %scan3A_2175 = arith.constant 1 : i32
      %scan3A_2176:2 = scf.for %scan3A_2381 = %scan3A_2172 to %scan3A_2174 step %scan3A_2175 iter_args(%scan3A_2382 = %broadcast_in_dim3A_2171, %scan3A_2383 = %broadcast_in_dim3A_2171) -> (vector<16xf32>, vector<16xf32>)  : i32 {
        %mul3A_2384 = arith.constant 16 : i32
        %mul3A_2385 = arith.muli %scan3A_2381, %mul3A_2384 : i32
        %get3A_2386 = arith.constant 3 : i32
        %get3A_2387 = arith.index_cast %get3A_2386 : i32 to index
        %get3A_2388 = arith.index_cast %mul3A_2385 : i32 to index
        %get3A_2389 = tpu.vector_load %arg9[%get3A_2387, %get3A_2388] {strides = array<i32>} : memref<4x200xf32, #tpu.memory_space<vmem>>, vector<1x16xf32>,
        %get3A_2390 = vector.shape_cast %get3A_2389 : vector<1x16xf32> to vector<16xf32>
        %mul3A_2391 = arith.constant 16 : i32
        %mul3A_2392 = arith.muli %scan3A_2381, %mul3A_2391 : i32
        %add3A_2393 = arith.constant 0 : i32
        %add3A_2394 = arith.addi %mul3A_2392, %add3A_2393 : i32
        %slice3A_2395 = vector.extract_strided_slice %get3A_2390 {offsets = [0], sizes = [1], strides = [1]} : vector<16xf32> to vector<1xf32>
        %squeeze3A_2396 = vector.extract %slice3A_2395[0] : f32 from vector<1xf32>
        %get3A_2397 = arith.constant 3 : i32
        %get3A_2398 = arith.index_cast %get3A_2397 : i32 to index
        %get3A_2399 = arith.index_cast %add3A_2394 : i32 to index
        %get3A_2400 = arith.constant 0 : index
        %get3A_2401 = tpu.vector_load %arg10[%get3A_2398, %get3A_2399, %get3A_2400] {strides = array<i32>} : memref<4x200x32xf32, #tpu.memory_space<vmem>>, vector<1x1x16xf32>,
        %get3A_2402 = vector.shape_cast %get3A_2401 : vector<1x1x16xf32> to vector<16xf32>
        %mul3A_2403 = vector.broadcast %squeeze3A_2396 : f32 to vector<16xf32>
        %mul3A_2404 = arith.mulf %mul3A_2403, %get3A_2402 : vector<16xf32>
        %add3A_2405 = arith.addf %scan3A_2382, %mul3A_2404 : vector<16xf32>
        %get3A_2406 = arith.constant 3 : i32
        %get3A_2407 = arith.index_cast %get3A_2406 : i32 to index
        %get3A_2408 = arith.index_cast %add3A_2394 : i32 to index
        %get3A_2409 = arith.constant 16 : index
        %get3A_2410 = tpu.vector_load %arg10[%get3A_2407, %get3A_2408, %get3A_2409] {strides = array<i32>} : memref<4x200x32xf32, #tpu.memory_space<vmem>>, vector<1x1x16xf32>,
        %get3A_2411 = vector.shape_cast %get3A_2410 : vector<1x1x16xf32> to vector<16xf32>
        %mul3A_2412 = vector.broadcast %squeeze3A_2396 : f32 to vector<16xf32>
        %mul3A_2413 = arith.mulf %mul3A_2412, %get3A_2411 : vector<16xf32>
        %add3A_2414 = arith.addf %scan3A_2383, %mul3A_2413 : vector<16xf32>
        %add3A_2415 = arith.constant 1 : i32
        %add3A_2416 = arith.addi %mul3A_2392, %add3A_2415 : i32
        %slice3A_2417 = vector.extract_strided_slice %get3A_2390 {offsets = [1], sizes = [1], strides = [1]} : vector<16xf32> to vector<1xf32>
        %squeeze3A_2418 = vector.extract %slice3A_2417[0] : f32 from vector<1xf32>
        %get3A_2419 = arith.constant 3 : i32
        %get3A_2420 = arith.index_cast %get3A_2419 : i32 to index
        %get3A_2421 = arith.index_cast %add3A_2416 : i32 to index
        %get3A_2422 = arith.constant 0 : index
        %get3A_2423 = tpu.vector_load %arg10[%get3A_2420, %get3A_2421, %get3A_2422] {strides = array<i32>} : memref<4x200x32xf32, #tpu.memory_space<vmem>>, vector<1x1x16xf32>,
        %get3A_2424 = vector.shape_cast %get3A_2423 : vector<1x1x16xf32> to vector<16xf32>
        %mul3A_2425 = vector.broadcast %squeeze3A_2418 : f32 to vector<16xf32>
        %mul3A_2426 = arith.mulf %mul3A_2425, %get3A_2424 : vector<16xf32>
        %add3A_2427 = arith.addf %add3A_2405, %mul3A_2426 : vector<16xf32>
        %get3A_2428 = arith.constant 3 : i32
        %get3A_2429 = arith.index_cast %get3A_2428 : i32 to index
        %get3A_2430 = arith.index_cast %add3A_2416 : i32 to index
        %get3A_2431 = arith.constant 16 : index
        %get3A_2432 = tpu.vector_load %arg10[%get3A_2429, %get3A_2430, %get3A_2431] {strides = array<i32>} : memref<4x200x32xf32, #tpu.memory_space<vmem>>, vector<1x1x16xf32>,
        %get3A_2433 = vector.shape_cast %get3A_2432 : vector<1x1x16xf32> to vector<16xf32>
        %mul3A_2434 = vector.broadcast %squeeze3A_2418 : f32 to vector<16xf32>
        %mul3A_2435 = arith.mulf %mul3A_2434, %get3A_2433 : vector<16xf32>
        %add3A_2436 = arith.addf %add3A_2414, %mul3A_2435 : vector<16xf32>
        %add3A_2437 = arith.constant 2 : i32
        %add3A_2438 = arith.addi %mul3A_2392, %add3A_2437 : i32
        %slice3A_2439 = vector.extract_strided_slice %get3A_2390 {offsets = [2], sizes = [1], strides = [1]} : vector<16xf32> to vector<1xf32>
        %squeeze3A_2440 = vector.extract %slice3A_2439[0] : f32 from vector<1xf32>
        %get3A_2441 = arith.constant 3 : i32
        %get3A_2442 = arith.index_cast %get3A_2441 : i32 to index
        %get3A_2443 = arith.index_cast %add3A_2438 : i32 to index
        %get3A_2444 = arith.constant 0 : index
        %get3A_2445 = tpu.vector_load %arg10[%get3A_2442, %get3A_2443, %get3A_2444] {strides = array<i32>} : memref<4x200x32xf32, #tpu.memory_space<vmem>>, vector<1x1x16xf32>,
        %get3A_2446 = vector.shape_cast %get3A_2445 : vector<1x1x16xf32> to vector<16xf32>
        %mul3A_2447 = vector.broadcast %squeeze3A_2440 : f32 to vector<16xf32>
        %mul3A_2448 = arith.mulf %mul3A_2447, %get3A_2446 : vector<16xf32>
        %add3A_2449 = arith.addf %add3A_2427, %mul3A_2448 : vector<16xf32>
        %get3A_2450 = arith.constant 3 : i32
        %get3A_2451 = arith.index_cast %get3A_2450 : i32 to index
        %get3A_2452 = arith.index_cast %add3A_2438 : i32 to index
        %get3A_2453 = arith.constant 16 : index
        %get3A_2454 = tpu.vector_load %arg10[%get3A_2451, %get3A_2452, %get3A_2453] {strides = array<i32>} : memref<4x200x32xf32, #tpu.memory_space<vmem>>, vector<1x1x16xf32>,
        %get3A_2455 = vector.shape_cast %get3A_2454 : vector<1x1x16xf32> to vector<16xf32>
        %mul3A_2456 = vector.broadcast %squeeze3A_2440 : f32 to vector<16xf32>
        %mul3A_2457 = arith.mulf %mul3A_2456, %get3A_2455 : vector<16xf32>
        %add3A_2458 = arith.addf %add3A_2436, %mul3A_2457 : vector<16xf32>
        %add3A_2459 = arith.constant 3 : i32
        %add3A_2460 = arith.addi %mul3A_2392, %add3A_2459 : i32
        %slice3A_2461 = vector.extract_strided_slice %get3A_2390 {offsets = [3], sizes = [1], strides = [1]} : vector<16xf32> to vector<1xf32>
        %squeeze3A_2462 = vector.extract %slice3A_2461[0] : f32 from vector<1xf32>
        %get3A_2463 = arith.constant 3 : i32
        %get3A_2464 = arith.index_cast %get3A_2463 : i32 to index
        %get3A_2465 = arith.index_cast %add3A_2460 : i32 to index
        %get3A_2466 = arith.constant 0 : index
        %get3A_2467 = tpu.vector_load %arg10[%get3A_2464, %get3A_2465, %get3A_2466] {strides = array<i32>} : memref<4x200x32xf32, #tpu.memory_space<vmem>>, vector<1x1x16xf32>,
        %get3A_2468 = vector.shape_cast %get3A_2467 : vector<1x1x16xf32> to vector<16xf32>
        %mul3A_2469 = vector.broadcast %squeeze3A_2462 : f32 to vector<16xf32>
        %mul3A_2470 = arith.mulf %mul3A_2469, %get3A_2468 : vector<16xf32>
        %add3A_2471 = arith.addf %add3A_2449, %mul3A_2470 : vector<16xf32>
        %get3A_2472 = arith.constant 3 : i32
        %get3A_2473 = arith.index_cast %get3A_2472 : i32 to index
        %get3A_2474 = arith.index_cast %add3A_2460 : i32 to index
        %get3A_2475 = arith.constant 16 : index
        %get3A_2476 = tpu.vector_load %arg10[%get3A_2473, %get3A_2474, %get3A_2475] {strides = array<i32>} : memref<4x200x32xf32, #tpu.memory_space<vmem>>, vector<1x1x16xf32>,
        %get3A_2477 = vector.shape_cast %get3A_2476 : vector<1x1x16xf32> to vector<16xf32>
        %mul3A_2478 = vector.broadcast %squeeze3A_2462 : f32 to vector<16xf32>
        %mul3A_2479 = arith.mulf %mul3A_2478, %get3A_2477 : vector<16xf32>
        %add3A_2480 = arith.addf %add3A_2458, %mul3A_2479 : vector<16xf32>
        %add3A_2481 = arith.constant 4 : i32
        %add3A_2482 = arith.addi %mul3A_2392, %add3A_2481 : i32
        %slice3A_2483 = vector.extract_strided_slice %get3A_2390 {offsets = [4], sizes = [1], strides = [1]} : vector<16xf32> to vector<1xf32>
        %squeeze3A_2484 = vector.extract %slice3A_2483[0] : f32 from vector<1xf32>
        %get3A_2485 = arith.constant 3 : i32
        %get3A_2486 = arith.index_cast %get3A_2485 : i32 to index
        %get3A_2487 = arith.index_cast %add3A_2482 : i32 to index
        %get3A_2488 = arith.constant 0 : index
        %get3A_2489 = tpu.vector_load %arg10[%get3A_2486, %get3A_2487, %get3A_2488] {strides = array<i32>} : memref<4x200x32xf32, #tpu.memory_space<vmem>>, vector<1x1x16xf32>,
        %get3A_2490 = vector.shape_cast %get3A_2489 : vector<1x1x16xf32> to vector<16xf32>
        %mul3A_2491 = vector.broadcast %squeeze3A_2484 : f32 to vector<16xf32>
        %mul3A_2492 = arith.mulf %mul3A_2491, %get3A_2490 : vector<16xf32>
        %add3A_2493 = arith.addf %add3A_2471, %mul3A_2492 : vector<16xf32>
        %get3A_2494 = arith.constant 3 : i32
        %get3A_2495 = arith.index_cast %get3A_2494 : i32 to index
        %get3A_2496 = arith.index_cast %add3A_2482 : i32 to index
        %get3A_2497 = arith.constant 16 : index
        %get3A_2498 = tpu.vector_load %arg10[%get3A_2495, %get3A_2496, %get3A_2497] {strides = array<i32>} : memref<4x200x32xf32, #tpu.memory_space<vmem>>, vector<1x1x16xf32>,
        %get3A_2499 = vector.shape_cast %get3A_2498 : vector<1x1x16xf32> to vector<16xf32>
        %mul3A_2500 = vector.broadcast %squeeze3A_2484 : f32 to vector<16xf32>
        %mul3A_2501 = arith.mulf %mul3A_2500, %get3A_2499 : vector<16xf32>
        %add3A_2502 = arith.addf %add3A_2480, %mul3A_2501 : vector<16xf32>
        %add3A_2503 = arith.constant 5 : i32
        %add3A_2504 = arith.addi %mul3A_2392, %add3A_2503 : i32
        %slice3A_2505 = vector.extract_strided_slice %get3A_2390 {offsets = [5], sizes = [1], strides = [1]} : vector<16xf32> to vector<1xf32>
        %squeeze3A_2506 = vector.extract %slice3A_2505[0] : f32 from vector<1xf32>
        %get3A_2507 = arith.constant 3 : i32
        %get3A_2508 = arith.index_cast %get3A_2507 : i32 to index
        %get3A_2509 = arith.index_cast %add3A_2504 : i32 to index
        %get3A_2510 = arith.constant 0 : index
        %get3A_2511 = tpu.vector_load %arg10[%get3A_2508, %get3A_2509, %get3A_2510] {strides = array<i32>} : memref<4x200x32xf32, #tpu.memory_space<vmem>>, vector<1x1x16xf32>,
        %get3A_2512 = vector.shape_cast %get3A_2511 : vector<1x1x16xf32> to vector<16xf32>
        %mul3A_2513 = vector.broadcast %squeeze3A_2506 : f32 to vector<16xf32>
        %mul3A_2514 = arith.mulf %mul3A_2513, %get3A_2512 : vector<16xf32>
        %add3A_2515 = arith.addf %add3A_2493, %mul3A_2514 : vector<16xf32>
        %get3A_2516 = arith.constant 3 : i32
        %get3A_2517 = arith.index_cast %get3A_2516 : i32 to index
        %get3A_2518 = arith.index_cast %add3A_2504 : i32 to index
        %get3A_2519 = arith.constant 16 : index
        %get3A_2520 = tpu.vector_load %arg10[%get3A_2517, %get3A_2518, %get3A_2519] {strides = array<i32>} : memref<4x200x32xf32, #tpu.memory_space<vmem>>, vector<1x1x16xf32>,
        %get3A_2521 = vector.shape_cast %get3A_2520 : vector<1x1x16xf32> to vector<16xf32>
        %mul3A_2522 = vector.broadcast %squeeze3A_2506 : f32 to vector<16xf32>
        %mul3A_2523 = arith.mulf %mul3A_2522, %get3A_2521 : vector<16xf32>
        %add3A_2524 = arith.addf %add3A_2502, %mul3A_2523 : vector<16xf32>
        %add3A_2525 = arith.constant 6 : i32
        %add3A_2526 = arith.addi %mul3A_2392, %add3A_2525 : i32
        %slice3A_2527 = vector.extract_strided_slice %get3A_2390 {offsets = [6], sizes = [1], strides = [1]} : vector<16xf32> to vector<1xf32>
        %squeeze3A_2528 = vector.extract %slice3A_2527[0] : f32 from vector<1xf32>
        %get3A_2529 = arith.constant 3 : i32
        %get3A_2530 = arith.index_cast %get3A_2529 : i32 to index
        %get3A_2531 = arith.index_cast %add3A_2526 : i32 to index
        %get3A_2532 = arith.constant 0 : index
        %get3A_2533 = tpu.vector_load %arg10[%get3A_2530, %get3A_2531, %get3A_2532] {strides = array<i32>} : memref<4x200x32xf32, #tpu.memory_space<vmem>>, vector<1x1x16xf32>,
        %get3A_2534 = vector.shape_cast %get3A_2533 : vector<1x1x16xf32> to vector<16xf32>
        %mul3A_2535 = vector.broadcast %squeeze3A_2528 : f32 to vector<16xf32>
        %mul3A_2536 = arith.mulf %mul3A_2535, %get3A_2534 : vector<16xf32>
        %add3A_2537 = arith.addf %add3A_2515, %mul3A_2536 : vector<16xf32>
        %get3A_2538 = arith.constant 3 : i32
        %get3A_2539 = arith.index_cast %get3A_2538 : i32 to index
        %get3A_2540 = arith.index_cast %add3A_2526 : i32 to index
        %get3A_2541 = arith.constant 16 : index
        %get3A_2542 = tpu.vector_load %arg10[%get3A_2539, %get3A_2540, %get3A_2541] {strides = array<i32>} : memref<4x200x32xf32, #tpu.memory_space<vmem>>, vector<1x1x16xf32>,
        %get3A_2543 = vector.shape_cast %get3A_2542 : vector<1x1x16xf32> to vector<16xf32>
        %mul3A_2544 = vector.broadcast %squeeze3A_2528 : f32 to vector<16xf32>
        %mul3A_2545 = arith.mulf %mul3A_2544, %get3A_2543 : vector<16xf32>
        %add3A_2546 = arith.addf %add3A_2524, %mul3A_2545 : vector<16xf32>
        %add3A_2547 = arith.constant 7 : i32
        %add3A_2548 = arith.addi %mul3A_2392, %add3A_2547 : i32
        %slice3A_2549 = vector.extract_strided_slice %get3A_2390 {offsets = [7], sizes = [1], strides = [1]} : vector<16xf32> to vector<1xf32>
        %squeeze3A_2550 = vector.extract %slice3A_2549[0] : f32 from vector<1xf32>
        %get3A_2551 = arith.constant 3 : i32
        %get3A_2552 = arith.index_cast %get3A_2551 : i32 to index
        %get3A_2553 = arith.index_cast %add3A_2548 : i32 to index
        %get3A_2554 = arith.constant 0 : index
        %get3A_2555 = tpu.vector_load %arg10[%get3A_2552, %get3A_2553, %get3A_2554] {strides = array<i32>} : memref<4x200x32xf32, #tpu.memory_space<vmem>>, vector<1x1x16xf32>,
        %get3A_2556 = vector.shape_cast %get3A_2555 : vector<1x1x16xf32> to vector<16xf32>
        %mul3A_2557 = vector.broadcast %squeeze3A_2550 : f32 to vector<16xf32>
        %mul3A_2558 = arith.mulf %mul3A_2557, %get3A_2556 : vector<16xf32>
        %add3A_2559 = arith.addf %add3A_2537, %mul3A_2558 : vector<16xf32>
        %get3A_2560 = arith.constant 3 : i32
        %get3A_2561 = arith.index_cast %get3A_2560 : i32 to index
        %get3A_2562 = arith.index_cast %add3A_2548 : i32 to index
        %get3A_2563 = arith.constant 16 : index
        %get3A_2564 = tpu.vector_load %arg10[%get3A_2561, %get3A_2562, %get3A_2563] {strides = array<i32>} : memref<4x200x32xf32, #tpu.memory_space<vmem>>, vector<1x1x16xf32>,
        %get3A_2565 = vector.shape_cast %get3A_2564 : vector<1x1x16xf32> to vector<16xf32>
        %mul3A_2566 = vector.broadcast %squeeze3A_2550 : f32 to vector<16xf32>
        %mul3A_2567 = arith.mulf %mul3A_2566, %get3A_2565 : vector<16xf32>
        %add3A_2568 = arith.addf %add3A_2546, %mul3A_2567 : vector<16xf32>
        %add3A_2569 = arith.constant 8 : i32
        %add3A_2570 = arith.addi %mul3A_2392, %add3A_2569 : i32
        %slice3A_2571 = vector.extract_strided_slice %get3A_2390 {offsets = [8], sizes = [1], strides = [1]} : vector<16xf32> to vector<1xf32>
        %squeeze3A_2572 = vector.extract %slice3A_2571[0] : f32 from vector<1xf32>
        %get3A_2573 = arith.constant 3 : i32
        %get3A_2574 = arith.index_cast %get3A_2573 : i32 to index
        %get3A_2575 = arith.index_cast %add3A_2570 : i32 to index
        %get3A_2576 = arith.constant 0 : index
        %get3A_2577 = tpu.vector_load %arg10[%get3A_2574, %get3A_2575, %get3A_2576] {strides = array<i32>} : memref<4x200x32xf32, #tpu.memory_space<vmem>>, vector<1x1x16xf32>,
        %get3A_2578 = vector.shape_cast %get3A_2577 : vector<1x1x16xf32> to vector<16xf32>
        %mul3A_2579 = vector.broadcast %squeeze3A_2572 : f32 to vector<16xf32>
        %mul3A_2580 = arith.mulf %mul3A_2579, %get3A_2578 : vector<16xf32>
        %add3A_2581 = arith.addf %add3A_2559, %mul3A_2580 : vector<16xf32>
        %get3A_2582 = arith.constant 3 : i32
        %get3A_2583 = arith.index_cast %get3A_2582 : i32 to index
        %get3A_2584 = arith.index_cast %add3A_2570 : i32 to index
        %get3A_2585 = arith.constant 16 : index
        %get3A_2586 = tpu.vector_load %arg10[%get3A_2583, %get3A_2584, %get3A_2585] {strides = array<i32>} : memref<4x200x32xf32, #tpu.memory_space<vmem>>, vector<1x1x16xf32>,
        %get3A_2587 = vector.shape_cast %get3A_2586 : vector<1x1x16xf32> to vector<16xf32>
        %mul3A_2588 = vector.broadcast %squeeze3A_2572 : f32 to vector<16xf32>
        %mul3A_2589 = arith.mulf %mul3A_2588, %get3A_2587 : vector<16xf32>
        %add3A_2590 = arith.addf %add3A_2568, %mul3A_2589 : vector<16xf32>
        %add3A_2591 = arith.constant 9 : i32
        %add3A_2592 = arith.addi %mul3A_2392, %add3A_2591 : i32
        %slice3A_2593 = vector.extract_strided_slice %get3A_2390 {offsets = [9], sizes = [1], strides = [1]} : vector<16xf32> to vector<1xf32>
        %squeeze3A_2594 = vector.extract %slice3A_2593[0] : f32 from vector<1xf32>
        %get3A_2595 = arith.constant 3 : i32
        %get3A_2596 = arith.index_cast %get3A_2595 : i32 to index
        %get3A_2597 = arith.index_cast %add3A_2592 : i32 to index
        %get3A_2598 = arith.constant 0 : index
        %get3A_2599 = tpu.vector_load %arg10[%get3A_2596, %get3A_2597, %get3A_2598] {strides = array<i32>} : memref<4x200x32xf32, #tpu.memory_space<vmem>>, vector<1x1x16xf32>,
        %get3A_2600 = vector.shape_cast %get3A_2599 : vector<1x1x16xf32> to vector<16xf32>
        %mul3A_2601 = vector.broadcast %squeeze3A_2594 : f32 to vector<16xf32>
        %mul3A_2602 = arith.mulf %mul3A_2601, %get3A_2600 : vector<16xf32>
        %add3A_2603 = arith.addf %add3A_2581, %mul3A_2602 : vector<16xf32>
        %get3A_2604 = arith.constant 3 : i32
        %get3A_2605 = arith.index_cast %get3A_2604 : i32 to index
        %get3A_2606 = arith.index_cast %add3A_2592 : i32 to index
        %get3A_2607 = arith.constant 16 : index
        %get3A_2608 = tpu.vector_load %arg10[%get3A_2605, %get3A_2606, %get3A_2607] {strides = array<i32>} : memref<4x200x32xf32, #tpu.memory_space<vmem>>, vector<1x1x16xf32>,
        %get3A_2609 = vector.shape_cast %get3A_2608 : vector<1x1x16xf32> to vector<16xf32>
        %mul3A_2610 = vector.broadcast %squeeze3A_2594 : f32 to vector<16xf32>
        %mul3A_2611 = arith.mulf %mul3A_2610, %get3A_2609 : vector<16xf32>
        %add3A_2612 = arith.addf %add3A_2590, %mul3A_2611 : vector<16xf32>
        %add3A_2613 = arith.constant 10 : i32
        %add3A_2614 = arith.addi %mul3A_2392, %add3A_2613 : i32
        %slice3A_2615 = vector.extract_strided_slice %get3A_2390 {offsets = [10], sizes = [1], strides = [1]} : vector<16xf32> to vector<1xf32>
        %squeeze3A_2616 = vector.extract %slice3A_2615[0] : f32 from vector<1xf32>
        %get3A_2617 = arith.constant 3 : i32
        %get3A_2618 = arith.index_cast %get3A_2617 : i32 to index
        %get3A_2619 = arith.index_cast %add3A_2614 : i32 to index
        %get3A_2620 = arith.constant 0 : index
        %get3A_2621 = tpu.vector_load %arg10[%get3A_2618, %get3A_2619, %get3A_2620] {strides = array<i32>} : memref<4x200x32xf32, #tpu.memory_space<vmem>>, vector<1x1x16xf32>,
        %get3A_2622 = vector.shape_cast %get3A_2621 : vector<1x1x16xf32> to vector<16xf32>
        %mul3A_2623 = vector.broadcast %squeeze3A_2616 : f32 to vector<16xf32>
        %mul3A_2624 = arith.mulf %mul3A_2623, %get3A_2622 : vector<16xf32>
        %add3A_2625 = arith.addf %add3A_2603, %mul3A_2624 : vector<16xf32>
        %get3A_2626 = arith.constant 3 : i32
        %get3A_2627 = arith.index_cast %get3A_2626 : i32 to index
        %get3A_2628 = arith.index_cast %add3A_2614 : i32 to index
        %get3A_2629 = arith.constant 16 : index
        %get3A_2630 = tpu.vector_load %arg10[%get3A_2627, %get3A_2628, %get3A_2629] {strides = array<i32>} : memref<4x200x32xf32, #tpu.memory_space<vmem>>, vector<1x1x16xf32>,
        %get3A_2631 = vector.shape_cast %get3A_2630 : vector<1x1x16xf32> to vector<16xf32>
        %mul3A_2632 = vector.broadcast %squeeze3A_2616 : f32 to vector<16xf32>
        %mul3A_2633 = arith.mulf %mul3A_2632, %get3A_2631 : vector<16xf32>
        %add3A_2634 = arith.addf %add3A_2612, %mul3A_2633 : vector<16xf32>
        %add3A_2635 = arith.constant 11 : i32
        %add3A_2636 = arith.addi %mul3A_2392, %add3A_2635 : i32
        %slice3A_2637 = vector.extract_strided_slice %get3A_2390 {offsets = [11], sizes = [1], strides = [1]} : vector<16xf32> to vector<1xf32>
        %squeeze3A_2638 = vector.extract %slice3A_2637[0] : f32 from vector<1xf32>
        %get3A_2639 = arith.constant 3 : i32
        %get3A_2640 = arith.index_cast %get3A_2639 : i32 to index
        %get3A_2641 = arith.index_cast %add3A_2636 : i32 to index
        %get3A_2642 = arith.constant 0 : index
        %get3A_2643 = tpu.vector_load %arg10[%get3A_2640, %get3A_2641, %get3A_2642] {strides = array<i32>} : memref<4x200x32xf32, #tpu.memory_space<vmem>>, vector<1x1x16xf32>,
        %get3A_2644 = vector.shape_cast %get3A_2643 : vector<1x1x16xf32> to vector<16xf32>
        %mul3A_2645 = vector.broadcast %squeeze3A_2638 : f32 to vector<16xf32>
        %mul3A_2646 = arith.mulf %mul3A_2645, %get3A_2644 : vector<16xf32>
        %add3A_2647 = arith.addf %add3A_2625, %mul3A_2646 : vector<16xf32>
        %get3A_2648 = arith.constant 3 : i32
        %get3A_2649 = arith.index_cast %get3A_2648 : i32 to index
        %get3A_2650 = arith.index_cast %add3A_2636 : i32 to index
        %get3A_2651 = arith.constant 16 : index
        %get3A_2652 = tpu.vector_load %arg10[%get3A_2649, %get3A_2650, %get3A_2651] {strides = array<i32>} : memref<4x200x32xf32, #tpu.memory_space<vmem>>, vector<1x1x16xf32>,
        %get3A_2653 = vector.shape_cast %get3A_2652 : vector<1x1x16xf32> to vector<16xf32>
        %mul3A_2654 = vector.broadcast %squeeze3A_2638 : f32 to vector<16xf32>
        %mul3A_2655 = arith.mulf %mul3A_2654, %get3A_2653 : vector<16xf32>
        %add3A_2656 = arith.addf %add3A_2634, %mul3A_2655 : vector<16xf32>
        %add3A_2657 = arith.constant 12 : i32
        %add3A_2658 = arith.addi %mul3A_2392, %add3A_2657 : i32
        %slice3A_2659 = vector.extract_strided_slice %get3A_2390 {offsets = [12], sizes = [1], strides = [1]} : vector<16xf32> to vector<1xf32>
        %squeeze3A_2660 = vector.extract %slice3A_2659[0] : f32 from vector<1xf32>
        %get3A_2661 = arith.constant 3 : i32
        %get3A_2662 = arith.index_cast %get3A_2661 : i32 to index
        %get3A_2663 = arith.index_cast %add3A_2658 : i32 to index
        %get3A_2664 = arith.constant 0 : index
        %get3A_2665 = tpu.vector_load %arg10[%get3A_2662, %get3A_2663, %get3A_2664] {strides = array<i32>} : memref<4x200x32xf32, #tpu.memory_space<vmem>>, vector<1x1x16xf32>,
        %get3A_2666 = vector.shape_cast %get3A_2665 : vector<1x1x16xf32> to vector<16xf32>
        %mul3A_2667 = vector.broadcast %squeeze3A_2660 : f32 to vector<16xf32>
        %mul3A_2668 = arith.mulf %mul3A_2667, %get3A_2666 : vector<16xf32>
        %add3A_2669 = arith.addf %add3A_2647, %mul3A_2668 : vector<16xf32>
        %get3A_2670 = arith.constant 3 : i32
        %get3A_2671 = arith.index_cast %get3A_2670 : i32 to index
        %get3A_2672 = arith.index_cast %add3A_2658 : i32 to index
        %get3A_2673 = arith.constant 16 : index
        %get3A_2674 = tpu.vector_load %arg10[%get3A_2671, %get3A_2672, %get3A_2673] {strides = array<i32>} : memref<4x200x32xf32, #tpu.memory_space<vmem>>, vector<1x1x16xf32>,
        %get3A_2675 = vector.shape_cast %get3A_2674 : vector<1x1x16xf32> to vector<16xf32>
        %mul3A_2676 = vector.broadcast %squeeze3A_2660 : f32 to vector<16xf32>
        %mul3A_2677 = arith.mulf %mul3A_2676, %get3A_2675 : vector<16xf32>
        %add3A_2678 = arith.addf %add3A_2656, %mul3A_2677 : vector<16xf32>
        %add3A_2679 = arith.constant 13 : i32
        %add3A_2680 = arith.addi %mul3A_2392, %add3A_2679 : i32
        %slice3A_2681 = vector.extract_strided_slice %get3A_2390 {offsets = [13], sizes = [1], strides = [1]} : vector<16xf32> to vector<1xf32>
        %squeeze3A_2682 = vector.extract %slice3A_2681[0] : f32 from vector<1xf32>
        %get3A_2683 = arith.constant 3 : i32
        %get3A_2684 = arith.index_cast %get3A_2683 : i32 to index
        %get3A_2685 = arith.index_cast %add3A_2680 : i32 to index
        %get3A_2686 = arith.constant 0 : index
        %get3A_2687 = tpu.vector_load %arg10[%get3A_2684, %get3A_2685, %get3A_2686] {strides = array<i32>} : memref<4x200x32xf32, #tpu.memory_space<vmem>>, vector<1x1x16xf32>,
        %get3A_2688 = vector.shape_cast %get3A_2687 : vector<1x1x16xf32> to vector<16xf32>
        %mul3A_2689 = vector.broadcast %squeeze3A_2682 : f32 to vector<16xf32>
        %mul3A_2690 = arith.mulf %mul3A_2689, %get3A_2688 : vector<16xf32>
        %add3A_2691 = arith.addf %add3A_2669, %mul3A_2690 : vector<16xf32>
        %get3A_2692 = arith.constant 3 : i32
        %get3A_2693 = arith.index_cast %get3A_2692 : i32 to index
        %get3A_2694 = arith.index_cast %add3A_2680 : i32 to index
        %get3A_2695 = arith.constant 16 : index
        %get3A_2696 = tpu.vector_load %arg10[%get3A_2693, %get3A_2694, %get3A_2695] {strides = array<i32>} : memref<4x200x32xf32, #tpu.memory_space<vmem>>, vector<1x1x16xf32>,
        %get3A_2697 = vector.shape_cast %get3A_2696 : vector<1x1x16xf32> to vector<16xf32>
        %mul3A_2698 = vector.broadcast %squeeze3A_2682 : f32 to vector<16xf32>
        %mul3A_2699 = arith.mulf %mul3A_2698, %get3A_2697 : vector<16xf32>
        %add3A_2700 = arith.addf %add3A_2678, %mul3A_2699 : vector<16xf32>
        %add3A_2701 = arith.constant 14 : i32
        %add3A_2702 = arith.addi %mul3A_2392, %add3A_2701 : i32
        %slice3A_2703 = vector.extract_strided_slice %get3A_2390 {offsets = [14], sizes = [1], strides = [1]} : vector<16xf32> to vector<1xf32>
        %squeeze3A_2704 = vector.extract %slice3A_2703[0] : f32 from vector<1xf32>
        %get3A_2705 = arith.constant 3 : i32
        %get3A_2706 = arith.index_cast %get3A_2705 : i32 to index
        %get3A_2707 = arith.index_cast %add3A_2702 : i32 to index
        %get3A_2708 = arith.constant 0 : index
        %get3A_2709 = tpu.vector_load %arg10[%get3A_2706, %get3A_2707, %get3A_2708] {strides = array<i32>} : memref<4x200x32xf32, #tpu.memory_space<vmem>>, vector<1x1x16xf32>,
        %get3A_2710 = vector.shape_cast %get3A_2709 : vector<1x1x16xf32> to vector<16xf32>
        %mul3A_2711 = vector.broadcast %squeeze3A_2704 : f32 to vector<16xf32>
        %mul3A_2712 = arith.mulf %mul3A_2711, %get3A_2710 : vector<16xf32>
        %add3A_2713 = arith.addf %add3A_2691, %mul3A_2712 : vector<16xf32>
        %get3A_2714 = arith.constant 3 : i32
        %get3A_2715 = arith.index_cast %get3A_2714 : i32 to index
        %get3A_2716 = arith.index_cast %add3A_2702 : i32 to index
        %get3A_2717 = arith.constant 16 : index
        %get3A_2718 = tpu.vector_load %arg10[%get3A_2715, %get3A_2716, %get3A_2717] {strides = array<i32>} : memref<4x200x32xf32, #tpu.memory_space<vmem>>, vector<1x1x16xf32>,
        %get3A_2719 = vector.shape_cast %get3A_2718 : vector<1x1x16xf32> to vector<16xf32>
        %mul3A_2720 = vector.broadcast %squeeze3A_2704 : f32 to vector<16xf32>
        %mul3A_2721 = arith.mulf %mul3A_2720, %get3A_2719 : vector<16xf32>
        %add3A_2722 = arith.addf %add3A_2700, %mul3A_2721 : vector<16xf32>
        %add3A_2723 = arith.constant 15 : i32
        %add3A_2724 = arith.addi %mul3A_2392, %add3A_2723 : i32
        %slice3A_2725 = vector.extract_strided_slice %get3A_2390 {offsets = [15], sizes = [1], strides = [1]} : vector<16xf32> to vector<1xf32>
        %squeeze3A_2726 = vector.extract %slice3A_2725[0] : f32 from vector<1xf32>
        %get3A_2727 = arith.constant 3 : i32
        %get3A_2728 = arith.index_cast %get3A_2727 : i32 to index
        %get3A_2729 = arith.index_cast %add3A_2724 : i32 to index
        %get3A_2730 = arith.constant 0 : index
        %get3A_2731 = tpu.vector_load %arg10[%get3A_2728, %get3A_2729, %get3A_2730] {strides = array<i32>} : memref<4x200x32xf32, #tpu.memory_space<vmem>>, vector<1x1x16xf32>,
        %get3A_2732 = vector.shape_cast %get3A_2731 : vector<1x1x16xf32> to vector<16xf32>
        %mul3A_2733 = vector.broadcast %squeeze3A_2726 : f32 to vector<16xf32>
        %mul3A_2734 = arith.mulf %mul3A_2733, %get3A_2732 : vector<16xf32>
        %add3A_2735 = arith.addf %add3A_2713, %mul3A_2734 : vector<16xf32>
        %get3A_2736 = arith.constant 3 : i32
        %get3A_2737 = arith.index_cast %get3A_2736 : i32 to index
        %get3A_2738 = arith.index_cast %add3A_2724 : i32 to index
        %get3A_2739 = arith.constant 16 : index
        %get3A_2740 = tpu.vector_load %arg10[%get3A_2737, %get3A_2738, %get3A_2739] {strides = array<i32>} : memref<4x200x32xf32, #tpu.memory_space<vmem>>, vector<1x1x16xf32>,
        %get3A_2741 = vector.shape_cast %get3A_2740 : vector<1x1x16xf32> to vector<16xf32>
        %mul3A_2742 = vector.broadcast %squeeze3A_2726 : f32 to vector<16xf32>
        %mul3A_2743 = arith.mulf %mul3A_2742, %get3A_2741 : vector<16xf32>
        %add3A_2744 = arith.addf %add3A_2722, %mul3A_2743 : vector<16xf32>
        scf.yield %add3A_2735, %add3A_2744 : vector<16xf32>, vector<16xf32>
      }
      %scan3A_2177 = arith.constant 12 : i32
      %get3A_2178 = arith.constant 3 : i32
      %get3A_2179 = arith.index_cast %get3A_2178 : i32 to index
      %get3A_2180 = arith.constant 184 : index
      %get3A_2181 = tpu.vector_load %arg9[%get3A_2179, %get3A_2180] {strides = array<i32>} : memref<4x200xf32, #tpu.memory_space<vmem>>, vector<1x16xf32>,
      %get3A_2182 = vector.shape_cast %get3A_2181 : vector<1x16xf32> to vector<16xf32>
      %slice3A_2183 = vector.extract_strided_slice %get3A_2182 {offsets = [8], sizes = [1], strides = [1]} : vector<16xf32> to vector<1xf32>
      %squeeze3A_2184 = vector.extract %slice3A_2183[0] : f32 from vector<1xf32>
      %get3A_2185 = arith.constant 3 : i32
      %get3A_2186 = arith.constant 192 : i32
      %get3A_2187 = arith.index_cast %get3A_2185 : i32 to index
      %get3A_2188 = arith.index_cast %get3A_2186 : i32 to index
      %get3A_2189 = arith.constant 0 : index
      %get3A_2190 = tpu.vector_load %arg10[%get3A_2187, %get3A_2188, %get3A_2189] {strides = array<i32>} : memref<4x200x32xf32, #tpu.memory_space<vmem>>, vector<1x1x16xf32>,
      %get3A_2191 = vector.shape_cast %get3A_2190 : vector<1x1x16xf32> to vector<16xf32>
      %mul3A_2192 = vector.broadcast %squeeze3A_2184 : f32 to vector<16xf32>
      %mul3A_2193 = arith.mulf %mul3A_2192, %get3A_2191 : vector<16xf32>
      %add3A_2194 = arith.addf %scan3A_2176#0, %mul3A_2193 : vector<16xf32>
      %get3A_2195 = arith.constant 3 : i32
      %get3A_2196 = arith.constant 192 : i32
      %get3A_2197 = arith.index_cast %get3A_2195 : i32 to index
      %get3A_2198 = arith.index_cast %get3A_2196 : i32 to index
      %get3A_2199 = arith.constant 16 : index
      %get3A_2200 = tpu.vector_load %arg10[%get3A_2197, %get3A_2198, %get3A_2199] {strides = array<i32>} : memref<4x200x32xf32, #tpu.memory_space<vmem>>, vector<1x1x16xf32>,
      %get3A_2201 = vector.shape_cast %get3A_2200 : vector<1x1x16xf32> to vector<16xf32>
      %mul3A_2202 = vector.broadcast %squeeze3A_2184 : f32 to vector<16xf32>
      %mul3A_2203 = arith.mulf %mul3A_2202, %get3A_2201 : vector<16xf32>
      %add3A_2204 = arith.addf %scan3A_2176#1, %mul3A_2203 : vector<16xf32>
      %slice3A_2205 = vector.extract_strided_slice %get3A_2182 {offsets = [9], sizes = [1], strides = [1]} : vector<16xf32> to vector<1xf32>
      %squeeze3A_2206 = vector.extract %slice3A_2205[0] : f32 from vector<1xf32>
      %get3A_2207 = arith.constant 3 : i32
      %get3A_2208 = arith.constant 193 : i32
      %get3A_2209 = arith.index_cast %get3A_2207 : i32 to index
      %get3A_2210 = arith.index_cast %get3A_2208 : i32 to index
      %get3A_2211 = arith.constant 0 : index
      %get3A_2212 = tpu.vector_load %arg10[%get3A_2209, %get3A_2210, %get3A_2211] {strides = array<i32>} : memref<4x200x32xf32, #tpu.memory_space<vmem>>, vector<1x1x16xf32>,
      %get3A_2213 = vector.shape_cast %get3A_2212 : vector<1x1x16xf32> to vector<16xf32>
      %mul3A_2214 = vector.broadcast %squeeze3A_2206 : f32 to vector<16xf32>
      %mul3A_2215 = arith.mulf %mul3A_2214, %get3A_2213 : vector<16xf32>
      %add3A_2216 = arith.addf %add3A_2194, %mul3A_2215 : vector<16xf32>
      %get3A_2217 = arith.constant 3 : i32
      %get3A_2218 = arith.constant 193 : i32
      %get3A_2219 = arith.index_cast %get3A_2217 : i32 to index
      %get3A_2220 = arith.index_cast %get3A_2218 : i32 to index
      %get3A_2221 = arith.constant 16 : index
      %get3A_2222 = tpu.vector_load %arg10[%get3A_2219, %get3A_2220, %get3A_2221] {strides = array<i32>} : memref<4x200x32xf32, #tpu.memory_space<vmem>>, vector<1x1x16xf32>,
      %get3A_2223 = vector.shape_cast %get3A_2222 : vector<1x1x16xf32> to vector<16xf32>
      %mul3A_2224 = vector.broadcast %squeeze3A_2206 : f32 to vector<16xf32>
      %mul3A_2225 = arith.mulf %mul3A_2224, %get3A_2223 : vector<16xf32>
      %add3A_2226 = arith.addf %add3A_2204, %mul3A_2225 : vector<16xf32>
      %slice3A_2227 = vector.extract_strided_slice %get3A_2182 {offsets = [10], sizes = [1], strides = [1]} : vector<16xf32> to vector<1xf32>
      %squeeze3A_2228 = vector.extract %slice3A_2227[0] : f32 from vector<1xf32>
      %get3A_2229 = arith.constant 3 : i32
      %get3A_2230 = arith.constant 194 : i32
      %get3A_2231 = arith.index_cast %get3A_2229 : i32 to index
      %get3A_2232 = arith.index_cast %get3A_2230 : i32 to index
      %get3A_2233 = arith.constant 0 : index
      %get3A_2234 = tpu.vector_load %arg10[%get3A_2231, %get3A_2232, %get3A_2233] {strides = array<i32>} : memref<4x200x32xf32, #tpu.memory_space<vmem>>, vector<1x1x16xf32>,
      %get3A_2235 = vector.shape_cast %get3A_2234 : vector<1x1x16xf32> to vector<16xf32>
      %mul3A_2236 = vector.broadcast %squeeze3A_2228 : f32 to vector<16xf32>
      %mul3A_2237 = arith.mulf %mul3A_2236, %get3A_2235 : vector<16xf32>
      %add3A_2238 = arith.addf %add3A_2216, %mul3A_2237 : vector<16xf32>
      %get3A_2239 = arith.constant 3 : i32
      %get3A_2240 = arith.constant 194 : i32
      %get3A_2241 = arith.index_cast %get3A_2239 : i32 to index
      %get3A_2242 = arith.index_cast %get3A_2240 : i32 to index
      %get3A_2243 = arith.constant 16 : index
      %get3A_2244 = tpu.vector_load %arg10[%get3A_2241, %get3A_2242, %get3A_2243] {strides = array<i32>} : memref<4x200x32xf32, #tpu.memory_space<vmem>>, vector<1x1x16xf32>,
      %get3A_2245 = vector.shape_cast %get3A_2244 : vector<1x1x16xf32> to vector<16xf32>
      %mul3A_2246 = vector.broadcast %squeeze3A_2228 : f32 to vector<16xf32>
      %mul3A_2247 = arith.mulf %mul3A_2246, %get3A_2245 : vector<16xf32>
      %add3A_2248 = arith.addf %add3A_2226, %mul3A_2247 : vector<16xf32>
      %slice3A_2249 = vector.extract_strided_slice %get3A_2182 {offsets = [11], sizes = [1], strides = [1]} : vector<16xf32> to vector<1xf32>
      %squeeze3A_2250 = vector.extract %slice3A_2249[0] : f32 from vector<1xf32>
      %get3A_2251 = arith.constant 3 : i32
      %get3A_2252 = arith.constant 195 : i32
      %get3A_2253 = arith.index_cast %get3A_2251 : i32 to index
      %get3A_2254 = arith.index_cast %get3A_2252 : i32 to index
      %get3A_2255 = arith.constant 0 : index
      %get3A_2256 = tpu.vector_load %arg10[%get3A_2253, %get3A_2254, %get3A_2255] {strides = array<i32>} : memref<4x200x32xf32, #tpu.memory_space<vmem>>, vector<1x1x16xf32>,
      %get3A_2257 = vector.shape_cast %get3A_2256 : vector<1x1x16xf32> to vector<16xf32>
      %mul3A_2258 = vector.broadcast %squeeze3A_2250 : f32 to vector<16xf32>
      %mul3A_2259 = arith.mulf %mul3A_2258, %get3A_2257 : vector<16xf32>
      %add3A_2260 = arith.addf %add3A_2238, %mul3A_2259 : vector<16xf32>
      %get3A_2261 = arith.constant 3 : i32
      %get3A_2262 = arith.constant 195 : i32
      %get3A_2263 = arith.index_cast %get3A_2261 : i32 to index
      %get3A_2264 = arith.index_cast %get3A_2262 : i32 to index
      %get3A_2265 = arith.constant 16 : index
      %get3A_2266 = tpu.vector_load %arg10[%get3A_2263, %get3A_2264, %get3A_2265] {strides = array<i32>} : memref<4x200x32xf32, #tpu.memory_space<vmem>>, vector<1x1x16xf32>,
      %get3A_2267 = vector.shape_cast %get3A_2266 : vector<1x1x16xf32> to vector<16xf32>
      %mul3A_2268 = vector.broadcast %squeeze3A_2250 : f32 to vector<16xf32>
      %mul3A_2269 = arith.mulf %mul3A_2268, %get3A_2267 : vector<16xf32>
      %add3A_2270 = arith.addf %add3A_2248, %mul3A_2269 : vector<16xf32>
      %slice3A_2271 = vector.extract_strided_slice %get3A_2182 {offsets = [12], sizes = [1], strides = [1]} : vector<16xf32> to vector<1xf32>
      %squeeze3A_2272 = vector.extract %slice3A_2271[0] : f32 from vector<1xf32>
      %get3A_2273 = arith.constant 3 : i32
      %get3A_2274 = arith.constant 196 : i32
      %get3A_2275 = arith.index_cast %get3A_2273 : i32 to index
      %get3A_2276 = arith.index_cast %get3A_2274 : i32 to index
      %get3A_2277 = arith.constant 0 : index
      %get3A_2278 = tpu.vector_load %arg10[%get3A_2275, %get3A_2276, %get3A_2277] {strides = array<i32>} : memref<4x200x32xf32, #tpu.memory_space<vmem>>, vector<1x1x16xf32>,
      %get3A_2279 = vector.shape_cast %get3A_2278 : vector<1x1x16xf32> to vector<16xf32>
      %mul3A_2280 = vector.broadcast %squeeze3A_2272 : f32 to vector<16xf32>
      %mul3A_2281 = arith.mulf %mul3A_2280, %get3A_2279 : vector<16xf32>
      %add3A_2282 = arith.addf %add3A_2260, %mul3A_2281 : vector<16xf32>
      %get3A_2283 = arith.constant 3 : i32
      %get3A_2284 = arith.constant 196 : i32
      %get3A_2285 = arith.index_cast %get3A_2283 : i32 to index
      %get3A_2286 = arith.index_cast %get3A_2284 : i32 to index
      %get3A_2287 = arith.constant 16 : index
      %get3A_2288 = tpu.vector_load %arg10[%get3A_2285, %get3A_2286, %get3A_2287] {strides = array<i32>} : memref<4x200x32xf32, #tpu.memory_space<vmem>>, vector<1x1x16xf32>,
      %get3A_2289 = vector.shape_cast %get3A_2288 : vector<1x1x16xf32> to vector<16xf32>
      %mul3A_2290 = vector.broadcast %squeeze3A_2272 : f32 to vector<16xf32>
      %mul3A_2291 = arith.mulf %mul3A_2290, %get3A_2289 : vector<16xf32>
      %add3A_2292 = arith.addf %add3A_2270, %mul3A_2291 : vector<16xf32>
      %slice3A_2293 = vector.extract_strided_slice %get3A_2182 {offsets = [13], sizes = [1], strides = [1]} : vector<16xf32> to vector<1xf32>
      %squeeze3A_2294 = vector.extract %slice3A_2293[0] : f32 from vector<1xf32>
      %get3A_2295 = arith.constant 3 : i32
      %get3A_2296 = arith.constant 197 : i32
      %get3A_2297 = arith.index_cast %get3A_2295 : i32 to index
      %get3A_2298 = arith.index_cast %get3A_2296 : i32 to index
      %get3A_2299 = arith.constant 0 : index
      %get3A_2300 = tpu.vector_load %arg10[%get3A_2297, %get3A_2298, %get3A_2299] {strides = array<i32>} : memref<4x200x32xf32, #tpu.memory_space<vmem>>, vector<1x1x16xf32>,
      %get3A_2301 = vector.shape_cast %get3A_2300 : vector<1x1x16xf32> to vector<16xf32>
      %mul3A_2302 = vector.broadcast %squeeze3A_2294 : f32 to vector<16xf32>
      %mul3A_2303 = arith.mulf %mul3A_2302, %get3A_2301 : vector<16xf32>
      %add3A_2304 = arith.addf %add3A_2282, %mul3A_2303 : vector<16xf32>
      %get3A_2305 = arith.constant 3 : i32
      %get3A_2306 = arith.constant 197 : i32
      %get3A_2307 = arith.index_cast %get3A_2305 : i32 to index
      %get3A_2308 = arith.index_cast %get3A_2306 : i32 to index
      %get3A_2309 = arith.constant 16 : index
      %get3A_2310 = tpu.vector_load %arg10[%get3A_2307, %get3A_2308, %get3A_2309] {strides = array<i32>} : memref<4x200x32xf32, #tpu.memory_space<vmem>>, vector<1x1x16xf32>,
      %get3A_2311 = vector.shape_cast %get3A_2310 : vector<1x1x16xf32> to vector<16xf32>
      %mul3A_2312 = vector.broadcast %squeeze3A_2294 : f32 to vector<16xf32>
      %mul3A_2313 = arith.mulf %mul3A_2312, %get3A_2311 : vector<16xf32>
      %add3A_2314 = arith.addf %add3A_2292, %mul3A_2313 : vector<16xf32>
      %slice3A_2315 = vector.extract_strided_slice %get3A_2182 {offsets = [14], sizes = [1], strides = [1]} : vector<16xf32> to vector<1xf32>
      %squeeze3A_2316 = vector.extract %slice3A_2315[0] : f32 from vector<1xf32>
      %get3A_2317 = arith.constant 3 : i32
      %get3A_2318 = arith.constant 198 : i32
      %get3A_2319 = arith.index_cast %get3A_2317 : i32 to index
      %get3A_2320 = arith.index_cast %get3A_2318 : i32 to index
      %get3A_2321 = arith.constant 0 : index
      %get3A_2322 = tpu.vector_load %arg10[%get3A_2319, %get3A_2320, %get3A_2321] {strides = array<i32>} : memref<4x200x32xf32, #tpu.memory_space<vmem>>, vector<1x1x16xf32>,
      %get3A_2323 = vector.shape_cast %get3A_2322 : vector<1x1x16xf32> to vector<16xf32>
      %mul3A_2324 = vector.broadcast %squeeze3A_2316 : f32 to vector<16xf32>
      %mul3A_2325 = arith.mulf %mul3A_2324, %get3A_2323 : vector<16xf32>
      %add3A_2326 = arith.addf %add3A_2304, %mul3A_2325 : vector<16xf32>
      %get3A_2327 = arith.constant 3 : i32
      %get3A_2328 = arith.constant 198 : i32
      %get3A_2329 = arith.index_cast %get3A_2327 : i32 to index
      %get3A_2330 = arith.index_cast %get3A_2328 : i32 to index
      %get3A_2331 = arith.constant 16 : index
      %get3A_2332 = tpu.vector_load %arg10[%get3A_2329, %get3A_2330, %get3A_2331] {strides = array<i32>} : memref<4x200x32xf32, #tpu.memory_space<vmem>>, vector<1x1x16xf32>,
      %get3A_2333 = vector.shape_cast %get3A_2332 : vector<1x1x16xf32> to vector<16xf32>
      %mul3A_2334 = vector.broadcast %squeeze3A_2316 : f32 to vector<16xf32>
      %mul3A_2335 = arith.mulf %mul3A_2334, %get3A_2333 : vector<16xf32>
      %add3A_2336 = arith.addf %add3A_2314, %mul3A_2335 : vector<16xf32>
      %slice3A_2337 = vector.extract_strided_slice %get3A_2182 {offsets = [15], sizes = [1], strides = [1]} : vector<16xf32> to vector<1xf32>
      %squeeze3A_2338 = vector.extract %slice3A_2337[0] : f32 from vector<1xf32>
      %get3A_2339 = arith.constant 3 : i32
      %get3A_2340 = arith.constant 199 : i32
      %get3A_2341 = arith.index_cast %get3A_2339 : i32 to index
      %get3A_2342 = arith.index_cast %get3A_2340 : i32 to index
      %get3A_2343 = arith.constant 0 : index
      %get3A_2344 = tpu.vector_load %arg10[%get3A_2341, %get3A_2342, %get3A_2343] {strides = array<i32>} : memref<4x200x32xf32, #tpu.memory_space<vmem>>, vector<1x1x16xf32>,
      %get3A_2345 = vector.shape_cast %get3A_2344 : vector<1x1x16xf32> to vector<16xf32>
      %mul3A_2346 = vector.broadcast %squeeze3A_2338 : f32 to vector<16xf32>
      %mul3A_2347 = arith.mulf %mul3A_2346, %get3A_2345 : vector<16xf32>
      %add3A_2348 = arith.addf %add3A_2326, %mul3A_2347 : vector<16xf32>
      %get3A_2349 = arith.constant 3 : i32
      %get3A_2350 = arith.constant 199 : i32
      %get3A_2351 = arith.index_cast %get3A_2349 : i32 to index
      %get3A_2352 = arith.index_cast %get3A_2350 : i32 to index
      %get3A_2353 = arith.constant 16 : index
      %get3A_2354 = tpu.vector_load %arg10[%get3A_2351, %get3A_2352, %get3A_2353] {strides = array<i32>} : memref<4x200x32xf32, #tpu.memory_space<vmem>>, vector<1x1x16xf32>,
      %get3A_2355 = vector.shape_cast %get3A_2354 : vector<1x1x16xf32> to vector<16xf32>
      %mul3A_2356 = vector.broadcast %squeeze3A_2338 : f32 to vector<16xf32>
      %mul3A_2357 = arith.mulf %mul3A_2356, %get3A_2355 : vector<16xf32>
      %add3A_2358 = arith.addf %add3A_2336, %mul3A_2357 : vector<16xf32>
      %mul3A_2359 = arith.constant 32 : i32
      %mul3A_2360 = arith.muli %add3A_1844, %mul3A_2359 : i32
      %swap3A_2361 = arith.index_cast %mul3A_2360 : i32 to index
      %swap3A_2362 = tpu.vector_load %arg11[%swap3A_2361] {strides = array<i32>} : memref<4096xf32, #tpu.memory_space<vmem>>, vector<16xf32>,
      %swap3A_2363 = vector.shape_cast %swap3A_2362 : vector<16xf32> to vector<16xf32>
      %swap3A_2364 = vector.shape_cast %add3A_2348 : vector<16xf32> to vector<16xf32>
      tpu.vector_store %arg11[%swap3A_2361], %swap3A_2364 {strides = array<i32>} : memref<4096xf32, #tpu.memory_space<vmem>>, vector<16xf32>,
      %mul3A_2365 = arith.constant 32 : i32
      %mul3A_2366 = arith.muli %add3A_1844, %mul3A_2365 : i32
      %add3A_2367 = arith.constant 16 : i32
      %add3A_2368 = arith.addi %mul3A_2366, %add3A_2367 : i32
      %swap3A_2369 = arith.index_cast %add3A_2368 : i32 to index
      %swap3A_2370 = tpu.vector_load %arg11[%swap3A_2369] {strides = array<i32>} : memref<4096xf32, #tpu.memory_space<vmem>>, vector<16xf32>,
      %swap3A_2371 = vector.shape_cast %swap3A_2370 : vector<16xf32> to vector<16xf32>
      %swap3A_2372 = vector.shape_cast %add3A_2358 : vector<16xf32> to vector<16xf32>
      tpu.vector_store %arg11[%swap3A_2369], %swap3A_2372 {strides = array<i32>} : memref<4096xf32, #tpu.memory_space<vmem>>, vector<16xf32>,
      %add3A_2373 = arith.constant 4 : i32
      %add3A_2374 = arith.addi %add3A_1844, %add3A_2373 : i32
      %lt3A_2375 = arith.constant 128 : i32
      %lt3A_2376 = arith.cmpi slt, %add3A_2374, %lt3A_2375 : i32
      %convert_element_type3A_2377 = arith.extui %lt3A_2376 : i1 to i32
      %cond3A_2378 = arith.constant 0 : i32
      %cond3A_2379 = arith.cmpi ne, %convert_element_type3A_2377, %cond3A_2378 : i32
      scf.if %cond3A_2379 {
        %dma_start3A_2381 = arith.constant 3 : i32
        %dma_start3A_2382 = arith.constant 3 : i32
        %dma_start3A_2383 = arith.constant 0 : i32
        %dma_start3A_2384 = arith.constant 0 : i32
        %dma_start3A_2385 = tpu.memref_slice %arg10[%dma_start3A_2381, %dma_start3A_2383, %dma_start3A_2384] : memref<4x200x32xf32, #tpu.memory_space<vmem>> -> memref<1x128x32xf32, #tpu.memory_space<vmem>>
        %dma_start3A_2386 = tpu.memref_squeeze %dma_start3A_2385 : memref<1x128x32xf32, #tpu.memory_space<vmem>> -> memref<128x32xf32, #tpu.memory_space<vmem>>
        %dma_start3A_2387 = arith.constant 0 : i32
        %dma_start3A_2388 = tpu.memref_slice %arg7[%add3A_2374, %dma_start3A_2387] : memref<128x128xi32, #tpu.memory_space<vmem>> -> memref<1x128xi32, #tpu.memory_space<vmem>>
        %dma_start3A_2389 = tpu.memref_squeeze %dma_start3A_2388 : memref<1x128xi32, #tpu.memory_space<vmem>> -> memref<128xi32, #tpu.memory_space<vmem>>
        %dma_start3A_2390 = arith.constant 0 : i32
        %dma_start3A_2391 = arith.constant 0 : i32
        %dma_start3A_2392 = tpu.memref_slice %arg4[%dma_start3A_2390, %dma_start3A_2391] : memref<1000000x32xf32, #tpu.memory_space<hbm>> -> memref<1000000x32xf32, #tpu.memory_space<hbm>>
        %dma_start3A_2393 = tpu.memref_slice %arg12[%dma_start3A_2382] : memref<4x!tpu.dma_semaphore, #tpu.memory_space<semaphore_mem>> -> memref<1x!tpu.dma_semaphore, #tpu.memory_space<semaphore_mem>>
        %dma_start3A_2394 = tpu.memref_squeeze %dma_start3A_2393 : memref<1x!tpu.dma_semaphore, #tpu.memory_space<semaphore_mem>> -> memref<!tpu.dma_semaphore, #tpu.memory_space<semaphore_mem>>
        tpu.enqueue_indirect_dma source(%dma_start3A_2392 : memref<1000000x32xf32, #tpu.memory_space<hbm>>) target(%dma_start3A_2386 : memref<128x32xf32, #tpu.memory_space<vmem>>) offsets(%dma_start3A_2389 : memref<128xi32, #tpu.memory_space<vmem>>) semaphore(%dma_start3A_2394 : memref<!tpu.dma_semaphore, #tpu.memory_space<semaphore_mem>>)
        %dma_start3A_2395 = arith.constant 3 : i32
        %dma_start3A_2396 = arith.constant 3 : i32
        %dma_start3A_2397 = arith.constant 128 : i32
        %dma_start3A_2398 = arith.constant 0 : i32
        %dma_start3A_2399 = tpu.memref_slice %arg10[%dma_start3A_2395, %dma_start3A_2397, %dma_start3A_2398] : memref<4x200x32xf32, #tpu.memory_space<vmem>> -> memref<1x72x32xf32, #tpu.memory_space<vmem>>
        %dma_start3A_2400 = tpu.memref_squeeze %dma_start3A_2399 : memref<1x72x32xf32, #tpu.memory_space<vmem>> -> memref<72x32xf32, #tpu.memory_space<vmem>>
        %dma_start3A_2401 = arith.constant 0 : i32
        %dma_start3A_2402 = tpu.memref_slice %arg8[%add3A_2374, %dma_start3A_2401] : memref<128x128xi32, #tpu.memory_space<vmem>> -> memref<1x72xi32, #tpu.memory_space<vmem>>
        %dma_start3A_2403 = tpu.memref_squeeze %dma_start3A_2402 : memref<1x72xi32, #tpu.memory_space<vmem>> -> memref<72xi32, #tpu.memory_space<vmem>>
        %dma_start3A_2404 = arith.constant 0 : i32
        %dma_start3A_2405 = arith.constant 0 : i32
        %dma_start3A_2406 = tpu.memref_slice %arg4[%dma_start3A_2404, %dma_start3A_2405] : memref<1000000x32xf32, #tpu.memory_space<hbm>> -> memref<1000000x32xf32, #tpu.memory_space<hbm>>
        %dma_start3A_2407 = tpu.memref_slice %arg12[%dma_start3A_2396] : memref<4x!tpu.dma_semaphore, #tpu.memory_space<semaphore_mem>> -> memref<1x!tpu.dma_semaphore, #tpu.memory_space<semaphore_mem>>
        %dma_start3A_2408 = tpu.memref_squeeze %dma_start3A_2407 : memref<1x!tpu.dma_semaphore, #tpu.memory_space<semaphore_mem>> -> memref<!tpu.dma_semaphore, #tpu.memory_space<semaphore_mem>>
        tpu.enqueue_indirect_dma source(%dma_start3A_2406 : memref<1000000x32xf32, #tpu.memory_space<hbm>>) target(%dma_start3A_2400 : memref<72x32xf32, #tpu.memory_space<vmem>>) offsets(%dma_start3A_2403 : memref<72xi32, #tpu.memory_space<vmem>>) semaphore(%dma_start3A_2408 : memref<!tpu.dma_semaphore, #tpu.memory_space<semaphore_mem>>)
        %dma_start3A_2409 = arith.constant 3 : i32
        %dma_start3A_2410 = arith.constant 3 : i32
        %dma_start3A_2411 = arith.constant 0 : i32
        %dma_start3A_2412 = tpu.memref_slice %arg9[%dma_start3A_2409, %dma_start3A_2411] : memref<4x200xf32, #tpu.memory_space<vmem>> -> memref<1x128xf32, #tpu.memory_space<vmem>>
        %dma_start3A_2413 = tpu.memref_squeeze %dma_start3A_2412 : memref<1x128xf32, #tpu.memory_space<vmem>> -> memref<128xf32, #tpu.memory_space<vmem>>
        %dma_start3A_2414 = arith.constant 0 : i32
        %dma_start3A_2415 = tpu.memref_slice %arg7[%add3A_2374, %dma_start3A_2414] : memref<128x128xi32, #tpu.memory_space<vmem>> -> memref<1x128xi32, #tpu.memory_space<vmem>>
        %dma_start3A_2416 = tpu.memref_squeeze %dma_start3A_2415 : memref<1x128xi32, #tpu.memory_space<vmem>> -> memref<128xi32, #tpu.memory_space<vmem>>
        %dma_start3A_2417 = arith.constant 0 : i32
        %dma_start3A_2418 = tpu.memref_slice %arg5[%dma_start3A_2417] : memref<1000000xf32, #tpu.memory_space<hbm>> -> memref<1000000xf32, #tpu.memory_space<hbm>>
        %dma_start3A_2419 = tpu.memref_slice %arg13[%dma_start3A_2410] : memref<4x!tpu.dma_semaphore, #tpu.memory_space<semaphore_mem>> -> memref<1x!tpu.dma_semaphore, #tpu.memory_space<semaphore_mem>>
        %dma_start3A_2420 = tpu.memref_squeeze %dma_start3A_2419 : memref<1x!tpu.dma_semaphore, #tpu.memory_space<semaphore_mem>> -> memref<!tpu.dma_semaphore, #tpu.memory_space<semaphore_mem>>
        tpu.enqueue_indirect_dma source(%dma_start3A_2418 : memref<1000000xf32, #tpu.memory_space<hbm>>) target(%dma_start3A_2413 : memref<128xf32, #tpu.memory_space<vmem>>) offsets(%dma_start3A_2416 : memref<128xi32, #tpu.memory_space<vmem>>) semaphore(%dma_start3A_2420 : memref<!tpu.dma_semaphore, #tpu.memory_space<semaphore_mem>>)
        %dma_start3A_2421 = arith.constant 3 : i32
        %dma_start3A_2422 = arith.constant 3 : i32
        %dma_start3A_2423 = arith.constant 128 : i32
        %dma_start3A_2424 = tpu.memref_slice %arg9[%dma_start3A_2421, %dma_start3A_2423] : memref<4x200xf32, #tpu.memory_space<vmem>> -> memref<1x72xf32, #tpu.memory_space<vmem>>
        %dma_start3A_2425 = tpu.memref_squeeze %dma_start3A_2424 : memref<1x72xf32, #tpu.memory_space<vmem>> -> memref<72xf32, #tpu.memory_space<vmem>>
        %dma_start3A_2426 = arith.constant 0 : i32
        %dma_start3A_2427 = tpu.memref_slice %arg8[%add3A_2374, %dma_start3A_2426] : memref<128x128xi32, #tpu.memory_space<vmem>> -> memref<1x72xi32, #tpu.memory_space<vmem>>
        %dma_start3A_2428 = tpu.memref_squeeze %dma_start3A_2427 : memref<1x72xi32, #tpu.memory_space<vmem>> -> memref<72xi32, #tpu.memory_space<vmem>>
        %dma_start3A_2429 = arith.constant 0 : i32
        %dma_start3A_2430 = tpu.memref_slice %arg5[%dma_start3A_2429] : memref<1000000xf32, #tpu.memory_space<hbm>> -> memref<1000000xf32, #tpu.memory_space<hbm>>
        %dma_start3A_2431 = tpu.memref_slice %arg13[%dma_start3A_2422] : memref<4x!tpu.dma_semaphore, #tpu.memory_space<semaphore_mem>> -> memref<1x!tpu.dma_semaphore, #tpu.memory_space<semaphore_mem>>
        %dma_start3A_2432 = tpu.memref_squeeze %dma_start3A_2431 : memref<1x!tpu.dma_semaphore, #tpu.memory_space<semaphore_mem>> -> memref<!tpu.dma_semaphore, #tpu.memory_space<semaphore_mem>>
        tpu.enqueue_indirect_dma source(%dma_start3A_2430 : memref<1000000xf32, #tpu.memory_space<hbm>>) target(%dma_start3A_2425 : memref<72xf32, #tpu.memory_space<vmem>>) offsets(%dma_start3A_2428 : memref<72xi32, #tpu.memory_space<vmem>>) semaphore(%dma_start3A_2432 : memref<!tpu.dma_semaphore, #tpu.memory_space<semaphore_mem>>)
      } else {
      }
      %scan3A_2380 = arith.constant 0 : i32
      scf.yield %scan3A_2380 : i32
    }
    %scan3A_231 = arith.constant 32 : i32
    %mul3A_232 = arith.constant 32 : i32
    %mul3A_233 = arith.muli %mul3A_2, %mul3A_232 : i32
    "tpu.region"() ({
      %run_scoped3A = tpu.sem_alloc : memref<!tpu.dma_semaphore, #tpu.memory_space<semaphore_mem>>
      %dma_start3A_234 = tpu.memref_slice %arg6[%mul3A_233] : memref<131072xf32, #tpu.memory_space<hbm>> -> memref<4096xf32, #tpu.memory_space<hbm>>
      %dma_start3A_235 = tpu.memref_slice %arg6[%mul3A_233] : memref<131072xf32, #tpu.memory_space<hbm>> -> memref<4096xf32, #tpu.memory_space<hbm>>
      tpu.enqueue_dma source(%arg11 : memref<4096xf32, #tpu.memory_space<vmem>>) target(%dma_start3A_235 : memref<4096xf32, #tpu.memory_space<hbm>>) target_semaphore(%run_scoped3A : memref<!tpu.dma_semaphore, #tpu.memory_space<semaphore_mem>>)
      %dma_wait3A = tpu.memref_slice %arg6[%mul3A_233] : memref<131072xf32, #tpu.memory_space<hbm>> -> memref<4096xf32, #tpu.memory_space<hbm>>
      %dma_wait3A_236 = tpu.memref_slice %arg6[%mul3A_233] : memref<131072xf32, #tpu.memory_space<hbm>> -> memref<4096xf32, #tpu.memory_space<hbm>>
      tpu.wait_dma2 semaphore(%run_scoped3A : memref<!tpu.dma_semaphore, #tpu.memory_space<semaphore_mem>>) src(%arg11 : memref<4096xf32, #tpu.memory_space<vmem>>) dst(%dma_wait3A_236 : memref<4096xf32, #tpu.memory_space<hbm>>)
      tpu.yield
    }) : () -> ()
    return
  }
}

</mosaic_0001>

<sc_bundles>
// kernel: kernel.3.cloned.1.call-start
scs
__scs_entry_jumppad:
0x0: {  	(pc) =	sbr.rel $0x88, $3  }
0x1: {  	(tag) =	ssettag $0x0;
	lr =	simm.s32 $0x1  }
0x2: {  	[smem:$0x3F9E] =	sst lr;
	_ =	strace $0xD0000000  }
0x3: {  	_ = 	snop  }
0x4: {  	_ = 	snop  }
0x5: {  	_ = 	snop  }
0x6: {  	_ = 	snop  }
0x7: {  	_ = 	snop  }
__scs_overlays_trampoline_lowered:
0x8: {  	[smem:$0x3FAD] =	sst s0  }
0x9: {  	[smem:$0x3FAE] =	sst s1  }
0xa: {  	[smem:$0x3FAF] =	sst s2  }
0xb: {  	[smem:$0x3FB0] =	sst s3  }
0xc: {  	[smem:$0x3FB1] =	sst s4  }
0xd: {  	[smem:$0x3FB2] =	sst s5  }
0xe: {  	[smem:$0x3FB3] =	sst s6  }
0xf: {  	[smem:$0x3FB4] =	sst s7  }
0x10: {  	[smem:$0x3FB5] =	sst s8  }
0x11: {  	[smem:$0x3FB6] =	sst s9;
	s0 =	simm.s32 @!p0 $0x0  }
0x12: {  	s1 =	sld [smem:$0x3F9C];
	s0 =	simm.s32 @p0 $0x1  }
0x13: {  	[smem:$0x3FB7] =	sst s0;
	s0 =	simm.s32 @!p1 $0x0  }
0x14: {  	s2 =	sld [smem:$0x3F9B];
	s0 =	simm.s32 @p1 $0x1  }
0x15: {  	[smem:$0x3FB8] =	sst s0;
	s0 =	simm.s32 @!p2 $0x0  }
0x16: {  	s3 =	sld [smem:$0x3FDB];
	s0 =	simm.s32 @p2 $0x1  }
0x17: {  	s4 =	simm.s32 $0x1BF5;
	[smem:$0x3FBA] =	sst s0  }
0x18: {  	s0 =	sld [smem:$0x3F9D];
	_ =	swait.ge [sflag:s4], $0x0  }
0x19: {  	s7 =	sld [smem:$0x3F9E]  }
0x1a: {  	s8 =	sadd.s32 $0xFFFFE003, lr  }
0x1b: {  	s9 =	sadd.s32 $0xFFFFFEF7, lr;
	s5 =	simm.s32 $0xFFFFFFFF;
	p2 =	slt.u32 s8, $0xFFFFF086  }
0x1c: {  	p1 =	slt.u32 s9, $0xF7A;
	s5 =	simm.s32 @!p2 $0x0  }
0x1d: {  	s5 =	simm.s32 @p1 $0x1;
	p0 =	seq.s32 s7, s2  }
0x1e: {  	s7 =	smul.u32 @!p0 $0xF7A, s2;
	p2 =	seq.s32 @!p0 s5, $0x0  }
0x1f: {  	s9 =	smul.u32 $0xF7A, s1;
	s8 =	simm.s32 @!p0 $0x1BF5;
	p2 =	por !p2, p0  }
0x20: {  	[sflag:s8] =	ssyncset.s32 @!p0 $0xFFFFF086;
	s6 =	sadd.s32 @!p0 s3, s7;
	s7 =	simm.s32 @!p0 $0x108  }
0x21: {  	s3 =	sadd.s32 s3, s9;
	s6 =	sadd.s32 @!p0 $0x88, s6;
	s7 =	simm.s32 @p2 $0x1082  }
0x22: {  	[simem:s7], [sflag:s8] =	dma.local @!p0 [hbm:s6], $0xF7A  }
0x23: {  	s9 =	sor.u32 $0xD0000000, s2;
	s6 =	simm.s32 $0x108;
	_ =	swait.ge @!p0 [sflag:s8], $0x0  }
0x24: {  	s3 =	sadd.s32 $0x88, s3;
	s6 =	simm.s32 @!p1 $0x1082;
	[sflag:s4] =	ssyncset.s32 $0xFFFFF086  }
0x25: {  	[simem:s6], [sflag:s4] =	dma.local [hbm:s3], $0xF7A  }
0x26: {  	[smem:$0x3F9E] =	sst s1;
	(tag) =	ssettag s2;
	_ =	strace s9  }
0x27: {  	s1 =	sld [smem:$0x3FAE]  }
0x28: {  	s2 =	sld [smem:$0x3FAF]  }
0x29: {  	s4 =	sld [smem:$0x3FB1]  }
0x2a: {  	p0 =	seq.s32 s5, $0x0;
	s5 =	sld [smem:$0x3FB2]  }
0x2b: {  	s6 =	sld [smem:$0x3FB3]  }
0x2c: {  	s7 =	sld [smem:$0x3FB4]  }
0x2d: {  	s3 =	simm.s32 $0x108;
	s8 =	sld [smem:$0x3FB5]  }
0x2e: {  	s3 =	simm.s32 @!p0 $0x1082;
	s9 =	sld [smem:$0x3FB6]  }
0x2f: {  	lr =	sadd.s32 s0, s3;
	s0 =	sld [smem:$0x3FAD]  }
0x30: {  	s3 =	sld [smem:$0x3FB0]  }
0x31: {  	[smem:$0x3FB9] =	sst s10  }
0x32: {  	s10 =	sld [smem:$0x3FB7];
	_ =	sdelay $0x3  }
0x33: {  	p0 =	seq.s32 s10, $0x1;
	s10 =	sld [smem:$0x3FB9];
	_ =	sdelay $0x3  }
0x34: {  	[smem:$0x3FB9] =	sst s10  }
0x35: {  	s10 =	sld [smem:$0x3FB8];
	_ =	sdelay $0x3  }
0x36: {  	p1 =	seq.s32 s10, $0x1;
	s10 =	sld [smem:$0x3FB9];
	_ =	sdelay $0x3  }
0x37: {  	[smem:$0x3FB9] =	sst s10  }
0x38: {  	s10 =	sld [smem:$0x3FBA]  }
0x39: {  	_ = 	snop;
	(pc) =	sbr.ind lr, $3  }
0x3a: {  	_ = 	snop  }
0x3b: {  	_ = 	snop  }
0x3c: {  	p2 =	seq.s32 s10, $0x1;
	s10 =	sld [smem:$0x3FB9]  }
0x3d: {  	_ =	shalt  }
0x3e: {  	_ =	shalt  }
0x3f: {  	_ =	shalt  }
0x40: {  	_ =	shalt  }
0x41: {  	_ =	shalt  }
0x42: {  	_ =	shalt  }
0x43: {  	_ =	shalt  }
0x44: {  	_ =	shalt  }
0x45: {  	_ =	shalt  }
0x46: {  	_ =	shalt  }
0x47: {  	_ =	shalt  }
0x48: {  	_ =	shalt  }
0x49: {  	_ =	shalt  }
0x4a: {  	_ =	shalt  }
0x4b: {  	_ =	shalt  }
0x4c: {  	_ =	shalt  }
0x4d: {  	_ =	shalt  }
0x4e: {  	_ =	shalt  }
0x4f: {  	_ =	shalt  }
0x50: {  	_ =	shalt  }
0x51: {  	_ =	shalt  }
0x52: {  	_ =	shalt  }
0x53: {  	_ =	shalt  }
0x54: {  	_ =	shalt  }
0x55: {  	_ =	shalt  }
0x56: {  	_ =	shalt  }
0x57: {  	_ =	shalt  }
0x58: {  	_ =	shalt  }
0x59: {  	_ =	shalt  }
0x5a: {  	_ =	shalt  }
0x5b: {  	_ =	shalt  }
0x5c: {  	_ =	shalt  }
0x5d: {  	_ =	shalt  }
0x5e: {  	_ =	shalt  }
0x5f: {  	_ =	shalt  }
0x60: {  	_ =	shalt  }
0x61: {  	_ =	shalt  }
0x62: {  	_ =	shalt  }
0x63: {  	_ =	shalt  }
0x64: {  	_ =	shalt  }
0x65: {  	_ =	shalt  }
0x66: {  	_ =	shalt  }
0x67: {  	_ =	shalt  }
0x68: {  	_ =	shalt  }
0x69: {  	_ =	shalt  }
0x6a: {  	_ =	shalt  }
0x6b: {  	_ =	shalt  }
0x6c: {  	_ =	shalt  }
0x6d: {  	_ =	shalt  }
0x6e: {  	_ =	shalt  }
0x6f: {  	_ =	shalt  }
0x70: {  	_ =	shalt  }
0x71: {  	_ =	shalt  }
0x72: {  	_ =	shalt  }
0x73: {  	_ =	shalt  }
0x74: {  	_ =	shalt  }
0x75: {  	_ =	shalt  }
0x76: {  	_ =	shalt  }
0x77: {  	_ =	shalt  }
0x78: {  	_ =	shalt  }
0x79: {  	_ =	shalt  }
0x7a: {  	_ =	shalt  }
0x7b: {  	_ =	shalt  }
0x7c: {  	_ =	shalt  }
0x7d: {  	_ =	shalt  }
0x7e: {  	_ =	shalt  }
0x7f: {  	_ =	shalt  }
0x80: {  	_ =	shalt  }
0x81: {  	_ =	shalt  }
0x82: {  	_ =	shalt  }
0x83: {  	_ =	shalt  }
0x84: {  	_ =	shalt  }
0x85: {  	_ =	shalt  }
0x86: {  	_ =	shalt  }
0x87: {  	_ =	shalt  }
.Lfunc_end0:
.L_simem_size_0:
called_computation_lowered:
.L_overlay_start_0:
0x88: {  	s2 =	sld [smem:$0x3FD9]  }
0x89: {  	s3 =	sld [smem:$0x3FFE];
	_ =	sdelay $0x1  }
0x8a: {  	s1 =	srdreg.scid  }
0x8b: {  	s0 =	sand.u32 $0x1, s1  }
0x8c: {  	s17 =	sshll.u32 s0, $0xA;
	s2 =	sadd.s32 s3, s2  }
0x8d: {  	s2 =	sadd.s32 s2, s17  }
0x8e: {  	[smem:$0x3FC5] =	sst s2  }
0x8f: {  	_ = 	snop  }
0x90: {  	s2 =	sld [smem:$0x3FC7]  }
0x91: {  	s18 =	sld [smem:$0x3FD0];
	(tm) =	ssettm $0x1  }
0x92: {  	s4 =	sld [smem:$0x3FFB];
	_ =	sdelay $0x3  }
0x93: {  	_ =	strace s4  }
0x94: {  	s4 =	sld [smem:$0x3FFC];
	_ =	sdelay $0x3  }
0x95: {  	_ =	strace s4  }
0x96: {  	s4 =	sld [smem:$0x3FFD];
	_ =	sdelay $0x3  }
0x97: {  	_ =	strace s4  }
0x98: {  	_ =	strace $0x8FFFFFFF  }
0x99: {  	s19 =	sld [smem:$0x3FDB];
	_ =	sdelay $0x1  }
0x9a: {  	s5 =	simm.s32 $_scs_section_size  }
0x9b: {  	s6 =	simm.s32 $_size__tile_overlayer_lowered;
	s7 =	simm.s32 $_tile_overlayer_lowered  }
0x9c: {  	s22 =	simm.s32 $0x1BFF;
	s21 =	sshll.u32 s7, $0x1;
	s4 =	sadd.s32 s5, s19  }
0x9d: {  	s8 =	simm.s32 $0x0;
	s20 =	sshll.u32 s6, $0x1;
	s6 =	sadd.s32 s21, s4  }
0x9e: {  	[timem:s8], [sflag:s22] =	dma.local [hbm:s6], s20  }
0x9f: {  	_ =	swait.ge [sflag:s22], s20  }
0xa0: {  	s5 =	ssub.s32 $0x0, s20;
	[sflag:s22] =	ssyncset.done $0x0  }
0xa1: {  	[sflag:s22] =	ssyncadd.s32 s5;
	_ =	sdelay $0x1  }
0xa2: {  	s23 =	simm.s32 $0x1B8B  }
0xa3: {  	_ =	swait.ge [sflag:s23], $0x1  }
0xa4: {  	[sflag:s23] =	ssyncset.done $0x0  }
0xa5: {  	s25 =	simm.s32 $0x1B8E;
	s24 =	sld [smem:$0x3FFE];
	[sflag:s23] =	ssyncadd.s32 $0xFFFFFFFF  }
0xa6: {  	s26 =	simm.s32 $execute0_lowered;
	[smem:$0x3FD2] =	sst s25  }
0xa7: {  	s6 =	sshll.u32 s26, $0x1;
	_ =	strace $0x80000046;
	[dreg:$0x1] =	wrdreg $0xFFFFFFFF  }
0xa8: {  	s28 =	simm.s32 $_size_execute0_lowered;
	s4 =	sadd.s32 s4, s6;
	[dreg:$0x0] =	wrdreg $0x0  }
0xa9: {  	s6 =	sshll.u32 s28, $0x1;
	[dreg:$0x2] =	wrdreg s4  }
0xaa: {  	[dreg:$0x3] =	wrdreg s6  }
0xab: {  	[dreg:$0x4] =	wrdreg $0xC0  }
0xac: {  	_ =	task [dreg:s8], $0x5FFFF  }
0xad: {  	[dreg:$0x1] =	wrdreg $0xFFFFFFFF  }
0xae: {  	[dreg:$0x0] =	wrdreg $0x60  }
0xaf: {  	[dreg:$0x2] =	wrdreg s24  }
0xb0: {  	[dreg:$0x3] =	wrdreg s2  }
0xb1: {  	[dreg:$0x4] =	wrdreg s18  }
0xb2: {  	[dreg:$0x5] =	wrdreg $0x9  }
0xb3: {  	_ =	task.clear_ibuf [dreg:s8], $0x6FFFF;
	_ =	strace $0x90000046  }
0xb4: {  	s29 =	simm.s32 $0x9;
	_ =	strace $0x80000048  }
0xb5: {  	_ =	swait.ge [sflag:s29], $0x1  }
0xb6: {  	[sflag:s29] =	ssyncadd.s32 $0xFFFFFFFF  }
0xb7: {  	_ =	strace $0x90000048  }
0xb8: {  	_ =	sfence  }
0xb9: {  	s30 =	sld [smem:$0x0];
	_ =	sdelay $0x2  }
0xba: {  	s31 =	sshll.u32 s1, $0xD;
	s1 =	sshrl.u32 s1, $0x2  }
0xbb: {  	s3 =	sand.u32 $0x4000, s31;
	s1 =	sadd.s32 s1, s30  }
0xbc: {  	s0 =	sor.u32 s3, s0;
	s1 =	sshll.u32 s1, $0x11  }
0xbd: {  	s0 =	sor.u32 s1, s0  }
0xbe: {  	s0 =	sadd.s32 $0x8F2B, s0  }
0xbf: {  	[sflag:s0] =	ssyncadd.remote.s32 $0x1  }
0xc0: {  	_ =	sfence.sel $0xFFFF  }
0xc1: {  	[dreg:$0x0] =	wrdreg $0xFFFFFFFF;
	(pc) =	sbr.abs _section_cstart, $3  }
0xc2: {  	[dreg:$0x1] =	wrdreg $0xFFFFFFFF  }
0xc3: {  	_ =	task.clear_ibuf [dreg:s8], $0x2FFFF;
	_ =	strace $0x9FFFFFFF  }
0xc4: {  	(tm) =	ssettm $0x7FFFFFFF  }
0xc5: {  	_ =	shalt  }
tec
execute0_lowered:
.L_overlay_start_1:
0x0: {  	(tag) =	ssettag $0x1  }
0x1: {  	s0 =	rddreg [dreg:$0x0]  }
0x2: {  	s2 =	rddreg [dreg:$0x1]  }
0x3: {  	s1 =	srdreg.scid;
	s3 =	stileid.u32  }
0x4: {  	s7 =	rddreg [dreg:$0x2];
	s9 =	simm.s32 $0x9;
	s10 =	simm.s32 $0x4000  }
0x5: {  	s11 =	simm.s32 $0x80;
	s13 =	simm.s32 $0x48;
	s30 =	simm.s32 $0xCE20  }
0x6: {  	s12 =	simm.s32 $0x82D8;
	s14 =	simm.s32 $0x1;
	s15 =	simm.s32 $0x5  }
0x7: {  	s16 =	simm.s32 $0x2;
	s17 =	simm.s32 $0x6;
	s19 =	simm.s32 $0x3  }
0x8: {  	s20 =	simm.s32 $0x7;
	s21 =	simm.s32 $0x4;
	s23 =	simm.s32 $0x8  }
0x9: {  	s1 =	sand.u32 $0x1, s1;
	s4 =	sshll.u32 s3, $0x1;
	s3 =	simm.s32 $0x0  }
0xa: {  	s26 =	simm.s32 $0x0;
	s5 =	sor.u32 s1, s4;
	[smem:$0x7FF] =	sst s3  }
.Ltmp0:
0xb: {  	s1 =	ssub.s32 $0x2, s1;
	s4 =	sshll.u32 s5, $0xB;
	(pc) =	sbr.rel .LBB2_1-.Ltmp0, $4  }
0xc: {  	_ =	strace $0x80000047;
	s8 =	sshrl.u32 s1, $0x1;
	s31 =	sshll.u32 s5, $0x9  }
0xd: {  	s6 =	sadd.s32 s4, s0;
	s4 =	sadd.s32 $0xF43000, s0;
	s29 =	ssub.s32 s1, s8  }
0xe: {  	s7 =	sadd.s32 s7, s31;
	s1 =	simm.s32 $0xDE20;
	s0 =	simm.s32 $0x8258  }
0xf: {  	s5 =	sadd.s32 $0xC00, s6;
	s6 =	sadd.s32 $0x10C00, s6;
	s8 =	smax.u32 s29, $0x1  }
.LBB2_12:
0x10: {  	s26 =	sadd.s32 $0x1, s26  }
0x11: {  	p0 =	sne.s32 s26, s8  }
.Ltmp1:
0x12: {  	s18 =	simm.s32 $0xE720;
	(pc) =	sbr.rel @!p0 .LBB2_13-.Ltmp1, $4  }
0x13: {  	[hbm4b:s7+s3] =	stream.linear.scatter [tilespmem:s18], [sflag:$0x9], $0x1000, $0x38;
	[tilespmem:$0xF720] =	vst v63  }
0x14: {  	_ =	swait.ge [sflag:s9], $0x1000  }
0x15: {  	[sflag:s9] =	ssyncset.done $0x0  }
0x16: {  	[sflag:s9] =	ssyncadd.s32 $0xFFFFF000  }
.LBB2_1:
0x17: {  	[tilespmem:s3], [sflag:$0x9] =	stream.linear.gather [hbm4b:s5+s3], $0x4000, $0x38;
	[tilespmem:$0xF720] =	vst v63  }
0x18: {  	_ =	swait.ge [sflag:s9], $0x4000  }
0x19: {  	[sflag:s9] =	ssyncset.done $0x0  }
0x1a: {  	[sflag:s9] =	ssyncadd.s32 $0xFFFFC000  }
0x1b: {  	[tilespmem:s10], [sflag:$0x9] =	stream.linear.gather [hbm4b:s6+s3], $0x4000, $0x38;
	[tilespmem:$0xF720] =	vst v63  }
0x1c: {  	_ =	swait.ge [sflag:s9], $0x4000  }
0x1d: {  	[sflag:s9] =	ssyncset.done $0x0  }
0x1e: {  	s18 =	simm.s32 $0x8320;
	[sflag:s9] =	ssyncadd.s32 $0xFFFFC000  }
0x1f: {  	[tilespmem:s18], [sflag:$0x1] =	stream.indirect.gather [hbm4b:s4+s11], $0x20, s3, s11, $0xb8;
	[tilespmem:$0xF720] =	vst v63  }
0x20: {  	s31 =	simm.s32 $0x9320  }
0x21: {  	[tilespmem:s31], [sflag:$0x1] =	stream.indirect.gather [hbm4b:s4+s13], $0x20, s10, s13, $0xb8;
	[tilespmem:$0xF720] =	vst v63  }
0x22: {  	s22 =	simm.s32 $0x8000  }
0x23: {  	[tilespmem:s22], [sflag:$0x5] =	stream.indirect.gather [hbm4b:s2+s11], $0x1, s3, s11, $0xb8;
	[tilespmem:$0xF720] =	vst v63  }
0x24: {  	s24 =	simm.s32 $0x8080  }
0x25: {  	[tilespmem:s24], [sflag:$0x5] =	stream.indirect.gather [hbm4b:s2+s13], $0x1, s10, s13, $0xb8;
	[tilespmem:$0xF720] =	vst v63  }
0x26: {  	s25 =	simm.s32 $0x9C20  }
0x27: {  	[tilespmem:s25], [sflag:$0x2] =	stream.indirect.gather [hbm4b:s4+s11], $0x20, s11, s11, $0xb8;
	[tilespmem:$0xF720] =	vst v63  }
0x28: {  	s29 =	simm.s32 $0x4080;
	s22 =	simm.s32 $0xAC20  }
0x29: {  	[tilespmem:s22], [sflag:$0x2] =	stream.indirect.gather [hbm4b:s4+s13], $0x20, s29, s13, $0xb8;
	[tilespmem:$0xF720] =	vst v63  }
0x2a: {  	s31 =	simm.s32 $0x80C8  }
0x2b: {  	[tilespmem:s31], [sflag:$0x6] =	stream.indirect.gather [hbm4b:s2+s11], $0x1, s11, s11, $0xb8;
	[tilespmem:$0xF720] =	vst v63  }
0x2c: {  	s24 =	simm.s32 $0x8148  }
0x2d: {  	[tilespmem:s24], [sflag:$0x6] =	stream.indirect.gather [hbm4b:s2+s13], $0x1, s29, s13, $0xb8;
	[tilespmem:$0xF720] =	vst v63  }
0x2e: {  	s18 =	simm.s32 $0x100;
	s25 =	simm.s32 $0xB520  }
0x2f: {  	[tilespmem:s25], [sflag:$0x3] =	stream.indirect.gather [hbm4b:s4+s11], $0x20, s18, s11, $0xb8;
	[tilespmem:$0xF720] =	vst v63  }
0x30: {  	s29 =	simm.s32 $0x4100;
	s24 =	simm.s32 $0xC520  }
0x31: {  	[tilespmem:s24], [sflag:$0x3] =	stream.indirect.gather [hbm4b:s4+s13], $0x20, s29, s13, $0xb8;
	[tilespmem:$0xF720] =	vst v63  }
0x32: {  	s31 =	simm.s32 $0x8190  }
0x33: {  	[tilespmem:s31], [sflag:$0x7] =	stream.indirect.gather [hbm4b:s2+s11], $0x1, s18, s11, $0xb8;
	[tilespmem:$0xF720] =	vst v63  }
0x34: {  	s25 =	simm.s32 $0x8210  }
0x35: {  	[tilespmem:s25], [sflag:$0x7] =	stream.indirect.gather [hbm4b:s2+s13], $0x1, s29, s13, $0xb8;
	[tilespmem:$0xF720] =	vst v63  }
0x36: {  	s29 =	simm.s32 $0x180  }
0x37: {  	[tilespmem:s30], [sflag:$0x4] =	stream.indirect.gather [hbm4b:s4+s11], $0x20, s29, s11, $0xb8;
	[tilespmem:$0xF720] =	vst v63  }
0x38: {  	s31 =	simm.s32 $0x4180  }
0x39: {  	[tilespmem:s1], [sflag:$0x4] =	stream.indirect.gather [hbm4b:s4+s13], $0x20, s31, s13, $0xb8;
	[tilespmem:$0xF720] =	vst v63  }
0x3a: {  	_ = 	snop  }
0x3b: {  	[tilespmem:s0], [sflag:$0x8] =	stream.indirect.gather [hbm4b:s2+s11], $0x1, s29, s11, $0xb8;
	[tilespmem:$0xF720] =	vst v63  }
0x3c: {  	s28 =	simm.s32 $0x0  }
0x3d: {  	[tilespmem:s12], [sflag:$0x8] =	stream.indirect.gather [hbm4b:s2+s13], $0x1, s31, s13, $0xb8;
	[tilespmem:$0xF720] =	vst v63  }
.LBB2_2:
0x3e: {  	_ =	swait.ge [sflag:s14], $0x1000  }
0x3f: {  	[sflag:s14] =	ssyncset.done $0x0  }
0x40: {  	[sflag:s14] =	ssyncadd.s32 $0xFFFFF000  }
0x41: {  	_ =	swait.ge [sflag:s14], $0x900  }
0x42: {  	[sflag:s14] =	ssyncset.done $0x0  }
0x43: {  	[sflag:s14] =	ssyncadd.s32 $0xFFFFF700  }
0x44: {  	_ =	swait.ge [sflag:s15], $0x80  }
0x45: {  	[sflag:s15] =	ssyncset.done $0x0  }
0x46: {  	[sflag:s15] =	ssyncadd.s32 $0xFFFFFF80  }
0x47: {  	_ =	swait.ge [sflag:s15], $0x48  }
0x48: {  	[sflag:s15] =	ssyncset.done $0x0  }
0x49: {  	s25 =	sshll.u32 s28, $0x9;
	[sflag:s15] =	ssyncadd.s32 $0xFFFFFFB8  }
0x4a: {  	v0 =	vld [tilespmem:s25+$0x0]  }
0x4b: {  	v1 =	vld [tilespmem:$0x8000];
	_ =	sdelay $0x3  }
0x4c: {  	vm0 =	veq.s32 v0, $0x0  }
0x4d: {  	v0 =	vsel vm0, $0x0, v1  }
0x4e: {  	[tilespmem:$0x8000] =	vst v0  }
0x4f: {  	v0 =	vld [tilespmem:s25+$0x10]  }
0x50: {  	v1 =	vld [tilespmem:$0x8010];
	_ =	sdelay $0x3  }
0x51: {  	vm4 =	veq.s32 v0, $0x0  }
0x52: {  	v0 =	vsel vm4, $0x0, v1  }
0x53: {  	[tilespmem:$0x8010] =	vst v0  }
0x54: {  	v0 =	vld [tilespmem:s25+$0x20]  }
0x55: {  	v1 =	vld [tilespmem:$0x8020];
	_ =	sdelay $0x3  }
0x56: {  	vm5 =	veq.s32 v0, $0x0  }
0x57: {  	v0 =	vsel vm5, $0x0, v1  }
0x58: {  	[tilespmem:$0x8020] =	vst v0  }
0x59: {  	v0 =	vld [tilespmem:s25+$0x30]  }
0x5a: {  	v1 =	vld [tilespmem:$0x8030];
	_ =	sdelay $0x3  }
0x5b: {  	vm6 =	veq.s32 v0, $0x0  }
0x5c: {  	v0 =	vsel vm6, $0x0, v1  }
0x5d: {  	[tilespmem:$0x8030] =	vst v0  }
0x5e: {  	v0 =	vld [tilespmem:s25+$0x40]  }
0x5f: {  	v1 =	vld [tilespmem:$0x8040];
	_ =	sdelay $0x3  }
0x60: {  	vm7 =	veq.s32 v0, $0x0  }
0x61: {  	v0 =	vsel vm7, $0x0, v1  }
0x62: {  	[tilespmem:$0x8040] =	vst v0  }
0x63: {  	v0 =	vld [tilespmem:s25+$0x50]  }
0x64: {  	v1 =	vld [tilespmem:$0x8050];
	_ =	sdelay $0x3  }
0x65: {  	vm8 =	veq.s32 v0, $0x0  }
0x66: {  	v0 =	vsel vm8, $0x0, v1  }
0x67: {  	[tilespmem:$0x8050] =	vst v0  }
0x68: {  	v0 =	vld [tilespmem:s25+$0x60]  }
0x69: {  	v1 =	vld [tilespmem:$0x8060];
	_ =	sdelay $0x3  }
0x6a: {  	vm9 =	veq.s32 v0, $0x0  }
0x6b: {  	v0 =	vsel vm9, $0x0, v1  }
0x6c: {  	[tilespmem:$0x8060] =	vst v0  }
0x6d: {  	v0 =	vld [tilespmem:s25+$0x70]  }
0x6e: {  	v1 =	vld [tilespmem:$0x8070];
	_ =	sdelay $0x3  }
0x6f: {  	vm10 =	veq.s32 v0, $0x0  }
0x70: {  	v0 =	vsel vm10, $0x0, v1  }
0x71: {  	[tilespmem:$0x8070] =	vst v0  }
0x72: {  	v0 =	vld [tilespmem:s25+$0x4000]  }
0x73: {  	v1 =	vld [tilespmem:$0x8080];
	_ =	sdelay $0x3  }
0x74: {  	vm11 =	veq.s32 v0, $0x0  }
0x75: {  	v0 =	vsel vm11, $0x0, v1  }
0x76: {  	[tilespmem:$0x8080] =	vst v0  }
0x77: {  	v0 =	vld [tilespmem:s25+$0x4010]  }
0x78: {  	v1 =	vld [tilespmem:$0x8090];
	_ =	sdelay $0x3  }
0x79: {  	vm12 =	veq.s32 v0, $0x0  }
0x7a: {  	v0 =	vsel vm12, $0x0, v1  }
0x7b: {  	[tilespmem:$0x8090] =	vst v0  }
0x7c: {  	v0 =	vld [tilespmem:s25+$0x4020]  }
0x7d: {  	v1 =	vld [tilespmem:$0x80A0];
	_ =	sdelay $0x3  }
0x7e: {  	vm13 =	veq.s32 v0, $0x0  }
0x7f: {  	v0 =	vsel vm13, $0x0, v1  }
0x80: {  	[tilespmem:$0x80A0] =	vst v0  }
0x81: {  	v0 =	vld [tilespmem:s25+$0x4030]  }
0x82: {  	v1 =	vld [tilespmem:$0x80B0];
	_ =	sdelay $0x3  }
0x83: {  	vm14 =	veq.s32 v0, $0x0  }
0x84: {  	v0 =	vsel vm14, $0x0, v1  }
0x85: {  	[tilespmem:$0x80B0] =	vst v0  }
0x86: {  	v0 =	vld [tilespmem:s25+$0x4038]  }
0x87: {  	v1 =	vld [tilespmem:$0x80B8];
	_ =	sdelay $0x3  }
0x88: {  	vm15 =	veq.s32 v0, $0x0  }
0x89: {  	v0 =	vsel vm15, $0x0, v1  }
0x8a: {  	s22 =	simm.s32 $0x0;
	[tilespmem:$0x80B8] =	vst v0  }
0x8b: {  	s18 =	simm.s32 $0x8420;
	v1 =	vld [tilespmem:s22+$0x8000]  }
0x8c: {  	v2 =	vld [tilespmem:s18+$0xFFFFFF00]  }
0x8d: {  	v3 =	vld [tilespmem:s18+$0xFFFFFF10]  }
0x8e: {  	v4 =	vld [tilespmem:s18+$0xFFFFFF20]  }
0x8f: {  	v5 =	vld [tilespmem:s18+$0xFFFFFF30]  }
0x90: {  	v7 =	vld [tilespmem:s18+$0xFFFFFF40];
	v6 =	vbroadcast v1, $0x0  }
0x91: {  	v8 =	vld [tilespmem:s18+$0xFFFFFF50];
	v9 =	vbroadcast v1, $0x1  }
0x92: {  	v10 =	vld [tilespmem:s18+$0xFFFFFF60];
	v2 =	vmul.f32 v2, v6;
	v3 =	vmul.f32 v3, v6  }
0x93: {  	v11 =	vimm.f32 $0.0e+00;
	v12 =	vbroadcast v1, $0x2;
	v6 =	vld [tilespmem:s18+$0xFFFFFF70];
	v4 =	vmul.f32 v4, v9  }
0x94: {  	v13 =	vld [tilespmem:s18+$0xFFFFFF80];
	v5 =	vmul.f32 v5, v9;
	v2 =	vadd.f32 v2, v11;
	v3 =	vadd.f32 v3, v11  }
0x95: {  	v9 =	vld [tilespmem:s18+$0xFFFFFF90];
	v7 =	vmul.f32 v7, v12;
	v11 =	vbroadcast v1, $0x3  }
0x96: {  	v2 =	vadd.f32 v4, v2;
	v4 =	vld [tilespmem:s18+$0xFFFFFFA0];
	v3 =	vadd.f32 v5, v3;
	v5 =	vmul.f32 v8, v12  }
0x97: {  	v8 =	vld [tilespmem:s18+$0xFFFFFFB0];
	v10 =	vmul.f32 v10, v11;
	v12 =	vbroadcast v1, $0x4  }
0x98: {  	v2 =	vadd.f32 v7, v2;
	v7 =	vld [tilespmem:s18+$0xFFFFFFC0];
	v3 =	vadd.f32 v5, v3;
	v5 =	vmul.f32 v6, v11  }
0x99: {  	v6 =	vld [tilespmem:s18+$0xFFFFFFD0];
	v11 =	vmul.f32 v13, v12;
	v13 =	vbroadcast v1, $0x5  }
0x9a: {  	v2 =	vadd.f32 v10, v2;
	v10 =	vld [tilespmem:s18+$0xFFFFFFE0];
	v3 =	vadd.f32 v5, v3;
	v5 =	vmul.f32 v9, v12  }
0x9b: {  	v9 =	vld [tilespmem:s18+$0xFFFFFFF0];
	v12 =	vbroadcast v1, $0x6;
	v4 =	vmul.f32 v4, v13  }
0x9c: {  	v2 =	vadd.f32 v11, v2;
	v11 =	vld [tilespmem:s18+$0x0];
	v3 =	vadd.f32 v5, v3;
	v5 =	vmul.f32 v8, v13  }
0x9d: {  	v8 =	vld [tilespmem:s18+$0x10];
	v13 =	vbroadcast v1, $0x7;
	v7 =	vmul.f32 v7, v12  }
0x9e: {  	v2 =	vadd.f32 v4, v2;
	v4 =	vld [tilespmem:s18+$0x20];
	v3 =	vadd.f32 v5, v3;
	v5 =	vmul.f32 v6, v12  }
0x9f: {  	v6 =	vld [tilespmem:s18+$0x30];
	v12 =	vbroadcast v1, $0x8;
	v10 =	vmul.f32 v10, v13  }
0xa0: {  	v2 =	vadd.f32 v7, v2;
	v7 =	vld [tilespmem:s18+$0x40];
	v3 =	vadd.f32 v5, v3;
	v5 =	vmul.f32 v9, v13  }
0xa1: {  	v9 =	vld [tilespmem:s18+$0x50];
	v13 =	vbroadcast v1, $0x9;
	v11 =	vmul.f32 v11, v12  }
0xa2: {  	v2 =	vadd.f32 v10, v2;
	v10 =	vld [tilespmem:s18+$0x60];
	v3 =	vadd.f32 v5, v3;
	v5 =	vmul.f32 v8, v12  }
0xa3: {  	v8 =	vld [tilespmem:s18+$0x70];
	v12 =	vbroadcast v1, $0xA;
	v4 =	vmul.f32 v4, v13  }
0xa4: {  	v2 =	vadd.f32 v11, v2;
	v11 =	vld [tilespmem:s18+$0x80];
	v3 =	vadd.f32 v5, v3;
	v5 =	vmul.f32 v6, v13  }
0xa5: {  	v6 =	vld [tilespmem:s18+$0x90];
	v13 =	vbroadcast v1, $0xB;
	v7 =	vmul.f32 v7, v12  }
0xa6: {  	v14 =	vld [tilespmem:s18+$0xA0];
	v4 =	vadd.f32 v4, v2;
	v3 =	vadd.f32 v5, v3;
	v5 =	vmul.f32 v9, v12  }
0xa7: {  	v2 =	vld [tilespmem:s18+$0xB0];
	v12 =	vbroadcast v1, $0xC;
	v10 =	vmul.f32 v10, v13  }
0xa8: {  	v8 =	vmul.f32 v8, v13;
	v15 =	vadd.f32 v7, v4;
	v4 =	vld [tilespmem:s18+$0xC0];
	v16 =	vadd.f32 v5, v3  }
0xa9: {  	v7 =	vbroadcast v1, $0xD;
	v3 =	vld [tilespmem:s18+$0xD0];
	v9 =	vmul.f32 v11, v12  }
0xaa: {  	v5 =	vld [tilespmem:s18+$0xE0];
	v12 =	vmul.f32 v6, v12;
	v11 =	vadd.f32 v10, v15;
	v13 =	vadd.f32 v8, v16  }
0xab: {  	s24 =	simm.s32 $0x10;
	s22 =	simm.s32 $0x80;
	v6 =	vld [tilespmem:s18+$0xF0];
	v10 =	vmul.f32 v14, v7;
	v8 =	vbroadcast v1, $0xE  }
.LBB2_3:
0xac: {  	p0 =	sne.s32 s22, $0x2C0;
	v14 =	vld [tilespmem:s24+$0x8000];
	v9 =	vadd.f32 v9, v11;
	v11 =	vadd.f32 v12, v13;
	v2 =	vmul.f32 v2, v7;
	s18 =	sadd.s32 $0x200, s18  }
0xad: {  	v1 =	vbroadcast v1, $0xF;
	v7 =	vld [tilespmem:s18+$0xFFFFFF00];
	v4 =	vmul.f32 v4, v8  }
0xae: {  	v12 =	vld [tilespmem:s18+$0xFFFFFF10];
	v9 =	vadd.f32 v10, v9;
	v2 =	vadd.f32 v2, v11;
	v3 =	vmul.f32 v3, v8  }
0xaf: {  	v8 =	vld [tilespmem:s18+$0xFFFFFF20];
	v5 =	vmul.f32 v5, v1  }
0xb0: {  	v10 =	vld [tilespmem:s18+$0xFFFFFF30];
	v4 =	vadd.f32 v4, v9;
	v2 =	vadd.f32 v3, v2;
	v3 =	vmul.f32 v6, v1  }
0xb1: {  	v6 =	vbroadcast v14, $0x0;
	v9 =	vld [tilespmem:s18+$0xFFFFFF40];
	v1 =	vmov v14  }
0xb2: {  	v11 =	vbroadcast v1, $0x1;
	v13 =	vld [tilespmem:s18+$0xFFFFFF50];
	v4 =	vadd.f32 v5, v4;
	v2 =	vadd.f32 v3, v2  }
0xb3: {  	v3 =	vmul.f32 v7, v6;
	v5 =	vmul.f32 v12, v6;
	v6 =	vld [tilespmem:s18+$0xFFFFFF60]  }
0xb4: {  	v7 =	vmul.f32 v8, v11;
	v8 =	vbroadcast v1, $0x2;
	v12 =	vld [tilespmem:s18+$0xFFFFFF70]  }
0xb5: {  	v3 =	vadd.f32 v3, v4;
	v2 =	vadd.f32 v5, v2;
	v4 =	vmul.f32 v10, v11;
	v5 =	vld [tilespmem:s18+$0xFFFFFF80]  }
0xb6: {  	v10 =	vbroadcast v1, $0x3;
	v9 =	vmul.f32 v9, v8;
	v11 =	vld [tilespmem:s18+$0xFFFFFF90]  }
0xb7: {  	v3 =	vadd.f32 v7, v3;
	v2 =	vadd.f32 v4, v2;
	v4 =	vmul.f32 v13, v8;
	v7 =	vld [tilespmem:s18+$0xFFFFFFA0]  }
0xb8: {  	v8 =	vbroadcast v1, $0x4;
	v6 =	vmul.f32 v6, v10;
	v13 =	vld [tilespmem:s18+$0xFFFFFFB0]  }
0xb9: {  	v3 =	vadd.f32 v9, v3;
	v2 =	vadd.f32 v4, v2;
	v4 =	vmul.f32 v12, v10;
	v9 =	vld [tilespmem:s18+$0xFFFFFFC0]  }
0xba: {  	v10 =	vbroadcast v1, $0x5;
	v5 =	vmul.f32 v5, v8;
	v12 =	vld [tilespmem:s18+$0xFFFFFFD0]  }
0xbb: {  	v3 =	vadd.f32 v6, v3;
	v2 =	vadd.f32 v4, v2;
	v4 =	vmul.f32 v11, v8;
	v6 =	vld [tilespmem:s18+$0xFFFFFFE0]  }
0xbc: {  	v8 =	vbroadcast v1, $0x6;
	v7 =	vmul.f32 v7, v10;
	v11 =	vld [tilespmem:s18+$0xFFFFFFF0]  }
0xbd: {  	v3 =	vadd.f32 v5, v3;
	v2 =	vadd.f32 v4, v2;
	v4 =	vmul.f32 v13, v10;
	v5 =	vld [tilespmem:s18+$0x0]  }
0xbe: {  	v10 =	vbroadcast v1, $0x7;
	v9 =	vmul.f32 v9, v8;
	v13 =	vld [tilespmem:s18+$0x10]  }
0xbf: {  	v3 =	vadd.f32 v7, v3;
	v2 =	vadd.f32 v4, v2;
	v4 =	vmul.f32 v12, v8;
	v7 =	vld [tilespmem:s18+$0x20]  }
0xc0: {  	v8 =	vbroadcast v1, $0x8;
	v6 =	vmul.f32 v6, v10;
	v12 =	vld [tilespmem:s18+$0x30]  }
0xc1: {  	v3 =	vadd.f32 v9, v3;
	v2 =	vadd.f32 v4, v2;
	v4 =	vmul.f32 v11, v10;
	v9 =	vld [tilespmem:s18+$0x40]  }
0xc2: {  	v10 =	vbroadcast v1, $0x9;
	v5 =	vmul.f32 v5, v8;
	v11 =	vld [tilespmem:s18+$0x50]  }
0xc3: {  	v3 =	vadd.f32 v6, v3;
	v2 =	vadd.f32 v4, v2;
	v4 =	vmul.f32 v13, v8;
	v6 =	vld [tilespmem:s18+$0x60]  }
0xc4: {  	v8 =	vbroadcast v1, $0xA;
	v7 =	vmul.f32 v7, v10;
	v13 =	vld [tilespmem:s18+$0x70]  }
0xc5: {  	v3 =	vadd.f32 v5, v3;
	v2 =	vadd.f32 v4, v2;
	v4 =	vmul.f32 v12, v10;
	v5 =	vld [tilespmem:s18+$0x80]  }
0xc6: {  	v10 =	vbroadcast v1, $0xB;
	v9 =	vmul.f32 v9, v8;
	v12 =	vld [tilespmem:s18+$0x90]  }
0xc7: {  	v3 =	vadd.f32 v7, v3;
	v4 =	vadd.f32 v4, v2;
	v7 =	vmul.f32 v11, v8;
	v8 =	vld [tilespmem:s18+$0xA0]  }
.Ltmp2:
0xc8: {  	v14 =	vbroadcast v1, $0xC;
	v6 =	vmul.f32 v6, v10;
	v2 =	vld [tilespmem:s18+$0xB0];
	(pc) =	sbr.rel @p0 .LBB2_3-.Ltmp2, $4  }
0xc9: {  	v11 =	vadd.f32 v9, v3;
	v15 =	vadd.f32 v7, v4;
	v10 =	vmul.f32 v13, v10;
	v4 =	vld [tilespmem:s18+$0xC0]  }
0xca: {  	v7 =	vbroadcast v1, $0xD;
	v9 =	vmul.f32 v5, v14;
	v3 =	vld [tilespmem:s18+$0xD0]  }
0xcb: {  	v11 =	vadd.f32 v6, v11;
	v13 =	vadd.f32 v10, v15;
	v12 =	vmul.f32 v12, v14;
	v5 =	vld [tilespmem:s18+$0xE0]  }
0xcc: {  	s24 =	sshra.s32 s22, $0x2;
	s22 =	sadd.s32 $0x40, s22;
	v10 =	vmul.f32 v8, v7;
	v8 =	vbroadcast v1, $0xE;
	v6 =	vld [tilespmem:s18+$0xF0]  }
0xcd: {  	v14 =	vld [tilespmem:s24+$0x8000]  }
0xce: {  	v9 =	vadd.f32 v9, v11;
	s18 =	sadd.s32 $0x200, s18  }
0xcf: {  	v11 =	vadd.f32 v12, v13;
	v2 =	vmul.f32 v2, v7;
	v7 =	vld [tilespmem:s18+$0xFFFFFF00]  }
0xd0: {  	v1 =	vbroadcast v1, $0xF;
	v4 =	vmul.f32 v4, v8;
	v12 =	vld [tilespmem:s18+$0xFFFFFF10];
	v9 =	vadd.f32 v10, v9  }
0xd1: {  	v2 =	vadd.f32 v2, v11;
	v3 =	vmul.f32 v3, v8;
	v8 =	vld [tilespmem:s18+$0xFFFFFF20]  }
0xd2: {  	v10 =	vld [tilespmem:s18+$0xFFFFFF30];
	v5 =	vmul.f32 v5, v1;
	v4 =	vadd.f32 v4, v9;
	v9 =	vbroadcast v14, $0x0  }
0xd3: {  	v2 =	vadd.f32 v3, v2;
	v1 =	vmul.f32 v6, v1;
	v3 =	vld [tilespmem:s18+$0xFFFFFF40]  }
0xd4: {  	v11 =	vld [tilespmem:s18+$0xFFFFFF50];
	v6 =	vbroadcast v14, $0x1;
	v4 =	vadd.f32 v5, v4;
	v5 =	vmul.f32 v7, v9  }
0xd5: {  	v1 =	vadd.f32 v1, v2;
	v2 =	vmul.f32 v12, v9;
	v7 =	vld [tilespmem:s18+$0xFFFFFF60]  }
0xd6: {  	v8 =	vmul.f32 v8, v6;
	v9 =	vbroadcast v14, $0x2;
	v12 =	vld [tilespmem:s18+$0xFFFFFF70];
	v4 =	vadd.f32 v5, v4  }
0xd7: {  	v1 =	vadd.f32 v2, v1;
	v2 =	vmul.f32 v10, v6;
	v5 =	vld [tilespmem:s18+$0xFFFFFF80]  }
0xd8: {  	v3 =	vmul.f32 v3, v9;
	v6 =	vbroadcast v14, $0x3;
	v10 =	vld [tilespmem:s18+$0xFFFFFF90];
	v4 =	vadd.f32 v8, v4  }
0xd9: {  	v1 =	vadd.f32 v2, v1;
	v2 =	vmul.f32 v11, v9;
	v8 =	vld [tilespmem:s18+$0xFFFFFFA0]  }
0xda: {  	v9 =	vbroadcast v14, $0x4;
	v11 =	vld [tilespmem:s18+$0xFFFFFFB0];
	v7 =	vmul.f32 v7, v6;
	v3 =	vadd.f32 v3, v4  }
0xdb: {  	v1 =	vadd.f32 v2, v1;
	v2 =	vmul.f32 v12, v6;
	v4 =	vld [tilespmem:s18+$0xFFFFFFC0]  }
0xdc: {  	v6 =	vbroadcast v14, $0x5;
	v12 =	vld [tilespmem:s18+$0xFFFFFFD0];
	v5 =	vmul.f32 v5, v9;
	v3 =	vadd.f32 v7, v3  }
0xdd: {  	v1 =	vadd.f32 v2, v1;
	v2 =	vmul.f32 v10, v9;
	v7 =	vld [tilespmem:s18+$0xFFFFFFE0]  }
0xde: {  	v9 =	vbroadcast v14, $0x6;
	v10 =	vld [tilespmem:s18+$0xFFFFFFF0];
	v8 =	vmul.f32 v8, v6;
	v3 =	vadd.f32 v5, v3  }
0xdf: {  	v1 =	vadd.f32 v2, v1;
	v2 =	vmul.f32 v11, v6;
	v5 =	vld [tilespmem:s18+$0x0]  }
0xe0: {  	v6 =	vbroadcast v14, $0x7;
	v11 =	vld [tilespmem:s18+$0x10];
	v4 =	vmul.f32 v4, v9;
	v3 =	vadd.f32 v8, v3  }
0xe1: {  	v1 =	vadd.f32 v2, v1;
	v2 =	vmul.f32 v12, v9;
	v8 =	vld [tilespmem:s18+$0x20]  }
0xe2: {  	v9 =	vbroadcast v14, $0x8;
	v12 =	vld [tilespmem:s18+$0x30];
	v7 =	vmul.f32 v7, v6;
	v3 =	vadd.f32 v4, v3  }
0xe3: {  	v1 =	vadd.f32 v2, v1;
	v2 =	vmul.f32 v10, v6;
	v4 =	vld [tilespmem:s18+$0x40]  }
0xe4: {  	v6 =	vbroadcast v14, $0x9;
	v10 =	vld [tilespmem:s18+$0x50];
	v5 =	vmul.f32 v5, v9;
	v3 =	vadd.f32 v7, v3  }
0xe5: {  	v1 =	vadd.f32 v2, v1;
	v2 =	vmul.f32 v11, v9;
	v7 =	vld [tilespmem:s18+$0x60]  }
0xe6: {  	v9 =	vbroadcast v14, $0xA;
	v11 =	vld [tilespmem:s18+$0x70];
	v8 =	vmul.f32 v8, v6;
	v3 =	vadd.f32 v5, v3  }
0xe7: {  	v1 =	vadd.f32 v2, v1;
	v2 =	vmul.f32 v12, v6;
	v5 =	vld [tilespmem:s18+$0x80]  }
0xe8: {  	v6 =	vbroadcast v14, $0xB;
	v12 =	vld [tilespmem:s18+$0x90];
	v4 =	vmul.f32 v4, v9;
	v3 =	vadd.f32 v8, v3  }
0xe9: {  	v1 =	vadd.f32 v2, v1;
	v2 =	vmul.f32 v10, v9;
	v8 =	vld [tilespmem:s18+$0xA0]  }
0xea: {  	v9 =	vbroadcast v14, $0xC;
	v10 =	vld [tilespmem:s18+$0xB0];
	v7 =	vmul.f32 v7, v6;
	v3 =	vadd.f32 v4, v3  }
0xeb: {  	v1 =	vadd.f32 v2, v1;
	v2 =	vmul.f32 v11, v6;
	v4 =	vld [tilespmem:s18+$0xC0]  }
0xec: {  	v6 =	vbroadcast v14, $0xD;
	v11 =	vld [tilespmem:s18+$0xD0];
	v5 =	vmul.f32 v5, v9;
	v3 =	vadd.f32 v7, v3  }
0xed: {  	v1 =	vadd.f32 v2, v1;
	v2 =	vmul.f32 v12, v9;
	v7 =	vld [tilespmem:s18+$0xE0]  }
0xee: {  	v9 =	vbroadcast v14, $0xE;
	v12 =	vld [tilespmem:s18+$0xF0];
	v8 =	vmul.f32 v8, v6;
	v3 =	vadd.f32 v5, v3  }
0xef: {  	v1 =	vadd.f32 v2, v1;
	v2 =	vmul.f32 v10, v6;
	v5 =	vld [tilespmem:$0x9B20]  }
0xf0: {  	v6 =	vbroadcast v14, $0xF;
	v4 =	vmul.f32 v4, v9;
	v3 =	vadd.f32 v8, v3;
	v8 =	vld [tilespmem:$0x9B30]  }
0xf1: {  	v1 =	vadd.f32 v2, v1;
	v2 =	vmul.f32 v11, v9;
	v9 =	vld [tilespmem:$0x9B40]  }
0xf2: {  	v10 =	vld [tilespmem:$0x9B50];
	v7 =	vmul.f32 v7, v6;
	v3 =	vadd.f32 v4, v3;
	v4 =	vbroadcast v0, $0x8  }
0xf3: {  	v1 =	vadd.f32 v2, v1;
	v2 =	vmul.f32 v12, v6;
	v6 =	vld [tilespmem:$0x9B60]  }
0xf4: {  	v11 =	vld [tilespmem:$0x9B70];
	v3 =	vadd.f32 v7, v3;
	v5 =	vmul.f32 v5, v4;
	v7 =	vbroadcast v0, $0x9  }
0xf5: {  	v1 =	vadd.f32 v2, v1;
	v2 =	vmul.f32 v8, v4;
	v4 =	vld [tilespmem:$0x9B80]  }
0xf6: {  	v8 =	vbroadcast v0, $0xA;
	v3 =	vadd.f32 v5, v3;
	v5 =	vmul.f32 v9, v7;
	v9 =	vld [tilespmem:$0x9B90]  }
0xf7: {  	v1 =	vadd.f32 v2, v1;
	v2 =	vmul.f32 v10, v7;
	v7 =	vld [tilespmem:$0x9BA0]  }
0xf8: {  	v10 =	vld [tilespmem:$0x9BB0];
	v3 =	vadd.f32 v5, v3;
	v5 =	vmul.f32 v6, v8;
	v6 =	vbroadcast v0, $0xB  }
0xf9: {  	v1 =	vadd.f32 v2, v1;
	v2 =	vmul.f32 v11, v8;
	v8 =	vld [tilespmem:$0x9BC0]  }
0xfa: {  	v11 =	vld [tilespmem:$0x9BD0];
	v3 =	vadd.f32 v5, v3;
	v4 =	vmul.f32 v4, v6;
	v5 =	vbroadcast v0, $0xC  }
0xfb: {  	v1 =	vadd.f32 v2, v1;
	v2 =	vmul.f32 v9, v6;
	v6 =	vld [tilespmem:$0x9BE0]  }
0xfc: {  	v9 =	vld [tilespmem:$0x9BF0];
	v3 =	vadd.f32 v4, v3;
	v4 =	vmul.f32 v7, v5;
	v7 =	vbroadcast v0, $0xD  }
0xfd: {  	v1 =	vadd.f32 v2, v1;
	v2 =	vmul.f32 v10, v5;
	v5 =	vld [tilespmem:$0x9C00]  }
0xfe: {  	v10 =	vld [tilespmem:$0x9C10];
	v3 =	vadd.f32 v4, v3;
	v4 =	vmul.f32 v8, v7;
	v8 =	vbroadcast v0, $0xE  }
0xff: {  	v1 =	vadd.f32 v2, v1;
	v2 =	vmul.f32 v11, v7  }
0x100: {  	v0 =	vbroadcast v0, $0xF;
	v3 =	vadd.f32 v4, v3;
	v4 =	vmul.f32 v6, v8  }
0x101: {  	v1 =	vadd.f32 v2, v1;
	v2 =	vmul.f32 v9, v8  }
0x102: {  	v3 =	vadd.f32 v4, v3;
	v4 =	vmul.f32 v5, v0  }
0x103: {  	v0 =	vmul.f32 v10, v0;
	v1 =	vadd.f32 v2, v1  }
0x104: {  	v2 =	vadd.f32 v4, v3  }
0x105: {  	s22 =	sshrl.u32 s25, $0x2;
	v0 =	vadd.f32 v0, v1  }
0x106: {  	p0 =	seq.s32 s28, $0x1F;
	[tilespmem:s22+$0xE720] =	vst v2  }
0x107: {  	s24 =	simm.s32 @!p0 $0x8320;
	s18 =	sadd.s32 @!p0 $0x200, s25;
	[tilespmem:s22+$0xE730] =	vst v0;
	s22 =	simm.s32 @!p0 $0x80  }
0x108: {  	[tilespmem:s24], [sflag:$0x1] =	stream.indirect.gather @!p0 [hbm4b:s4+s22], $0x20, s18, s22, $0xb8;
	[tilespmem:$0xF720] =	vst v63  }
0x109: {  	s29 =	simm.s32 @!p0 $0x48;
	s31 =	simm.s32 @!p0 $0x9320;
	s24 =	sadd.s32 @!p0 $0x4200, s25  }
0x10a: {  	[tilespmem:s31], [sflag:$0x1] =	stream.indirect.gather @!p0 [hbm4b:s4+s29], $0x20, s24, s29, $0xb8;
	[tilespmem:$0xF720] =	vst v63  }
0x10b: {  	s31 =	simm.s32 @!p0 $0x8000  }
0x10c: {  	[tilespmem:s31], [sflag:$0x5] =	stream.indirect.gather @!p0 [hbm4b:s2+s22], $0x1, s18, s22, $0xb8;
	[tilespmem:$0xF720] =	vst v63  }
0x10d: {  	s18 =	simm.s32 @!p0 $0x8080  }
0x10e: {  	[tilespmem:s18], [sflag:$0x5] =	stream.indirect.gather @!p0 [hbm4b:s2+s29], $0x1, s24, s29, $0xb8;
	[tilespmem:$0xF720] =	vst v63  }
0x10f: {  	_ =	swait.ge [sflag:s16], $0x1000  }
0x110: {  	[sflag:s16] =	ssyncset.done $0x0  }
0x111: {  	[sflag:s16] =	ssyncadd.s32 $0xFFFFF000  }
0x112: {  	_ =	swait.ge [sflag:s16], $0x900  }
0x113: {  	[sflag:s16] =	ssyncset.done $0x0  }
0x114: {  	[sflag:s16] =	ssyncadd.s32 $0xFFFFF700  }
0x115: {  	_ =	swait.ge [sflag:s17], $0x80  }
0x116: {  	[sflag:s17] =	ssyncset.done $0x0  }
0x117: {  	[sflag:s17] =	ssyncadd.s32 $0xFFFFFF80  }
0x118: {  	_ =	swait.ge [sflag:s17], $0x48  }
0x119: {  	[sflag:s17] =	ssyncset.done $0x0  }
0x11a: {  	s18 =	sor.u32 $0x80, s25;
	[sflag:s17] =	ssyncadd.s32 $0xFFFFFFB8  }
0x11b: {  	v0 =	vld [tilespmem:s18+$0x0]  }
0x11c: {  	v1 =	vld [tilespmem:$0x80C8];
	_ =	sdelay $0x3  }
0x11d: {  	vm0 =	veq.s32 v0, $0x0  }
0x11e: {  	v0 =	vsel vm0, $0x0, v1  }
0x11f: {  	s24 =	sor.u32 $0x90, s25;
	[tilespmem:$0x80C8] =	vst v0  }
0x120: {  	v0 =	vld [tilespmem:s24+$0x0]  }
0x121: {  	v1 =	vld [tilespmem:$0x80D8];
	_ =	sdelay $0x3  }
0x122: {  	vm4 =	veq.s32 v0, $0x0  }
0x123: {  	v0 =	vsel vm4, $0x0, v1  }
0x124: {  	s31 =	sor.u32 $0xA0, s25;
	[tilespmem:$0x80D8] =	vst v0  }
0x125: {  	v0 =	vld [tilespmem:s31+$0x0]  }
0x126: {  	v1 =	vld [tilespmem:$0x80E8];
	_ =	sdelay $0x3  }
0x127: {  	vm5 =	veq.s32 v0, $0x0  }
0x128: {  	v0 =	vsel vm5, $0x0, v1  }
0x129: {  	s24 =	sor.u32 $0xB0, s25;
	[tilespmem:$0x80E8] =	vst v0  }
0x12a: {  	v0 =	vld [tilespmem:s24+$0x0]  }
0x12b: {  	v1 =	vld [tilespmem:$0x80F8];
	_ =	sdelay $0x3  }
0x12c: {  	vm6 =	veq.s32 v0, $0x0  }
0x12d: {  	v0 =	vsel vm6, $0x0, v1  }
0x12e: {  	[tilespmem:$0x80F8] =	vst v0  }
0x12f: {  	v0 =	vld [tilespmem:s25+$0xC0]  }
0x130: {  	v1 =	vld [tilespmem:$0x8108];
	_ =	sdelay $0x3  }
0x131: {  	vm7 =	veq.s32 v0, $0x0  }
0x132: {  	v0 =	vsel vm7, $0x0, v1  }
0x133: {  	[tilespmem:$0x8108] =	vst v0  }
0x134: {  	v0 =	vld [tilespmem:s25+$0xD0]  }
0x135: {  	v1 =	vld [tilespmem:$0x8118];
	_ =	sdelay $0x3  }
0x136: {  	vm8 =	veq.s32 v0, $0x0  }
0x137: {  	v0 =	vsel vm8, $0x0, v1  }
0x138: {  	[tilespmem:$0x8118] =	vst v0  }
0x139: {  	v0 =	vld [tilespmem:s25+$0xE0]  }
0x13a: {  	v1 =	vld [tilespmem:$0x8128];
	_ =	sdelay $0x3  }
0x13b: {  	vm9 =	veq.s32 v0, $0x0  }
0x13c: {  	v0 =	vsel vm9, $0x0, v1  }
0x13d: {  	[tilespmem:$0x8128] =	vst v0  }
0x13e: {  	v0 =	vld [tilespmem:s25+$0xF0]  }
0x13f: {  	v1 =	vld [tilespmem:$0x8138];
	_ =	sdelay $0x3  }
0x140: {  	vm10 =	veq.s32 v0, $0x0  }
0x141: {  	v0 =	vsel vm10, $0x0, v1  }
0x142: {  	[tilespmem:$0x8138] =	vst v0  }
0x143: {  	v0 =	vld [tilespmem:s25+$0x4080]  }
0x144: {  	v1 =	vld [tilespmem:$0x8148];
	_ =	sdelay $0x3  }
0x145: {  	vm11 =	veq.s32 v0, $0x0  }
0x146: {  	v0 =	vsel vm11, $0x0, v1  }
0x147: {  	[tilespmem:$0x8148] =	vst v0  }
0x148: {  	v0 =	vld [tilespmem:s25+$0x4090]  }
0x149: {  	v1 =	vld [tilespmem:$0x8158];
	_ =	sdelay $0x3  }
0x14a: {  	vm12 =	veq.s32 v0, $0x0  }
0x14b: {  	v0 =	vsel vm12, $0x0, v1  }
0x14c: {  	[tilespmem:$0x8158] =	vst v0  }
0x14d: {  	v0 =	vld [tilespmem:s25+$0x40A0]  }
0x14e: {  	v1 =	vld [tilespmem:$0x8168];
	_ =	sdelay $0x3  }
0x14f: {  	vm13 =	veq.s32 v0, $0x0  }
0x150: {  	v0 =	vsel vm13, $0x0, v1  }
0x151: {  	[tilespmem:$0x8168] =	vst v0  }
0x152: {  	v0 =	vld [tilespmem:s25+$0x40B0]  }
0x153: {  	v1 =	vld [tilespmem:$0x8178];
	_ =	sdelay $0x3  }
0x154: {  	vm14 =	veq.s32 v0, $0x0  }
0x155: {  	v0 =	vsel vm14, $0x0, v1  }
0x156: {  	[tilespmem:$0x8178] =	vst v0  }
0x157: {  	v0 =	vld [tilespmem:s25+$0x40B8]  }
0x158: {  	v1 =	vld [tilespmem:$0x8180];
	_ =	sdelay $0x3  }
0x159: {  	vm15 =	veq.s32 v0, $0x0  }
0x15a: {  	v0 =	vsel vm15, $0x0, v1  }
0x15b: {  	s31 =	simm.s32 $0x0;
	[tilespmem:$0x8180] =	vst v0  }
0x15c: {  	s22 =	simm.s32 $0x9E10;
	v1 =	vld [tilespmem:s31+$0x80C8]  }
0x15d: {  	v2 =	vld [tilespmem:s22+$0xFFFFFE10]  }
0x15e: {  	v3 =	vld [tilespmem:s22+$0xFFFFFE20]  }
0x15f: {  	v4 =	vld [tilespmem:s22+$0xFFFFFE30]  }
0x160: {  	v5 =	vld [tilespmem:s22+$0xFFFFFE40]  }
0x161: {  	v7 =	vld [tilespmem:s22+$0xFFFFFE50];
	v6 =	vbroadcast v1, $0x0  }
0x162: {  	v8 =	vld [tilespmem:s22+$0xFFFFFE60];
	v9 =	vbroadcast v1, $0x1  }
0x163: {  	v10 =	vld [tilespmem:s22+$0xFFFFFE70];
	v2 =	vmul.f32 v2, v6;
	v3 =	vmul.f32 v3, v6  }
0x164: {  	v11 =	vimm.f32 $0.0e+00;
	v12 =	vbroadcast v1, $0x2;
	v6 =	vld [tilespmem:s22+$0xFFFFFE80];
	v4 =	vmul.f32 v4, v9  }
0x165: {  	v13 =	vld [tilespmem:s22+$0xFFFFFE90];
	v5 =	vmul.f32 v5, v9;
	v2 =	vadd.f32 v2, v11;
	v3 =	vadd.f32 v3, v11  }
0x166: {  	v9 =	vld [tilespmem:s22+$0xFFFFFEA0];
	v7 =	vmul.f32 v7, v12;
	v11 =	vbroadcast v1, $0x3  }
0x167: {  	v2 =	vadd.f32 v4, v2;
	v4 =	vld [tilespmem:s22+$0xFFFFFEB0];
	v3 =	vadd.f32 v5, v3;
	v5 =	vmul.f32 v8, v12  }
0x168: {  	v8 =	vld [tilespmem:s22+$0xFFFFFEC0];
	v10 =	vmul.f32 v10, v11;
	v12 =	vbroadcast v1, $0x4  }
0x169: {  	v2 =	vadd.f32 v7, v2;
	v7 =	vld [tilespmem:s22+$0xFFFFFED0];
	v3 =	vadd.f32 v5, v3;
	v5 =	vmul.f32 v6, v11  }
0x16a: {  	v6 =	vld [tilespmem:s22+$0xFFFFFEE0];
	v11 =	vmul.f32 v13, v12;
	v13 =	vbroadcast v1, $0x5  }
0x16b: {  	v2 =	vadd.f32 v10, v2;
	v10 =	vld [tilespmem:s22+$0xFFFFFEF0];
	v3 =	vadd.f32 v5, v3;
	v5 =	vmul.f32 v9, v12  }
0x16c: {  	v9 =	vld [tilespmem:s22+$0xFFFFFF00];
	v12 =	vbroadcast v1, $0x6;
	v4 =	vmul.f32 v4, v13  }
0x16d: {  	v2 =	vadd.f32 v11, v2;
	v11 =	vld [tilespmem:s22+$0xFFFFFF10];
	v3 =	vadd.f32 v5, v3;
	v5 =	vmul.f32 v8, v13  }
0x16e: {  	v8 =	vld [tilespmem:s22+$0xFFFFFF20];
	v13 =	vbroadcast v1, $0x7;
	v7 =	vmul.f32 v7, v12  }
0x16f: {  	v2 =	vadd.f32 v4, v2;
	v4 =	vld [tilespmem:s22+$0xFFFFFF30];
	v3 =	vadd.f32 v5, v3;
	v5 =	vmul.f32 v6, v12  }
0x170: {  	v6 =	vld [tilespmem:s22+$0xFFFFFF40];
	v12 =	vbroadcast v1, $0x8;
	v10 =	vmul.f32 v10, v13  }
0x171: {  	v2 =	vadd.f32 v7, v2;
	v7 =	vld [tilespmem:s22+$0xFFFFFF50];
	v3 =	vadd.f32 v5, v3;
	v5 =	vmul.f32 v9, v13  }
0x172: {  	v9 =	vld [tilespmem:s22+$0xFFFFFF60];
	v13 =	vbroadcast v1, $0x9;
	v11 =	vmul.f32 v11, v12  }
0x173: {  	v2 =	vadd.f32 v10, v2;
	v10 =	vld [tilespmem:s22+$0xFFFFFF70];
	v3 =	vadd.f32 v5, v3;
	v5 =	vmul.f32 v8, v12  }
0x174: {  	v8 =	vld [tilespmem:s22+$0xFFFFFF80];
	v12 =	vbroadcast v1, $0xA;
	v4 =	vmul.f32 v4, v13  }
0x175: {  	v2 =	vadd.f32 v11, v2;
	v11 =	vld [tilespmem:s22+$0xFFFFFF90];
	v3 =	vadd.f32 v5, v3;
	v5 =	vmul.f32 v6, v13  }
0x176: {  	v6 =	vld [tilespmem:s22+$0xFFFFFFA0];
	v13 =	vbroadcast v1, $0xB;
	v7 =	vmul.f32 v7, v12  }
0x177: {  	v14 =	vld [tilespmem:s22+$0xFFFFFFB0];
	v4 =	vadd.f32 v4, v2;
	v3 =	vadd.f32 v5, v3;
	v5 =	vmul.f32 v9, v12  }
0x178: {  	v2 =	vld [tilespmem:s22+$0xFFFFFFC0];
	v12 =	vbroadcast v1, $0xC;
	v10 =	vmul.f32 v10, v13  }
0x179: {  	v8 =	vmul.f32 v8, v13;
	v15 =	vadd.f32 v7, v4;
	v4 =	vld [tilespmem:s22+$0xFFFFFFD0];
	v16 =	vadd.f32 v5, v3  }
0x17a: {  	v7 =	vbroadcast v1, $0xD;
	v3 =	vld [tilespmem:s22+$0xFFFFFFE0];
	v9 =	vmul.f32 v11, v12  }
0x17b: {  	v5 =	vld [tilespmem:s22+$0xFFFFFFF0];
	v12 =	vmul.f32 v6, v12;
	v11 =	vadd.f32 v10, v15;
	v13 =	vadd.f32 v8, v16  }
0x17c: {  	s29 =	simm.s32 $0x10;
	s24 =	simm.s32 $0x80;
	v6 =	vld [tilespmem:s22+$0x0];
	v10 =	vmul.f32 v14, v7;
	v8 =	vbroadcast v1, $0xE  }
.LBB2_5:
0x17d: {  	p1 =	sne.s32 s24, $0x2C0;
	v14 =	vld [tilespmem:s29+$0x80C8];
	v9 =	vadd.f32 v9, v11;
	v11 =	vadd.f32 v12, v13;
	v2 =	vmul.f32 v2, v7;
	s22 =	sadd.s32 $0x200, s22  }
0x17e: {  	v1 =	vbroadcast v1, $0xF;
	v7 =	vld [tilespmem:s22+$0xFFFFFE10];
	v4 =	vmul.f32 v4, v8  }
0x17f: {  	v12 =	vld [tilespmem:s22+$0xFFFFFE20];
	v9 =	vadd.f32 v10, v9;
	v2 =	vadd.f32 v2, v11;
	v3 =	vmul.f32 v3, v8  }
0x180: {  	v8 =	vld [tilespmem:s22+$0xFFFFFE30];
	v5 =	vmul.f32 v5, v1  }
0x181: {  	v10 =	vld [tilespmem:s22+$0xFFFFFE40];
	v4 =	vadd.f32 v4, v9;
	v2 =	vadd.f32 v3, v2;
	v3 =	vmul.f32 v6, v1  }
0x182: {  	v6 =	vbroadcast v14, $0x0;
	v9 =	vld [tilespmem:s22+$0xFFFFFE50];
	v1 =	vmov v14  }
0x183: {  	v11 =	vbroadcast v1, $0x1;
	v13 =	vld [tilespmem:s22+$0xFFFFFE60];
	v4 =	vadd.f32 v5, v4;
	v2 =	vadd.f32 v3, v2  }
0x184: {  	v3 =	vmul.f32 v7, v6;
	v5 =	vmul.f32 v12, v6;
	v6 =	vld [tilespmem:s22+$0xFFFFFE70]  }
0x185: {  	v7 =	vmul.f32 v8, v11;
	v8 =	vbroadcast v1, $0x2;
	v12 =	vld [tilespmem:s22+$0xFFFFFE80]  }
0x186: {  	v3 =	vadd.f32 v3, v4;
	v2 =	vadd.f32 v5, v2;
	v4 =	vmul.f32 v10, v11;
	v5 =	vld [tilespmem:s22+$0xFFFFFE90]  }
0x187: {  	v10 =	vbroadcast v1, $0x3;
	v9 =	vmul.f32 v9, v8;
	v11 =	vld [tilespmem:s22+$0xFFFFFEA0]  }
0x188: {  	v3 =	vadd.f32 v7, v3;
	v2 =	vadd.f32 v4, v2;
	v4 =	vmul.f32 v13, v8;
	v7 =	vld [tilespmem:s22+$0xFFFFFEB0]  }
0x189: {  	v8 =	vbroadcast v1, $0x4;
	v6 =	vmul.f32 v6, v10;
	v13 =	vld [tilespmem:s22+$0xFFFFFEC0]  }
0x18a: {  	v3 =	vadd.f32 v9, v3;
	v2 =	vadd.f32 v4, v2;
	v4 =	vmul.f32 v12, v10;
	v9 =	vld [tilespmem:s22+$0xFFFFFED0]  }
0x18b: {  	v10 =	vbroadcast v1, $0x5;
	v5 =	vmul.f32 v5, v8;
	v12 =	vld [tilespmem:s22+$0xFFFFFEE0]  }
0x18c: {  	v3 =	vadd.f32 v6, v3;
	v2 =	vadd.f32 v4, v2;
	v4 =	vmul.f32 v11, v8;
	v6 =	vld [tilespmem:s22+$0xFFFFFEF0]  }
0x18d: {  	v8 =	vbroadcast v1, $0x6;
	v7 =	vmul.f32 v7, v10;
	v11 =	vld [tilespmem:s22+$0xFFFFFF00]  }
0x18e: {  	v3 =	vadd.f32 v5, v3;
	v2 =	vadd.f32 v4, v2;
	v4 =	vmul.f32 v13, v10;
	v5 =	vld [tilespmem:s22+$0xFFFFFF10]  }
0x18f: {  	v10 =	vbroadcast v1, $0x7;
	v9 =	vmul.f32 v9, v8;
	v13 =	vld [tilespmem:s22+$0xFFFFFF20]  }
0x190: {  	v3 =	vadd.f32 v7, v3;
	v2 =	vadd.f32 v4, v2;
	v4 =	vmul.f32 v12, v8;
	v7 =	vld [tilespmem:s22+$0xFFFFFF30]  }
0x191: {  	v8 =	vbroadcast v1, $0x8;
	v6 =	vmul.f32 v6, v10;
	v12 =	vld [tilespmem:s22+$0xFFFFFF40]  }
0x192: {  	v3 =	vadd.f32 v9, v3;
	v2 =	vadd.f32 v4, v2;
	v4 =	vmul.f32 v11, v10;
	v9 =	vld [tilespmem:s22+$0xFFFFFF50]  }
0x193: {  	v10 =	vbroadcast v1, $0x9;
	v5 =	vmul.f32 v5, v8;
	v11 =	vld [tilespmem:s22+$0xFFFFFF60]  }
0x194: {  	v3 =	vadd.f32 v6, v3;
	v2 =	vadd.f32 v4, v2;
	v4 =	vmul.f32 v13, v8;
	v6 =	vld [tilespmem:s22+$0xFFFFFF70]  }
0x195: {  	v8 =	vbroadcast v1, $0xA;
	v7 =	vmul.f32 v7, v10;
	v13 =	vld [tilespmem:s22+$0xFFFFFF80]  }
0x196: {  	v3 =	vadd.f32 v5, v3;
	v2 =	vadd.f32 v4, v2;
	v4 =	vmul.f32 v12, v10;
	v5 =	vld [tilespmem:s22+$0xFFFFFF90]  }
0x197: {  	v10 =	vbroadcast v1, $0xB;
	v9 =	vmul.f32 v9, v8;
	v12 =	vld [tilespmem:s22+$0xFFFFFFA0]  }
0x198: {  	v3 =	vadd.f32 v7, v3;
	v4 =	vadd.f32 v4, v2;
	v7 =	vmul.f32 v11, v8;
	v8 =	vld [tilespmem:s22+$0xFFFFFFB0]  }
.Ltmp3:
0x199: {  	v14 =	vbroadcast v1, $0xC;
	v6 =	vmul.f32 v6, v10;
	v2 =	vld [tilespmem:s22+$0xFFFFFFC0];
	(pc) =	sbr.rel @p1 .LBB2_5-.Ltmp3, $4  }
0x19a: {  	v11 =	vadd.f32 v9, v3;
	v15 =	vadd.f32 v7, v4;
	v10 =	vmul.f32 v13, v10;
	v4 =	vld [tilespmem:s22+$0xFFFFFFD0]  }
0x19b: {  	v7 =	vbroadcast v1, $0xD;
	v9 =	vmul.f32 v5, v14;
	v3 =	vld [tilespmem:s22+$0xFFFFFFE0]  }
0x19c: {  	v11 =	vadd.f32 v6, v11;
	v13 =	vadd.f32 v10, v15;
	v12 =	vmul.f32 v12, v14;
	v5 =	vld [tilespmem:s22+$0xFFFFFFF0]  }
0x19d: {  	s29 =	sshra.s32 s24, $0x2;
	s24 =	sadd.s32 $0x40, s24;
	v10 =	vmul.f32 v8, v7;
	v8 =	vbroadcast v1, $0xE;
	v6 =	vld [tilespmem:s22+$0x0]  }
0x19e: {  	v14 =	vld [tilespmem:s29+$0x80C8]  }
0x19f: {  	v9 =	vadd.f32 v9, v11;
	s22 =	sadd.s32 $0x200, s22  }
0x1a0: {  	v11 =	vadd.f32 v12, v13;
	v2 =	vmul.f32 v2, v7;
	v7 =	vld [tilespmem:s22+$0xFFFFFE10]  }
0x1a1: {  	v1 =	vbroadcast v1, $0xF;
	v4 =	vmul.f32 v4, v8;
	v12 =	vld [tilespmem:s22+$0xFFFFFE20];
	v9 =	vadd.f32 v10, v9  }
0x1a2: {  	v2 =	vadd.f32 v2, v11;
	v3 =	vmul.f32 v3, v8;
	v8 =	vld [tilespmem:s22+$0xFFFFFE30]  }
0x1a3: {  	v10 =	vld [tilespmem:s22+$0xFFFFFE40];
	v5 =	vmul.f32 v5, v1;
	v4 =	vadd.f32 v4, v9;
	v9 =	vbroadcast v14, $0x0  }
0x1a4: {  	v2 =	vadd.f32 v3, v2;
	v1 =	vmul.f32 v6, v1;
	v3 =	vld [tilespmem:s22+$0xFFFFFE50]  }
0x1a5: {  	v11 =	vld [tilespmem:s22+$0xFFFFFE60];
	v6 =	vbroadcast v14, $0x1;
	v4 =	vadd.f32 v5, v4;
	v5 =	vmul.f32 v7, v9  }
0x1a6: {  	v1 =	vadd.f32 v1, v2;
	v2 =	vmul.f32 v12, v9;
	v7 =	vld [tilespmem:s22+$0xFFFFFE70]  }
0x1a7: {  	v8 =	vmul.f32 v8, v6;
	v9 =	vbroadcast v14, $0x2;
	v12 =	vld [tilespmem:s22+$0xFFFFFE80];
	v4 =	vadd.f32 v5, v4  }
0x1a8: {  	v1 =	vadd.f32 v2, v1;
	v2 =	vmul.f32 v10, v6;
	v5 =	vld [tilespmem:s22+$0xFFFFFE90]  }
0x1a9: {  	v3 =	vmul.f32 v3, v9;
	v6 =	vbroadcast v14, $0x3;
	v10 =	vld [tilespmem:s22+$0xFFFFFEA0];
	v4 =	vadd.f32 v8, v4  }
0x1aa: {  	v1 =	vadd.f32 v2, v1;
	v2 =	vmul.f32 v11, v9;
	v8 =	vld [tilespmem:s22+$0xFFFFFEB0]  }
0x1ab: {  	v9 =	vbroadcast v14, $0x4;
	v11 =	vld [tilespmem:s22+$0xFFFFFEC0];
	v7 =	vmul.f32 v7, v6;
	v3 =	vadd.f32 v3, v4  }
0x1ac: {  	v1 =	vadd.f32 v2, v1;
	v2 =	vmul.f32 v12, v6;
	v4 =	vld [tilespmem:s22+$0xFFFFFED0]  }
0x1ad: {  	v6 =	vbroadcast v14, $0x5;
	v12 =	vld [tilespmem:s22+$0xFFFFFEE0];
	v5 =	vmul.f32 v5, v9;
	v3 =	vadd.f32 v7, v3  }
0x1ae: {  	v1 =	vadd.f32 v2, v1;
	v2 =	vmul.f32 v10, v9;
	v7 =	vld [tilespmem:s22+$0xFFFFFEF0]  }
0x1af: {  	v9 =	vbroadcast v14, $0x6;
	v10 =	vld [tilespmem:s22+$0xFFFFFF00];
	v8 =	vmul.f32 v8, v6;
	v3 =	vadd.f32 v5, v3  }
0x1b0: {  	v1 =	vadd.f32 v2, v1;
	v2 =	vmul.f32 v11, v6;
	v5 =	vld [tilespmem:s22+$0xFFFFFF10]  }
0x1b1: {  	v6 =	vbroadcast v14, $0x7;
	v11 =	vld [tilespmem:s22+$0xFFFFFF20];
	v4 =	vmul.f32 v4, v9;
	v3 =	vadd.f32 v8, v3  }
0x1b2: {  	v1 =	vadd.f32 v2, v1;
	v2 =	vmul.f32 v12, v9;
	v8 =	vld [tilespmem:s22+$0xFFFFFF30]  }
0x1b3: {  	v9 =	vbroadcast v14, $0x8;
	v12 =	vld [tilespmem:s22+$0xFFFFFF40];
	v7 =	vmul.f32 v7, v6;
	v3 =	vadd.f32 v4, v3  }
0x1b4: {  	v1 =	vadd.f32 v2, v1;
	v2 =	vmul.f32 v10, v6;
	v4 =	vld [tilespmem:s22+$0xFFFFFF50]  }
0x1b5: {  	v6 =	vbroadcast v14, $0x9;
	v10 =	vld [tilespmem:s22+$0xFFFFFF60];
	v5 =	vmul.f32 v5, v9;
	v3 =	vadd.f32 v7, v3  }
0x1b6: {  	v1 =	vadd.f32 v2, v1;
	v2 =	vmul.f32 v11, v9;
	v7 =	vld [tilespmem:s22+$0xFFFFFF70]  }
0x1b7: {  	v9 =	vbroadcast v14, $0xA;
	v11 =	vld [tilespmem:s22+$0xFFFFFF80];
	v8 =	vmul.f32 v8, v6;
	v3 =	vadd.f32 v5, v3  }
0x1b8: {  	v1 =	vadd.f32 v2, v1;
	v2 =	vmul.f32 v12, v6;
	v5 =	vld [tilespmem:s22+$0xFFFFFF90]  }
0x1b9: {  	v6 =	vbroadcast v14, $0xB;
	v12 =	vld [tilespmem:s22+$0xFFFFFFA0];
	v4 =	vmul.f32 v4, v9;
	v3 =	vadd.f32 v8, v3  }
0x1ba: {  	v1 =	vadd.f32 v2, v1;
	v2 =	vmul.f32 v10, v9;
	v8 =	vld [tilespmem:s22+$0xFFFFFFB0]  }
0x1bb: {  	v9 =	vbroadcast v14, $0xC;
	v10 =	vld [tilespmem:s22+$0xFFFFFFC0];
	v7 =	vmul.f32 v7, v6;
	v3 =	vadd.f32 v4, v3  }
0x1bc: {  	v1 =	vadd.f32 v2, v1;
	v2 =	vmul.f32 v11, v6;
	v4 =	vld [tilespmem:s22+$0xFFFFFFD0]  }
0x1bd: {  	v6 =	vbroadcast v14, $0xD;
	v11 =	vld [tilespmem:s22+$0xFFFFFFE0];
	v5 =	vmul.f32 v5, v9;
	v3 =	vadd.f32 v7, v3  }
0x1be: {  	v1 =	vadd.f32 v2, v1;
	v2 =	vmul.f32 v12, v9;
	v7 =	vld [tilespmem:s22+$0xFFFFFFF0]  }
0x1bf: {  	v9 =	vbroadcast v14, $0xE;
	v12 =	vld [tilespmem:s22+$0x0];
	v8 =	vmul.f32 v8, v6;
	v3 =	vadd.f32 v5, v3  }
0x1c0: {  	v1 =	vadd.f32 v2, v1;
	v2 =	vmul.f32 v10, v6;
	v5 =	vld [tilespmem:$0xB420]  }
0x1c1: {  	v6 =	vbroadcast v14, $0xF;
	v4 =	vmul.f32 v4, v9;
	v3 =	vadd.f32 v8, v3;
	v8 =	vld [tilespmem:$0xB430]  }
0x1c2: {  	v1 =	vadd.f32 v2, v1;
	v2 =	vmul.f32 v11, v9;
	v9 =	vld [tilespmem:$0xB440]  }
0x1c3: {  	v10 =	vld [tilespmem:$0xB450];
	v7 =	vmul.f32 v7, v6;
	v3 =	vadd.f32 v4, v3;
	v4 =	vbroadcast v0, $0x8  }
0x1c4: {  	v1 =	vadd.f32 v2, v1;
	v2 =	vmul.f32 v12, v6;
	v6 =	vld [tilespmem:$0xB460]  }
0x1c5: {  	v11 =	vld [tilespmem:$0xB470];
	v3 =	vadd.f32 v7, v3;
	v5 =	vmul.f32 v5, v4;
	v7 =	vbroadcast v0, $0x9  }
0x1c6: {  	v1 =	vadd.f32 v2, v1;
	v2 =	vmul.f32 v8, v4;
	v4 =	vld [tilespmem:$0xB480]  }
0x1c7: {  	v8 =	vbroadcast v0, $0xA;
	v3 =	vadd.f32 v5, v3;
	v5 =	vmul.f32 v9, v7;
	v9 =	vld [tilespmem:$0xB490]  }
0x1c8: {  	v1 =	vadd.f32 v2, v1;
	v2 =	vmul.f32 v10, v7;
	v7 =	vld [tilespmem:$0xB4A0]  }
0x1c9: {  	v10 =	vld [tilespmem:$0xB4B0];
	v3 =	vadd.f32 v5, v3;
	v5 =	vmul.f32 v6, v8;
	v6 =	vbroadcast v0, $0xB  }
0x1ca: {  	v1 =	vadd.f32 v2, v1;
	v2 =	vmul.f32 v11, v8;
	v8 =	vld [tilespmem:$0xB4C0]  }
0x1cb: {  	v11 =	vld [tilespmem:$0xB4D0];
	v3 =	vadd.f32 v5, v3;
	v4 =	vmul.f32 v4, v6;
	v5 =	vbroadcast v0, $0xC  }
0x1cc: {  	v1 =	vadd.f32 v2, v1;
	v2 =	vmul.f32 v9, v6;
	v6 =	vld [tilespmem:$0xB4E0]  }
0x1cd: {  	v9 =	vld [tilespmem:$0xB4F0];
	v3 =	vadd.f32 v4, v3;
	v4 =	vmul.f32 v7, v5;
	v7 =	vbroadcast v0, $0xD  }
0x1ce: {  	v1 =	vadd.f32 v2, v1;
	v2 =	vmul.f32 v10, v5;
	v5 =	vld [tilespmem:$0xB500]  }
0x1cf: {  	v10 =	vld [tilespmem:$0xB510];
	v3 =	vadd.f32 v4, v3;
	v4 =	vmul.f32 v8, v7;
	v8 =	vbroadcast v0, $0xE  }
0x1d0: {  	v1 =	vadd.f32 v2, v1;
	v2 =	vmul.f32 v11, v7  }
0x1d1: {  	v0 =	vbroadcast v0, $0xF;
	v3 =	vadd.f32 v4, v3;
	v4 =	vmul.f32 v6, v8  }
0x1d2: {  	v1 =	vadd.f32 v2, v1;
	v2 =	vmul.f32 v9, v8  }
0x1d3: {  	v3 =	vadd.f32 v4, v3;
	v4 =	vmul.f32 v5, v0  }
0x1d4: {  	v0 =	vmul.f32 v10, v0;
	v1 =	vadd.f32 v2, v1  }
0x1d5: {  	v2 =	vadd.f32 v4, v3  }
0x1d6: {  	s18 =	sshrl.u32 s18, $0x2;
	v0 =	vadd.f32 v0, v1  }
0x1d7: {  	[tilespmem:s18+$0xE720] =	vst v2  }
0x1d8: {  	s24 =	simm.s32 @!p0 $0x9C20;
	s22 =	simm.s32 @!p0 $0x80;
	[tilespmem:s18+$0xE730] =	vst v0;
	s18 =	sadd.s32 @!p0 $0x280, s25  }
0x1d9: {  	[tilespmem:s24], [sflag:$0x2] =	stream.indirect.gather @!p0 [hbm4b:s4+s22], $0x20, s18, s22, $0xb8;
	[tilespmem:$0xF720] =	vst v63  }
0x1da: {  	s29 =	simm.s32 @!p0 $0x48;
	s31 =	simm.s32 @!p0 $0xAC20;
	s24 =	sadd.s32 @!p0 $0x4280, s25  }
0x1db: {  	[tilespmem:s31], [sflag:$0x2] =	stream.indirect.gather @!p0 [hbm4b:s4+s29], $0x20, s24, s29, $0xb8;
	[tilespmem:$0xF720] =	vst v63  }
0x1dc: {  	s31 =	simm.s32 @!p0 $0x80C8  }
0x1dd: {  	[tilespmem:s31], [sflag:$0x6] =	stream.indirect.gather @!p0 [hbm4b:s2+s22], $0x1, s18, s22, $0xb8;
	[tilespmem:$0xF720] =	vst v63  }
0x1de: {  	s18 =	simm.s32 @!p0 $0x8148  }
0x1df: {  	[tilespmem:s18], [sflag:$0x6] =	stream.indirect.gather @!p0 [hbm4b:s2+s29], $0x1, s24, s29, $0xb8;
	[tilespmem:$0xF720] =	vst v63  }
0x1e0: {  	_ =	swait.ge [sflag:s19], $0x1000  }
0x1e1: {  	[sflag:s19] =	ssyncset.done $0x0  }
0x1e2: {  	[sflag:s19] =	ssyncadd.s32 $0xFFFFF000  }
0x1e3: {  	_ =	swait.ge [sflag:s19], $0x900  }
0x1e4: {  	[sflag:s19] =	ssyncset.done $0x0  }
0x1e5: {  	[sflag:s19] =	ssyncadd.s32 $0xFFFFF700  }
0x1e6: {  	_ =	swait.ge [sflag:s20], $0x80  }
0x1e7: {  	[sflag:s20] =	ssyncset.done $0x0  }
0x1e8: {  	[sflag:s20] =	ssyncadd.s32 $0xFFFFFF80  }
0x1e9: {  	_ =	swait.ge [sflag:s20], $0x48  }
0x1ea: {  	[sflag:s20] =	ssyncset.done $0x0  }
0x1eb: {  	s18 =	sor.u32 $0x100, s25;
	[sflag:s20] =	ssyncadd.s32 $0xFFFFFFB8  }
0x1ec: {  	v0 =	vld [tilespmem:s18+$0x0]  }
0x1ed: {  	v1 =	vld [tilespmem:$0x8190];
	_ =	sdelay $0x3  }
0x1ee: {  	vm0 =	veq.s32 v0, $0x0  }
0x1ef: {  	v0 =	vsel vm0, $0x0, v1  }
0x1f0: {  	s24 =	sor.u32 $0x110, s25;
	[tilespmem:$0x8190] =	vst v0  }
0x1f1: {  	v0 =	vld [tilespmem:s24+$0x0]  }
0x1f2: {  	v1 =	vld [tilespmem:$0x81A0];
	_ =	sdelay $0x3  }
0x1f3: {  	vm4 =	veq.s32 v0, $0x0  }
0x1f4: {  	v0 =	vsel vm4, $0x0, v1  }
0x1f5: {  	s31 =	sor.u32 $0x120, s25;
	[tilespmem:$0x81A0] =	vst v0  }
0x1f6: {  	v0 =	vld [tilespmem:s31+$0x0]  }
0x1f7: {  	v1 =	vld [tilespmem:$0x81B0];
	_ =	sdelay $0x3  }
0x1f8: {  	vm5 =	veq.s32 v0, $0x0  }
0x1f9: {  	v0 =	vsel vm5, $0x0, v1  }
0x1fa: {  	s24 =	sor.u32 $0x130, s25;
	[tilespmem:$0x81B0] =	vst v0  }
0x1fb: {  	v0 =	vld [tilespmem:s24+$0x0]  }
0x1fc: {  	v1 =	vld [tilespmem:$0x81C0];
	_ =	sdelay $0x3  }
0x1fd: {  	vm6 =	veq.s32 v0, $0x0  }
0x1fe: {  	v0 =	vsel vm6, $0x0, v1  }
0x1ff: {  	[tilespmem:$0x81C0] =	vst v0  }
0x200: {  	v0 =	vld [tilespmem:s25+$0x140]  }
0x201: {  	v1 =	vld [tilespmem:$0x81D0];
	_ =	sdelay $0x3  }
0x202: {  	vm7 =	veq.s32 v0, $0x0  }
0x203: {  	v0 =	vsel vm7, $0x0, v1  }
0x204: {  	[tilespmem:$0x81D0] =	vst v0  }
0x205: {  	v0 =	vld [tilespmem:s25+$0x150]  }
0x206: {  	v1 =	vld [tilespmem:$0x81E0];
	_ =	sdelay $0x3  }
0x207: {  	vm8 =	veq.s32 v0, $0x0  }
0x208: {  	v0 =	vsel vm8, $0x0, v1  }
0x209: {  	[tilespmem:$0x81E0] =	vst v0  }
0x20a: {  	v0 =	vld [tilespmem:s25+$0x160]  }
0x20b: {  	v1 =	vld [tilespmem:$0x81F0];
	_ =	sdelay $0x3  }
0x20c: {  	vm9 =	veq.s32 v0, $0x0  }
0x20d: {  	v0 =	vsel vm9, $0x0, v1  }
0x20e: {  	[tilespmem:$0x81F0] =	vst v0  }
0x20f: {  	v0 =	vld [tilespmem:s25+$0x170]  }
0x210: {  	v1 =	vld [tilespmem:$0x8200];
	_ =	sdelay $0x3  }
0x211: {  	vm10 =	veq.s32 v0, $0x0  }
0x212: {  	v0 =	vsel vm10, $0x0, v1  }
0x213: {  	[tilespmem:$0x8200] =	vst v0  }
0x214: {  	v0 =	vld [tilespmem:s25+$0x4100]  }
0x215: {  	v1 =	vld [tilespmem:$0x8210];
	_ =	sdelay $0x3  }
0x216: {  	vm11 =	veq.s32 v0, $0x0  }
0x217: {  	v0 =	vsel vm11, $0x0, v1  }
0x218: {  	[tilespmem:$0x8210] =	vst v0  }
0x219: {  	v0 =	vld [tilespmem:s25+$0x4110]  }
0x21a: {  	v1 =	vld [tilespmem:$0x8220];
	_ =	sdelay $0x3  }
0x21b: {  	vm12 =	veq.s32 v0, $0x0  }
0x21c: {  	v0 =	vsel vm12, $0x0, v1  }
0x21d: {  	[tilespmem:$0x8220] =	vst v0  }
0x21e: {  	v0 =	vld [tilespmem:s25+$0x4120]  }
0x21f: {  	v1 =	vld [tilespmem:$0x8230];
	_ =	sdelay $0x3  }
0x220: {  	vm13 =	veq.s32 v0, $0x0  }
0x221: {  	v0 =	vsel vm13, $0x0, v1  }
0x222: {  	[tilespmem:$0x8230] =	vst v0  }
0x223: {  	v0 =	vld [tilespmem:s25+$0x4130]  }
0x224: {  	v1 =	vld [tilespmem:$0x8240];
	_ =	sdelay $0x3  }
0x225: {  	vm14 =	veq.s32 v0, $0x0  }
0x226: {  	v0 =	vsel vm14, $0x0, v1  }
0x227: {  	[tilespmem:$0x8240] =	vst v0  }
0x228: {  	v0 =	vld [tilespmem:s25+$0x4138]  }
0x229: {  	v1 =	vld [tilespmem:$0x8248];
	_ =	sdelay $0x3  }
0x22a: {  	vm15 =	veq.s32 v0, $0x0  }
0x22b: {  	v0 =	vsel vm15, $0x0, v1  }
0x22c: {  	s31 =	simm.s32 $0x0;
	[tilespmem:$0x8248] =	vst v0  }
0x22d: {  	s22 =	simm.s32 $0xB710;
	v1 =	vld [tilespmem:s31+$0x8190]  }
0x22e: {  	v2 =	vld [tilespmem:s22+$0xFFFFFE10]  }
0x22f: {  	v3 =	vld [tilespmem:s22+$0xFFFFFE20]  }
0x230: {  	v4 =	vld [tilespmem:s22+$0xFFFFFE30]  }
0x231: {  	v5 =	vld [tilespmem:s22+$0xFFFFFE40]  }
0x232: {  	v7 =	vld [tilespmem:s22+$0xFFFFFE50];
	v6 =	vbroadcast v1, $0x0  }
0x233: {  	v8 =	vld [tilespmem:s22+$0xFFFFFE60];
	v9 =	vbroadcast v1, $0x1  }
0x234: {  	v10 =	vld [tilespmem:s22+$0xFFFFFE70];
	v2 =	vmul.f32 v2, v6;
	v3 =	vmul.f32 v3, v6  }
0x235: {  	v11 =	vimm.f32 $0.0e+00;
	v12 =	vbroadcast v1, $0x2;
	v6 =	vld [tilespmem:s22+$0xFFFFFE80];
	v4 =	vmul.f32 v4, v9  }
0x236: {  	v13 =	vld [tilespmem:s22+$0xFFFFFE90];
	v5 =	vmul.f32 v5, v9;
	v2 =	vadd.f32 v2, v11;
	v3 =	vadd.f32 v3, v11  }
0x237: {  	v9 =	vld [tilespmem:s22+$0xFFFFFEA0];
	v7 =	vmul.f32 v7, v12;
	v11 =	vbroadcast v1, $0x3  }
0x238: {  	v2 =	vadd.f32 v4, v2;
	v4 =	vld [tilespmem:s22+$0xFFFFFEB0];
	v3 =	vadd.f32 v5, v3;
	v5 =	vmul.f32 v8, v12  }
0x239: {  	v8 =	vld [tilespmem:s22+$0xFFFFFEC0];
	v10 =	vmul.f32 v10, v11;
	v12 =	vbroadcast v1, $0x4  }
0x23a: {  	v2 =	vadd.f32 v7, v2;
	v7 =	vld [tilespmem:s22+$0xFFFFFED0];
	v3 =	vadd.f32 v5, v3;
	v5 =	vmul.f32 v6, v11  }
0x23b: {  	v6 =	vld [tilespmem:s22+$0xFFFFFEE0];
	v11 =	vmul.f32 v13, v12;
	v13 =	vbroadcast v1, $0x5  }
0x23c: {  	v2 =	vadd.f32 v10, v2;
	v10 =	vld [tilespmem:s22+$0xFFFFFEF0];
	v3 =	vadd.f32 v5, v3;
	v5 =	vmul.f32 v9, v12  }
0x23d: {  	v9 =	vld [tilespmem:s22+$0xFFFFFF00];
	v12 =	vbroadcast v1, $0x6;
	v4 =	vmul.f32 v4, v13  }
0x23e: {  	v2 =	vadd.f32 v11, v2;
	v11 =	vld [tilespmem:s22+$0xFFFFFF10];
	v3 =	vadd.f32 v5, v3;
	v5 =	vmul.f32 v8, v13  }
0x23f: {  	v8 =	vld [tilespmem:s22+$0xFFFFFF20];
	v13 =	vbroadcast v1, $0x7;
	v7 =	vmul.f32 v7, v12  }
0x240: {  	v2 =	vadd.f32 v4, v2;
	v4 =	vld [tilespmem:s22+$0xFFFFFF30];
	v3 =	vadd.f32 v5, v3;
	v5 =	vmul.f32 v6, v12  }
0x241: {  	v6 =	vld [tilespmem:s22+$0xFFFFFF40];
	v12 =	vbroadcast v1, $0x8;
	v10 =	vmul.f32 v10, v13  }
0x242: {  	v2 =	vadd.f32 v7, v2;
	v7 =	vld [tilespmem:s22+$0xFFFFFF50];
	v3 =	vadd.f32 v5, v3;
	v5 =	vmul.f32 v9, v13  }
0x243: {  	v9 =	vld [tilespmem:s22+$0xFFFFFF60];
	v13 =	vbroadcast v1, $0x9;
	v11 =	vmul.f32 v11, v12  }
0x244: {  	v2 =	vadd.f32 v10, v2;
	v10 =	vld [tilespmem:s22+$0xFFFFFF70];
	v3 =	vadd.f32 v5, v3;
	v5 =	vmul.f32 v8, v12  }
0x245: {  	v8 =	vld [tilespmem:s22+$0xFFFFFF80];
	v12 =	vbroadcast v1, $0xA;
	v4 =	vmul.f32 v4, v13  }
0x246: {  	v2 =	vadd.f32 v11, v2;
	v11 =	vld [tilespmem:s22+$0xFFFFFF90];
	v3 =	vadd.f32 v5, v3;
	v5 =	vmul.f32 v6, v13  }
0x247: {  	v6 =	vld [tilespmem:s22+$0xFFFFFFA0];
	v13 =	vbroadcast v1, $0xB;
	v7 =	vmul.f32 v7, v12  }
0x248: {  	v14 =	vld [tilespmem:s22+$0xFFFFFFB0];
	v4 =	vadd.f32 v4, v2;
	v3 =	vadd.f32 v5, v3;
	v5 =	vmul.f32 v9, v12  }
0x249: {  	v2 =	vld [tilespmem:s22+$0xFFFFFFC0];
	v12 =	vbroadcast v1, $0xC;
	v10 =	vmul.f32 v10, v13  }
0x24a: {  	v8 =	vmul.f32 v8, v13;
	v15 =	vadd.f32 v7, v4;
	v4 =	vld [tilespmem:s22+$0xFFFFFFD0];
	v16 =	vadd.f32 v5, v3  }
0x24b: {  	v7 =	vbroadcast v1, $0xD;
	v3 =	vld [tilespmem:s22+$0xFFFFFFE0];
	v9 =	vmul.f32 v11, v12  }
0x24c: {  	v5 =	vld [tilespmem:s22+$0xFFFFFFF0];
	v12 =	vmul.f32 v6, v12;
	v11 =	vadd.f32 v10, v15;
	v13 =	vadd.f32 v8, v16  }
0x24d: {  	s29 =	simm.s32 $0x10;
	s24 =	simm.s32 $0x80;
	v6 =	vld [tilespmem:s22+$0x0];
	v10 =	vmul.f32 v14, v7;
	v8 =	vbroadcast v1, $0xE  }
.LBB2_7:
0x24e: {  	p1 =	sne.s32 s24, $0x2C0;
	v14 =	vld [tilespmem:s29+$0x8190];
	v9 =	vadd.f32 v9, v11;
	v11 =	vadd.f32 v12, v13;
	v2 =	vmul.f32 v2, v7;
	s22 =	sadd.s32 $0x200, s22  }
0x24f: {  	v1 =	vbroadcast v1, $0xF;
	v7 =	vld [tilespmem:s22+$0xFFFFFE10];
	v4 =	vmul.f32 v4, v8  }
0x250: {  	v12 =	vld [tilespmem:s22+$0xFFFFFE20];
	v9 =	vadd.f32 v10, v9;
	v2 =	vadd.f32 v2, v11;
	v3 =	vmul.f32 v3, v8  }
0x251: {  	v8 =	vld [tilespmem:s22+$0xFFFFFE30];
	v5 =	vmul.f32 v5, v1  }
0x252: {  	v10 =	vld [tilespmem:s22+$0xFFFFFE40];
	v4 =	vadd.f32 v4, v9;
	v2 =	vadd.f32 v3, v2;
	v3 =	vmul.f32 v6, v1  }
0x253: {  	v6 =	vbroadcast v14, $0x0;
	v9 =	vld [tilespmem:s22+$0xFFFFFE50];
	v1 =	vmov v14  }
0x254: {  	v11 =	vbroadcast v1, $0x1;
	v13 =	vld [tilespmem:s22+$0xFFFFFE60];
	v4 =	vadd.f32 v5, v4;
	v2 =	vadd.f32 v3, v2  }
0x255: {  	v3 =	vmul.f32 v7, v6;
	v5 =	vmul.f32 v12, v6;
	v6 =	vld [tilespmem:s22+$0xFFFFFE70]  }
0x256: {  	v7 =	vmul.f32 v8, v11;
	v8 =	vbroadcast v1, $0x2;
	v12 =	vld [tilespmem:s22+$0xFFFFFE80]  }
0x257: {  	v3 =	vadd.f32 v3, v4;
	v2 =	vadd.f32 v5, v2;
	v4 =	vmul.f32 v10, v11;
	v5 =	vld [tilespmem:s22+$0xFFFFFE90]  }
0x258: {  	v10 =	vbroadcast v1, $0x3;
	v9 =	vmul.f32 v9, v8;
	v11 =	vld [tilespmem:s22+$0xFFFFFEA0]  }
0x259: {  	v3 =	vadd.f32 v7, v3;
	v2 =	vadd.f32 v4, v2;
	v4 =	vmul.f32 v13, v8;
	v7 =	vld [tilespmem:s22+$0xFFFFFEB0]  }
0x25a: {  	v8 =	vbroadcast v1, $0x4;
	v6 =	vmul.f32 v6, v10;
	v13 =	vld [tilespmem:s22+$0xFFFFFEC0]  }
0x25b: {  	v3 =	vadd.f32 v9, v3;
	v2 =	vadd.f32 v4, v2;
	v4 =	vmul.f32 v12, v10;
	v9 =	vld [tilespmem:s22+$0xFFFFFED0]  }
0x25c: {  	v10 =	vbroadcast v1, $0x5;
	v5 =	vmul.f32 v5, v8;
	v12 =	vld [tilespmem:s22+$0xFFFFFEE0]  }
0x25d: {  	v3 =	vadd.f32 v6, v3;
	v2 =	vadd.f32 v4, v2;
	v4 =	vmul.f32 v11, v8;
	v6 =	vld [tilespmem:s22+$0xFFFFFEF0]  }
0x25e: {  	v8 =	vbroadcast v1, $0x6;
	v7 =	vmul.f32 v7, v10;
	v11 =	vld [tilespmem:s22+$0xFFFFFF00]  }
0x25f: {  	v3 =	vadd.f32 v5, v3;
	v2 =	vadd.f32 v4, v2;
	v4 =	vmul.f32 v13, v10;
	v5 =	vld [tilespmem:s22+$0xFFFFFF10]  }
0x260: {  	v10 =	vbroadcast v1, $0x7;
	v9 =	vmul.f32 v9, v8;
	v13 =	vld [tilespmem:s22+$0xFFFFFF20]  }
0x261: {  	v3 =	vadd.f32 v7, v3;
	v2 =	vadd.f32 v4, v2;
	v4 =	vmul.f32 v12, v8;
	v7 =	vld [tilespmem:s22+$0xFFFFFF30]  }
0x262: {  	v8 =	vbroadcast v1, $0x8;
	v6 =	vmul.f32 v6, v10;
	v12 =	vld [tilespmem:s22+$0xFFFFFF40]  }
0x263: {  	v3 =	vadd.f32 v9, v3;
	v2 =	vadd.f32 v4, v2;
	v4 =	vmul.f32 v11, v10;
	v9 =	vld [tilespmem:s22+$0xFFFFFF50]  }
0x264: {  	v10 =	vbroadcast v1, $0x9;
	v5 =	vmul.f32 v5, v8;
	v11 =	vld [tilespmem:s22+$0xFFFFFF60]  }
0x265: {  	v3 =	vadd.f32 v6, v3;
	v2 =	vadd.f32 v4, v2;
	v4 =	vmul.f32 v13, v8;
	v6 =	vld [tilespmem:s22+$0xFFFFFF70]  }
0x266: {  	v8 =	vbroadcast v1, $0xA;
	v7 =	vmul.f32 v7, v10;
	v13 =	vld [tilespmem:s22+$0xFFFFFF80]  }
0x267: {  	v3 =	vadd.f32 v5, v3;
	v2 =	vadd.f32 v4, v2;
	v4 =	vmul.f32 v12, v10;
	v5 =	vld [tilespmem:s22+$0xFFFFFF90]  }
0x268: {  	v10 =	vbroadcast v1, $0xB;
	v9 =	vmul.f32 v9, v8;
	v12 =	vld [tilespmem:s22+$0xFFFFFFA0]  }
0x269: {  	v3 =	vadd.f32 v7, v3;
	v4 =	vadd.f32 v4, v2;
	v7 =	vmul.f32 v11, v8;
	v8 =	vld [tilespmem:s22+$0xFFFFFFB0]  }
.Ltmp4:
0x26a: {  	v14 =	vbroadcast v1, $0xC;
	v6 =	vmul.f32 v6, v10;
	v2 =	vld [tilespmem:s22+$0xFFFFFFC0];
	(pc) =	sbr.rel @p1 .LBB2_7-.Ltmp4, $4  }
0x26b: {  	v11 =	vadd.f32 v9, v3;
	v15 =	vadd.f32 v7, v4;
	v10 =	vmul.f32 v13, v10;
	v4 =	vld [tilespmem:s22+$0xFFFFFFD0]  }
0x26c: {  	v7 =	vbroadcast v1, $0xD;
	v9 =	vmul.f32 v5, v14;
	v3 =	vld [tilespmem:s22+$0xFFFFFFE0]  }
0x26d: {  	v11 =	vadd.f32 v6, v11;
	v13 =	vadd.f32 v10, v15;
	v12 =	vmul.f32 v12, v14;
	v5 =	vld [tilespmem:s22+$0xFFFFFFF0]  }
0x26e: {  	s29 =	sshra.s32 s24, $0x2;
	s24 =	sadd.s32 $0x40, s24;
	v10 =	vmul.f32 v8, v7;
	v8 =	vbroadcast v1, $0xE;
	v6 =	vld [tilespmem:s22+$0x0]  }
0x26f: {  	v14 =	vld [tilespmem:s29+$0x8190]  }
0x270: {  	v9 =	vadd.f32 v9, v11;
	s22 =	sadd.s32 $0x200, s22  }
0x271: {  	v11 =	vadd.f32 v12, v13;
	v2 =	vmul.f32 v2, v7;
	v7 =	vld [tilespmem:s22+$0xFFFFFE10]  }
0x272: {  	v1 =	vbroadcast v1, $0xF;
	v4 =	vmul.f32 v4, v8;
	v49 =	vld [tilespmem:s22+$0xFFFFFE20];
	v9 =	vadd.f32 v10, v9  }
0x273: {  	v2 =	vadd.f32 v2, v11;
	v3 =	vmul.f32 v3, v8;
	v8 =	vld [tilespmem:s22+$0xFFFFFE30]  }
0x274: {  	v10 =	vld [tilespmem:s22+$0xFFFFFE40];
	v5 =	vmul.f32 v5, v1;
	v4 =	vadd.f32 v4, v9;
	v9 =	vbroadcast v14, $0x0  }
0x275: {  	v2 =	vadd.f32 v3, v2;
	v1 =	vmul.f32 v6, v1;
	v3 =	vld [tilespmem:s22+$0xFFFFFE50]  }
0x276: {  	v11 =	vld [tilespmem:s22+$0xFFFFFE60];
	v6 =	vbroadcast v14, $0x1;
	v4 =	vadd.f32 v5, v4;
	v5 =	vmul.f32 v7, v9  }
0x277: {  	v1 =	vadd.f32 v1, v2;
	v2 =	vmul.f32 v49, v9;
	v7 =	vld [tilespmem:s22+$0xFFFFFE70]  }
0x278: {  	v50 =	vld [tilespmem:s22+$0xFFFFFE80];
	v8 =	vmul.f32 v8, v6;
	v9 =	vbroadcast v14, $0x2;
	v4 =	vadd.f32 v5, v4  }
0x279: {  	v1 =	vadd.f32 v2, v1;
	v2 =	vmul.f32 v10, v6;
	v5 =	vld [tilespmem:s22+$0xFFFFFE90]  }
0x27a: {  	v3 =	vmul.f32 v3, v9;
	v6 =	vbroadcast v14, $0x3;
	v10 =	vld [tilespmem:s22+$0xFFFFFEA0];
	v4 =	vadd.f32 v8, v4  }
0x27b: {  	v1 =	vadd.f32 v2, v1;
	v2 =	vmul.f32 v11, v9;
	v8 =	vld [tilespmem:s22+$0xFFFFFEB0]  }
0x27c: {  	v9 =	vbroadcast v14, $0x4;
	v11 =	vld [tilespmem:s22+$0xFFFFFEC0];
	v7 =	vmul.f32 v7, v6;
	v3 =	vadd.f32 v3, v4  }
0x27d: {  	v1 =	vadd.f32 v2, v1;
	v2 =	vmul.f32 v50, v6;
	v4 =	vld [tilespmem:s22+$0xFFFFFED0]  }
0x27e: {  	v51 =	vld [tilespmem:s22+$0xFFFFFEE0];
	v6 =	vbroadcast v14, $0x5;
	v5 =	vmul.f32 v5, v9;
	v3 =	vadd.f32 v7, v3  }
0x27f: {  	v1 =	vadd.f32 v2, v1;
	v2 =	vmul.f32 v10, v9;
	v7 =	vld [tilespmem:s22+$0xFFFFFEF0]  }
0x280: {  	v9 =	vbroadcast v14, $0x6;
	v10 =	vld [tilespmem:s22+$0xFFFFFF00];
	v8 =	vmul.f32 v8, v6;
	v3 =	vadd.f32 v5, v3  }
0x281: {  	v1 =	vadd.f32 v2, v1;
	v2 =	vmul.f32 v11, v6;
	v5 =	vld [tilespmem:s22+$0xFFFFFF10]  }
0x282: {  	v6 =	vbroadcast v14, $0x7;
	v11 =	vld [tilespmem:s22+$0xFFFFFF20];
	v4 =	vmul.f32 v4, v9;
	v3 =	vadd.f32 v8, v3  }
0x283: {  	v1 =	vadd.f32 v2, v1;
	v2 =	vmul.f32 v51, v9;
	v8 =	vld [tilespmem:s22+$0xFFFFFF30]  }
0x284: {  	v52 =	vld [tilespmem:s22+$0xFFFFFF40];
	v9 =	vbroadcast v14, $0x8;
	v7 =	vmul.f32 v7, v6;
	v3 =	vadd.f32 v4, v3  }
0x285: {  	v1 =	vadd.f32 v2, v1;
	v2 =	vmul.f32 v10, v6;
	v4 =	vld [tilespmem:s22+$0xFFFFFF50]  }
0x286: {  	v6 =	vbroadcast v14, $0x9;
	v10 =	vld [tilespmem:s22+$0xFFFFFF60];
	v5 =	vmul.f32 v5, v9;
	v3 =	vadd.f32 v7, v3  }
0x287: {  	v1 =	vadd.f32 v2, v1;
	v2 =	vmul.f32 v11, v9;
	v7 =	vld [tilespmem:s22+$0xFFFFFF70]  }
0x288: {  	v9 =	vbroadcast v14, $0xA;
	v11 =	vld [tilespmem:s22+$0xFFFFFF80];
	v8 =	vmul.f32 v8, v6;
	v3 =	vadd.f32 v5, v3  }
0x289: {  	v1 =	vadd.f32 v2, v1;
	v2 =	vmul.f32 v52, v6;
	v5 =	vld [tilespmem:s22+$0xFFFFFF90]  }
0x28a: {  	v53 =	vld [tilespmem:s22+$0xFFFFFFA0];
	v6 =	vbroadcast v14, $0xB;
	v4 =	vmul.f32 v4, v9;
	v3 =	vadd.f32 v8, v3  }
0x28b: {  	v1 =	vadd.f32 v2, v1;
	v2 =	vmul.f32 v10, v9;
	v8 =	vld [tilespmem:s22+$0xFFFFFFB0]  }
0x28c: {  	v9 =	vbroadcast v14, $0xC;
	v10 =	vld [tilespmem:s22+$0xFFFFFFC0];
	v7 =	vmul.f32 v7, v6;
	v3 =	vadd.f32 v4, v3  }
0x28d: {  	v1 =	vadd.f32 v2, v1;
	v2 =	vmul.f32 v11, v6;
	v4 =	vld [tilespmem:s22+$0xFFFFFFD0]  }
0x28e: {  	v6 =	vbroadcast v14, $0xD;
	v11 =	vld [tilespmem:s22+$0xFFFFFFE0];
	v5 =	vmul.f32 v5, v9;
	v3 =	vadd.f32 v7, v3  }
0x28f: {  	v1 =	vadd.f32 v2, v1;
	v2 =	vmul.f32 v53, v9;
	v7 =	vld [tilespmem:s22+$0xFFFFFFF0]  }
0x290: {  	v54 =	vld [tilespmem:s22+$0x0];
	v9 =	vbroadcast v14, $0xE;
	v8 =	vmul.f32 v8, v6;
	v3 =	vadd.f32 v5, v3  }
0x291: {  	v1 =	vadd.f32 v2, v1;
	v2 =	vmul.f32 v10, v6;
	v5 =	vld [tilespmem:$0xCD20]  }
0x292: {  	v6 =	vbroadcast v14, $0xF;
	v4 =	vmul.f32 v4, v9;
	v3 =	vadd.f32 v8, v3;
	v8 =	vld [tilespmem:$0xCD30]  }
0x293: {  	v1 =	vadd.f32 v2, v1;
	v2 =	vmul.f32 v11, v9;
	v9 =	vld [tilespmem:$0xCD40]  }
0x294: {  	v10 =	vld [tilespmem:$0xCD50];
	v7 =	vmul.f32 v7, v6;
	v3 =	vadd.f32 v4, v3;
	v4 =	vbroadcast v0, $0x8  }
0x295: {  	v1 =	vadd.f32 v2, v1;
	v2 =	vmul.f32 v54, v6;
	v6 =	vld [tilespmem:$0xCD60]  }
0x296: {  	v11 =	vld [tilespmem:$0xCD70];
	v3 =	vadd.f32 v7, v3;
	v5 =	vmul.f32 v5, v4;
	v7 =	vbroadcast v0, $0x9  }
0x297: {  	v1 =	vadd.f32 v2, v1;
	v2 =	vmul.f32 v8, v4;
	v4 =	vld [tilespmem:$0xCD80]  }
0x298: {  	v8 =	vbroadcast v0, $0xA;
	v3 =	vadd.f32 v5, v3;
	v5 =	vmul.f32 v9, v7;
	v9 =	vld [tilespmem:$0xCD90]  }
0x299: {  	v1 =	vadd.f32 v2, v1;
	v2 =	vmul.f32 v10, v7;
	v7 =	vld [tilespmem:$0xCDA0]  }
0x29a: {  	v10 =	vld [tilespmem:$0xCDB0];
	v3 =	vadd.f32 v5, v3;
	v5 =	vmul.f32 v6, v8;
	v6 =	vbroadcast v0, $0xB  }
0x29b: {  	v1 =	vadd.f32 v2, v1;
	v2 =	vmul.f32 v11, v8;
	v8 =	vld [tilespmem:$0xCDC0]  }
0x29c: {  	v11 =	vld [tilespmem:$0xCDD0];
	v3 =	vadd.f32 v5, v3;
	v4 =	vmul.f32 v4, v6;
	v5 =	vbroadcast v0, $0xC  }
0x29d: {  	v1 =	vadd.f32 v2, v1;
	v2 =	vmul.f32 v9, v6;
	v6 =	vld [tilespmem:$0xCDE0]  }
0x29e: {  	v9 =	vld [tilespmem:$0xCDF0];
	v3 =	vadd.f32 v4, v3;
	v4 =	vmul.f32 v7, v5;
	v7 =	vbroadcast v0, $0xD  }
0x29f: {  	v1 =	vadd.f32 v2, v1;
	v2 =	vmul.f32 v10, v5;
	v5 =	vld [tilespmem:$0xCE00]  }
0x2a0: {  	v10 =	vld [tilespmem:$0xCE10];
	v3 =	vadd.f32 v4, v3;
	v4 =	vmul.f32 v8, v7;
	v8 =	vbroadcast v0, $0xE  }
0x2a1: {  	v1 =	vadd.f32 v2, v1;
	v2 =	vmul.f32 v11, v7  }
0x2a2: {  	v0 =	vbroadcast v0, $0xF;
	v3 =	vadd.f32 v4, v3;
	v4 =	vmul.f32 v6, v8  }
0x2a3: {  	v1 =	vadd.f32 v2, v1;
	v2 =	vmul.f32 v9, v8  }
0x2a4: {  	v3 =	vadd.f32 v4, v3;
	v4 =	vmul.f32 v5, v0  }
0x2a5: {  	v0 =	vmul.f32 v10, v0;
	v1 =	vadd.f32 v2, v1  }
0x2a6: {  	v2 =	vadd.f32 v4, v3  }
0x2a7: {  	s18 =	sshrl.u32 s18, $0x2;
	v0 =	vadd.f32 v0, v1  }
0x2a8: {  	[tilespmem:s18+$0xE720] =	vst v2  }
0x2a9: {  	s24 =	simm.s32 @!p0 $0xB520;
	s22 =	simm.s32 @!p0 $0x80;
	[tilespmem:s18+$0xE730] =	vst v0;
	s18 =	sadd.s32 @!p0 $0x300, s25  }
0x2aa: {  	[tilespmem:s24], [sflag:$0x3] =	stream.indirect.gather @!p0 [hbm4b:s4+s22], $0x20, s18, s22, $0xb8;
	[tilespmem:$0xF720] =	vst v63  }
0x2ab: {  	s29 =	simm.s32 @!p0 $0x48;
	s31 =	simm.s32 @!p0 $0xC520;
	s24 =	sadd.s32 @!p0 $0x4300, s25  }
0x2ac: {  	[tilespmem:s31], [sflag:$0x3] =	stream.indirect.gather @!p0 [hbm4b:s4+s29], $0x20, s24, s29, $0xb8;
	[tilespmem:$0xF720] =	vst v63  }
0x2ad: {  	s31 =	simm.s32 @!p0 $0x8190  }
0x2ae: {  	[tilespmem:s31], [sflag:$0x7] =	stream.indirect.gather @!p0 [hbm4b:s2+s22], $0x1, s18, s22, $0xb8;
	[tilespmem:$0xF720] =	vst v63  }
0x2af: {  	s18 =	simm.s32 @!p0 $0x8210  }
0x2b0: {  	[tilespmem:s18], [sflag:$0x7] =	stream.indirect.gather @!p0 [hbm4b:s2+s29], $0x1, s24, s29, $0xb8;
	[tilespmem:$0xF720] =	vst v63  }
0x2b1: {  	_ =	swait.ge [sflag:s21], $0x1000  }
0x2b2: {  	[sflag:s21] =	ssyncset.done $0x0  }
0x2b3: {  	[sflag:s21] =	ssyncadd.s32 $0xFFFFF000  }
0x2b4: {  	_ =	swait.ge [sflag:s21], $0x900  }
0x2b5: {  	[sflag:s21] =	ssyncset.done $0x0  }
0x2b6: {  	[sflag:s21] =	ssyncadd.s32 $0xFFFFF700  }
0x2b7: {  	_ =	swait.ge [sflag:s23], $0x80  }
0x2b8: {  	[sflag:s23] =	ssyncset.done $0x0  }
0x2b9: {  	[sflag:s23] =	ssyncadd.s32 $0xFFFFFF80  }
0x2ba: {  	_ =	swait.ge [sflag:s23], $0x48  }
0x2bb: {  	[sflag:s23] =	ssyncset.done $0x0  }
0x2bc: {  	s18 =	sor.u32 $0x180, s25;
	[sflag:s23] =	ssyncadd.s32 $0xFFFFFFB8  }
0x2bd: {  	v0 =	vld [tilespmem:s18+$0x0]  }
0x2be: {  	v1 =	vld [tilespmem:$0x8258];
	_ =	sdelay $0x3  }
0x2bf: {  	vm0 =	veq.s32 v0, $0x0  }
0x2c0: {  	v0 =	vsel vm0, $0x0, v1  }
0x2c1: {  	s31 =	sor.u32 $0x190, s25;
	[tilespmem:$0x8258] =	vst v0  }
0x2c2: {  	v0 =	vld [tilespmem:s31+$0x0]  }
0x2c3: {  	v1 =	vld [tilespmem:$0x8268];
	_ =	sdelay $0x3  }
0x2c4: {  	vm4 =	veq.s32 v0, $0x0  }
0x2c5: {  	v0 =	vsel vm4, $0x0, v1  }
0x2c6: {  	s24 =	sor.u32 $0x1A0, s25;
	[tilespmem:$0x8268] =	vst v0  }
0x2c7: {  	v0 =	vld [tilespmem:s24+$0x0]  }
0x2c8: {  	v1 =	vld [tilespmem:$0x8278];
	_ =	sdelay $0x3  }
0x2c9: {  	vm5 =	veq.s32 v0, $0x0  }
0x2ca: {  	v0 =	vsel vm5, $0x0, v1  }
0x2cb: {  	s31 =	sor.u32 $0x1B0, s25;
	[tilespmem:$0x8278] =	vst v0  }
0x2cc: {  	v0 =	vld [tilespmem:s31+$0x0]  }
0x2cd: {  	v1 =	vld [tilespmem:$0x8288];
	_ =	sdelay $0x3  }
0x2ce: {  	vm6 =	veq.s32 v0, $0x0  }
0x2cf: {  	v0 =	vsel vm6, $0x0, v1  }
0x2d0: {  	[tilespmem:$0x8288] =	vst v0  }
0x2d1: {  	v0 =	vld [tilespmem:s25+$0x1C0]  }
0x2d2: {  	v1 =	vld [tilespmem:$0x8298];
	_ =	sdelay $0x3  }
0x2d3: {  	vm7 =	veq.s32 v0, $0x0  }
0x2d4: {  	v0 =	vsel vm7, $0x0, v1  }
0x2d5: {  	[tilespmem:$0x8298] =	vst v0  }
0x2d6: {  	v0 =	vld [tilespmem:s25+$0x1D0]  }
0x2d7: {  	v1 =	vld [tilespmem:$0x82A8];
	_ =	sdelay $0x3  }
0x2d8: {  	vm8 =	veq.s32 v0, $0x0  }
0x2d9: {  	v0 =	vsel vm8, $0x0, v1  }
0x2da: {  	[tilespmem:$0x82A8] =	vst v0  }
0x2db: {  	v0 =	vld [tilespmem:s25+$0x1E0]  }
0x2dc: {  	v1 =	vld [tilespmem:$0x82B8];
	_ =	sdelay $0x3  }
0x2dd: {  	vm9 =	veq.s32 v0, $0x0  }
0x2de: {  	v0 =	vsel vm9, $0x0, v1  }
0x2df: {  	[tilespmem:$0x82B8] =	vst v0  }
0x2e0: {  	v0 =	vld [tilespmem:s25+$0x1F0]  }
0x2e1: {  	v1 =	vld [tilespmem:$0x82C8];
	_ =	sdelay $0x3  }
0x2e2: {  	vm10 =	veq.s32 v0, $0x0  }
0x2e3: {  	v0 =	vsel vm10, $0x0, v1  }
0x2e4: {  	[tilespmem:$0x82C8] =	vst v0  }
0x2e5: {  	v0 =	vld [tilespmem:s25+$0x4180]  }
0x2e6: {  	v1 =	vld [tilespmem:$0x82D8];
	_ =	sdelay $0x3  }
0x2e7: {  	vm11 =	veq.s32 v0, $0x0  }
0x2e8: {  	v0 =	vsel vm11, $0x0, v1  }
0x2e9: {  	[tilespmem:$0x82D8] =	vst v0  }
0x2ea: {  	v0 =	vld [tilespmem:s25+$0x4190]  }
0x2eb: {  	v1 =	vld [tilespmem:$0x82E8];
	_ =	sdelay $0x3  }
0x2ec: {  	vm12 =	veq.s32 v0, $0x0  }
0x2ed: {  	v0 =	vsel vm12, $0x0, v1  }
0x2ee: {  	[tilespmem:$0x82E8] =	vst v0  }
0x2ef: {  	v0 =	vld [tilespmem:s25+$0x41A0]  }
0x2f0: {  	v1 =	vld [tilespmem:$0x82F8];
	_ =	sdelay $0x3  }
0x2f1: {  	vm13 =	veq.s32 v0, $0x0  }
0x2f2: {  	v0 =	vsel vm13, $0x0, v1  }
0x2f3: {  	[tilespmem:$0x82F8] =	vst v0  }
0x2f4: {  	v0 =	vld [tilespmem:s25+$0x41B0]  }
0x2f5: {  	v1 =	vld [tilespmem:$0x8308];
	_ =	sdelay $0x3  }
0x2f6: {  	vm14 =	veq.s32 v0, $0x0  }
0x2f7: {  	v0 =	vsel vm14, $0x0, v1  }
0x2f8: {  	[tilespmem:$0x8308] =	vst v0  }
0x2f9: {  	v0 =	vld [tilespmem:s25+$0x41B8]  }
0x2fa: {  	v1 =	vld [tilespmem:$0x8310];
	_ =	sdelay $0x3  }
0x2fb: {  	vm15 =	veq.s32 v0, $0x0  }
0x2fc: {  	v0 =	vsel vm15, $0x0, v1  }
0x2fd: {  	s24 =	simm.s32 $0x8258;
	[tilespmem:$0x8310] =	vst v0  }
0x2fe: {  	s31 =	simm.s32 $0x0;
	v1 =	vld [tilespmem:s24+$0x0]  }
0x2ff: {  	v2 =	vld [tilespmem:s31+$0xCE20]  }
0x300: {  	v3 =	vld [tilespmem:s31+$0xCE30]  }
0x301: {  	v4 =	vld [tilespmem:s31+$0xCE40]  }
0x302: {  	v5 =	vld [tilespmem:s31+$0xCE50]  }
0x303: {  	v7 =	vld [tilespmem:s31+$0xCE60];
	v6 =	vbroadcast v1, $0x0  }
0x304: {  	v9 =	vld [tilespmem:s31+$0xCE70];
	v8 =	vbroadcast v1, $0x1  }
0x305: {  	v2 =	vmul.f32 v2, v6;
	v3 =	vmul.f32 v3, v6;
	v6 =	vld [tilespmem:s31+$0xCE80]  }
0x306: {  	v10 =	vimm.f32 $0.0e+00;
	v55 =	vld [tilespmem:s31+$0xCE90];
	v11 =	vbroadcast v1, $0x2;
	v4 =	vmul.f32 v4, v8  }
0x307: {  	v5 =	vmul.f32 v5, v8;
	v8 =	vld [tilespmem:s31+$0xCEA0];
	v2 =	vadd.f32 v2, v10;
	v3 =	vadd.f32 v3, v10  }
0x308: {  	v56 =	vld [tilespmem:s31+$0xCEB0];
	v7 =	vmul.f32 v7, v11;
	v10 =	vbroadcast v1, $0x3  }
0x309: {  	v2 =	vadd.f32 v4, v2;
	v3 =	vadd.f32 v5, v3;
	v4 =	vmul.f32 v9, v11;
	v5 =	vld [tilespmem:s31+$0xCEC0]  }
0x30a: {  	v9 =	vbroadcast v1, $0x4;
	v11 =	vld [tilespmem:s31+$0xCED0];
	v6 =	vmul.f32 v6, v10  }
0x30b: {  	v2 =	vadd.f32 v7, v2;
	v3 =	vadd.f32 v4, v3;
	v4 =	vmul.f32 v55, v10;
	v7 =	vld [tilespmem:s31+$0xCEE0]  }
0x30c: {  	v57 =	vld [tilespmem:s31+$0xCEF0];
	v8 =	vmul.f32 v8, v9;
	v10 =	vbroadcast v1, $0x5  }
0x30d: {  	v2 =	vadd.f32 v6, v2;
	v3 =	vadd.f32 v4, v3;
	v4 =	vmul.f32 v56, v9;
	v6 =	vld [tilespmem:s31+$0xCF00]  }
0x30e: {  	v58 =	vld [tilespmem:s31+$0xCF10];
	v9 =	vbroadcast v1, $0x6;
	v5 =	vmul.f32 v5, v10  }
0x30f: {  	v2 =	vadd.f32 v8, v2;
	v3 =	vadd.f32 v4, v3;
	v4 =	vmul.f32 v11, v10;
	v8 =	vld [tilespmem:s31+$0xCF20]  }
0x310: {  	v10 =	vbroadcast v1, $0x7;
	v11 =	vld [tilespmem:s31+$0xCF30];
	v7 =	vmul.f32 v7, v9  }
0x311: {  	v2 =	vadd.f32 v5, v2;
	v3 =	vadd.f32 v4, v3;
	v4 =	vmul.f32 v57, v9;
	v5 =	vld [tilespmem:s31+$0xCF40]  }
0x312: {  	v59 =	vld [tilespmem:s31+$0xCF50];
	v9 =	vbroadcast v1, $0x8;
	v6 =	vmul.f32 v6, v10  }
0x313: {  	v2 =	vadd.f32 v7, v2;
	v3 =	vadd.f32 v4, v3;
	v4 =	vmul.f32 v58, v10;
	v7 =	vld [tilespmem:s31+$0xCF60]  }
0x314: {  	v60 =	vld [tilespmem:s31+$0xCF70];
	v10 =	vbroadcast v1, $0x9;
	v8 =	vmul.f32 v8, v9  }
0x315: {  	v2 =	vadd.f32 v6, v2;
	v3 =	vadd.f32 v4, v3;
	v4 =	vmul.f32 v11, v9;
	v6 =	vld [tilespmem:s31+$0xCF80]  }
0x316: {  	v9 =	vbroadcast v1, $0xA;
	v11 =	vld [tilespmem:s31+$0xCF90];
	v5 =	vmul.f32 v5, v10  }
0x317: {  	v61 =	vld [tilespmem:s31+$0xCFB0];
	v2 =	vadd.f32 v8, v2;
	v3 =	vadd.f32 v4, v3;
	v4 =	vmul.f32 v59, v10  }
0x318: {  	v8 =	vld [tilespmem:s31+$0xCFA0];
	v10 =	vbroadcast v1, $0xB;
	v7 =	vmul.f32 v7, v9  }
0x319: {  	v2 =	vadd.f32 v5, v2;
	v3 =	vadd.f32 v4, v3;
	v4 =	vmul.f32 v60, v9;
	v9 =	vld [tilespmem:s31+$0xCFC0]  }
0x31a: {  	v63 =	vld [tilespmem:s31+$0xCFD0];
	v62 =	vbroadcast v1, $0xC;
	v6 =	vmul.f32 v6, v10  }
0x31b: {  	v5 =	vld [tilespmem:s31+$0xCFE0];
	v2 =	vadd.f32 v7, v2;
	v4 =	vadd.f32 v4, v3;
	v7 =	vmul.f32 v11, v10  }
0x31c: {  	v12 =	vmul.f32 v61, v62;
	v11 =	vbroadcast v1, $0xD;
	v3 =	vld [tilespmem:s31+$0xCFF0]  }
0x31d: {  	v10 =	vmul.f32 v8, v62;
	v15 =	vadd.f32 v6, v2;
	v16 =	vadd.f32 v7, v4;
	v6 =	vld [tilespmem:s31+$0xD000]  }
0x31e: {  	s24 =	simm.s32 $0x8268;
	v7 =	vbroadcast v1, $0xE;
	v4 =	vld [tilespmem:s31+$0xD010];
	v8 =	vmul.f32 v9, v11  }
0x31f: {  	s22 =	simm.s32 $0x200;
	s29 =	simm.s32 $0x1000;
	v2 =	vld [tilespmem:s24+$0x0];
	v11 =	vmul.f32 v63, v11;
	v9 =	vadd.f32 v10, v15;
	v10 =	vadd.f32 v12, v16  }
.LBB2_9:
0x320: {  	p1 =	sne.s32 s29, $0x5800;
	v12 =	vld [tilespmem:s22+$0xCE20];
	v5 =	vmul.f32 v5, v7;
	v1 =	vbroadcast v1, $0xF  }
0x321: {  	v13 =	vld [tilespmem:s22+$0xCE30];
	v8 =	vadd.f32 v8, v9;
	v9 =	vadd.f32 v11, v10;
	v3 =	vmul.f32 v3, v7  }
0x322: {  	v7 =	vld [tilespmem:s22+$0xCE40];
	v6 =	vmul.f32 v6, v1  }
0x323: {  	v10 =	vld [tilespmem:s22+$0xCE50];
	v5 =	vadd.f32 v5, v8;
	v3 =	vadd.f32 v3, v9;
	v4 =	vmul.f32 v4, v1  }
0x324: {  	v8 =	vbroadcast v2, $0x0;
	v9 =	vld [tilespmem:s22+$0xCE60];
	v1 =	vmov v2  }
0x325: {  	v2 =	vbroadcast v1, $0x1;
	v11 =	vld [tilespmem:s22+$0xCE70];
	v5 =	vadd.f32 v6, v5;
	v3 =	vadd.f32 v4, v3  }
0x326: {  	v4 =	vmul.f32 v12, v8;
	v6 =	vmul.f32 v13, v8;
	v8 =	vld [tilespmem:s22+$0xCE80]  }
0x327: {  	v12 =	vbroadcast v1, $0x2;
	v7 =	vmul.f32 v7, v2;
	v13 =	vld [tilespmem:s22+$0xCE90]  }
0x328: {  	v4 =	vadd.f32 v4, v5;
	v3 =	vadd.f32 v6, v3;
	v2 =	vmul.f32 v10, v2;
	v5 =	vld [tilespmem:s22+$0xCEA0]  }
0x329: {  	v6 =	vmul.f32 v9, v12;
	v9 =	vbroadcast v1, $0x3;
	v10 =	vld [tilespmem:s22+$0xCEB0]  }
0x32a: {  	v4 =	vadd.f32 v7, v4;
	v2 =	vadd.f32 v2, v3;
	v3 =	vmul.f32 v11, v12;
	v7 =	vld [tilespmem:s22+$0xCEC0]  }
0x32b: {  	v11 =	vbroadcast v1, $0x4;
	v8 =	vmul.f32 v8, v9;
	v12 =	vld [tilespmem:s22+$0xCED0]  }
0x32c: {  	v4 =	vadd.f32 v6, v4;
	v2 =	vadd.f32 v3, v2;
	v3 =	vmul.f32 v13, v9;
	v6 =	vld [tilespmem:s22+$0xCEE0]  }
0x32d: {  	v9 =	vbroadcast v1, $0x5;
	v5 =	vmul.f32 v5, v11;
	v13 =	vld [tilespmem:s22+$0xCEF0]  }
0x32e: {  	v4 =	vadd.f32 v8, v4;
	v2 =	vadd.f32 v3, v2;
	v3 =	vmul.f32 v10, v11;
	v8 =	vld [tilespmem:s22+$0xCF00]  }
0x32f: {  	v10 =	vbroadcast v1, $0x6;
	v7 =	vmul.f32 v7, v9;
	v11 =	vld [tilespmem:s22+$0xCF10]  }
0x330: {  	v4 =	vadd.f32 v5, v4;
	v2 =	vadd.f32 v3, v2;
	v3 =	vmul.f32 v12, v9;
	v5 =	vld [tilespmem:s22+$0xCF20]  }
0x331: {  	v9 =	vbroadcast v1, $0x7;
	v6 =	vmul.f32 v6, v10;
	v12 =	vld [tilespmem:s22+$0xCF30]  }
0x332: {  	v4 =	vadd.f32 v7, v4;
	v2 =	vadd.f32 v3, v2;
	v3 =	vmul.f32 v13, v10;
	v7 =	vld [tilespmem:s22+$0xCF40]  }
0x333: {  	v10 =	vbroadcast v1, $0x8;
	v8 =	vmul.f32 v8, v9;
	v13 =	vld [tilespmem:s22+$0xCF50]  }
0x334: {  	v4 =	vadd.f32 v6, v4;
	v2 =	vadd.f32 v3, v2;
	v3 =	vmul.f32 v11, v9;
	v6 =	vld [tilespmem:s22+$0xCF60]  }
0x335: {  	v9 =	vbroadcast v1, $0x9;
	v5 =	vmul.f32 v5, v10;
	v11 =	vld [tilespmem:s22+$0xCF70]  }
0x336: {  	v4 =	vadd.f32 v8, v4;
	v2 =	vadd.f32 v3, v2;
	v3 =	vmul.f32 v12, v10;
	v8 =	vld [tilespmem:s22+$0xCF80]  }
0x337: {  	v10 =	vbroadcast v1, $0xA;
	v7 =	vmul.f32 v7, v9;
	v12 =	vld [tilespmem:s22+$0xCF90]  }
0x338: {  	v4 =	vadd.f32 v5, v4;
	v2 =	vadd.f32 v3, v2;
	v3 =	vmul.f32 v13, v9;
	v9 =	vld [tilespmem:s22+$0xCFA0]  }
0x339: {  	v5 =	vmul.f32 v6, v10;
	v6 =	vbroadcast v1, $0xB;
	v13 =	vld [tilespmem:s22+$0xCFB0]  }
0x33a: {  	v4 =	vadd.f32 v7, v4;
	v2 =	vadd.f32 v3, v2;
	v3 =	vmul.f32 v11, v10;
	v7 =	vld [tilespmem:s22+$0xCFC0]  }
0x33b: {  	v10 =	vbroadcast v1, $0xC;
	v8 =	vmul.f32 v8, v6;
	v11 =	vld [tilespmem:s22+$0xCFD0]  }
.Ltmp5:
0x33c: {  	v4 =	vadd.f32 v5, v4;
	v2 =	vadd.f32 v3, v2;
	v6 =	vmul.f32 v12, v6;
	v5 =	vld [tilespmem:s22+$0xCFE0];
	(pc) =	sbr.rel @p1 .LBB2_9-.Ltmp5, $4  }
0x33d: {  	v12 =	vbroadcast v1, $0xD;
	v9 =	vmul.f32 v9, v10;
	v3 =	vld [tilespmem:s22+$0xCFF0]  }
0x33e: {  	v14 =	vadd.f32 v8, v4;
	v15 =	vadd.f32 v6, v2;
	v10 =	vmul.f32 v13, v10;
	v6 =	vld [tilespmem:s22+$0xD000]  }
0x33f: {  	s24 =	sadd.s32 $0x10, s24;
	v8 =	vmul.f32 v7, v12;
	v7 =	vbroadcast v1, $0xE;
	v4 =	vld [tilespmem:s22+$0xD010]  }
0x340: {  	s22 =	sshra.s32 s29, $0x2;
	s29 =	sadd.s32 $0x800, s29;
	v2 =	vld [tilespmem:s24+$0x0];
	v9 =	vadd.f32 v9, v14;
	v10 =	vadd.f32 v10, v15;
	v11 =	vmul.f32 v11, v12  }
0x341: {  	_ = 	snop  }
0x342: {  	v12 =	vld [tilespmem:s22+$0xCE20]  }
0x343: {  	v5 =	vmul.f32 v5, v7;
	v1 =	vbroadcast v1, $0xF;
	v13 =	vld [tilespmem:s22+$0xCE30];
	v8 =	vadd.f32 v8, v9  }
0x344: {  	v60 =	vld [tilespmem:s22+$0xCE40];
	v59 =	vadd.f32 v11, v10;
	v3 =	vmul.f32 v3, v7  }
0x345: {  	v61 =	vld [tilespmem:s22+$0xCE50];
	v6 =	vmul.f32 v6, v1;
	v5 =	vadd.f32 v5, v8;
	v62 =	vbroadcast v2, $0x0  }
0x346: {  	v63 =	vld [tilespmem:s22+$0xCE60];
	v3 =	vadd.f32 v3, v59;
	v1 =	vmul.f32 v4, v1  }
0x347: {  	v17 =	vld [tilespmem:s22+$0xCE70];
	v16 =	vbroadcast v2, $0x1;
	v5 =	vadd.f32 v6, v5;
	v18 =	vmul.f32 v12, v62  }
0x348: {  	v20 =	vld [tilespmem:s22+$0xCE80];
	v1 =	vadd.f32 v1, v3;
	v19 =	vmul.f32 v13, v62  }
0x349: {  	v22 =	vld [tilespmem:s22+$0xCE90];
	v21 =	vbroadcast v2, $0x2;
	v7 =	vmul.f32 v60, v16;
	v5 =	vadd.f32 v18, v5  }
0x34a: {  	v24 =	vld [tilespmem:s22+$0xCEA0];
	v23 =	vmul.f32 v61, v16;
	v1 =	vadd.f32 v19, v1  }
0x34b: {  	v26 =	vld [tilespmem:s22+$0xCEB0];
	v25 =	vbroadcast v2, $0x3;
	v4 =	vmul.f32 v63, v21;
	v5 =	vadd.f32 v7, v5  }
0x34c: {  	v28 =	vld [tilespmem:s22+$0xCEC0];
	v27 =	vmul.f32 v17, v21;
	v1 =	vadd.f32 v23, v1  }
0x34d: {  	v30 =	vld [tilespmem:s22+$0xCED0];
	v29 =	vbroadcast v2, $0x4;
	v8 =	vmul.f32 v20, v25;
	v4 =	vadd.f32 v4, v5  }
0x34e: {  	v32 =	vld [tilespmem:s22+$0xCEE0];
	v31 =	vmul.f32 v22, v25;
	v1 =	vadd.f32 v27, v1  }
0x34f: {  	v34 =	vld [tilespmem:s22+$0xCEF0];
	v33 =	vbroadcast v2, $0x5;
	v6 =	vmul.f32 v24, v29;
	v4 =	vadd.f32 v8, v4  }
0x350: {  	v36 =	vld [tilespmem:s22+$0xCF00];
	v35 =	vmul.f32 v26, v29;
	v1 =	vadd.f32 v31, v1  }
0x351: {  	v38 =	vld [tilespmem:s22+$0xCF10];
	v37 =	vbroadcast v2, $0x6;
	v7 =	vmul.f32 v28, v33;
	v4 =	vadd.f32 v6, v4  }
0x352: {  	v40 =	vld [tilespmem:s22+$0xCF20];
	v39 =	vmul.f32 v30, v33;
	v1 =	vadd.f32 v35, v1  }
0x353: {  	v42 =	vld [tilespmem:s22+$0xCF30];
	v41 =	vbroadcast v2, $0x7;
	v5 =	vmul.f32 v32, v37;
	v4 =	vadd.f32 v7, v4  }
0x354: {  	v44 =	vld [tilespmem:s22+$0xCF40];
	v43 =	vmul.f32 v34, v37;
	v1 =	vadd.f32 v39, v1  }
0x355: {  	v46 =	vld [tilespmem:s22+$0xCF50];
	v45 =	vbroadcast v2, $0x8;
	v8 =	vmul.f32 v36, v41;
	v4 =	vadd.f32 v5, v4  }
0x356: {  	v48 =	vld [tilespmem:s22+$0xCF60];
	v47 =	vmul.f32 v38, v41;
	v1 =	vadd.f32 v43, v1  }
0x357: {  	v50 =	vld [tilespmem:s22+$0xCF70];
	v49 =	vbroadcast v2, $0x9;
	v6 =	vmul.f32 v40, v45;
	v4 =	vadd.f32 v8, v4  }
0x358: {  	v52 =	vld [tilespmem:s22+$0xCF80];
	v51 =	vmul.f32 v42, v45;
	v1 =	vadd.f32 v47, v1  }
0x359: {  	v54 =	vld [tilespmem:s22+$0xCF90];
	v53 =	vbroadcast v2, $0xA;
	v7 =	vmul.f32 v44, v49;
	v4 =	vadd.f32 v6, v4  }
0x35a: {  	v56 =	vld [tilespmem:s22+$0xCFA0];
	v55 =	vmul.f32 v46, v49;
	v1 =	vadd.f32 v51, v1  }
0x35b: {  	v58 =	vld [tilespmem:s22+$0xCFB0];
	v57 =	vbroadcast v2, $0xB;
	v5 =	vmul.f32 v48, v53;
	v4 =	vadd.f32 v7, v4  }
0x35c: {  	v59 =	vmul.f32 v50, v53;
	v60 =	vld [tilespmem:s22+$0xCFC0];
	v1 =	vadd.f32 v55, v1  }
0x35d: {  	v61 =	vbroadcast v2, $0xC;
	v62 =	vld [tilespmem:s22+$0xCFD0];
	v8 =	vmul.f32 v52, v57;
	v4 =	vadd.f32 v5, v4  }
0x35e: {  	v63 =	vmul.f32 v54, v57;
	v16 =	vld [tilespmem:s22+$0xCFE0];
	v1 =	vadd.f32 v59, v1  }
0x35f: {  	v17 =	vbroadcast v2, $0xD;
	v18 =	vld [tilespmem:s22+$0xCFF0];
	v6 =	vmul.f32 v56, v61;
	v4 =	vadd.f32 v8, v4  }
0x360: {  	v20 =	vld [tilespmem:s22+$0xD000];
	v19 =	vmul.f32 v58, v61;
	v1 =	vadd.f32 v63, v1  }
0x361: {  	v21 =	vbroadcast v2, $0xE;
	v22 =	vld [tilespmem:s22+$0xD010];
	v7 =	vmul.f32 v60, v17;
	v4 =	vadd.f32 v6, v4  }
0x362: {  	v24 =	vld [tilespmem:$0xE620];
	v23 =	vmul.f32 v62, v17;
	v1 =	vadd.f32 v19, v1  }
0x363: {  	v25 =	vbroadcast v2, $0xF;
	v26 =	vld [tilespmem:$0xE630];
	v5 =	vmul.f32 v16, v21;
	v4 =	vadd.f32 v7, v4  }
0x364: {  	v28 =	vld [tilespmem:$0xE640];
	v27 =	vmul.f32 v18, v21;
	v1 =	vadd.f32 v23, v1  }
0x365: {  	v29 =	vbroadcast v0, $0x8;
	v30 =	vld [tilespmem:$0xE650];
	v8 =	vmul.f32 v20, v25;
	v4 =	vadd.f32 v5, v4  }
0x366: {  	v2 =	vmul.f32 v22, v25;
	v31 =	vld [tilespmem:$0xE660];
	v1 =	vadd.f32 v27, v1  }
0x367: {  	v33 =	vld [tilespmem:$0xE670];
	v32 =	vbroadcast v0, $0x9;
	v6 =	vmul.f32 v24, v29;
	v4 =	vadd.f32 v8, v4  }
0x368: {  	v34 =	vmul.f32 v26, v29;
	v35 =	vld [tilespmem:$0xE680];
	v1 =	vadd.f32 v2, v1  }
0x369: {  	v38 =	vld [tilespmem:$0xE690];
	v37 =	vbroadcast v0, $0xA;
	v36 =	vmul.f32 v28, v32;
	v4 =	vadd.f32 v6, v4  }
0x36a: {  	v40 =	vld [tilespmem:$0xE6A0];
	v39 =	vmul.f32 v30, v32;
	v1 =	vadd.f32 v34, v1  }
0x36b: {  	v42 =	vld [tilespmem:$0xE6B0];
	v41 =	vbroadcast v0, $0xB;
	v3 =	vmul.f32 v31, v37;
	v4 =	vadd.f32 v36, v4  }
0x36c: {  	v44 =	vld [tilespmem:$0xE6C0];
	v43 =	vmul.f32 v33, v37;
	v1 =	vadd.f32 v39, v1  }
0x36d: {  	v46 =	vbroadcast v0, $0xC;
	v45 =	vmul.f32 v35, v41;
	v47 =	vld [tilespmem:$0xE6D0];
	v3 =	vadd.f32 v3, v4  }
0x36e: {  	v49 =	vld [tilespmem:$0xE6E0];
	v48 =	vmul.f32 v38, v41;
	v1 =	vadd.f32 v43, v1  }
0x36f: {  	v50 =	vmul.f32 v40, v46;
	v52 =	vld [tilespmem:$0xE6F0];
	v51 =	vbroadcast v0, $0xD;
	v3 =	vadd.f32 v45, v3  }
0x370: {  	v54 =	vld [tilespmem:$0xE700];
	v53 =	vmul.f32 v42, v46;
	v1 =	vadd.f32 v48, v1  }
0x371: {  	v57 =	vld [tilespmem:$0xE710];
	v56 =	vbroadcast v0, $0xE;
	v55 =	vmul.f32 v44, v51;
	v3 =	vadd.f32 v50, v3  }
0x372: {  	v58 =	vmul.f32 v47, v51;
	v1 =	vadd.f32 v53, v1  }
0x373: {  	v60 =	vbroadcast v0, $0xF;
	v59 =	vmul.f32 v49, v56;
	v3 =	vadd.f32 v55, v3  }
0x374: {  	v61 =	vmul.f32 v52, v56;
	v1 =	vadd.f32 v58, v1  }
0x375: {  	v62 =	vmul.f32 v54, v60;
	v3 =	vadd.f32 v59, v3  }
.Ltmp6:
0x376: {  	v0 =	vmul.f32 v57, v60;
	v1 =	vadd.f32 v61, v1;
	(pc) =	sbr.rel @p0 .LBB2_12-.Ltmp6, $4  }
0x377: {  	v63 =	vadd.f32 v62, v3  }
0x378: {  	s18 =	sshrl.u32 s18, $0x2;
	v0 =	vadd.f32 v0, v1  }
0x379: {  	[tilespmem:s18+$0xE720] =	vst v63  }
0x37a: {  	[tilespmem:s18+$0xE730] =	vst v0  }
0x37b: {  	s18 =	sadd.s32 $0x380, s25  }
0x37c: {  	[tilespmem:s30], [sflag:$0x4] =	stream.indirect.gather [hbm4b:s4+s11], $0x20, s18, s11, $0xb8;
	[tilespmem:$0xF720] =	vst v63  }
0x37d: {  	s22 =	sadd.s32 $0x4380, s25  }
0x37e: {  	[tilespmem:s1], [sflag:$0x4] =	stream.indirect.gather [hbm4b:s4+s13], $0x20, s22, s13, $0xb8;
	[tilespmem:$0xF720] =	vst v63  }
.Ltmp7:
0x37f: {  	_ = 	snop;
	(pc) =	sbr.rel .LBB2_2-.Ltmp7, $4  }
0x380: {  	_ = 	snop  }
0x381: {  	[tilespmem:s0], [sflag:$0x8] =	stream.indirect.gather [hbm4b:s2+s11], $0x1, s18, s11, $0xb8;
	[tilespmem:$0xF720] =	vst v63  }
0x382: {  	s28 =	sadd.s32 $0x1, s28  }
0x383: {  	[tilespmem:s12], [sflag:$0x8] =	stream.indirect.gather [hbm4b:s2+s13], $0x1, s22, s13, $0xb8;
	[tilespmem:$0xF720] =	vst v63  }
.LBB2_13:
0x384: {  	_ =	sfence.sel $0x180000  }
0x385: {  	[bflag:$0x0] =	sbarrier.arrive $0xFFFF  }
0x386: {  	_ =	strace $0x90000047  }
0x387: {  	s0 =	stileid.u32;
	[bflag:$0x2] =	sbarrier.arrive $0xFFFF  }
0x388: {  	p0 =	sne.s32 s0, $0x0;
	s0 =	rddreg [dreg:$0x3]  }
0x389: {  	s0 =	sadd.s32 @!p0 $0x100000, s0  }
0x38a: {  	[sflag:s0] =	ssyncadd.tile.s32 @!p0 $0x1;
	_ =	shalt  }
.Lfunc_end2:
_tile_overlayer_lowered:
.L_overlay_start_2:
0x38b: {  	(tag) =	ssettag $0x2  }
0x38c: {  	s0 =	rddreg [dreg:$0x0];
	s2 =	stileid.u32  }
0x38d: {  	s1 =	rddreg [dreg:$0x1];
	p0 =	sne.s32 s2, $0x0  }
0x38e: {  	s3 =	rddreg [dreg:$0x2];
	[bflag:$0x3] =	sbarrier.arrive $0xFFFF;
	s2 =	simm.s32 @!p0 $0x1C09  }
0x38f: {  	[timem:s3], [sflag:s2] =	dma.local @!p0 [hbm:s0], s1  }
0x390: {  	s0 =	simm.s32 @!p0 $0x9  }
0x391: {  	_ =	swait.ge @!p0 [sflag:s0], s1  }
0x392: {  	s1 =	ssub.s32 @!p0 $0x0, s1;
	[sflag:s0] =	ssyncset.done @!p0 $0x0  }
0x393: {  	[sflag:s0] =	ssyncadd.s32 @!p0 s1  }
0x394: {  	[bflag:$0x3] =	sbarrier.arrive $0xFFFF  }
0x395: {  	_ =	shalt  }

</sc_bundles>
